<compile_context>
chip_gen: v7x
topology: tpu7x:2x2x1
jax: 0.10.2.dev20260603
libtpu: 0.0.44.dev20260713+nightly
codegen_flags: <defaults>
</compile_context>

<pallas_src>
import functools

import jax
import jax.numpy as jnp
from jax import lax
from jax.experimental import pallas as pl
from jax.experimental.pallas import tpu as pltpu
from jax.experimental.pallas import tpu_sc as plsc

NIMG = 64
HW = 512 * 512
IMG = HW * 3
N = NIMG * IMG
CH = 49152
NCHUNK = IMG // CH
OWPC = CH // 4
NW = 32
IPW = NIMG // NW


def _equalize_body(img_hbm, out_hbm, buf, obuf, hist, lut, csbuf):
    wid = lax.axis_index("s") * 2 + lax.axis_index("c")
    iota = lax.iota(jnp.int32, 16)
    ones = jnp.full((16,), 1, jnp.int32)
    zeros = jnp.zeros((16,), jnp.int32)
    hconst = [iota * 768 + ((iota + r) % 3) * 256 for r in range(3)]
    pconst = [4 * iota + c for c in range(4)]
    chof3 = [((iota + m) % 3) * 256 for m in range(3)]

    for img_slot in range(IPW):
        img = wid * IPW + img_slot
        ibase = img * IMG
        obase = img * (IMG // 4)

        def zbody(j, _):
            hist[pl.ds(j * 16, 16)] = zeros
            return 0

        lax.fori_loop(0, 768, zbody, 0)

        def hchunk(ci, _):
            off = pl.multiple_of(ibase + ci * CH, 8)
            pltpu.sync_copy(img_hbm.at[pl.ds(off, CH)], buf)

            def hbody(t, _):
                for r in range(3):
                    v = buf[pl.ds((t * 3 + r) * 16, 16)]
                    plsc.addupdate_scatter(hist, [hconst[r] + v], ones)
                return 0

            lax.fori_loop(0, CH // 48, hbody, 0)
            return 0

        lax.fori_loop(0, NCHUNK, hchunk, 0)

        for c in range(3):
            cbase = c * 256

            def lane_red(k):
                def lbody(l, a):
                    return a + hist[pl.ds(l * 768 + cbase + k * 16, 16)]

                return lax.fori_loop(1, 16, lbody, hist[pl.ds(cbase + k * 16, 16)])

            def csbody(k, carry):
                run_s, maxcode = carry
                acc = lane_red(k)
                cs = plsc.cumsum(acc) + run_s
                csbuf[pl.ds(k * 16, 16)] = cs
                binv = iota + k * 16
                code = jnp.where(acc > 0, binv * 524288 + acc, -1)
                return jnp.max(cs), jnp.maximum(maxcode, code)

            run_s, maxcode = lax.fori_loop(
                0, 16, csbody, (jnp.int32(0), jnp.full((16,), -1, jnp.int32))
            )

            last_val = jnp.max(maxcode) & 524287
            step = lax.div(jnp.int32(HW) - last_val, jnp.int32(255))
            safe = jnp.broadcast_to(jnp.maximum(step, 1), (16,))
            half = lax.div(step, jnp.int32(2))
            is_id = jnp.broadcast_to(step == 0, (16,))

            def lutbody(k, _):
                binv = iota + k * 16
                sidx = jnp.maximum(binv - 1, 0)
                prevcs = plsc.load_gather(csbuf, [sidx])
                prevcs = jnp.where(binv == 0, 0, prevcs)
                lv = jnp.clip(lax.div(prevcs + half, safe), 0, 255)
                lv = jnp.where(is_id, binv, lv)
                lut[pl.ds(cbase + k * 16, 16)] = lv
                return 0

            lax.fori_loop(0, 16, lutbody, 0)

        def mchunk(ci, _):
            off = pl.multiple_of(ibase + ci * CH, 8)
            pltpu.sync_copy(img_hbm.at[pl.ds(off, CH)], buf)

            def mbody(t, _):
                for r in range(3):
                    j = t * 3 + r
                    jb = j * 64
                    ws = []
                    for c in range(4):
                        pix = plsc.load_gather(buf, [pconst[c] + jb])
                        mv = plsc.load_gather(lut, [pix + chof3[(r + c) % 3]])
                        ws.append(mv)
                    w = ws[0] | (ws[1] << 8) | (ws[2] << 16) | (ws[3] << 24)
                    obuf[pl.ds(j * 16, 16)] = w
                return 0

            lax.fori_loop(0, CH // 192, mbody, 0)
            ooff = pl.multiple_of(obase + ci * OWPC, 8)
            pltpu.sync_copy(obuf, out_hbm.at[pl.ds(ooff, OWPC)])
            return 0

        lax.fori_loop(0, NCHUNK, mchunk, 0)


_equalize = functools.partial(
    pl.kernel,
    out_type=jax.ShapeDtypeStruct((N // 4,), jnp.int32),
    mesh=plsc.VectorSubcoreMesh(core_axis_name="c", subcore_axis_name="s"),
    compiler_params=pltpu.CompilerParams(needs_layout_passes=False),
    scratch_types=[
        pltpu.VMEM((CH,), jnp.int32),
        pltpu.VMEM((OWPC,), jnp.int32),
        pltpu.VMEM((16 * 768,), jnp.int32),
        pltpu.VMEM((768,), jnp.int32),
        pltpu.VMEM((256,), jnp.int32),
    ],
)(_equalize_body)


@jax.jit
def kernel(images):
    flat = images.astype(jnp.int32).reshape(-1)
    out32 = _equalize(flat)
    out8 = lax.bitcast_convert_type(out32, jnp.uint8)
    return out8.reshape(images.shape)

# --- scband reference (transcript-rebuilt; emitter-appended) ---
"""Pipeline reference for scband-equalize-73443940762375 (READ-ONLY COPY).

The authoritative reference and input builder live on the scoring server;
editing this copy changes nothing except your own understanding.
"""

import jax, jax.numpy as jnp
import numpy as np


def _equalize_channel(im):
    # im: int32 [H, W], values in [0, 255]
    flat = im.reshape(-1)
    histo = jnp.bincount(flat, length=256)
    nonzero = histo != 0
    # index of last nonzero bin
    last_nz_idx = 255 - jnp.argmax(nonzero[::-1])
    last_val = histo[last_nz_idx]
    step = (jnp.sum(histo) - last_val) // 255
    safe_step = jnp.maximum(step, 1)
    lut = (jnp.cumsum(histo) + step // 2) // safe_step
    lut = jnp.concatenate([jnp.zeros((1,), dtype=lut.dtype), lut[:-1]])
    lut = jnp.clip(lut, 0, 255)
    mapped = jnp.take(lut, im, axis=0)
    return jnp.where(step == 0, im, mapped)


def setup_inputs(seed: int = 0) -> dict:
    key = jax.random.key(seed)
    images = jax.random.randint(key, (64, 512, 512, 3), 0, 256, dtype=jnp.int32)
    return {"images": images}


def reference(images):
    images = images.astype(jnp.int32)

    def per_image(img):  # [H, W, 3]
        r = _equalize_channel(img[..., 0])
        g = _equalize_channel(img[..., 1])
        b = _equalize_channel(img[..., 2])
        return jnp.stack([r, g, b], axis=-1)

    out = jax.vmap(per_image)(images)
    return out.astype(jnp.uint8)

if __name__ == "__main__":
    import jax
    _d = setup_inputs()
    print(jax.jit(kernel)(*tuple(_d.values())))

</pallas_src>

<mosaic_0001>
#map = affine_map<(d0, d1) -> (0)>
module attributes {stable_mosaic.version = 14 : i64} {
  func.func @_equalize_body(%arg0: i32, %arg1: i32, %arg2: memref<50331648xi32, #tpu.memory_space<hbm>>, %arg3: memref<12582912xi32, #tpu.memory_space<hbm>>, %arg4: memref<49152xi32, #tpu.memory_space<vmem>>, %arg5: memref<12288xi32, #tpu.memory_space<vmem>>, %arg6: memref<12288xi32, #tpu.memory_space<vmem>>, %arg7: memref<768xi32, #tpu.memory_space<vmem>>, %arg8: memref<256xi32, #tpu.memory_space<vmem>>) attributes {dimension_semantics = [#tpu.dimension_semantics<core_parallel>, #tpu.dimension_semantics<subcore_parallel>], iteration_bounds = array<i64: 2, 16>, scalar_prefetch = 0 : i64, scratch_operands = 5 : i64, tpu.core_type = #tpu.core_type<sc_vector_subcore>, window_params = [{transform_indices = #map}, {transform_indices = #map}]} {
    %mul3A = arith.constant 2 : i32
    %mul3A_0 = arith.muli %arg1, %mul3A : i32
    %add3A = arith.addi %mul3A_0, %arg0 : i32
    %iota3A = tpu.iota {dimensions = array<i32: 0>} : vector<16xi32>
    %broadcast_in_dim3A = arith.constant 1 : i32
    %broadcast_in_dim3A_1 = vector.broadcast %broadcast_in_dim3A : i32 to vector<16xi32>
    %broadcast_in_dim3A_2 = arith.constant 0 : i32
    %broadcast_in_dim3A_3 = vector.broadcast %broadcast_in_dim3A_2 : i32 to vector<16xi32>
    %mul3A_4 = arith.constant 768 : i32
    %mul3A_5 = vector.broadcast %mul3A_4 : i32 to vector<16xi32>
    %mul3A_6 = arith.muli %iota3A, %mul3A_5 : vector<16xi32>
    %add3A_7 = arith.constant 0 : i32
    %add3A_8 = vector.broadcast %add3A_7 : i32 to vector<16xi32>
    %add3A_9 = arith.addi %iota3A, %add3A_8 : vector<16xi32>
    %jit3A = arith.constant 3 : i32
    %eq3A = arith.constant 0 : i32
    %eq3A_10 = arith.cmpi eq, %jit3A, %eq3A : i32
    %jit3A_11 = arith.constant 1 : i32
    %select_n3A = arith.select %eq3A_10, %jit3A_11, %jit3A : i32
    %rem3A = vector.broadcast %select_n3A : i32 to vector<16xi32>
    %rem3A_12 = arith.remsi %add3A_9, %rem3A : vector<16xi32>
    %ne3A = arith.constant 0 : i32
    %ne3A_13 = vector.broadcast %ne3A : i32 to vector<16xi32>
    %ne3A_14 = arith.cmpi ne, %rem3A_12, %ne3A_13 : vector<16xi32>
    %lt3A = arith.constant 0 : i32
    %lt3A_15 = vector.broadcast %lt3A : i32 to vector<16xi32>
    %lt3A_16 = arith.cmpi slt, %rem3A_12, %lt3A_15 : vector<16xi32>
    %lt3A_17 = arith.constant 0 : i32
    %lt3A_18 = arith.cmpi slt, %select_n3A, %lt3A_17 : i32
    %ne3A_19 = vector.broadcast %lt3A_18 : i1 to vector<16xi1>
    %ne3A_20 = vector.broadcast %ne3A_19 : vector<16xi1> to vector<16xi1>
    %ne3A_21 = arith.xori %lt3A_16, %ne3A_20 : vector<16xi1>
    %and3A = arith.andi %ne3A_21, %ne3A_14 : vector<16xi1>
    %add3A_22 = vector.broadcast %select_n3A : i32 to vector<16xi32>
    %add3A_23 = arith.addi %rem3A_12, %add3A_22 : vector<16xi32>
    %select_n3A_24 = arith.select %and3A, %add3A_23, %rem3A_12 : vector<16xi1>, vector<16xi32>
    %mul3A_25 = arith.constant 256 : i32
    %mul3A_26 = vector.broadcast %mul3A_25 : i32 to vector<16xi32>
    %mul3A_27 = arith.muli %select_n3A_24, %mul3A_26 : vector<16xi32>
    %add3A_28 = arith.addi %mul3A_6, %mul3A_27 : vector<16xi32>
    %mul3A_29 = arith.constant 768 : i32
    %mul3A_30 = vector.broadcast %mul3A_29 : i32 to vector<16xi32>
    %mul3A_31 = arith.muli %iota3A, %mul3A_30 : vector<16xi32>
    %add3A_32 = arith.constant 1 : i32
    %add3A_33 = vector.broadcast %add3A_32 : i32 to vector<16xi32>
    %add3A_34 = arith.addi %iota3A, %add3A_33 : vector<16xi32>
    %jit3A_35 = arith.constant 3 : i32
    %eq3A_36 = arith.constant 0 : i32
    %eq3A_37 = arith.cmpi eq, %jit3A_35, %eq3A_36 : i32
    %jit3A_38 = arith.constant 1 : i32
    %select_n3A_39 = arith.select %eq3A_37, %jit3A_38, %jit3A_35 : i32
    %rem3A_40 = vector.broadcast %select_n3A_39 : i32 to vector<16xi32>
    %rem3A_41 = arith.remsi %add3A_34, %rem3A_40 : vector<16xi32>
    %ne3A_42 = arith.constant 0 : i32
    %ne3A_43 = vector.broadcast %ne3A_42 : i32 to vector<16xi32>
    %ne3A_44 = arith.cmpi ne, %rem3A_41, %ne3A_43 : vector<16xi32>
    %lt3A_45 = arith.constant 0 : i32
    %lt3A_46 = vector.broadcast %lt3A_45 : i32 to vector<16xi32>
    %lt3A_47 = arith.cmpi slt, %rem3A_41, %lt3A_46 : vector<16xi32>
    %lt3A_48 = arith.constant 0 : i32
    %lt3A_49 = arith.cmpi slt, %select_n3A_39, %lt3A_48 : i32
    %ne3A_50 = vector.broadcast %lt3A_49 : i1 to vector<16xi1>
    %ne3A_51 = vector.broadcast %ne3A_50 : vector<16xi1> to vector<16xi1>
    %ne3A_52 = arith.xori %lt3A_47, %ne3A_51 : vector<16xi1>
    %and3A_53 = arith.andi %ne3A_52, %ne3A_44 : vector<16xi1>
    %add3A_54 = vector.broadcast %select_n3A_39 : i32 to vector<16xi32>
    %add3A_55 = arith.addi %rem3A_41, %add3A_54 : vector<16xi32>
    %select_n3A_56 = arith.select %and3A_53, %add3A_55, %rem3A_41 : vector<16xi1>, vector<16xi32>
    %mul3A_57 = arith.constant 256 : i32
    %mul3A_58 = vector.broadcast %mul3A_57 : i32 to vector<16xi32>
    %mul3A_59 = arith.muli %select_n3A_56, %mul3A_58 : vector<16xi32>
    %add3A_60 = arith.addi %mul3A_31, %mul3A_59 : vector<16xi32>
    %mul3A_61 = arith.constant 768 : i32
    %mul3A_62 = vector.broadcast %mul3A_61 : i32 to vector<16xi32>
    %mul3A_63 = arith.muli %iota3A, %mul3A_62 : vector<16xi32>
    %add3A_64 = arith.constant 2 : i32
    %add3A_65 = vector.broadcast %add3A_64 : i32 to vector<16xi32>
    %add3A_66 = arith.addi %iota3A, %add3A_65 : vector<16xi32>
    %jit3A_67 = arith.constant 3 : i32
    %eq3A_68 = arith.constant 0 : i32
    %eq3A_69 = arith.cmpi eq, %jit3A_67, %eq3A_68 : i32
    %jit3A_70 = arith.constant 1 : i32
    %select_n3A_71 = arith.select %eq3A_69, %jit3A_70, %jit3A_67 : i32
    %rem3A_72 = vector.broadcast %select_n3A_71 : i32 to vector<16xi32>
    %rem3A_73 = arith.remsi %add3A_66, %rem3A_72 : vector<16xi32>
    %ne3A_74 = arith.constant 0 : i32
    %ne3A_75 = vector.broadcast %ne3A_74 : i32 to vector<16xi32>
    %ne3A_76 = arith.cmpi ne, %rem3A_73, %ne3A_75 : vector<16xi32>
    %lt3A_77 = arith.constant 0 : i32
    %lt3A_78 = vector.broadcast %lt3A_77 : i32 to vector<16xi32>
    %lt3A_79 = arith.cmpi slt, %rem3A_73, %lt3A_78 : vector<16xi32>
    %lt3A_80 = arith.constant 0 : i32
    %lt3A_81 = arith.cmpi slt, %select_n3A_71, %lt3A_80 : i32
    %ne3A_82 = vector.broadcast %lt3A_81 : i1 to vector<16xi1>
    %ne3A_83 = vector.broadcast %ne3A_82 : vector<16xi1> to vector<16xi1>
    %ne3A_84 = arith.xori %lt3A_79, %ne3A_83 : vector<16xi1>
    %and3A_85 = arith.andi %ne3A_84, %ne3A_76 : vector<16xi1>
    %add3A_86 = vector.broadcast %select_n3A_71 : i32 to vector<16xi32>
    %add3A_87 = arith.addi %rem3A_73, %add3A_86 : vector<16xi32>
    %select_n3A_88 = arith.select %and3A_85, %add3A_87, %rem3A_73 : vector<16xi1>, vector<16xi32>
    %mul3A_89 = arith.constant 256 : i32
    %mul3A_90 = vector.broadcast %mul3A_89 : i32 to vector<16xi32>
    %mul3A_91 = arith.muli %select_n3A_88, %mul3A_90 : vector<16xi32>
    %add3A_92 = arith.addi %mul3A_63, %mul3A_91 : vector<16xi32>
    %mul3A_93 = arith.constant 4 : i32
    %mul3A_94 = vector.broadcast %mul3A_93 : i32 to vector<16xi32>
    %mul3A_95 = arith.muli %mul3A_94, %iota3A : vector<16xi32>
    %add3A_96 = arith.constant 0 : i32
    %add3A_97 = vector.broadcast %add3A_96 : i32 to vector<16xi32>
    %add3A_98 = arith.addi %mul3A_95, %add3A_97 : vector<16xi32>
    %mul3A_99 = arith.constant 4 : i32
    %mul3A_100 = vector.broadcast %mul3A_99 : i32 to vector<16xi32>
    %mul3A_101 = arith.muli %mul3A_100, %iota3A : vector<16xi32>
    %add3A_102 = arith.constant 1 : i32
    %add3A_103 = vector.broadcast %add3A_102 : i32 to vector<16xi32>
    %add3A_104 = arith.addi %mul3A_101, %add3A_103 : vector<16xi32>
    %mul3A_105 = arith.constant 4 : i32
    %mul3A_106 = vector.broadcast %mul3A_105 : i32 to vector<16xi32>
    %mul3A_107 = arith.muli %mul3A_106, %iota3A : vector<16xi32>
    %add3A_108 = arith.constant 2 : i32
    %add3A_109 = vector.broadcast %add3A_108 : i32 to vector<16xi32>
    %add3A_110 = arith.addi %mul3A_107, %add3A_109 : vector<16xi32>
    %mul3A_111 = arith.constant 4 : i32
    %mul3A_112 = vector.broadcast %mul3A_111 : i32 to vector<16xi32>
    %mul3A_113 = arith.muli %mul3A_112, %iota3A : vector<16xi32>
    %add3A_114 = arith.constant 3 : i32
    %add3A_115 = vector.broadcast %add3A_114 : i32 to vector<16xi32>
    %add3A_116 = arith.addi %mul3A_113, %add3A_115 : vector<16xi32>
    %add3A_117 = arith.constant 0 : i32
    %add3A_118 = vector.broadcast %add3A_117 : i32 to vector<16xi32>
    %add3A_119 = arith.addi %iota3A, %add3A_118 : vector<16xi32>
    %jit3A_120 = arith.constant 3 : i32
    %eq3A_121 = arith.constant 0 : i32
    %eq3A_122 = arith.cmpi eq, %jit3A_120, %eq3A_121 : i32
    %jit3A_123 = arith.constant 1 : i32
    %select_n3A_124 = arith.select %eq3A_122, %jit3A_123, %jit3A_120 : i32
    %rem3A_125 = vector.broadcast %select_n3A_124 : i32 to vector<16xi32>
    %rem3A_126 = arith.remsi %add3A_119, %rem3A_125 : vector<16xi32>
    %ne3A_127 = arith.constant 0 : i32
    %ne3A_128 = vector.broadcast %ne3A_127 : i32 to vector<16xi32>
    %ne3A_129 = arith.cmpi ne, %rem3A_126, %ne3A_128 : vector<16xi32>
    %lt3A_130 = arith.constant 0 : i32
    %lt3A_131 = vector.broadcast %lt3A_130 : i32 to vector<16xi32>
    %lt3A_132 = arith.cmpi slt, %rem3A_126, %lt3A_131 : vector<16xi32>
    %lt3A_133 = arith.constant 0 : i32
    %lt3A_134 = arith.cmpi slt, %select_n3A_124, %lt3A_133 : i32
    %ne3A_135 = vector.broadcast %lt3A_134 : i1 to vector<16xi1>
    %ne3A_136 = vector.broadcast %ne3A_135 : vector<16xi1> to vector<16xi1>
    %ne3A_137 = arith.xori %lt3A_132, %ne3A_136 : vector<16xi1>
    %and3A_138 = arith.andi %ne3A_137, %ne3A_129 : vector<16xi1>
    %add3A_139 = vector.broadcast %select_n3A_124 : i32 to vector<16xi32>
    %add3A_140 = arith.addi %rem3A_126, %add3A_139 : vector<16xi32>
    %select_n3A_141 = arith.select %and3A_138, %add3A_140, %rem3A_126 : vector<16xi1>, vector<16xi32>
    %mul3A_142 = arith.constant 256 : i32
    %mul3A_143 = vector.broadcast %mul3A_142 : i32 to vector<16xi32>
    %mul3A_144 = arith.muli %select_n3A_141, %mul3A_143 : vector<16xi32>
    %add3A_145 = arith.constant 1 : i32
    %add3A_146 = vector.broadcast %add3A_145 : i32 to vector<16xi32>
    %add3A_147 = arith.addi %iota3A, %add3A_146 : vector<16xi32>
    %jit3A_148 = arith.constant 3 : i32
    %eq3A_149 = arith.constant 0 : i32
    %eq3A_150 = arith.cmpi eq, %jit3A_148, %eq3A_149 : i32
    %jit3A_151 = arith.constant 1 : i32
    %select_n3A_152 = arith.select %eq3A_150, %jit3A_151, %jit3A_148 : i32
    %rem3A_153 = vector.broadcast %select_n3A_152 : i32 to vector<16xi32>
    %rem3A_154 = arith.remsi %add3A_147, %rem3A_153 : vector<16xi32>
    %ne3A_155 = arith.constant 0 : i32
    %ne3A_156 = vector.broadcast %ne3A_155 : i32 to vector<16xi32>
    %ne3A_157 = arith.cmpi ne, %rem3A_154, %ne3A_156 : vector<16xi32>
    %lt3A_158 = arith.constant 0 : i32
    %lt3A_159 = vector.broadcast %lt3A_158 : i32 to vector<16xi32>
    %lt3A_160 = arith.cmpi slt, %rem3A_154, %lt3A_159 : vector<16xi32>
    %lt3A_161 = arith.constant 0 : i32
    %lt3A_162 = arith.cmpi slt, %select_n3A_152, %lt3A_161 : i32
    %ne3A_163 = vector.broadcast %lt3A_162 : i1 to vector<16xi1>
    %ne3A_164 = vector.broadcast %ne3A_163 : vector<16xi1> to vector<16xi1>
    %ne3A_165 = arith.xori %lt3A_160, %ne3A_164 : vector<16xi1>
    %and3A_166 = arith.andi %ne3A_165, %ne3A_157 : vector<16xi1>
    %add3A_167 = vector.broadcast %select_n3A_152 : i32 to vector<16xi32>
    %add3A_168 = arith.addi %rem3A_154, %add3A_167 : vector<16xi32>
    %select_n3A_169 = arith.select %and3A_166, %add3A_168, %rem3A_154 : vector<16xi1>, vector<16xi32>
    %mul3A_170 = arith.constant 256 : i32
    %mul3A_171 = vector.broadcast %mul3A_170 : i32 to vector<16xi32>
    %mul3A_172 = arith.muli %select_n3A_169, %mul3A_171 : vector<16xi32>
    %add3A_173 = arith.constant 2 : i32
    %add3A_174 = vector.broadcast %add3A_173 : i32 to vector<16xi32>
    %add3A_175 = arith.addi %iota3A, %add3A_174 : vector<16xi32>
    %jit3A_176 = arith.constant 3 : i32
    %eq3A_177 = arith.constant 0 : i32
    %eq3A_178 = arith.cmpi eq, %jit3A_176, %eq3A_177 : i32
    %jit3A_179 = arith.constant 1 : i32
    %select_n3A_180 = arith.select %eq3A_178, %jit3A_179, %jit3A_176 : i32
    %rem3A_181 = vector.broadcast %select_n3A_180 : i32 to vector<16xi32>
    %rem3A_182 = arith.remsi %add3A_175, %rem3A_181 : vector<16xi32>
    %ne3A_183 = arith.constant 0 : i32
    %ne3A_184 = vector.broadcast %ne3A_183 : i32 to vector<16xi32>
    %ne3A_185 = arith.cmpi ne, %rem3A_182, %ne3A_184 : vector<16xi32>
    %lt3A_186 = arith.constant 0 : i32
    %lt3A_187 = vector.broadcast %lt3A_186 : i32 to vector<16xi32>
    %lt3A_188 = arith.cmpi slt, %rem3A_182, %lt3A_187 : vector<16xi32>
    %lt3A_189 = arith.constant 0 : i32
    %lt3A_190 = arith.cmpi slt, %select_n3A_180, %lt3A_189 : i32
    %ne3A_191 = vector.broadcast %lt3A_190 : i1 to vector<16xi1>
    %ne3A_192 = vector.broadcast %ne3A_191 : vector<16xi1> to vector<16xi1>
    %ne3A_193 = arith.xori %lt3A_188, %ne3A_192 : vector<16xi1>
    %and3A_194 = arith.andi %ne3A_193, %ne3A_185 : vector<16xi1>
    %add3A_195 = vector.broadcast %select_n3A_180 : i32 to vector<16xi32>
    %add3A_196 = arith.addi %rem3A_182, %add3A_195 : vector<16xi32>
    %select_n3A_197 = arith.select %and3A_194, %add3A_196, %rem3A_182 : vector<16xi1>, vector<16xi32>
    %mul3A_198 = arith.constant 256 : i32
    %mul3A_199 = vector.broadcast %mul3A_198 : i32 to vector<16xi32>
    %mul3A_200 = arith.muli %select_n3A_197, %mul3A_199 : vector<16xi32>
    %mul3A_201 = arith.constant 2 : i32
    %mul3A_202 = arith.muli %add3A, %mul3A_201 : i32
    %add3A_203 = arith.constant 0 : i32
    %add3A_204 = arith.addi %mul3A_202, %add3A_203 : i32
    %mul3A_205 = arith.constant 786432 : i32
    %mul3A_206 = arith.muli %add3A_204, %mul3A_205 : i32
    %mul3A_207 = arith.constant 196608 : i32
    %mul3A_208 = arith.muli %add3A_204, %mul3A_207 : i32
    %scan3A = arith.constant 0 : i32
    %scan3A_209 = arith.constant 0 : i32
    %scan3A_210 = arith.constant 768 : i32
    %scan3A_211 = arith.addi %scan3A_209, %scan3A_210 : i32
    %scan3A_212 = arith.constant 1 : i32
    %scan3A_213 = scf.for %scan3A_482 = %scan3A_209 to %scan3A_211 step %scan3A_212 iter_args(%scan3A_483 = %scan3A) -> (i32)  : i32 {
      %mul3A_484 = arith.constant 16 : i32
      %mul3A_485 = arith.muli %scan3A_482, %mul3A_484 : i32
      %swap3A = arith.index_cast %mul3A_485 : i32 to index
      %swap3A_486 = tpu.vector_load %arg6[%swap3A] {strides = array<i32>} : memref<12288xi32, #tpu.memory_space<vmem>>, vector<16xi32>,
      tpu.vector_store %arg6[%swap3A], %broadcast_in_dim3A_3 {strides = array<i32>} : memref<12288xi32, #tpu.memory_space<vmem>>, vector<16xi32>,
      %scan3A_487 = arith.constant 0 : i32
      scf.yield %scan3A_487 : i32
    }
    %scan3A_214 = arith.constant 768 : i32
    %scan3A_215 = arith.constant 0 : i32
    %scan3A_216 = arith.constant 0 : i32
    %scan3A_217 = arith.constant 16 : i32
    %scan3A_218 = arith.addi %scan3A_216, %scan3A_217 : i32
    %scan3A_219 = arith.constant 1 : i32
    %scan3A_220 = scf.for %scan3A_482 = %scan3A_216 to %scan3A_218 step %scan3A_219 iter_args(%scan3A_483 = %scan3A_215) -> (i32)  : i32 {
      %mul3A_484 = arith.constant 49152 : i32
      %mul3A_485 = arith.muli %scan3A_482, %mul3A_484 : i32
      %add3A_486 = arith.addi %mul3A_206, %mul3A_485 : i32
      %multiple_of3A = tpu.assume_multiple %add3A_486, 8 : i32
      "tpu.region"() ({
        %run_scoped3A = tpu.sem_alloc : memref<!tpu.dma_semaphore, #tpu.memory_space<semaphore_mem>>
        %dma_start3A = tpu.memref_slice %arg2[%multiple_of3A] : memref<50331648xi32, #tpu.memory_space<hbm>> -> memref<49152xi32, #tpu.memory_space<hbm>>
        %dma_start3A_495 = tpu.memref_slice %arg2[%multiple_of3A] : memref<50331648xi32, #tpu.memory_space<hbm>> -> memref<49152xi32, #tpu.memory_space<hbm>>
        tpu.enqueue_dma source(%dma_start3A_495 : memref<49152xi32, #tpu.memory_space<hbm>>) target(%arg4 : memref<49152xi32, #tpu.memory_space<vmem>>) target_semaphore(%run_scoped3A : memref<!tpu.dma_semaphore, #tpu.memory_space<semaphore_mem>>)
        %dma_wait3A = tpu.memref_slice %arg2[%multiple_of3A] : memref<50331648xi32, #tpu.memory_space<hbm>> -> memref<49152xi32, #tpu.memory_space<hbm>>
        %dma_wait3A_496 = tpu.memref_slice %arg2[%multiple_of3A] : memref<50331648xi32, #tpu.memory_space<hbm>> -> memref<49152xi32, #tpu.memory_space<hbm>>
        tpu.wait_dma2 semaphore(%run_scoped3A : memref<!tpu.dma_semaphore, #tpu.memory_space<semaphore_mem>>) src(%dma_wait3A_496 : memref<49152xi32, #tpu.memory_space<hbm>>) dst(%arg4 : memref<49152xi32, #tpu.memory_space<vmem>>)
        tpu.yield
      }) : () -> ()
      %scan3A_487 = arith.constant 0 : i32
      %scan3A_488 = arith.constant 0 : i32
      %scan3A_489 = arith.constant 1024 : i32
      %scan3A_490 = arith.addi %scan3A_488, %scan3A_489 : i32
      %scan3A_491 = arith.constant 1 : i32
      %scan3A_492 = scf.for %scan3A_495 = %scan3A_488 to %scan3A_490 step %scan3A_491 iter_args(%scan3A_496 = %scan3A_487) -> (i32)  : i32 {
        %mul3A_497 = arith.constant 3 : i32
        %mul3A_498 = arith.muli %scan3A_495, %mul3A_497 : i32
        %add3A_499 = arith.constant 0 : i32
        %add3A_500 = arith.addi %mul3A_498, %add3A_499 : i32
        %mul3A_501 = arith.constant 16 : i32
        %mul3A_502 = arith.muli %add3A_500, %mul3A_501 : i32
        %get3A = arith.index_cast %mul3A_502 : i32 to index
        %get3A_503 = tpu.vector_load %arg4[%get3A] {strides = array<i32>} : memref<49152xi32, #tpu.memory_space<vmem>>, vector<16xi32>,
        %add3A_504 = arith.addi %add3A_28, %get3A_503 : vector<16xi32>
        tpu.vector_store_idx %arg6[%add3A_504], %broadcast_in_dim3A_1 {add = true} : memref<12288xi32, #tpu.memory_space<vmem>>[vector<16xi32>], vector<16xi32>,
        %mul3A_505 = arith.constant 3 : i32
        %mul3A_506 = arith.muli %scan3A_495, %mul3A_505 : i32
        %add3A_507 = arith.constant 1 : i32
        %add3A_508 = arith.addi %mul3A_506, %add3A_507 : i32
        %mul3A_509 = arith.constant 16 : i32
        %mul3A_510 = arith.muli %add3A_508, %mul3A_509 : i32
        %get3A_511 = arith.index_cast %mul3A_510 : i32 to index
        %get3A_512 = tpu.vector_load %arg4[%get3A_511] {strides = array<i32>} : memref<49152xi32, #tpu.memory_space<vmem>>, vector<16xi32>,
        %add3A_513 = arith.addi %add3A_60, %get3A_512 : vector<16xi32>
        tpu.vector_store_idx %arg6[%add3A_513], %broadcast_in_dim3A_1 {add = true} : memref<12288xi32, #tpu.memory_space<vmem>>[vector<16xi32>], vector<16xi32>,
        %mul3A_514 = arith.constant 3 : i32
        %mul3A_515 = arith.muli %scan3A_495, %mul3A_514 : i32
        %add3A_516 = arith.constant 2 : i32
        %add3A_517 = arith.addi %mul3A_515, %add3A_516 : i32
        %mul3A_518 = arith.constant 16 : i32
        %mul3A_519 = arith.muli %add3A_517, %mul3A_518 : i32
        %get3A_520 = arith.index_cast %mul3A_519 : i32 to index
        %get3A_521 = tpu.vector_load %arg4[%get3A_520] {strides = array<i32>} : memref<49152xi32, #tpu.memory_space<vmem>>, vector<16xi32>,
        %add3A_522 = arith.addi %add3A_92, %get3A_521 : vector<16xi32>
        tpu.vector_store_idx %arg6[%add3A_522], %broadcast_in_dim3A_1 {add = true} : memref<12288xi32, #tpu.memory_space<vmem>>[vector<16xi32>], vector<16xi32>,
        %scan3A_523 = arith.constant 0 : i32
        scf.yield %scan3A_523 : i32
      }
      %scan3A_493 = arith.constant 1024 : i32
      %scan3A_494 = arith.constant 0 : i32
      scf.yield %scan3A_494 : i32
    }
    %scan3A_221 = arith.constant 16 : i32
    %broadcast_in_dim3A_222 = arith.constant -1 : i32
    %broadcast_in_dim3A_223 = vector.broadcast %broadcast_in_dim3A_222 : i32 to vector<16xi32>
    %scan3A_224 = arith.constant 0 : i32
    %scan3A_225 = arith.constant 0 : i32
    %scan3A_226 = arith.constant 16 : i32
    %scan3A_227 = arith.addi %scan3A_225, %scan3A_226 : i32
    %scan3A_228 = arith.constant 1 : i32
    %scan3A_229:2 = scf.for %scan3A_482 = %scan3A_225 to %scan3A_227 step %scan3A_228 iter_args(%scan3A_483 = %scan3A_224, %scan3A_484 = %broadcast_in_dim3A_223) -> (i32, vector<16xi32>)  : i32 {
      %mul3A_485 = arith.constant 16 : i32
      %mul3A_486 = arith.muli %scan3A_482, %mul3A_485 : i32
      %add3A_487 = arith.constant 0 : i32
      %add3A_488 = arith.addi %add3A_487, %mul3A_486 : i32
      %get3A = arith.index_cast %add3A_488 : i32 to index
      %get3A_489 = tpu.vector_load %arg6[%get3A] {strides = array<i32>} : memref<12288xi32, #tpu.memory_space<vmem>>, vector<16xi32>,
      %scan3A_490 = arith.constant 1 : i32
      %scan3A_491 = arith.constant 15 : i32
      %scan3A_492 = arith.addi %scan3A_490, %scan3A_491 : i32
      %scan3A_493 = arith.constant 1 : i32
      %scan3A_494 = scf.for %scan3A_525 = %scan3A_490 to %scan3A_492 step %scan3A_493 iter_args(%scan3A_526 = %get3A_489) -> (vector<16xi32>)  : i32 {
        %mul3A_527 = arith.constant 768 : i32
        %mul3A_528 = arith.muli %scan3A_525, %mul3A_527 : i32
        %add3A_529 = arith.constant 0 : i32
        %add3A_530 = arith.addi %mul3A_528, %add3A_529 : i32
        %mul3A_531 = arith.constant 16 : i32
        %mul3A_532 = arith.muli %scan3A_482, %mul3A_531 : i32
        %add3A_533 = arith.addi %add3A_530, %mul3A_532 : i32
        %get3A_534 = arith.index_cast %add3A_533 : i32 to index
        %get3A_535 = tpu.vector_load %arg6[%get3A_534] {strides = array<i32>} : memref<12288xi32, #tpu.memory_space<vmem>>, vector<16xi32>,
        %add3A_536 = arith.addi %scan3A_526, %get3A_535 : vector<16xi32>
        scf.yield %add3A_536 : vector<16xi32>
      }
      %scan3A_495 = arith.constant 15 : i32
      %broadcast_in_dim3A_496 = arith.constant true
      %broadcast_in_dim3A_497 = vector.broadcast %broadcast_in_dim3A_496 : i1 to vector<16xi1>
      %masked_cumsum3A = tpu.scan <sum>, %scan3A_494 masked %broadcast_in_dim3A_497 : vector<16xi32>, vector<16xi1> -> vector<16xi32>
      %add3A_498 = vector.broadcast %scan3A_483 : i32 to vector<16xi32>
      %add3A_499 = arith.addi %masked_cumsum3A, %add3A_498 : vector<16xi32>
      %mul3A_500 = arith.constant 16 : i32
      %mul3A_501 = arith.muli %scan3A_482, %mul3A_500 : i32
      %swap3A = arith.index_cast %mul3A_501 : i32 to index
      %swap3A_502 = tpu.vector_load %arg8[%swap3A] {strides = array<i32>} : memref<256xi32, #tpu.memory_space<vmem>>, vector<16xi32>,
      tpu.vector_store %arg8[%swap3A], %add3A_499 {strides = array<i32>} : memref<256xi32, #tpu.memory_space<vmem>>, vector<16xi32>,
      %mul3A_503 = arith.constant 16 : i32
      %mul3A_504 = arith.muli %scan3A_482, %mul3A_503 : i32
      %add3A_505 = vector.broadcast %mul3A_504 : i32 to vector<16xi32>
      %add3A_506 = arith.addi %iota3A, %add3A_505 : vector<16xi32>
      %gt3A = arith.constant 0 : i32
      %gt3A_507 = vector.broadcast %gt3A : i32 to vector<16xi32>
      %gt3A_508 = arith.cmpi sgt, %scan3A_494, %gt3A_507 : vector<16xi32>
      %mul3A_509 = arith.constant 524288 : i32
      %mul3A_510 = vector.broadcast %mul3A_509 : i32 to vector<16xi32>
      %mul3A_511 = arith.muli %add3A_506, %mul3A_510 : vector<16xi32>
      %add3A_512 = arith.addi %mul3A_511, %scan3A_494 : vector<16xi32>
      %jit3A_513 = arith.constant -1 : i32
      %broadcast_in_dim3A_514 = vector.broadcast %jit3A_513 : i32 to vector<16xi32>
      %select_n3A_515 = arith.select %gt3A_508, %add3A_512, %broadcast_in_dim3A_514 : vector<16xi1>, vector<16xi32>
      %reduce_max3A_516 = arith.constant true
      %reduce_max3A_517 = vector.broadcast %reduce_max3A_516 : i1 to vector<16xi1>
      %reduce_max3A_518 = arith.constant -2147483648 : i32
      %reduce_max3A_519 = vector.broadcast %reduce_max3A_518 : i32 to vector<16xi32>
      %reduce_max3A_520 = arith.xori %add3A_499, %reduce_max3A_519 : vector<16xi32>
      %reduce_max3A_521 = tpu.scan <max>, %reduce_max3A_520 masked %reduce_max3A_517 : vector<16xi32>, vector<16xi1> -> vector<16xi32>
      %reduce_max3A_522 = arith.xori %reduce_max3A_521, %reduce_max3A_519 : vector<16xi32>
      %reduce_max3A_523 = vector.extract %reduce_max3A_522[15] : i32 from vector<16xi32>
      %max3A_524 = arith.maxsi %scan3A_484, %select_n3A_515 : vector<16xi32>
      scf.yield %reduce_max3A_523, %max3A_524 : i32, vector<16xi32>
    }
    %scan3A_230 = arith.constant 16 : i32
    %reduce_max3A = arith.constant true
    %reduce_max3A_231 = vector.broadcast %reduce_max3A : i1 to vector<16xi1>
    %reduce_max3A_232 = arith.constant -2147483648 : i32
    %reduce_max3A_233 = vector.broadcast %reduce_max3A_232 : i32 to vector<16xi32>
    %reduce_max3A_234 = arith.xori %scan3A_229#1, %reduce_max3A_233 : vector<16xi32>
    %reduce_max3A_235 = tpu.scan <max>, %reduce_max3A_234 masked %reduce_max3A_231 : vector<16xi32>, vector<16xi1> -> vector<16xi32>
    %reduce_max3A_236 = arith.xori %reduce_max3A_235, %reduce_max3A_233 : vector<16xi32>
    %reduce_max3A_237 = vector.extract %reduce_max3A_236[15] : i32 from vector<16xi32>
    %and3A_238 = arith.constant 524287 : i32
    %and3A_239 = arith.andi %reduce_max3A_237, %and3A_238 : i32
    %sub3A = arith.constant 262144 : i32
    %sub3A_240 = arith.subi %sub3A, %and3A_239 : i32
    %div3A = arith.constant 255 : i32
    %div3A_241 = arith.divsi %sub3A_240, %div3A : i32
    %max3A = arith.constant 1 : i32
    %max3A_242 = arith.maxsi %div3A_241, %max3A : i32
    %broadcast_in_dim3A_243 = vector.broadcast %max3A_242 : i32 to vector<16xi32>
    %div3A_244 = arith.constant 2 : i32
    %div3A_245 = arith.divsi %div3A_241, %div3A_244 : i32
    %eq3A_246 = arith.constant 0 : i32
    %eq3A_247 = arith.cmpi eq, %div3A_241, %eq3A_246 : i32
    %broadcast_in_dim3A_248 = vector.broadcast %eq3A_247 : i1 to vector<16xi1>
    %scan3A_249 = arith.constant 0 : i32
    %scan3A_250 = arith.constant 0 : i32
    %scan3A_251 = arith.constant 16 : i32
    %scan3A_252 = arith.addi %scan3A_250, %scan3A_251 : i32
    %scan3A_253 = arith.constant 1 : i32
    %scan3A_254 = scf.for %scan3A_482 = %scan3A_250 to %scan3A_252 step %scan3A_253 iter_args(%scan3A_483 = %scan3A_249) -> (i32)  : i32 {
      %mul3A_484 = arith.constant 16 : i32
      %mul3A_485 = arith.muli %scan3A_482, %mul3A_484 : i32
      %add3A_486 = vector.broadcast %mul3A_485 : i32 to vector<16xi32>
      %add3A_487 = arith.addi %iota3A, %add3A_486 : vector<16xi32>
      %sub3A_488 = arith.constant 1 : i32
      %sub3A_489 = vector.broadcast %sub3A_488 : i32 to vector<16xi32>
      %sub3A_490 = arith.subi %add3A_487, %sub3A_489 : vector<16xi32>
      %max3A_491 = arith.constant 0 : i32
      %max3A_492 = vector.broadcast %max3A_491 : i32 to vector<16xi32>
      %max3A_493 = arith.maxsi %sub3A_490, %max3A_492 : vector<16xi32>
      %gather3A = tpu.vector_load_idx %arg8[%max3A_493] : memref<256xi32, #tpu.memory_space<vmem>>[vector<16xi32>], vector<16xi32>,
      %eq3A_494 = arith.constant 0 : i32
      %eq3A_495 = vector.broadcast %eq3A_494 : i32 to vector<16xi32>
      %eq3A_496 = arith.cmpi eq, %add3A_487, %eq3A_495 : vector<16xi32>
      %jit3A_497 = arith.constant 0 : i32
      %broadcast_in_dim3A_498 = vector.broadcast %jit3A_497 : i32 to vector<16xi32>
      %select_n3A_499 = arith.select %eq3A_496, %broadcast_in_dim3A_498, %gather3A : vector<16xi1>, vector<16xi32>
      %add3A_500 = vector.broadcast %div3A_245 : i32 to vector<16xi32>
      %add3A_501 = arith.addi %select_n3A_499, %add3A_500 : vector<16xi32>
      %div3A_502 = arith.divsi %add3A_501, %broadcast_in_dim3A_243 : vector<16xi32>
      %jit3A_503 = arith.constant 0 : i32
      %jit3A_504 = arith.constant 255 : i32
      %max3A_505 = vector.broadcast %jit3A_503 : i32 to vector<16xi32>
      %max3A_506 = arith.maxsi %max3A_505, %div3A_502 : vector<16xi32>
      %min3A = vector.broadcast %jit3A_504 : i32 to vector<16xi32>
      %min3A_507 = arith.minsi %min3A, %max3A_506 : vector<16xi32>
      %select_n3A_508 = arith.select %broadcast_in_dim3A_248, %add3A_487, %min3A_507 : vector<16xi1>, vector<16xi32>
      %mul3A_509 = arith.constant 16 : i32
      %mul3A_510 = arith.muli %scan3A_482, %mul3A_509 : i32
      %add3A_511 = arith.constant 0 : i32
      %add3A_512 = arith.addi %add3A_511, %mul3A_510 : i32
      %swap3A = arith.index_cast %add3A_512 : i32 to index
      %swap3A_513 = tpu.vector_load %arg7[%swap3A] {strides = array<i32>} : memref<768xi32, #tpu.memory_space<vmem>>, vector<16xi32>,
      tpu.vector_store %arg7[%swap3A], %select_n3A_508 {strides = array<i32>} : memref<768xi32, #tpu.memory_space<vmem>>, vector<16xi32>,
      %scan3A_514 = arith.constant 0 : i32
      scf.yield %scan3A_514 : i32
    }
    %scan3A_255 = arith.constant 16 : i32
    %broadcast_in_dim3A_256 = arith.constant -1 : i32
    %broadcast_in_dim3A_257 = vector.broadcast %broadcast_in_dim3A_256 : i32 to vector<16xi32>
    %scan3A_258 = arith.constant 0 : i32
    %scan3A_259 = arith.constant 0 : i32
    %scan3A_260 = arith.constant 16 : i32
    %scan3A_261 = arith.addi %scan3A_259, %scan3A_260 : i32
    %scan3A_262 = arith.constant 1 : i32
    %scan3A_263:2 = scf.for %scan3A_482 = %scan3A_259 to %scan3A_261 step %scan3A_262 iter_args(%scan3A_483 = %scan3A_258, %scan3A_484 = %broadcast_in_dim3A_257) -> (i32, vector<16xi32>)  : i32 {
      %mul3A_485 = arith.constant 16 : i32
      %mul3A_486 = arith.muli %scan3A_482, %mul3A_485 : i32
      %add3A_487 = arith.constant 256 : i32
      %add3A_488 = arith.addi %add3A_487, %mul3A_486 : i32
      %get3A = arith.index_cast %add3A_488 : i32 to index
      %get3A_489 = tpu.vector_load %arg6[%get3A] {strides = array<i32>} : memref<12288xi32, #tpu.memory_space<vmem>>, vector<16xi32>,
      %scan3A_490 = arith.constant 1 : i32
      %scan3A_491 = arith.constant 15 : i32
      %scan3A_492 = arith.addi %scan3A_490, %scan3A_491 : i32
      %scan3A_493 = arith.constant 1 : i32
      %scan3A_494 = scf.for %scan3A_525 = %scan3A_490 to %scan3A_492 step %scan3A_493 iter_args(%scan3A_526 = %get3A_489) -> (vector<16xi32>)  : i32 {
        %mul3A_527 = arith.constant 768 : i32
        %mul3A_528 = arith.muli %scan3A_525, %mul3A_527 : i32
        %add3A_529 = arith.constant 256 : i32
        %add3A_530 = arith.addi %mul3A_528, %add3A_529 : i32
        %mul3A_531 = arith.constant 16 : i32
        %mul3A_532 = arith.muli %scan3A_482, %mul3A_531 : i32
        %add3A_533 = arith.addi %add3A_530, %mul3A_532 : i32
        %get3A_534 = arith.index_cast %add3A_533 : i32 to index
        %get3A_535 = tpu.vector_load %arg6[%get3A_534] {strides = array<i32>} : memref<12288xi32, #tpu.memory_space<vmem>>, vector<16xi32>,
        %add3A_536 = arith.addi %scan3A_526, %get3A_535 : vector<16xi32>
        scf.yield %add3A_536 : vector<16xi32>
      }
      %scan3A_495 = arith.constant 15 : i32
      %broadcast_in_dim3A_496 = arith.constant true
      %broadcast_in_dim3A_497 = vector.broadcast %broadcast_in_dim3A_496 : i1 to vector<16xi1>
      %masked_cumsum3A = tpu.scan <sum>, %scan3A_494 masked %broadcast_in_dim3A_497 : vector<16xi32>, vector<16xi1> -> vector<16xi32>
      %add3A_498 = vector.broadcast %scan3A_483 : i32 to vector<16xi32>
      %add3A_499 = arith.addi %masked_cumsum3A, %add3A_498 : vector<16xi32>
      %mul3A_500 = arith.constant 16 : i32
      %mul3A_501 = arith.muli %scan3A_482, %mul3A_500 : i32
      %swap3A = arith.index_cast %mul3A_501 : i32 to index
      %swap3A_502 = tpu.vector_load %arg8[%swap3A] {strides = array<i32>} : memref<256xi32, #tpu.memory_space<vmem>>, vector<16xi32>,
      tpu.vector_store %arg8[%swap3A], %add3A_499 {strides = array<i32>} : memref<256xi32, #tpu.memory_space<vmem>>, vector<16xi32>,
      %mul3A_503 = arith.constant 16 : i32
      %mul3A_504 = arith.muli %scan3A_482, %mul3A_503 : i32
      %add3A_505 = vector.broadcast %mul3A_504 : i32 to vector<16xi32>
      %add3A_506 = arith.addi %iota3A, %add3A_505 : vector<16xi32>
      %gt3A = arith.constant 0 : i32
      %gt3A_507 = vector.broadcast %gt3A : i32 to vector<16xi32>
      %gt3A_508 = arith.cmpi sgt, %scan3A_494, %gt3A_507 : vector<16xi32>
      %mul3A_509 = arith.constant 524288 : i32
      %mul3A_510 = vector.broadcast %mul3A_509 : i32 to vector<16xi32>
      %mul3A_511 = arith.muli %add3A_506, %mul3A_510 : vector<16xi32>
      %add3A_512 = arith.addi %mul3A_511, %scan3A_494 : vector<16xi32>
      %jit3A_513 = arith.constant -1 : i32
      %broadcast_in_dim3A_514 = vector.broadcast %jit3A_513 : i32 to vector<16xi32>
      %select_n3A_515 = arith.select %gt3A_508, %add3A_512, %broadcast_in_dim3A_514 : vector<16xi1>, vector<16xi32>
      %reduce_max3A_516 = arith.constant true
      %reduce_max3A_517 = vector.broadcast %reduce_max3A_516 : i1 to vector<16xi1>
      %reduce_max3A_518 = arith.constant -2147483648 : i32
      %reduce_max3A_519 = vector.broadcast %reduce_max3A_518 : i32 to vector<16xi32>
      %reduce_max3A_520 = arith.xori %add3A_499, %reduce_max3A_519 : vector<16xi32>
      %reduce_max3A_521 = tpu.scan <max>, %reduce_max3A_520 masked %reduce_max3A_517 : vector<16xi32>, vector<16xi1> -> vector<16xi32>
      %reduce_max3A_522 = arith.xori %reduce_max3A_521, %reduce_max3A_519 : vector<16xi32>
      %reduce_max3A_523 = vector.extract %reduce_max3A_522[15] : i32 from vector<16xi32>
      %max3A_524 = arith.maxsi %scan3A_484, %select_n3A_515 : vector<16xi32>
      scf.yield %reduce_max3A_523, %max3A_524 : i32, vector<16xi32>
    }
    %scan3A_264 = arith.constant 16 : i32
    %reduce_max3A_265 = arith.constant true
    %reduce_max3A_266 = vector.broadcast %reduce_max3A_265 : i1 to vector<16xi1>
    %reduce_max3A_267 = arith.constant -2147483648 : i32
    %reduce_max3A_268 = vector.broadcast %reduce_max3A_267 : i32 to vector<16xi32>
    %reduce_max3A_269 = arith.xori %scan3A_263#1, %reduce_max3A_268 : vector<16xi32>
    %reduce_max3A_270 = tpu.scan <max>, %reduce_max3A_269 masked %reduce_max3A_266 : vector<16xi32>, vector<16xi1> -> vector<16xi32>
    %reduce_max3A_271 = arith.xori %reduce_max3A_270, %reduce_max3A_268 : vector<16xi32>
    %reduce_max3A_272 = vector.extract %reduce_max3A_271[15] : i32 from vector<16xi32>
    %and3A_273 = arith.constant 524287 : i32
    %and3A_274 = arith.andi %reduce_max3A_272, %and3A_273 : i32
    %sub3A_275 = arith.constant 262144 : i32
    %sub3A_276 = arith.subi %sub3A_275, %and3A_274 : i32
    %div3A_277 = arith.constant 255 : i32
    %div3A_278 = arith.divsi %sub3A_276, %div3A_277 : i32
    %max3A_279 = arith.constant 1 : i32
    %max3A_280 = arith.maxsi %div3A_278, %max3A_279 : i32
    %broadcast_in_dim3A_281 = vector.broadcast %max3A_280 : i32 to vector<16xi32>
    %div3A_282 = arith.constant 2 : i32
    %div3A_283 = arith.divsi %div3A_278, %div3A_282 : i32
    %eq3A_284 = arith.constant 0 : i32
    %eq3A_285 = arith.cmpi eq, %div3A_278, %eq3A_284 : i32
    %broadcast_in_dim3A_286 = vector.broadcast %eq3A_285 : i1 to vector<16xi1>
    %scan3A_287 = arith.constant 0 : i32
    %scan3A_288 = arith.constant 0 : i32
    %scan3A_289 = arith.constant 16 : i32
    %scan3A_290 = arith.addi %scan3A_288, %scan3A_289 : i32
    %scan3A_291 = arith.constant 1 : i32
    %scan3A_292 = scf.for %scan3A_482 = %scan3A_288 to %scan3A_290 step %scan3A_291 iter_args(%scan3A_483 = %scan3A_287) -> (i32)  : i32 {
      %mul3A_484 = arith.constant 16 : i32
      %mul3A_485 = arith.muli %scan3A_482, %mul3A_484 : i32
      %add3A_486 = vector.broadcast %mul3A_485 : i32 to vector<16xi32>
      %add3A_487 = arith.addi %iota3A, %add3A_486 : vector<16xi32>
      %sub3A_488 = arith.constant 1 : i32
      %sub3A_489 = vector.broadcast %sub3A_488 : i32 to vector<16xi32>
      %sub3A_490 = arith.subi %add3A_487, %sub3A_489 : vector<16xi32>
      %max3A_491 = arith.constant 0 : i32
      %max3A_492 = vector.broadcast %max3A_491 : i32 to vector<16xi32>
      %max3A_493 = arith.maxsi %sub3A_490, %max3A_492 : vector<16xi32>
      %gather3A = tpu.vector_load_idx %arg8[%max3A_493] : memref<256xi32, #tpu.memory_space<vmem>>[vector<16xi32>], vector<16xi32>,
      %eq3A_494 = arith.constant 0 : i32
      %eq3A_495 = vector.broadcast %eq3A_494 : i32 to vector<16xi32>
      %eq3A_496 = arith.cmpi eq, %add3A_487, %eq3A_495 : vector<16xi32>
      %jit3A_497 = arith.constant 0 : i32
      %broadcast_in_dim3A_498 = vector.broadcast %jit3A_497 : i32 to vector<16xi32>
      %select_n3A_499 = arith.select %eq3A_496, %broadcast_in_dim3A_498, %gather3A : vector<16xi1>, vector<16xi32>
      %add3A_500 = vector.broadcast %div3A_283 : i32 to vector<16xi32>
      %add3A_501 = arith.addi %select_n3A_499, %add3A_500 : vector<16xi32>
      %div3A_502 = arith.divsi %add3A_501, %broadcast_in_dim3A_281 : vector<16xi32>
      %jit3A_503 = arith.constant 0 : i32
      %jit3A_504 = arith.constant 255 : i32
      %max3A_505 = vector.broadcast %jit3A_503 : i32 to vector<16xi32>
      %max3A_506 = arith.maxsi %max3A_505, %div3A_502 : vector<16xi32>
      %min3A = vector.broadcast %jit3A_504 : i32 to vector<16xi32>
      %min3A_507 = arith.minsi %min3A, %max3A_506 : vector<16xi32>
      %select_n3A_508 = arith.select %broadcast_in_dim3A_286, %add3A_487, %min3A_507 : vector<16xi1>, vector<16xi32>
      %mul3A_509 = arith.constant 16 : i32
      %mul3A_510 = arith.muli %scan3A_482, %mul3A_509 : i32
      %add3A_511 = arith.constant 256 : i32
      %add3A_512 = arith.addi %add3A_511, %mul3A_510 : i32
      %swap3A = arith.index_cast %add3A_512 : i32 to index
      %swap3A_513 = tpu.vector_load %arg7[%swap3A] {strides = array<i32>} : memref<768xi32, #tpu.memory_space<vmem>>, vector<16xi32>,
      tpu.vector_store %arg7[%swap3A], %select_n3A_508 {strides = array<i32>} : memref<768xi32, #tpu.memory_space<vmem>>, vector<16xi32>,
      %scan3A_514 = arith.constant 0 : i32
      scf.yield %scan3A_514 : i32
    }
    %scan3A_293 = arith.constant 16 : i32
    %broadcast_in_dim3A_294 = arith.constant -1 : i32
    %broadcast_in_dim3A_295 = vector.broadcast %broadcast_in_dim3A_294 : i32 to vector<16xi32>
    %scan3A_296 = arith.constant 0 : i32
    %scan3A_297 = arith.constant 0 : i32
    %scan3A_298 = arith.constant 16 : i32
    %scan3A_299 = arith.addi %scan3A_297, %scan3A_298 : i32
    %scan3A_300 = arith.constant 1 : i32
    %scan3A_301:2 = scf.for %scan3A_482 = %scan3A_297 to %scan3A_299 step %scan3A_300 iter_args(%scan3A_483 = %scan3A_296, %scan3A_484 = %broadcast_in_dim3A_295) -> (i32, vector<16xi32>)  : i32 {
      %mul3A_485 = arith.constant 16 : i32
      %mul3A_486 = arith.muli %scan3A_482, %mul3A_485 : i32
      %add3A_487 = arith.constant 512 : i32
      %add3A_488 = arith.addi %add3A_487, %mul3A_486 : i32
      %get3A = arith.index_cast %add3A_488 : i32 to index
      %get3A_489 = tpu.vector_load %arg6[%get3A] {strides = array<i32>} : memref<12288xi32, #tpu.memory_space<vmem>>, vector<16xi32>,
      %scan3A_490 = arith.constant 1 : i32
      %scan3A_491 = arith.constant 15 : i32
      %scan3A_492 = arith.addi %scan3A_490, %scan3A_491 : i32
      %scan3A_493 = arith.constant 1 : i32
      %scan3A_494 = scf.for %scan3A_525 = %scan3A_490 to %scan3A_492 step %scan3A_493 iter_args(%scan3A_526 = %get3A_489) -> (vector<16xi32>)  : i32 {
        %mul3A_527 = arith.constant 768 : i32
        %mul3A_528 = arith.muli %scan3A_525, %mul3A_527 : i32
        %add3A_529 = arith.constant 512 : i32
        %add3A_530 = arith.addi %mul3A_528, %add3A_529 : i32
        %mul3A_531 = arith.constant 16 : i32
        %mul3A_532 = arith.muli %scan3A_482, %mul3A_531 : i32
        %add3A_533 = arith.addi %add3A_530, %mul3A_532 : i32
        %get3A_534 = arith.index_cast %add3A_533 : i32 to index
        %get3A_535 = tpu.vector_load %arg6[%get3A_534] {strides = array<i32>} : memref<12288xi32, #tpu.memory_space<vmem>>, vector<16xi32>,
        %add3A_536 = arith.addi %scan3A_526, %get3A_535 : vector<16xi32>
        scf.yield %add3A_536 : vector<16xi32>
      }
      %scan3A_495 = arith.constant 15 : i32
      %broadcast_in_dim3A_496 = arith.constant true
      %broadcast_in_dim3A_497 = vector.broadcast %broadcast_in_dim3A_496 : i1 to vector<16xi1>
      %masked_cumsum3A = tpu.scan <sum>, %scan3A_494 masked %broadcast_in_dim3A_497 : vector<16xi32>, vector<16xi1> -> vector<16xi32>
      %add3A_498 = vector.broadcast %scan3A_483 : i32 to vector<16xi32>
      %add3A_499 = arith.addi %masked_cumsum3A, %add3A_498 : vector<16xi32>
      %mul3A_500 = arith.constant 16 : i32
      %mul3A_501 = arith.muli %scan3A_482, %mul3A_500 : i32
      %swap3A = arith.index_cast %mul3A_501 : i32 to index
      %swap3A_502 = tpu.vector_load %arg8[%swap3A] {strides = array<i32>} : memref<256xi32, #tpu.memory_space<vmem>>, vector<16xi32>,
      tpu.vector_store %arg8[%swap3A], %add3A_499 {strides = array<i32>} : memref<256xi32, #tpu.memory_space<vmem>>, vector<16xi32>,
      %mul3A_503 = arith.constant 16 : i32
      %mul3A_504 = arith.muli %scan3A_482, %mul3A_503 : i32
      %add3A_505 = vector.broadcast %mul3A_504 : i32 to vector<16xi32>
      %add3A_506 = arith.addi %iota3A, %add3A_505 : vector<16xi32>
      %gt3A = arith.constant 0 : i32
      %gt3A_507 = vector.broadcast %gt3A : i32 to vector<16xi32>
      %gt3A_508 = arith.cmpi sgt, %scan3A_494, %gt3A_507 : vector<16xi32>
      %mul3A_509 = arith.constant 524288 : i32
      %mul3A_510 = vector.broadcast %mul3A_509 : i32 to vector<16xi32>
      %mul3A_511 = arith.muli %add3A_506, %mul3A_510 : vector<16xi32>
      %add3A_512 = arith.addi %mul3A_511, %scan3A_494 : vector<16xi32>
      %jit3A_513 = arith.constant -1 : i32
      %broadcast_in_dim3A_514 = vector.broadcast %jit3A_513 : i32 to vector<16xi32>
      %select_n3A_515 = arith.select %gt3A_508, %add3A_512, %broadcast_in_dim3A_514 : vector<16xi1>, vector<16xi32>
      %reduce_max3A_516 = arith.constant true
      %reduce_max3A_517 = vector.broadcast %reduce_max3A_516 : i1 to vector<16xi1>
      %reduce_max3A_518 = arith.constant -2147483648 : i32
      %reduce_max3A_519 = vector.broadcast %reduce_max3A_518 : i32 to vector<16xi32>
      %reduce_max3A_520 = arith.xori %add3A_499, %reduce_max3A_519 : vector<16xi32>
      %reduce_max3A_521 = tpu.scan <max>, %reduce_max3A_520 masked %reduce_max3A_517 : vector<16xi32>, vector<16xi1> -> vector<16xi32>
      %reduce_max3A_522 = arith.xori %reduce_max3A_521, %reduce_max3A_519 : vector<16xi32>
      %reduce_max3A_523 = vector.extract %reduce_max3A_522[15] : i32 from vector<16xi32>
      %max3A_524 = arith.maxsi %scan3A_484, %select_n3A_515 : vector<16xi32>
      scf.yield %reduce_max3A_523, %max3A_524 : i32, vector<16xi32>
    }
    %scan3A_302 = arith.constant 16 : i32
    %reduce_max3A_303 = arith.constant true
    %reduce_max3A_304 = vector.broadcast %reduce_max3A_303 : i1 to vector<16xi1>
    %reduce_max3A_305 = arith.constant -2147483648 : i32
    %reduce_max3A_306 = vector.broadcast %reduce_max3A_305 : i32 to vector<16xi32>
    %reduce_max3A_307 = arith.xori %scan3A_301#1, %reduce_max3A_306 : vector<16xi32>
    %reduce_max3A_308 = tpu.scan <max>, %reduce_max3A_307 masked %reduce_max3A_304 : vector<16xi32>, vector<16xi1> -> vector<16xi32>
    %reduce_max3A_309 = arith.xori %reduce_max3A_308, %reduce_max3A_306 : vector<16xi32>
    %reduce_max3A_310 = vector.extract %reduce_max3A_309[15] : i32 from vector<16xi32>
    %and3A_311 = arith.constant 524287 : i32
    %and3A_312 = arith.andi %reduce_max3A_310, %and3A_311 : i32
    %sub3A_313 = arith.constant 262144 : i32
    %sub3A_314 = arith.subi %sub3A_313, %and3A_312 : i32
    %div3A_315 = arith.constant 255 : i32
    %div3A_316 = arith.divsi %sub3A_314, %div3A_315 : i32
    %max3A_317 = arith.constant 1 : i32
    %max3A_318 = arith.maxsi %div3A_316, %max3A_317 : i32
    %broadcast_in_dim3A_319 = vector.broadcast %max3A_318 : i32 to vector<16xi32>
    %div3A_320 = arith.constant 2 : i32
    %div3A_321 = arith.divsi %div3A_316, %div3A_320 : i32
    %eq3A_322 = arith.constant 0 : i32
    %eq3A_323 = arith.cmpi eq, %div3A_316, %eq3A_322 : i32
    %broadcast_in_dim3A_324 = vector.broadcast %eq3A_323 : i1 to vector<16xi1>
    %scan3A_325 = arith.constant 0 : i32
    %scan3A_326 = arith.constant 0 : i32
    %scan3A_327 = arith.constant 16 : i32
    %scan3A_328 = arith.addi %scan3A_326, %scan3A_327 : i32
    %scan3A_329 = arith.constant 1 : i32
    %scan3A_330 = scf.for %scan3A_482 = %scan3A_326 to %scan3A_328 step %scan3A_329 iter_args(%scan3A_483 = %scan3A_325) -> (i32)  : i32 {
      %mul3A_484 = arith.constant 16 : i32
      %mul3A_485 = arith.muli %scan3A_482, %mul3A_484 : i32
      %add3A_486 = vector.broadcast %mul3A_485 : i32 to vector<16xi32>
      %add3A_487 = arith.addi %iota3A, %add3A_486 : vector<16xi32>
      %sub3A_488 = arith.constant 1 : i32
      %sub3A_489 = vector.broadcast %sub3A_488 : i32 to vector<16xi32>
      %sub3A_490 = arith.subi %add3A_487, %sub3A_489 : vector<16xi32>
      %max3A_491 = arith.constant 0 : i32
      %max3A_492 = vector.broadcast %max3A_491 : i32 to vector<16xi32>
      %max3A_493 = arith.maxsi %sub3A_490, %max3A_492 : vector<16xi32>
      %gather3A = tpu.vector_load_idx %arg8[%max3A_493] : memref<256xi32, #tpu.memory_space<vmem>>[vector<16xi32>], vector<16xi32>,
      %eq3A_494 = arith.constant 0 : i32
      %eq3A_495 = vector.broadcast %eq3A_494 : i32 to vector<16xi32>
      %eq3A_496 = arith.cmpi eq, %add3A_487, %eq3A_495 : vector<16xi32>
      %jit3A_497 = arith.constant 0 : i32
      %broadcast_in_dim3A_498 = vector.broadcast %jit3A_497 : i32 to vector<16xi32>
      %select_n3A_499 = arith.select %eq3A_496, %broadcast_in_dim3A_498, %gather3A : vector<16xi1>, vector<16xi32>
      %add3A_500 = vector.broadcast %div3A_321 : i32 to vector<16xi32>
      %add3A_501 = arith.addi %select_n3A_499, %add3A_500 : vector<16xi32>
      %div3A_502 = arith.divsi %add3A_501, %broadcast_in_dim3A_319 : vector<16xi32>
      %jit3A_503 = arith.constant 0 : i32
      %jit3A_504 = arith.constant 255 : i32
      %max3A_505 = vector.broadcast %jit3A_503 : i32 to vector<16xi32>
      %max3A_506 = arith.maxsi %max3A_505, %div3A_502 : vector<16xi32>
      %min3A = vector.broadcast %jit3A_504 : i32 to vector<16xi32>
      %min3A_507 = arith.minsi %min3A, %max3A_506 : vector<16xi32>
      %select_n3A_508 = arith.select %broadcast_in_dim3A_324, %add3A_487, %min3A_507 : vector<16xi1>, vector<16xi32>
      %mul3A_509 = arith.constant 16 : i32
      %mul3A_510 = arith.muli %scan3A_482, %mul3A_509 : i32
      %add3A_511 = arith.constant 512 : i32
      %add3A_512 = arith.addi %add3A_511, %mul3A_510 : i32
      %swap3A = arith.index_cast %add3A_512 : i32 to index
      %swap3A_513 = tpu.vector_load %arg7[%swap3A] {strides = array<i32>} : memref<768xi32, #tpu.memory_space<vmem>>, vector<16xi32>,
      tpu.vector_store %arg7[%swap3A], %select_n3A_508 {strides = array<i32>} : memref<768xi32, #tpu.memory_space<vmem>>, vector<16xi32>,
      %scan3A_514 = arith.constant 0 : i32
      scf.yield %scan3A_514 : i32
    }
    %scan3A_331 = arith.constant 16 : i32
    %scan3A_332 = arith.constant 0 : i32
    %scan3A_333 = arith.constant 0 : i32
    %scan3A_334 = arith.constant 16 : i32
    %scan3A_335 = arith.addi %scan3A_333, %scan3A_334 : i32
    %scan3A_336 = arith.constant 1 : i32
    %scan3A_337 = scf.for %scan3A_482 = %scan3A_333 to %scan3A_335 step %scan3A_336 iter_args(%scan3A_483 = %scan3A_332) -> (i32)  : i32 {
      %mul3A_484 = arith.constant 49152 : i32
      %mul3A_485 = arith.muli %scan3A_482, %mul3A_484 : i32
      %add3A_486 = arith.addi %mul3A_206, %mul3A_485 : i32
      %multiple_of3A = tpu.assume_multiple %add3A_486, 8 : i32
      "tpu.region"() ({
        %run_scoped3A = tpu.sem_alloc : memref<!tpu.dma_semaphore, #tpu.memory_space<semaphore_mem>>
        %dma_start3A = tpu.memref_slice %arg2[%multiple_of3A] : memref<50331648xi32, #tpu.memory_space<hbm>> -> memref<49152xi32, #tpu.memory_space<hbm>>
        %dma_start3A_499 = tpu.memref_slice %arg2[%multiple_of3A] : memref<50331648xi32, #tpu.memory_space<hbm>> -> memref<49152xi32, #tpu.memory_space<hbm>>
        tpu.enqueue_dma source(%dma_start3A_499 : memref<49152xi32, #tpu.memory_space<hbm>>) target(%arg4 : memref<49152xi32, #tpu.memory_space<vmem>>) target_semaphore(%run_scoped3A : memref<!tpu.dma_semaphore, #tpu.memory_space<semaphore_mem>>)
        %dma_wait3A = tpu.memref_slice %arg2[%multiple_of3A] : memref<50331648xi32, #tpu.memory_space<hbm>> -> memref<49152xi32, #tpu.memory_space<hbm>>
        %dma_wait3A_500 = tpu.memref_slice %arg2[%multiple_of3A] : memref<50331648xi32, #tpu.memory_space<hbm>> -> memref<49152xi32, #tpu.memory_space<hbm>>
        tpu.wait_dma2 semaphore(%run_scoped3A : memref<!tpu.dma_semaphore, #tpu.memory_space<semaphore_mem>>) src(%dma_wait3A_500 : memref<49152xi32, #tpu.memory_space<hbm>>) dst(%arg4 : memref<49152xi32, #tpu.memory_space<vmem>>)
        tpu.yield
      }) : () -> ()
      %scan3A_487 = arith.constant 0 : i32
      %scan3A_488 = arith.constant 0 : i32
      %scan3A_489 = arith.constant 256 : i32
      %scan3A_490 = arith.addi %scan3A_488, %scan3A_489 : i32
      %scan3A_491 = arith.constant 1 : i32
      %scan3A_492 = scf.for %scan3A_499 = %scan3A_488 to %scan3A_490 step %scan3A_491 iter_args(%scan3A_500 = %scan3A_487) -> (i32)  : i32 {
        %mul3A_501 = arith.constant 3 : i32
        %mul3A_502 = arith.muli %scan3A_499, %mul3A_501 : i32
        %add3A_503 = arith.constant 0 : i32
        %add3A_504 = arith.addi %mul3A_502, %add3A_503 : i32
        %mul3A_505 = arith.constant 64 : i32
        %mul3A_506 = arith.muli %add3A_504, %mul3A_505 : i32
        %add3A_507 = vector.broadcast %mul3A_506 : i32 to vector<16xi32>
        %add3A_508 = arith.addi %add3A_98, %add3A_507 : vector<16xi32>
        %gather3A = tpu.vector_load_idx %arg4[%add3A_508] : memref<49152xi32, #tpu.memory_space<vmem>>[vector<16xi32>], vector<16xi32>,
        %add3A_509 = arith.addi %gather3A, %mul3A_144 : vector<16xi32>
        %gather3A_510 = tpu.vector_load_idx %arg7[%add3A_509] : memref<768xi32, #tpu.memory_space<vmem>>[vector<16xi32>], vector<16xi32>,
        %add3A_511 = vector.broadcast %mul3A_506 : i32 to vector<16xi32>
        %add3A_512 = arith.addi %add3A_104, %add3A_511 : vector<16xi32>
        %gather3A_513 = tpu.vector_load_idx %arg4[%add3A_512] : memref<49152xi32, #tpu.memory_space<vmem>>[vector<16xi32>], vector<16xi32>,
        %add3A_514 = arith.addi %gather3A_513, %mul3A_172 : vector<16xi32>
        %gather3A_515 = tpu.vector_load_idx %arg7[%add3A_514] : memref<768xi32, #tpu.memory_space<vmem>>[vector<16xi32>], vector<16xi32>,
        %add3A_516 = vector.broadcast %mul3A_506 : i32 to vector<16xi32>
        %add3A_517 = arith.addi %add3A_110, %add3A_516 : vector<16xi32>
        %gather3A_518 = tpu.vector_load_idx %arg4[%add3A_517] : memref<49152xi32, #tpu.memory_space<vmem>>[vector<16xi32>], vector<16xi32>,
        %add3A_519 = arith.addi %gather3A_518, %mul3A_200 : vector<16xi32>
        %gather3A_520 = tpu.vector_load_idx %arg7[%add3A_519] : memref<768xi32, #tpu.memory_space<vmem>>[vector<16xi32>], vector<16xi32>,
        %add3A_521 = vector.broadcast %mul3A_506 : i32 to vector<16xi32>
        %add3A_522 = arith.addi %add3A_116, %add3A_521 : vector<16xi32>
        %gather3A_523 = tpu.vector_load_idx %arg4[%add3A_522] : memref<49152xi32, #tpu.memory_space<vmem>>[vector<16xi32>], vector<16xi32>,
        %add3A_524 = arith.addi %gather3A_523, %mul3A_144 : vector<16xi32>
        %gather3A_525 = tpu.vector_load_idx %arg7[%add3A_524] : memref<768xi32, #tpu.memory_space<vmem>>[vector<16xi32>], vector<16xi32>,
        %shift_left3A = arith.constant 8 : i32
        %shift_left3A_526 = vector.broadcast %shift_left3A : i32 to vector<16xi32>
        %shift_left3A_527 = arith.shli %gather3A_515, %shift_left3A_526 : vector<16xi32>
        %or3A = arith.ori %gather3A_510, %shift_left3A_527 : vector<16xi32>
        %shift_left3A_528 = arith.constant 16 : i32
        %shift_left3A_529 = vector.broadcast %shift_left3A_528 : i32 to vector<16xi32>
        %shift_left3A_530 = arith.shli %gather3A_520, %shift_left3A_529 : vector<16xi32>
        %or3A_531 = arith.ori %or3A, %shift_left3A_530 : vector<16xi32>
        %shift_left3A_532 = arith.constant 24 : i32
        %shift_left3A_533 = vector.broadcast %shift_left3A_532 : i32 to vector<16xi32>
        %shift_left3A_534 = arith.shli %gather3A_525, %shift_left3A_533 : vector<16xi32>
        %or3A_535 = arith.ori %or3A_531, %shift_left3A_534 : vector<16xi32>
        %mul3A_536 = arith.constant 16 : i32
        %mul3A_537 = arith.muli %add3A_504, %mul3A_536 : i32
        %swap3A = arith.index_cast %mul3A_537 : i32 to index
        %swap3A_538 = tpu.vector_load %arg5[%swap3A] {strides = array<i32>} : memref<12288xi32, #tpu.memory_space<vmem>>, vector<16xi32>,
        tpu.vector_store %arg5[%swap3A], %or3A_535 {strides = array<i32>} : memref<12288xi32, #tpu.memory_space<vmem>>, vector<16xi32>,
        %mul3A_539 = arith.constant 3 : i32
        %mul3A_540 = arith.muli %scan3A_499, %mul3A_539 : i32
        %add3A_541 = arith.constant 1 : i32
        %add3A_542 = arith.addi %mul3A_540, %add3A_541 : i32
        %mul3A_543 = arith.constant 64 : i32
        %mul3A_544 = arith.muli %add3A_542, %mul3A_543 : i32
        %add3A_545 = vector.broadcast %mul3A_544 : i32 to vector<16xi32>
        %add3A_546 = arith.addi %add3A_98, %add3A_545 : vector<16xi32>
        %gather3A_547 = tpu.vector_load_idx %arg4[%add3A_546] : memref<49152xi32, #tpu.memory_space<vmem>>[vector<16xi32>], vector<16xi32>,
        %add3A_548 = arith.addi %gather3A_547, %mul3A_172 : vector<16xi32>
        %gather3A_549 = tpu.vector_load_idx %arg7[%add3A_548] : memref<768xi32, #tpu.memory_space<vmem>>[vector<16xi32>], vector<16xi32>,
        %add3A_550 = vector.broadcast %mul3A_544 : i32 to vector<16xi32>
        %add3A_551 = arith.addi %add3A_104, %add3A_550 : vector<16xi32>
        %gather3A_552 = tpu.vector_load_idx %arg4[%add3A_551] : memref<49152xi32, #tpu.memory_space<vmem>>[vector<16xi32>], vector<16xi32>,
        %add3A_553 = arith.addi %gather3A_552, %mul3A_200 : vector<16xi32>
        %gather3A_554 = tpu.vector_load_idx %arg7[%add3A_553] : memref<768xi32, #tpu.memory_space<vmem>>[vector<16xi32>], vector<16xi32>,
        %add3A_555 = vector.broadcast %mul3A_544 : i32 to vector<16xi32>
        %add3A_556 = arith.addi %add3A_110, %add3A_555 : vector<16xi32>
        %gather3A_557 = tpu.vector_load_idx %arg4[%add3A_556] : memref<49152xi32, #tpu.memory_space<vmem>>[vector<16xi32>], vector<16xi32>,
        %add3A_558 = arith.addi %gather3A_557, %mul3A_144 : vector<16xi32>
        %gather3A_559 = tpu.vector_load_idx %arg7[%add3A_558] : memref<768xi32, #tpu.memory_space<vmem>>[vector<16xi32>], vector<16xi32>,
        %add3A_560 = vector.broadcast %mul3A_544 : i32 to vector<16xi32>
        %add3A_561 = arith.addi %add3A_116, %add3A_560 : vector<16xi32>
        %gather3A_562 = tpu.vector_load_idx %arg4[%add3A_561] : memref<49152xi32, #tpu.memory_space<vmem>>[vector<16xi32>], vector<16xi32>,
        %add3A_563 = arith.addi %gather3A_562, %mul3A_172 : vector<16xi32>
        %gather3A_564 = tpu.vector_load_idx %arg7[%add3A_563] : memref<768xi32, #tpu.memory_space<vmem>>[vector<16xi32>], vector<16xi32>,
        %shift_left3A_565 = arith.constant 8 : i32
        %shift_left3A_566 = vector.broadcast %shift_left3A_565 : i32 to vector<16xi32>
        %shift_left3A_567 = arith.shli %gather3A_554, %shift_left3A_566 : vector<16xi32>
        %or3A_568 = arith.ori %gather3A_549, %shift_left3A_567 : vector<16xi32>
        %shift_left3A_569 = arith.constant 16 : i32
        %shift_left3A_570 = vector.broadcast %shift_left3A_569 : i32 to vector<16xi32>
        %shift_left3A_571 = arith.shli %gather3A_559, %shift_left3A_570 : vector<16xi32>
        %or3A_572 = arith.ori %or3A_568, %shift_left3A_571 : vector<16xi32>
        %shift_left3A_573 = arith.constant 24 : i32
        %shift_left3A_574 = vector.broadcast %shift_left3A_573 : i32 to vector<16xi32>
        %shift_left3A_575 = arith.shli %gather3A_564, %shift_left3A_574 : vector<16xi32>
        %or3A_576 = arith.ori %or3A_572, %shift_left3A_575 : vector<16xi32>
        %mul3A_577 = arith.constant 16 : i32
        %mul3A_578 = arith.muli %add3A_542, %mul3A_577 : i32
        %swap3A_579 = arith.index_cast %mul3A_578 : i32 to index
        %swap3A_580 = tpu.vector_load %arg5[%swap3A_579] {strides = array<i32>} : memref<12288xi32, #tpu.memory_space<vmem>>, vector<16xi32>,
        tpu.vector_store %arg5[%swap3A_579], %or3A_576 {strides = array<i32>} : memref<12288xi32, #tpu.memory_space<vmem>>, vector<16xi32>,
        %mul3A_581 = arith.constant 3 : i32
        %mul3A_582 = arith.muli %scan3A_499, %mul3A_581 : i32
        %add3A_583 = arith.constant 2 : i32
        %add3A_584 = arith.addi %mul3A_582, %add3A_583 : i32
        %mul3A_585 = arith.constant 64 : i32
        %mul3A_586 = arith.muli %add3A_584, %mul3A_585 : i32
        %add3A_587 = vector.broadcast %mul3A_586 : i32 to vector<16xi32>
        %add3A_588 = arith.addi %add3A_98, %add3A_587 : vector<16xi32>
        %gather3A_589 = tpu.vector_load_idx %arg4[%add3A_588] : memref<49152xi32, #tpu.memory_space<vmem>>[vector<16xi32>], vector<16xi32>,
        %add3A_590 = arith.addi %gather3A_589, %mul3A_200 : vector<16xi32>
        %gather3A_591 = tpu.vector_load_idx %arg7[%add3A_590] : memref<768xi32, #tpu.memory_space<vmem>>[vector<16xi32>], vector<16xi32>,
        %add3A_592 = vector.broadcast %mul3A_586 : i32 to vector<16xi32>
        %add3A_593 = arith.addi %add3A_104, %add3A_592 : vector<16xi32>
        %gather3A_594 = tpu.vector_load_idx %arg4[%add3A_593] : memref<49152xi32, #tpu.memory_space<vmem>>[vector<16xi32>], vector<16xi32>,
        %add3A_595 = arith.addi %gather3A_594, %mul3A_144 : vector<16xi32>
        %gather3A_596 = tpu.vector_load_idx %arg7[%add3A_595] : memref<768xi32, #tpu.memory_space<vmem>>[vector<16xi32>], vector<16xi32>,
        %add3A_597 = vector.broadcast %mul3A_586 : i32 to vector<16xi32>
        %add3A_598 = arith.addi %add3A_110, %add3A_597 : vector<16xi32>
        %gather3A_599 = tpu.vector_load_idx %arg4[%add3A_598] : memref<49152xi32, #tpu.memory_space<vmem>>[vector<16xi32>], vector<16xi32>,
        %add3A_600 = arith.addi %gather3A_599, %mul3A_172 : vector<16xi32>
        %gather3A_601 = tpu.vector_load_idx %arg7[%add3A_600] : memref<768xi32, #tpu.memory_space<vmem>>[vector<16xi32>], vector<16xi32>,
        %add3A_602 = vector.broadcast %mul3A_586 : i32 to vector<16xi32>
        %add3A_603 = arith.addi %add3A_116, %add3A_602 : vector<16xi32>
        %gather3A_604 = tpu.vector_load_idx %arg4[%add3A_603] : memref<49152xi32, #tpu.memory_space<vmem>>[vector<16xi32>], vector<16xi32>,
        %add3A_605 = arith.addi %gather3A_604, %mul3A_200 : vector<16xi32>
        %gather3A_606 = tpu.vector_load_idx %arg7[%add3A_605] : memref<768xi32, #tpu.memory_space<vmem>>[vector<16xi32>], vector<16xi32>,
        %shift_left3A_607 = arith.constant 8 : i32
        %shift_left3A_608 = vector.broadcast %shift_left3A_607 : i32 to vector<16xi32>
        %shift_left3A_609 = arith.shli %gather3A_596, %shift_left3A_608 : vector<16xi32>
        %or3A_610 = arith.ori %gather3A_591, %shift_left3A_609 : vector<16xi32>
        %shift_left3A_611 = arith.constant 16 : i32
        %shift_left3A_612 = vector.broadcast %shift_left3A_611 : i32 to vector<16xi32>
        %shift_left3A_613 = arith.shli %gather3A_601, %shift_left3A_612 : vector<16xi32>
        %or3A_614 = arith.ori %or3A_610, %shift_left3A_613 : vector<16xi32>
        %shift_left3A_615 = arith.constant 24 : i32
        %shift_left3A_616 = vector.broadcast %shift_left3A_615 : i32 to vector<16xi32>
        %shift_left3A_617 = arith.shli %gather3A_606, %shift_left3A_616 : vector<16xi32>
        %or3A_618 = arith.ori %or3A_614, %shift_left3A_617 : vector<16xi32>
        %mul3A_619 = arith.constant 16 : i32
        %mul3A_620 = arith.muli %add3A_584, %mul3A_619 : i32
        %swap3A_621 = arith.index_cast %mul3A_620 : i32 to index
        %swap3A_622 = tpu.vector_load %arg5[%swap3A_621] {strides = array<i32>} : memref<12288xi32, #tpu.memory_space<vmem>>, vector<16xi32>,
        tpu.vector_store %arg5[%swap3A_621], %or3A_618 {strides = array<i32>} : memref<12288xi32, #tpu.memory_space<vmem>>, vector<16xi32>,
        %scan3A_623 = arith.constant 0 : i32
        scf.yield %scan3A_623 : i32
      }
      %scan3A_493 = arith.constant 256 : i32
      %mul3A_494 = arith.constant 12288 : i32
      %mul3A_495 = arith.muli %scan3A_482, %mul3A_494 : i32
      %add3A_496 = arith.addi %mul3A_208, %mul3A_495 : i32
      %multiple_of3A_497 = tpu.assume_multiple %add3A_496, 8 : i32
      "tpu.region"() ({
        %run_scoped3A = tpu.sem_alloc : memref<!tpu.dma_semaphore, #tpu.memory_space<semaphore_mem>>
        %dma_start3A = tpu.memref_slice %arg3[%multiple_of3A_497] : memref<12582912xi32, #tpu.memory_space<hbm>> -> memref<12288xi32, #tpu.memory_space<hbm>>
        %dma_start3A_499 = tpu.memref_slice %arg3[%multiple_of3A_497] : memref<12582912xi32, #tpu.memory_space<hbm>> -> memref<12288xi32, #tpu.memory_space<hbm>>
        tpu.enqueue_dma source(%arg5 : memref<12288xi32, #tpu.memory_space<vmem>>) target(%dma_start3A_499 : memref<12288xi32, #tpu.memory_space<hbm>>) target_semaphore(%run_scoped3A : memref<!tpu.dma_semaphore, #tpu.memory_space<semaphore_mem>>)
        %dma_wait3A = tpu.memref_slice %arg3[%multiple_of3A_497] : memref<12582912xi32, #tpu.memory_space<hbm>> -> memref<12288xi32, #tpu.memory_space<hbm>>
        %dma_wait3A_500 = tpu.memref_slice %arg3[%multiple_of3A_497] : memref<12582912xi32, #tpu.memory_space<hbm>> -> memref<12288xi32, #tpu.memory_space<hbm>>
        tpu.wait_dma2 semaphore(%run_scoped3A : memref<!tpu.dma_semaphore, #tpu.memory_space<semaphore_mem>>) src(%arg5 : memref<12288xi32, #tpu.memory_space<vmem>>) dst(%dma_wait3A_500 : memref<12288xi32, #tpu.memory_space<hbm>>)
        tpu.yield
      }) : () -> ()
      %scan3A_498 = arith.constant 0 : i32
      scf.yield %scan3A_498 : i32
    }
    %scan3A_338 = arith.constant 16 : i32
    %mul3A_339 = arith.constant 2 : i32
    %mul3A_340 = arith.muli %add3A, %mul3A_339 : i32
    %add3A_341 = arith.constant 1 : i32
    %add3A_342 = arith.addi %mul3A_340, %add3A_341 : i32
    %mul3A_343 = arith.constant 786432 : i32
    %mul3A_344 = arith.muli %add3A_342, %mul3A_343 : i32
    %mul3A_345 = arith.constant 196608 : i32
    %mul3A_346 = arith.muli %add3A_342, %mul3A_345 : i32
    %scan3A_347 = arith.constant 0 : i32
    %scan3A_348 = arith.constant 0 : i32
    %scan3A_349 = arith.constant 768 : i32
    %scan3A_350 = arith.addi %scan3A_348, %scan3A_349 : i32
    %scan3A_351 = arith.constant 1 : i32
    %scan3A_352 = scf.for %scan3A_482 = %scan3A_348 to %scan3A_350 step %scan3A_351 iter_args(%scan3A_483 = %scan3A_347) -> (i32)  : i32 {
      %mul3A_484 = arith.constant 16 : i32
      %mul3A_485 = arith.muli %scan3A_482, %mul3A_484 : i32
      %swap3A = arith.index_cast %mul3A_485 : i32 to index
      %swap3A_486 = tpu.vector_load %arg6[%swap3A] {strides = array<i32>} : memref<12288xi32, #tpu.memory_space<vmem>>, vector<16xi32>,
      tpu.vector_store %arg6[%swap3A], %broadcast_in_dim3A_3 {strides = array<i32>} : memref<12288xi32, #tpu.memory_space<vmem>>, vector<16xi32>,
      %scan3A_487 = arith.constant 0 : i32
      scf.yield %scan3A_487 : i32
    }
    %scan3A_353 = arith.constant 768 : i32
    %scan3A_354 = arith.constant 0 : i32
    %scan3A_355 = arith.constant 0 : i32
    %scan3A_356 = arith.constant 16 : i32
    %scan3A_357 = arith.addi %scan3A_355, %scan3A_356 : i32
    %scan3A_358 = arith.constant 1 : i32
    %scan3A_359 = scf.for %scan3A_482 = %scan3A_355 to %scan3A_357 step %scan3A_358 iter_args(%scan3A_483 = %scan3A_354) -> (i32)  : i32 {
      %mul3A_484 = arith.constant 49152 : i32
      %mul3A_485 = arith.muli %scan3A_482, %mul3A_484 : i32
      %add3A_486 = arith.addi %mul3A_344, %mul3A_485 : i32
      %multiple_of3A = tpu.assume_multiple %add3A_486, 8 : i32
      "tpu.region"() ({
        %run_scoped3A = tpu.sem_alloc : memref<!tpu.dma_semaphore, #tpu.memory_space<semaphore_mem>>
        %dma_start3A = tpu.memref_slice %arg2[%multiple_of3A] : memref<50331648xi32, #tpu.memory_space<hbm>> -> memref<49152xi32, #tpu.memory_space<hbm>>
        %dma_start3A_495 = tpu.memref_slice %arg2[%multiple_of3A] : memref<50331648xi32, #tpu.memory_space<hbm>> -> memref<49152xi32, #tpu.memory_space<hbm>>
        tpu.enqueue_dma source(%dma_start3A_495 : memref<49152xi32, #tpu.memory_space<hbm>>) target(%arg4 : memref<49152xi32, #tpu.memory_space<vmem>>) target_semaphore(%run_scoped3A : memref<!tpu.dma_semaphore, #tpu.memory_space<semaphore_mem>>)
        %dma_wait3A = tpu.memref_slice %arg2[%multiple_of3A] : memref<50331648xi32, #tpu.memory_space<hbm>> -> memref<49152xi32, #tpu.memory_space<hbm>>
        %dma_wait3A_496 = tpu.memref_slice %arg2[%multiple_of3A] : memref<50331648xi32, #tpu.memory_space<hbm>> -> memref<49152xi32, #tpu.memory_space<hbm>>
        tpu.wait_dma2 semaphore(%run_scoped3A : memref<!tpu.dma_semaphore, #tpu.memory_space<semaphore_mem>>) src(%dma_wait3A_496 : memref<49152xi32, #tpu.memory_space<hbm>>) dst(%arg4 : memref<49152xi32, #tpu.memory_space<vmem>>)
        tpu.yield
      }) : () -> ()
      %scan3A_487 = arith.constant 0 : i32
      %scan3A_488 = arith.constant 0 : i32
      %scan3A_489 = arith.constant 1024 : i32
      %scan3A_490 = arith.addi %scan3A_488, %scan3A_489 : i32
      %scan3A_491 = arith.constant 1 : i32
      %scan3A_492 = scf.for %scan3A_495 = %scan3A_488 to %scan3A_490 step %scan3A_491 iter_args(%scan3A_496 = %scan3A_487) -> (i32)  : i32 {
        %mul3A_497 = arith.constant 3 : i32
        %mul3A_498 = arith.muli %scan3A_495, %mul3A_497 : i32
        %add3A_499 = arith.constant 0 : i32
        %add3A_500 = arith.addi %mul3A_498, %add3A_499 : i32
        %mul3A_501 = arith.constant 16 : i32
        %mul3A_502 = arith.muli %add3A_500, %mul3A_501 : i32
        %get3A = arith.index_cast %mul3A_502 : i32 to index
        %get3A_503 = tpu.vector_load %arg4[%get3A] {strides = array<i32>} : memref<49152xi32, #tpu.memory_space<vmem>>, vector<16xi32>,
        %add3A_504 = arith.addi %add3A_28, %get3A_503 : vector<16xi32>
        tpu.vector_store_idx %arg6[%add3A_504], %broadcast_in_dim3A_1 {add = true} : memref<12288xi32, #tpu.memory_space<vmem>>[vector<16xi32>], vector<16xi32>,
        %mul3A_505 = arith.constant 3 : i32
        %mul3A_506 = arith.muli %scan3A_495, %mul3A_505 : i32
        %add3A_507 = arith.constant 1 : i32
        %add3A_508 = arith.addi %mul3A_506, %add3A_507 : i32
        %mul3A_509 = arith.constant 16 : i32
        %mul3A_510 = arith.muli %add3A_508, %mul3A_509 : i32
        %get3A_511 = arith.index_cast %mul3A_510 : i32 to index
        %get3A_512 = tpu.vector_load %arg4[%get3A_511] {strides = array<i32>} : memref<49152xi32, #tpu.memory_space<vmem>>, vector<16xi32>,
        %add3A_513 = arith.addi %add3A_60, %get3A_512 : vector<16xi32>
        tpu.vector_store_idx %arg6[%add3A_513], %broadcast_in_dim3A_1 {add = true} : memref<12288xi32, #tpu.memory_space<vmem>>[vector<16xi32>], vector<16xi32>,
        %mul3A_514 = arith.constant 3 : i32
        %mul3A_515 = arith.muli %scan3A_495, %mul3A_514 : i32
        %add3A_516 = arith.constant 2 : i32
        %add3A_517 = arith.addi %mul3A_515, %add3A_516 : i32
        %mul3A_518 = arith.constant 16 : i32
        %mul3A_519 = arith.muli %add3A_517, %mul3A_518 : i32
        %get3A_520 = arith.index_cast %mul3A_519 : i32 to index
        %get3A_521 = tpu.vector_load %arg4[%get3A_520] {strides = array<i32>} : memref<49152xi32, #tpu.memory_space<vmem>>, vector<16xi32>,
        %add3A_522 = arith.addi %add3A_92, %get3A_521 : vector<16xi32>
        tpu.vector_store_idx %arg6[%add3A_522], %broadcast_in_dim3A_1 {add = true} : memref<12288xi32, #tpu.memory_space<vmem>>[vector<16xi32>], vector<16xi32>,
        %scan3A_523 = arith.constant 0 : i32
        scf.yield %scan3A_523 : i32
      }
      %scan3A_493 = arith.constant 1024 : i32
      %scan3A_494 = arith.constant 0 : i32
      scf.yield %scan3A_494 : i32
    }
    %scan3A_360 = arith.constant 16 : i32
    %broadcast_in_dim3A_361 = arith.constant -1 : i32
    %broadcast_in_dim3A_362 = vector.broadcast %broadcast_in_dim3A_361 : i32 to vector<16xi32>
    %scan3A_363 = arith.constant 0 : i32
    %scan3A_364 = arith.constant 0 : i32
    %scan3A_365 = arith.constant 16 : i32
    %scan3A_366 = arith.addi %scan3A_364, %scan3A_365 : i32
    %scan3A_367 = arith.constant 1 : i32
    %scan3A_368:2 = scf.for %scan3A_482 = %scan3A_364 to %scan3A_366 step %scan3A_367 iter_args(%scan3A_483 = %scan3A_363, %scan3A_484 = %broadcast_in_dim3A_362) -> (i32, vector<16xi32>)  : i32 {
      %mul3A_485 = arith.constant 16 : i32
      %mul3A_486 = arith.muli %scan3A_482, %mul3A_485 : i32
      %add3A_487 = arith.constant 0 : i32
      %add3A_488 = arith.addi %add3A_487, %mul3A_486 : i32
      %get3A = arith.index_cast %add3A_488 : i32 to index
      %get3A_489 = tpu.vector_load %arg6[%get3A] {strides = array<i32>} : memref<12288xi32, #tpu.memory_space<vmem>>, vector<16xi32>,
      %scan3A_490 = arith.constant 1 : i32
      %scan3A_491 = arith.constant 15 : i32
      %scan3A_492 = arith.addi %scan3A_490, %scan3A_491 : i32
      %scan3A_493 = arith.constant 1 : i32
      %scan3A_494 = scf.for %scan3A_525 = %scan3A_490 to %scan3A_492 step %scan3A_493 iter_args(%scan3A_526 = %get3A_489) -> (vector<16xi32>)  : i32 {
        %mul3A_527 = arith.constant 768 : i32
        %mul3A_528 = arith.muli %scan3A_525, %mul3A_527 : i32
        %add3A_529 = arith.constant 0 : i32
        %add3A_530 = arith.addi %mul3A_528, %add3A_529 : i32
        %mul3A_531 = arith.constant 16 : i32
        %mul3A_532 = arith.muli %scan3A_482, %mul3A_531 : i32
        %add3A_533 = arith.addi %add3A_530, %mul3A_532 : i32
        %get3A_534 = arith.index_cast %add3A_533 : i32 to index
        %get3A_535 = tpu.vector_load %arg6[%get3A_534] {strides = array<i32>} : memref<12288xi32, #tpu.memory_space<vmem>>, vector<16xi32>,
        %add3A_536 = arith.addi %scan3A_526, %get3A_535 : vector<16xi32>
        scf.yield %add3A_536 : vector<16xi32>
      }
      %scan3A_495 = arith.constant 15 : i32
      %broadcast_in_dim3A_496 = arith.constant true
      %broadcast_in_dim3A_497 = vector.broadcast %broadcast_in_dim3A_496 : i1 to vector<16xi1>
      %masked_cumsum3A = tpu.scan <sum>, %scan3A_494 masked %broadcast_in_dim3A_497 : vector<16xi32>, vector<16xi1> -> vector<16xi32>
      %add3A_498 = vector.broadcast %scan3A_483 : i32 to vector<16xi32>
      %add3A_499 = arith.addi %masked_cumsum3A, %add3A_498 : vector<16xi32>
      %mul3A_500 = arith.constant 16 : i32
      %mul3A_501 = arith.muli %scan3A_482, %mul3A_500 : i32
      %swap3A = arith.index_cast %mul3A_501 : i32 to index
      %swap3A_502 = tpu.vector_load %arg8[%swap3A] {strides = array<i32>} : memref<256xi32, #tpu.memory_space<vmem>>, vector<16xi32>,
      tpu.vector_store %arg8[%swap3A], %add3A_499 {strides = array<i32>} : memref<256xi32, #tpu.memory_space<vmem>>, vector<16xi32>,
      %mul3A_503 = arith.constant 16 : i32
      %mul3A_504 = arith.muli %scan3A_482, %mul3A_503 : i32
      %add3A_505 = vector.broadcast %mul3A_504 : i32 to vector<16xi32>
      %add3A_506 = arith.addi %iota3A, %add3A_505 : vector<16xi32>
      %gt3A = arith.constant 0 : i32
      %gt3A_507 = vector.broadcast %gt3A : i32 to vector<16xi32>
      %gt3A_508 = arith.cmpi sgt, %scan3A_494, %gt3A_507 : vector<16xi32>
      %mul3A_509 = arith.constant 524288 : i32
      %mul3A_510 = vector.broadcast %mul3A_509 : i32 to vector<16xi32>
      %mul3A_511 = arith.muli %add3A_506, %mul3A_510 : vector<16xi32>
      %add3A_512 = arith.addi %mul3A_511, %scan3A_494 : vector<16xi32>
      %jit3A_513 = arith.constant -1 : i32
      %broadcast_in_dim3A_514 = vector.broadcast %jit3A_513 : i32 to vector<16xi32>
      %select_n3A_515 = arith.select %gt3A_508, %add3A_512, %broadcast_in_dim3A_514 : vector<16xi1>, vector<16xi32>
      %reduce_max3A_516 = arith.constant true
      %reduce_max3A_517 = vector.broadcast %reduce_max3A_516 : i1 to vector<16xi1>
      %reduce_max3A_518 = arith.constant -2147483648 : i32
      %reduce_max3A_519 = vector.broadcast %reduce_max3A_518 : i32 to vector<16xi32>
      %reduce_max3A_520 = arith.xori %add3A_499, %reduce_max3A_519 : vector<16xi32>
      %reduce_max3A_521 = tpu.scan <max>, %reduce_max3A_520 masked %reduce_max3A_517 : vector<16xi32>, vector<16xi1> -> vector<16xi32>
      %reduce_max3A_522 = arith.xori %reduce_max3A_521, %reduce_max3A_519 : vector<16xi32>
      %reduce_max3A_523 = vector.extract %reduce_max3A_522[15] : i32 from vector<16xi32>
      %max3A_524 = arith.maxsi %scan3A_484, %select_n3A_515 : vector<16xi32>
      scf.yield %reduce_max3A_523, %max3A_524 : i32, vector<16xi32>
    }
    %scan3A_369 = arith.constant 16 : i32
    %reduce_max3A_370 = arith.constant true
    %reduce_max3A_371 = vector.broadcast %reduce_max3A_370 : i1 to vector<16xi1>
    %reduce_max3A_372 = arith.constant -2147483648 : i32
    %reduce_max3A_373 = vector.broadcast %reduce_max3A_372 : i32 to vector<16xi32>
    %reduce_max3A_374 = arith.xori %scan3A_368#1, %reduce_max3A_373 : vector<16xi32>
    %reduce_max3A_375 = tpu.scan <max>, %reduce_max3A_374 masked %reduce_max3A_371 : vector<16xi32>, vector<16xi1> -> vector<16xi32>
    %reduce_max3A_376 = arith.xori %reduce_max3A_375, %reduce_max3A_373 : vector<16xi32>
    %reduce_max3A_377 = vector.extract %reduce_max3A_376[15] : i32 from vector<16xi32>
    %and3A_378 = arith.constant 524287 : i32
    %and3A_379 = arith.andi %reduce_max3A_377, %and3A_378 : i32
    %sub3A_380 = arith.constant 262144 : i32
    %sub3A_381 = arith.subi %sub3A_380, %and3A_379 : i32
    %div3A_382 = arith.constant 255 : i32
    %div3A_383 = arith.divsi %sub3A_381, %div3A_382 : i32
    %max3A_384 = arith.constant 1 : i32
    %max3A_385 = arith.maxsi %div3A_383, %max3A_384 : i32
    %broadcast_in_dim3A_386 = vector.broadcast %max3A_385 : i32 to vector<16xi32>
    %div3A_387 = arith.constant 2 : i32
    %div3A_388 = arith.divsi %div3A_383, %div3A_387 : i32
    %eq3A_389 = arith.constant 0 : i32
    %eq3A_390 = arith.cmpi eq, %div3A_383, %eq3A_389 : i32
    %broadcast_in_dim3A_391 = vector.broadcast %eq3A_390 : i1 to vector<16xi1>
    %scan3A_392 = arith.constant 0 : i32
    %scan3A_393 = arith.constant 0 : i32
    %scan3A_394 = arith.constant 16 : i32
    %scan3A_395 = arith.addi %scan3A_393, %scan3A_394 : i32
    %scan3A_396 = arith.constant 1 : i32
    %scan3A_397 = scf.for %scan3A_482 = %scan3A_393 to %scan3A_395 step %scan3A_396 iter_args(%scan3A_483 = %scan3A_392) -> (i32)  : i32 {
      %mul3A_484 = arith.constant 16 : i32
      %mul3A_485 = arith.muli %scan3A_482, %mul3A_484 : i32
      %add3A_486 = vector.broadcast %mul3A_485 : i32 to vector<16xi32>
      %add3A_487 = arith.addi %iota3A, %add3A_486 : vector<16xi32>
      %sub3A_488 = arith.constant 1 : i32
      %sub3A_489 = vector.broadcast %sub3A_488 : i32 to vector<16xi32>
      %sub3A_490 = arith.subi %add3A_487, %sub3A_489 : vector<16xi32>
      %max3A_491 = arith.constant 0 : i32
      %max3A_492 = vector.broadcast %max3A_491 : i32 to vector<16xi32>
      %max3A_493 = arith.maxsi %sub3A_490, %max3A_492 : vector<16xi32>
      %gather3A = tpu.vector_load_idx %arg8[%max3A_493] : memref<256xi32, #tpu.memory_space<vmem>>[vector<16xi32>], vector<16xi32>,
      %eq3A_494 = arith.constant 0 : i32
      %eq3A_495 = vector.broadcast %eq3A_494 : i32 to vector<16xi32>
      %eq3A_496 = arith.cmpi eq, %add3A_487, %eq3A_495 : vector<16xi32>
      %jit3A_497 = arith.constant 0 : i32
      %broadcast_in_dim3A_498 = vector.broadcast %jit3A_497 : i32 to vector<16xi32>
      %select_n3A_499 = arith.select %eq3A_496, %broadcast_in_dim3A_498, %gather3A : vector<16xi1>, vector<16xi32>
      %add3A_500 = vector.broadcast %div3A_388 : i32 to vector<16xi32>
      %add3A_501 = arith.addi %select_n3A_499, %add3A_500 : vector<16xi32>
      %div3A_502 = arith.divsi %add3A_501, %broadcast_in_dim3A_386 : vector<16xi32>
      %jit3A_503 = arith.constant 0 : i32
      %jit3A_504 = arith.constant 255 : i32
      %max3A_505 = vector.broadcast %jit3A_503 : i32 to vector<16xi32>
      %max3A_506 = arith.maxsi %max3A_505, %div3A_502 : vector<16xi32>
      %min3A = vector.broadcast %jit3A_504 : i32 to vector<16xi32>
      %min3A_507 = arith.minsi %min3A, %max3A_506 : vector<16xi32>
      %select_n3A_508 = arith.select %broadcast_in_dim3A_391, %add3A_487, %min3A_507 : vector<16xi1>, vector<16xi32>
      %mul3A_509 = arith.constant 16 : i32
      %mul3A_510 = arith.muli %scan3A_482, %mul3A_509 : i32
      %add3A_511 = arith.constant 0 : i32
      %add3A_512 = arith.addi %add3A_511, %mul3A_510 : i32
      %swap3A = arith.index_cast %add3A_512 : i32 to index
      %swap3A_513 = tpu.vector_load %arg7[%swap3A] {strides = array<i32>} : memref<768xi32, #tpu.memory_space<vmem>>, vector<16xi32>,
      tpu.vector_store %arg7[%swap3A], %select_n3A_508 {strides = array<i32>} : memref<768xi32, #tpu.memory_space<vmem>>, vector<16xi32>,
      %scan3A_514 = arith.constant 0 : i32
      scf.yield %scan3A_514 : i32
    }
    %scan3A_398 = arith.constant 16 : i32
    %broadcast_in_dim3A_399 = arith.constant -1 : i32
    %broadcast_in_dim3A_400 = vector.broadcast %broadcast_in_dim3A_399 : i32 to vector<16xi32>
    %scan3A_401 = arith.constant 0 : i32
    %scan3A_402 = arith.constant 0 : i32
    %scan3A_403 = arith.constant 16 : i32
    %scan3A_404 = arith.addi %scan3A_402, %scan3A_403 : i32
    %scan3A_405 = arith.constant 1 : i32
    %scan3A_406:2 = scf.for %scan3A_482 = %scan3A_402 to %scan3A_404 step %scan3A_405 iter_args(%scan3A_483 = %scan3A_401, %scan3A_484 = %broadcast_in_dim3A_400) -> (i32, vector<16xi32>)  : i32 {
      %mul3A_485 = arith.constant 16 : i32
      %mul3A_486 = arith.muli %scan3A_482, %mul3A_485 : i32
      %add3A_487 = arith.constant 256 : i32
      %add3A_488 = arith.addi %add3A_487, %mul3A_486 : i32
      %get3A = arith.index_cast %add3A_488 : i32 to index
      %get3A_489 = tpu.vector_load %arg6[%get3A] {strides = array<i32>} : memref<12288xi32, #tpu.memory_space<vmem>>, vector<16xi32>,
      %scan3A_490 = arith.constant 1 : i32
      %scan3A_491 = arith.constant 15 : i32
      %scan3A_492 = arith.addi %scan3A_490, %scan3A_491 : i32
      %scan3A_493 = arith.constant 1 : i32
      %scan3A_494 = scf.for %scan3A_525 = %scan3A_490 to %scan3A_492 step %scan3A_493 iter_args(%scan3A_526 = %get3A_489) -> (vector<16xi32>)  : i32 {
        %mul3A_527 = arith.constant 768 : i32
        %mul3A_528 = arith.muli %scan3A_525, %mul3A_527 : i32
        %add3A_529 = arith.constant 256 : i32
        %add3A_530 = arith.addi %mul3A_528, %add3A_529 : i32
        %mul3A_531 = arith.constant 16 : i32
        %mul3A_532 = arith.muli %scan3A_482, %mul3A_531 : i32
        %add3A_533 = arith.addi %add3A_530, %mul3A_532 : i32
        %get3A_534 = arith.index_cast %add3A_533 : i32 to index
        %get3A_535 = tpu.vector_load %arg6[%get3A_534] {strides = array<i32>} : memref<12288xi32, #tpu.memory_space<vmem>>, vector<16xi32>,
        %add3A_536 = arith.addi %scan3A_526, %get3A_535 : vector<16xi32>
        scf.yield %add3A_536 : vector<16xi32>
      }
      %scan3A_495 = arith.constant 15 : i32
      %broadcast_in_dim3A_496 = arith.constant true
      %broadcast_in_dim3A_497 = vector.broadcast %broadcast_in_dim3A_496 : i1 to vector<16xi1>
      %masked_cumsum3A = tpu.scan <sum>, %scan3A_494 masked %broadcast_in_dim3A_497 : vector<16xi32>, vector<16xi1> -> vector<16xi32>
      %add3A_498 = vector.broadcast %scan3A_483 : i32 to vector<16xi32>
      %add3A_499 = arith.addi %masked_cumsum3A, %add3A_498 : vector<16xi32>
      %mul3A_500 = arith.constant 16 : i32
      %mul3A_501 = arith.muli %scan3A_482, %mul3A_500 : i32
      %swap3A = arith.index_cast %mul3A_501 : i32 to index
      %swap3A_502 = tpu.vector_load %arg8[%swap3A] {strides = array<i32>} : memref<256xi32, #tpu.memory_space<vmem>>, vector<16xi32>,
      tpu.vector_store %arg8[%swap3A], %add3A_499 {strides = array<i32>} : memref<256xi32, #tpu.memory_space<vmem>>, vector<16xi32>,
      %mul3A_503 = arith.constant 16 : i32
      %mul3A_504 = arith.muli %scan3A_482, %mul3A_503 : i32
      %add3A_505 = vector.broadcast %mul3A_504 : i32 to vector<16xi32>
      %add3A_506 = arith.addi %iota3A, %add3A_505 : vector<16xi32>
      %gt3A = arith.constant 0 : i32
      %gt3A_507 = vector.broadcast %gt3A : i32 to vector<16xi32>
      %gt3A_508 = arith.cmpi sgt, %scan3A_494, %gt3A_507 : vector<16xi32>
      %mul3A_509 = arith.constant 524288 : i32
      %mul3A_510 = vector.broadcast %mul3A_509 : i32 to vector<16xi32>
      %mul3A_511 = arith.muli %add3A_506, %mul3A_510 : vector<16xi32>
      %add3A_512 = arith.addi %mul3A_511, %scan3A_494 : vector<16xi32>
      %jit3A_513 = arith.constant -1 : i32
      %broadcast_in_dim3A_514 = vector.broadcast %jit3A_513 : i32 to vector<16xi32>
      %select_n3A_515 = arith.select %gt3A_508, %add3A_512, %broadcast_in_dim3A_514 : vector<16xi1>, vector<16xi32>
      %reduce_max3A_516 = arith.constant true
      %reduce_max3A_517 = vector.broadcast %reduce_max3A_516 : i1 to vector<16xi1>
      %reduce_max3A_518 = arith.constant -2147483648 : i32
      %reduce_max3A_519 = vector.broadcast %reduce_max3A_518 : i32 to vector<16xi32>
      %reduce_max3A_520 = arith.xori %add3A_499, %reduce_max3A_519 : vector<16xi32>
      %reduce_max3A_521 = tpu.scan <max>, %reduce_max3A_520 masked %reduce_max3A_517 : vector<16xi32>, vector<16xi1> -> vector<16xi32>
      %reduce_max3A_522 = arith.xori %reduce_max3A_521, %reduce_max3A_519 : vector<16xi32>
      %reduce_max3A_523 = vector.extract %reduce_max3A_522[15] : i32 from vector<16xi32>
      %max3A_524 = arith.maxsi %scan3A_484, %select_n3A_515 : vector<16xi32>
      scf.yield %reduce_max3A_523, %max3A_524 : i32, vector<16xi32>
    }
    %scan3A_407 = arith.constant 16 : i32
    %reduce_max3A_408 = arith.constant true
    %reduce_max3A_409 = vector.broadcast %reduce_max3A_408 : i1 to vector<16xi1>
    %reduce_max3A_410 = arith.constant -2147483648 : i32
    %reduce_max3A_411 = vector.broadcast %reduce_max3A_410 : i32 to vector<16xi32>
    %reduce_max3A_412 = arith.xori %scan3A_406#1, %reduce_max3A_411 : vector<16xi32>
    %reduce_max3A_413 = tpu.scan <max>, %reduce_max3A_412 masked %reduce_max3A_409 : vector<16xi32>, vector<16xi1> -> vector<16xi32>
    %reduce_max3A_414 = arith.xori %reduce_max3A_413, %reduce_max3A_411 : vector<16xi32>
    %reduce_max3A_415 = vector.extract %reduce_max3A_414[15] : i32 from vector<16xi32>
    %and3A_416 = arith.constant 524287 : i32
    %and3A_417 = arith.andi %reduce_max3A_415, %and3A_416 : i32
    %sub3A_418 = arith.constant 262144 : i32
    %sub3A_419 = arith.subi %sub3A_418, %and3A_417 : i32
    %div3A_420 = arith.constant 255 : i32
    %div3A_421 = arith.divsi %sub3A_419, %div3A_420 : i32
    %max3A_422 = arith.constant 1 : i32
    %max3A_423 = arith.maxsi %div3A_421, %max3A_422 : i32
    %broadcast_in_dim3A_424 = vector.broadcast %max3A_423 : i32 to vector<16xi32>
    %div3A_425 = arith.constant 2 : i32
    %div3A_426 = arith.divsi %div3A_421, %div3A_425 : i32
    %eq3A_427 = arith.constant 0 : i32
    %eq3A_428 = arith.cmpi eq, %div3A_421, %eq3A_427 : i32
    %broadcast_in_dim3A_429 = vector.broadcast %eq3A_428 : i1 to vector<16xi1>
    %scan3A_430 = arith.constant 0 : i32
    %scan3A_431 = arith.constant 0 : i32
    %scan3A_432 = arith.constant 16 : i32
    %scan3A_433 = arith.addi %scan3A_431, %scan3A_432 : i32
    %scan3A_434 = arith.constant 1 : i32
    %scan3A_435 = scf.for %scan3A_482 = %scan3A_431 to %scan3A_433 step %scan3A_434 iter_args(%scan3A_483 = %scan3A_430) -> (i32)  : i32 {
      %mul3A_484 = arith.constant 16 : i32
      %mul3A_485 = arith.muli %scan3A_482, %mul3A_484 : i32
      %add3A_486 = vector.broadcast %mul3A_485 : i32 to vector<16xi32>
      %add3A_487 = arith.addi %iota3A, %add3A_486 : vector<16xi32>
      %sub3A_488 = arith.constant 1 : i32
      %sub3A_489 = vector.broadcast %sub3A_488 : i32 to vector<16xi32>
      %sub3A_490 = arith.subi %add3A_487, %sub3A_489 : vector<16xi32>
      %max3A_491 = arith.constant 0 : i32
      %max3A_492 = vector.broadcast %max3A_491 : i32 to vector<16xi32>
      %max3A_493 = arith.maxsi %sub3A_490, %max3A_492 : vector<16xi32>
      %gather3A = tpu.vector_load_idx %arg8[%max3A_493] : memref<256xi32, #tpu.memory_space<vmem>>[vector<16xi32>], vector<16xi32>,
      %eq3A_494 = arith.constant 0 : i32
      %eq3A_495 = vector.broadcast %eq3A_494 : i32 to vector<16xi32>
      %eq3A_496 = arith.cmpi eq, %add3A_487, %eq3A_495 : vector<16xi32>
      %jit3A_497 = arith.constant 0 : i32
      %broadcast_in_dim3A_498 = vector.broadcast %jit3A_497 : i32 to vector<16xi32>
      %select_n3A_499 = arith.select %eq3A_496, %broadcast_in_dim3A_498, %gather3A : vector<16xi1>, vector<16xi32>
      %add3A_500 = vector.broadcast %div3A_426 : i32 to vector<16xi32>
      %add3A_501 = arith.addi %select_n3A_499, %add3A_500 : vector<16xi32>
      %div3A_502 = arith.divsi %add3A_501, %broadcast_in_dim3A_424 : vector<16xi32>
      %jit3A_503 = arith.constant 0 : i32
      %jit3A_504 = arith.constant 255 : i32
      %max3A_505 = vector.broadcast %jit3A_503 : i32 to vector<16xi32>
      %max3A_506 = arith.maxsi %max3A_505, %div3A_502 : vector<16xi32>
      %min3A = vector.broadcast %jit3A_504 : i32 to vector<16xi32>
      %min3A_507 = arith.minsi %min3A, %max3A_506 : vector<16xi32>
      %select_n3A_508 = arith.select %broadcast_in_dim3A_429, %add3A_487, %min3A_507 : vector<16xi1>, vector<16xi32>
      %mul3A_509 = arith.constant 16 : i32
      %mul3A_510 = arith.muli %scan3A_482, %mul3A_509 : i32
      %add3A_511 = arith.constant 256 : i32
      %add3A_512 = arith.addi %add3A_511, %mul3A_510 : i32
      %swap3A = arith.index_cast %add3A_512 : i32 to index
      %swap3A_513 = tpu.vector_load %arg7[%swap3A] {strides = array<i32>} : memref<768xi32, #tpu.memory_space<vmem>>, vector<16xi32>,
      tpu.vector_store %arg7[%swap3A], %select_n3A_508 {strides = array<i32>} : memref<768xi32, #tpu.memory_space<vmem>>, vector<16xi32>,
      %scan3A_514 = arith.constant 0 : i32
      scf.yield %scan3A_514 : i32
    }
    %scan3A_436 = arith.constant 16 : i32
    %broadcast_in_dim3A_437 = arith.constant -1 : i32
    %broadcast_in_dim3A_438 = vector.broadcast %broadcast_in_dim3A_437 : i32 to vector<16xi32>
    %scan3A_439 = arith.constant 0 : i32
    %scan3A_440 = arith.constant 0 : i32
    %scan3A_441 = arith.constant 16 : i32
    %scan3A_442 = arith.addi %scan3A_440, %scan3A_441 : i32
    %scan3A_443 = arith.constant 1 : i32
    %scan3A_444:2 = scf.for %scan3A_482 = %scan3A_440 to %scan3A_442 step %scan3A_443 iter_args(%scan3A_483 = %scan3A_439, %scan3A_484 = %broadcast_in_dim3A_438) -> (i32, vector<16xi32>)  : i32 {
      %mul3A_485 = arith.constant 16 : i32
      %mul3A_486 = arith.muli %scan3A_482, %mul3A_485 : i32
      %add3A_487 = arith.constant 512 : i32
      %add3A_488 = arith.addi %add3A_487, %mul3A_486 : i32
      %get3A = arith.index_cast %add3A_488 : i32 to index
      %get3A_489 = tpu.vector_load %arg6[%get3A] {strides = array<i32>} : memref<12288xi32, #tpu.memory_space<vmem>>, vector<16xi32>,
      %scan3A_490 = arith.constant 1 : i32
      %scan3A_491 = arith.constant 15 : i32
      %scan3A_492 = arith.addi %scan3A_490, %scan3A_491 : i32
      %scan3A_493 = arith.constant 1 : i32
      %scan3A_494 = scf.for %scan3A_525 = %scan3A_490 to %scan3A_492 step %scan3A_493 iter_args(%scan3A_526 = %get3A_489) -> (vector<16xi32>)  : i32 {
        %mul3A_527 = arith.constant 768 : i32
        %mul3A_528 = arith.muli %scan3A_525, %mul3A_527 : i32
        %add3A_529 = arith.constant 512 : i32
        %add3A_530 = arith.addi %mul3A_528, %add3A_529 : i32
        %mul3A_531 = arith.constant 16 : i32
        %mul3A_532 = arith.muli %scan3A_482, %mul3A_531 : i32
        %add3A_533 = arith.addi %add3A_530, %mul3A_532 : i32
        %get3A_534 = arith.index_cast %add3A_533 : i32 to index
        %get3A_535 = tpu.vector_load %arg6[%get3A_534] {strides = array<i32>} : memref<12288xi32, #tpu.memory_space<vmem>>, vector<16xi32>,
        %add3A_536 = arith.addi %scan3A_526, %get3A_535 : vector<16xi32>
        scf.yield %add3A_536 : vector<16xi32>
      }
      %scan3A_495 = arith.constant 15 : i32
      %broadcast_in_dim3A_496 = arith.constant true
      %broadcast_in_dim3A_497 = vector.broadcast %broadcast_in_dim3A_496 : i1 to vector<16xi1>
      %masked_cumsum3A = tpu.scan <sum>, %scan3A_494 masked %broadcast_in_dim3A_497 : vector<16xi32>, vector<16xi1> -> vector<16xi32>
      %add3A_498 = vector.broadcast %scan3A_483 : i32 to vector<16xi32>
      %add3A_499 = arith.addi %masked_cumsum3A, %add3A_498 : vector<16xi32>
      %mul3A_500 = arith.constant 16 : i32
      %mul3A_501 = arith.muli %scan3A_482, %mul3A_500 : i32
      %swap3A = arith.index_cast %mul3A_501 : i32 to index
      %swap3A_502 = tpu.vector_load %arg8[%swap3A] {strides = array<i32>} : memref<256xi32, #tpu.memory_space<vmem>>, vector<16xi32>,
      tpu.vector_store %arg8[%swap3A], %add3A_499 {strides = array<i32>} : memref<256xi32, #tpu.memory_space<vmem>>, vector<16xi32>,
      %mul3A_503 = arith.constant 16 : i32
      %mul3A_504 = arith.muli %scan3A_482, %mul3A_503 : i32
      %add3A_505 = vector.broadcast %mul3A_504 : i32 to vector<16xi32>
      %add3A_506 = arith.addi %iota3A, %add3A_505 : vector<16xi32>
      %gt3A = arith.constant 0 : i32
      %gt3A_507 = vector.broadcast %gt3A : i32 to vector<16xi32>
      %gt3A_508 = arith.cmpi sgt, %scan3A_494, %gt3A_507 : vector<16xi32>
      %mul3A_509 = arith.constant 524288 : i32
      %mul3A_510 = vector.broadcast %mul3A_509 : i32 to vector<16xi32>
      %mul3A_511 = arith.muli %add3A_506, %mul3A_510 : vector<16xi32>
      %add3A_512 = arith.addi %mul3A_511, %scan3A_494 : vector<16xi32>
      %jit3A_513 = arith.constant -1 : i32
      %broadcast_in_dim3A_514 = vector.broadcast %jit3A_513 : i32 to vector<16xi32>
      %select_n3A_515 = arith.select %gt3A_508, %add3A_512, %broadcast_in_dim3A_514 : vector<16xi1>, vector<16xi32>
      %reduce_max3A_516 = arith.constant true
      %reduce_max3A_517 = vector.broadcast %reduce_max3A_516 : i1 to vector<16xi1>
      %reduce_max3A_518 = arith.constant -2147483648 : i32
      %reduce_max3A_519 = vector.broadcast %reduce_max3A_518 : i32 to vector<16xi32>
      %reduce_max3A_520 = arith.xori %add3A_499, %reduce_max3A_519 : vector<16xi32>
      %reduce_max3A_521 = tpu.scan <max>, %reduce_max3A_520 masked %reduce_max3A_517 : vector<16xi32>, vector<16xi1> -> vector<16xi32>
      %reduce_max3A_522 = arith.xori %reduce_max3A_521, %reduce_max3A_519 : vector<16xi32>
      %reduce_max3A_523 = vector.extract %reduce_max3A_522[15] : i32 from vector<16xi32>
      %max3A_524 = arith.maxsi %scan3A_484, %select_n3A_515 : vector<16xi32>
      scf.yield %reduce_max3A_523, %max3A_524 : i32, vector<16xi32>
    }
    %scan3A_445 = arith.constant 16 : i32
    %reduce_max3A_446 = arith.constant true
    %reduce_max3A_447 = vector.broadcast %reduce_max3A_446 : i1 to vector<16xi1>
    %reduce_max3A_448 = arith.constant -2147483648 : i32
    %reduce_max3A_449 = vector.broadcast %reduce_max3A_448 : i32 to vector<16xi32>
    %reduce_max3A_450 = arith.xori %scan3A_444#1, %reduce_max3A_449 : vector<16xi32>
    %reduce_max3A_451 = tpu.scan <max>, %reduce_max3A_450 masked %reduce_max3A_447 : vector<16xi32>, vector<16xi1> -> vector<16xi32>
    %reduce_max3A_452 = arith.xori %reduce_max3A_451, %reduce_max3A_449 : vector<16xi32>
    %reduce_max3A_453 = vector.extract %reduce_max3A_452[15] : i32 from vector<16xi32>
    %and3A_454 = arith.constant 524287 : i32
    %and3A_455 = arith.andi %reduce_max3A_453, %and3A_454 : i32
    %sub3A_456 = arith.constant 262144 : i32
    %sub3A_457 = arith.subi %sub3A_456, %and3A_455 : i32
    %div3A_458 = arith.constant 255 : i32
    %div3A_459 = arith.divsi %sub3A_457, %div3A_458 : i32
    %max3A_460 = arith.constant 1 : i32
    %max3A_461 = arith.maxsi %div3A_459, %max3A_460 : i32
    %broadcast_in_dim3A_462 = vector.broadcast %max3A_461 : i32 to vector<16xi32>
    %div3A_463 = arith.constant 2 : i32
    %div3A_464 = arith.divsi %div3A_459, %div3A_463 : i32
    %eq3A_465 = arith.constant 0 : i32
    %eq3A_466 = arith.cmpi eq, %div3A_459, %eq3A_465 : i32
    %broadcast_in_dim3A_467 = vector.broadcast %eq3A_466 : i1 to vector<16xi1>
    %scan3A_468 = arith.constant 0 : i32
    %scan3A_469 = arith.constant 0 : i32
    %scan3A_470 = arith.constant 16 : i32
    %scan3A_471 = arith.addi %scan3A_469, %scan3A_470 : i32
    %scan3A_472 = arith.constant 1 : i32
    %scan3A_473 = scf.for %scan3A_482 = %scan3A_469 to %scan3A_471 step %scan3A_472 iter_args(%scan3A_483 = %scan3A_468) -> (i32)  : i32 {
      %mul3A_484 = arith.constant 16 : i32
      %mul3A_485 = arith.muli %scan3A_482, %mul3A_484 : i32
      %add3A_486 = vector.broadcast %mul3A_485 : i32 to vector<16xi32>
      %add3A_487 = arith.addi %iota3A, %add3A_486 : vector<16xi32>
      %sub3A_488 = arith.constant 1 : i32
      %sub3A_489 = vector.broadcast %sub3A_488 : i32 to vector<16xi32>
      %sub3A_490 = arith.subi %add3A_487, %sub3A_489 : vector<16xi32>
      %max3A_491 = arith.constant 0 : i32
      %max3A_492 = vector.broadcast %max3A_491 : i32 to vector<16xi32>
      %max3A_493 = arith.maxsi %sub3A_490, %max3A_492 : vector<16xi32>
      %gather3A = tpu.vector_load_idx %arg8[%max3A_493] : memref<256xi32, #tpu.memory_space<vmem>>[vector<16xi32>], vector<16xi32>,
      %eq3A_494 = arith.constant 0 : i32
      %eq3A_495 = vector.broadcast %eq3A_494 : i32 to vector<16xi32>
      %eq3A_496 = arith.cmpi eq, %add3A_487, %eq3A_495 : vector<16xi32>
      %jit3A_497 = arith.constant 0 : i32
      %broadcast_in_dim3A_498 = vector.broadcast %jit3A_497 : i32 to vector<16xi32>
      %select_n3A_499 = arith.select %eq3A_496, %broadcast_in_dim3A_498, %gather3A : vector<16xi1>, vector<16xi32>
      %add3A_500 = vector.broadcast %div3A_464 : i32 to vector<16xi32>
      %add3A_501 = arith.addi %select_n3A_499, %add3A_500 : vector<16xi32>
      %div3A_502 = arith.divsi %add3A_501, %broadcast_in_dim3A_462 : vector<16xi32>
      %jit3A_503 = arith.constant 0 : i32
      %jit3A_504 = arith.constant 255 : i32
      %max3A_505 = vector.broadcast %jit3A_503 : i32 to vector<16xi32>
      %max3A_506 = arith.maxsi %max3A_505, %div3A_502 : vector<16xi32>
      %min3A = vector.broadcast %jit3A_504 : i32 to vector<16xi32>
      %min3A_507 = arith.minsi %min3A, %max3A_506 : vector<16xi32>
      %select_n3A_508 = arith.select %broadcast_in_dim3A_467, %add3A_487, %min3A_507 : vector<16xi1>, vector<16xi32>
      %mul3A_509 = arith.constant 16 : i32
      %mul3A_510 = arith.muli %scan3A_482, %mul3A_509 : i32
      %add3A_511 = arith.constant 512 : i32
      %add3A_512 = arith.addi %add3A_511, %mul3A_510 : i32
      %swap3A = arith.index_cast %add3A_512 : i32 to index
      %swap3A_513 = tpu.vector_load %arg7[%swap3A] {strides = array<i32>} : memref<768xi32, #tpu.memory_space<vmem>>, vector<16xi32>,
      tpu.vector_store %arg7[%swap3A], %select_n3A_508 {strides = array<i32>} : memref<768xi32, #tpu.memory_space<vmem>>, vector<16xi32>,
      %scan3A_514 = arith.constant 0 : i32
      scf.yield %scan3A_514 : i32
    }
    %scan3A_474 = arith.constant 16 : i32
    %scan3A_475 = arith.constant 0 : i32
    %scan3A_476 = arith.constant 0 : i32
    %scan3A_477 = arith.constant 16 : i32
    %scan3A_478 = arith.addi %scan3A_476, %scan3A_477 : i32
    %scan3A_479 = arith.constant 1 : i32
    %scan3A_480 = scf.for %scan3A_482 = %scan3A_476 to %scan3A_478 step %scan3A_479 iter_args(%scan3A_483 = %scan3A_475) -> (i32)  : i32 {
      %mul3A_484 = arith.constant 49152 : i32
      %mul3A_485 = arith.muli %scan3A_482, %mul3A_484 : i32
      %add3A_486 = arith.addi %mul3A_344, %mul3A_485 : i32
      %multiple_of3A = tpu.assume_multiple %add3A_486, 8 : i32
      "tpu.region"() ({
        %run_scoped3A = tpu.sem_alloc : memref<!tpu.dma_semaphore, #tpu.memory_space<semaphore_mem>>
        %dma_start3A = tpu.memref_slice %arg2[%multiple_of3A] : memref<50331648xi32, #tpu.memory_space<hbm>> -> memref<49152xi32, #tpu.memory_space<hbm>>
        %dma_start3A_499 = tpu.memref_slice %arg2[%multiple_of3A] : memref<50331648xi32, #tpu.memory_space<hbm>> -> memref<49152xi32, #tpu.memory_space<hbm>>
        tpu.enqueue_dma source(%dma_start3A_499 : memref<49152xi32, #tpu.memory_space<hbm>>) target(%arg4 : memref<49152xi32, #tpu.memory_space<vmem>>) target_semaphore(%run_scoped3A : memref<!tpu.dma_semaphore, #tpu.memory_space<semaphore_mem>>)
        %dma_wait3A = tpu.memref_slice %arg2[%multiple_of3A] : memref<50331648xi32, #tpu.memory_space<hbm>> -> memref<49152xi32, #tpu.memory_space<hbm>>
        %dma_wait3A_500 = tpu.memref_slice %arg2[%multiple_of3A] : memref<50331648xi32, #tpu.memory_space<hbm>> -> memref<49152xi32, #tpu.memory_space<hbm>>
        tpu.wait_dma2 semaphore(%run_scoped3A : memref<!tpu.dma_semaphore, #tpu.memory_space<semaphore_mem>>) src(%dma_wait3A_500 : memref<49152xi32, #tpu.memory_space<hbm>>) dst(%arg4 : memref<49152xi32, #tpu.memory_space<vmem>>)
        tpu.yield
      }) : () -> ()
      %scan3A_487 = arith.constant 0 : i32
      %scan3A_488 = arith.constant 0 : i32
      %scan3A_489 = arith.constant 256 : i32
      %scan3A_490 = arith.addi %scan3A_488, %scan3A_489 : i32
      %scan3A_491 = arith.constant 1 : i32
      %scan3A_492 = scf.for %scan3A_499 = %scan3A_488 to %scan3A_490 step %scan3A_491 iter_args(%scan3A_500 = %scan3A_487) -> (i32)  : i32 {
        %mul3A_501 = arith.constant 3 : i32
        %mul3A_502 = arith.muli %scan3A_499, %mul3A_501 : i32
        %add3A_503 = arith.constant 0 : i32
        %add3A_504 = arith.addi %mul3A_502, %add3A_503 : i32
        %mul3A_505 = arith.constant 64 : i32
        %mul3A_506 = arith.muli %add3A_504, %mul3A_505 : i32
        %add3A_507 = vector.broadcast %mul3A_506 : i32 to vector<16xi32>
        %add3A_508 = arith.addi %add3A_98, %add3A_507 : vector<16xi32>
        %gather3A = tpu.vector_load_idx %arg4[%add3A_508] : memref<49152xi32, #tpu.memory_space<vmem>>[vector<16xi32>], vector<16xi32>,
        %add3A_509 = arith.addi %gather3A, %mul3A_144 : vector<16xi32>
        %gather3A_510 = tpu.vector_load_idx %arg7[%add3A_509] : memref<768xi32, #tpu.memory_space<vmem>>[vector<16xi32>], vector<16xi32>,
        %add3A_511 = vector.broadcast %mul3A_506 : i32 to vector<16xi32>
        %add3A_512 = arith.addi %add3A_104, %add3A_511 : vector<16xi32>
        %gather3A_513 = tpu.vector_load_idx %arg4[%add3A_512] : memref<49152xi32, #tpu.memory_space<vmem>>[vector<16xi32>], vector<16xi32>,
        %add3A_514 = arith.addi %gather3A_513, %mul3A_172 : vector<16xi32>
        %gather3A_515 = tpu.vector_load_idx %arg7[%add3A_514] : memref<768xi32, #tpu.memory_space<vmem>>[vector<16xi32>], vector<16xi32>,
        %add3A_516 = vector.broadcast %mul3A_506 : i32 to vector<16xi32>
        %add3A_517 = arith.addi %add3A_110, %add3A_516 : vector<16xi32>
        %gather3A_518 = tpu.vector_load_idx %arg4[%add3A_517] : memref<49152xi32, #tpu.memory_space<vmem>>[vector<16xi32>], vector<16xi32>,
        %add3A_519 = arith.addi %gather3A_518, %mul3A_200 : vector<16xi32>
        %gather3A_520 = tpu.vector_load_idx %arg7[%add3A_519] : memref<768xi32, #tpu.memory_space<vmem>>[vector<16xi32>], vector<16xi32>,
        %add3A_521 = vector.broadcast %mul3A_506 : i32 to vector<16xi32>
        %add3A_522 = arith.addi %add3A_116, %add3A_521 : vector<16xi32>
        %gather3A_523 = tpu.vector_load_idx %arg4[%add3A_522] : memref<49152xi32, #tpu.memory_space<vmem>>[vector<16xi32>], vector<16xi32>,
        %add3A_524 = arith.addi %gather3A_523, %mul3A_144 : vector<16xi32>
        %gather3A_525 = tpu.vector_load_idx %arg7[%add3A_524] : memref<768xi32, #tpu.memory_space<vmem>>[vector<16xi32>], vector<16xi32>,
        %shift_left3A = arith.constant 8 : i32
        %shift_left3A_526 = vector.broadcast %shift_left3A : i32 to vector<16xi32>
        %shift_left3A_527 = arith.shli %gather3A_515, %shift_left3A_526 : vector<16xi32>
        %or3A = arith.ori %gather3A_510, %shift_left3A_527 : vector<16xi32>
        %shift_left3A_528 = arith.constant 16 : i32
        %shift_left3A_529 = vector.broadcast %shift_left3A_528 : i32 to vector<16xi32>
        %shift_left3A_530 = arith.shli %gather3A_520, %shift_left3A_529 : vector<16xi32>
        %or3A_531 = arith.ori %or3A, %shift_left3A_530 : vector<16xi32>
        %shift_left3A_532 = arith.constant 24 : i32
        %shift_left3A_533 = vector.broadcast %shift_left3A_532 : i32 to vector<16xi32>
        %shift_left3A_534 = arith.shli %gather3A_525, %shift_left3A_533 : vector<16xi32>
        %or3A_535 = arith.ori %or3A_531, %shift_left3A_534 : vector<16xi32>
        %mul3A_536 = arith.constant 16 : i32
        %mul3A_537 = arith.muli %add3A_504, %mul3A_536 : i32
        %swap3A = arith.index_cast %mul3A_537 : i32 to index
        %swap3A_538 = tpu.vector_load %arg5[%swap3A] {strides = array<i32>} : memref<12288xi32, #tpu.memory_space<vmem>>, vector<16xi32>,
        tpu.vector_store %arg5[%swap3A], %or3A_535 {strides = array<i32>} : memref<12288xi32, #tpu.memory_space<vmem>>, vector<16xi32>,
        %mul3A_539 = arith.constant 3 : i32
        %mul3A_540 = arith.muli %scan3A_499, %mul3A_539 : i32
        %add3A_541 = arith.constant 1 : i32
        %add3A_542 = arith.addi %mul3A_540, %add3A_541 : i32
        %mul3A_543 = arith.constant 64 : i32
        %mul3A_544 = arith.muli %add3A_542, %mul3A_543 : i32
        %add3A_545 = vector.broadcast %mul3A_544 : i32 to vector<16xi32>
        %add3A_546 = arith.addi %add3A_98, %add3A_545 : vector<16xi32>
        %gather3A_547 = tpu.vector_load_idx %arg4[%add3A_546] : memref<49152xi32, #tpu.memory_space<vmem>>[vector<16xi32>], vector<16xi32>,
        %add3A_548 = arith.addi %gather3A_547, %mul3A_172 : vector<16xi32>
        %gather3A_549 = tpu.vector_load_idx %arg7[%add3A_548] : memref<768xi32, #tpu.memory_space<vmem>>[vector<16xi32>], vector<16xi32>,
        %add3A_550 = vector.broadcast %mul3A_544 : i32 to vector<16xi32>
        %add3A_551 = arith.addi %add3A_104, %add3A_550 : vector<16xi32>
        %gather3A_552 = tpu.vector_load_idx %arg4[%add3A_551] : memref<49152xi32, #tpu.memory_space<vmem>>[vector<16xi32>], vector<16xi32>,
        %add3A_553 = arith.addi %gather3A_552, %mul3A_200 : vector<16xi32>
        %gather3A_554 = tpu.vector_load_idx %arg7[%add3A_553] : memref<768xi32, #tpu.memory_space<vmem>>[vector<16xi32>], vector<16xi32>,
        %add3A_555 = vector.broadcast %mul3A_544 : i32 to vector<16xi32>
        %add3A_556 = arith.addi %add3A_110, %add3A_555 : vector<16xi32>
        %gather3A_557 = tpu.vector_load_idx %arg4[%add3A_556] : memref<49152xi32, #tpu.memory_space<vmem>>[vector<16xi32>], vector<16xi32>,
        %add3A_558 = arith.addi %gather3A_557, %mul3A_144 : vector<16xi32>
        %gather3A_559 = tpu.vector_load_idx %arg7[%add3A_558] : memref<768xi32, #tpu.memory_space<vmem>>[vector<16xi32>], vector<16xi32>,
        %add3A_560 = vector.broadcast %mul3A_544 : i32 to vector<16xi32>
        %add3A_561 = arith.addi %add3A_116, %add3A_560 : vector<16xi32>
        %gather3A_562 = tpu.vector_load_idx %arg4[%add3A_561] : memref<49152xi32, #tpu.memory_space<vmem>>[vector<16xi32>], vector<16xi32>,
        %add3A_563 = arith.addi %gather3A_562, %mul3A_172 : vector<16xi32>
        %gather3A_564 = tpu.vector_load_idx %arg7[%add3A_563] : memref<768xi32, #tpu.memory_space<vmem>>[vector<16xi32>], vector<16xi32>,
        %shift_left3A_565 = arith.constant 8 : i32
        %shift_left3A_566 = vector.broadcast %shift_left3A_565 : i32 to vector<16xi32>
        %shift_left3A_567 = arith.shli %gather3A_554, %shift_left3A_566 : vector<16xi32>
        %or3A_568 = arith.ori %gather3A_549, %shift_left3A_567 : vector<16xi32>
        %shift_left3A_569 = arith.constant 16 : i32
        %shift_left3A_570 = vector.broadcast %shift_left3A_569 : i32 to vector<16xi32>
        %shift_left3A_571 = arith.shli %gather3A_559, %shift_left3A_570 : vector<16xi32>
        %or3A_572 = arith.ori %or3A_568, %shift_left3A_571 : vector<16xi32>
        %shift_left3A_573 = arith.constant 24 : i32
        %shift_left3A_574 = vector.broadcast %shift_left3A_573 : i32 to vector<16xi32>
        %shift_left3A_575 = arith.shli %gather3A_564, %shift_left3A_574 : vector<16xi32>
        %or3A_576 = arith.ori %or3A_572, %shift_left3A_575 : vector<16xi32>
        %mul3A_577 = arith.constant 16 : i32
        %mul3A_578 = arith.muli %add3A_542, %mul3A_577 : i32
        %swap3A_579 = arith.index_cast %mul3A_578 : i32 to index
        %swap3A_580 = tpu.vector_load %arg5[%swap3A_579] {strides = array<i32>} : memref<12288xi32, #tpu.memory_space<vmem>>, vector<16xi32>,
        tpu.vector_store %arg5[%swap3A_579], %or3A_576 {strides = array<i32>} : memref<12288xi32, #tpu.memory_space<vmem>>, vector<16xi32>,
        %mul3A_581 = arith.constant 3 : i32
        %mul3A_582 = arith.muli %scan3A_499, %mul3A_581 : i32
        %add3A_583 = arith.constant 2 : i32
        %add3A_584 = arith.addi %mul3A_582, %add3A_583 : i32
        %mul3A_585 = arith.constant 64 : i32
        %mul3A_586 = arith.muli %add3A_584, %mul3A_585 : i32
        %add3A_587 = vector.broadcast %mul3A_586 : i32 to vector<16xi32>
        %add3A_588 = arith.addi %add3A_98, %add3A_587 : vector<16xi32>
        %gather3A_589 = tpu.vector_load_idx %arg4[%add3A_588] : memref<49152xi32, #tpu.memory_space<vmem>>[vector<16xi32>], vector<16xi32>,
        %add3A_590 = arith.addi %gather3A_589, %mul3A_200 : vector<16xi32>
        %gather3A_591 = tpu.vector_load_idx %arg7[%add3A_590] : memref<768xi32, #tpu.memory_space<vmem>>[vector<16xi32>], vector<16xi32>,
        %add3A_592 = vector.broadcast %mul3A_586 : i32 to vector<16xi32>
        %add3A_593 = arith.addi %add3A_104, %add3A_592 : vector<16xi32>
        %gather3A_594 = tpu.vector_load_idx %arg4[%add3A_593] : memref<49152xi32, #tpu.memory_space<vmem>>[vector<16xi32>], vector<16xi32>,
        %add3A_595 = arith.addi %gather3A_594, %mul3A_144 : vector<16xi32>
        %gather3A_596 = tpu.vector_load_idx %arg7[%add3A_595] : memref<768xi32, #tpu.memory_space<vmem>>[vector<16xi32>], vector<16xi32>,
        %add3A_597 = vector.broadcast %mul3A_586 : i32 to vector<16xi32>
        %add3A_598 = arith.addi %add3A_110, %add3A_597 : vector<16xi32>
        %gather3A_599 = tpu.vector_load_idx %arg4[%add3A_598] : memref<49152xi32, #tpu.memory_space<vmem>>[vector<16xi32>], vector<16xi32>,
        %add3A_600 = arith.addi %gather3A_599, %mul3A_172 : vector<16xi32>
        %gather3A_601 = tpu.vector_load_idx %arg7[%add3A_600] : memref<768xi32, #tpu.memory_space<vmem>>[vector<16xi32>], vector<16xi32>,
        %add3A_602 = vector.broadcast %mul3A_586 : i32 to vector<16xi32>
        %add3A_603 = arith.addi %add3A_116, %add3A_602 : vector<16xi32>
        %gather3A_604 = tpu.vector_load_idx %arg4[%add3A_603] : memref<49152xi32, #tpu.memory_space<vmem>>[vector<16xi32>], vector<16xi32>,
        %add3A_605 = arith.addi %gather3A_604, %mul3A_200 : vector<16xi32>
        %gather3A_606 = tpu.vector_load_idx %arg7[%add3A_605] : memref<768xi32, #tpu.memory_space<vmem>>[vector<16xi32>], vector<16xi32>,
        %shift_left3A_607 = arith.constant 8 : i32
        %shift_left3A_608 = vector.broadcast %shift_left3A_607 : i32 to vector<16xi32>
        %shift_left3A_609 = arith.shli %gather3A_596, %shift_left3A_608 : vector<16xi32>
        %or3A_610 = arith.ori %gather3A_591, %shift_left3A_609 : vector<16xi32>
        %shift_left3A_611 = arith.constant 16 : i32
        %shift_left3A_612 = vector.broadcast %shift_left3A_611 : i32 to vector<16xi32>
        %shift_left3A_613 = arith.shli %gather3A_601, %shift_left3A_612 : vector<16xi32>
        %or3A_614 = arith.ori %or3A_610, %shift_left3A_613 : vector<16xi32>
        %shift_left3A_615 = arith.constant 24 : i32
        %shift_left3A_616 = vector.broadcast %shift_left3A_615 : i32 to vector<16xi32>
        %shift_left3A_617 = arith.shli %gather3A_606, %shift_left3A_616 : vector<16xi32>
        %or3A_618 = arith.ori %or3A_614, %shift_left3A_617 : vector<16xi32>
        %mul3A_619 = arith.constant 16 : i32
        %mul3A_620 = arith.muli %add3A_584, %mul3A_619 : i32
        %swap3A_621 = arith.index_cast %mul3A_620 : i32 to index
        %swap3A_622 = tpu.vector_load %arg5[%swap3A_621] {strides = array<i32>} : memref<12288xi32, #tpu.memory_space<vmem>>, vector<16xi32>,
        tpu.vector_store %arg5[%swap3A_621], %or3A_618 {strides = array<i32>} : memref<12288xi32, #tpu.memory_space<vmem>>, vector<16xi32>,
        %scan3A_623 = arith.constant 0 : i32
        scf.yield %scan3A_623 : i32
      }
      %scan3A_493 = arith.constant 256 : i32
      %mul3A_494 = arith.constant 12288 : i32
      %mul3A_495 = arith.muli %scan3A_482, %mul3A_494 : i32
      %add3A_496 = arith.addi %mul3A_346, %mul3A_495 : i32
      %multiple_of3A_497 = tpu.assume_multiple %add3A_496, 8 : i32
      "tpu.region"() ({
        %run_scoped3A = tpu.sem_alloc : memref<!tpu.dma_semaphore, #tpu.memory_space<semaphore_mem>>
        %dma_start3A = tpu.memref_slice %arg3[%multiple_of3A_497] : memref<12582912xi32, #tpu.memory_space<hbm>> -> memref<12288xi32, #tpu.memory_space<hbm>>
        %dma_start3A_499 = tpu.memref_slice %arg3[%multiple_of3A_497] : memref<12582912xi32, #tpu.memory_space<hbm>> -> memref<12288xi32, #tpu.memory_space<hbm>>
        tpu.enqueue_dma source(%arg5 : memref<12288xi32, #tpu.memory_space<vmem>>) target(%dma_start3A_499 : memref<12288xi32, #tpu.memory_space<hbm>>) target_semaphore(%run_scoped3A : memref<!tpu.dma_semaphore, #tpu.memory_space<semaphore_mem>>)
        %dma_wait3A = tpu.memref_slice %arg3[%multiple_of3A_497] : memref<12582912xi32, #tpu.memory_space<hbm>> -> memref<12288xi32, #tpu.memory_space<hbm>>
        %dma_wait3A_500 = tpu.memref_slice %arg3[%multiple_of3A_497] : memref<12582912xi32, #tpu.memory_space<hbm>> -> memref<12288xi32, #tpu.memory_space<hbm>>
        tpu.wait_dma2 semaphore(%run_scoped3A : memref<!tpu.dma_semaphore, #tpu.memory_space<semaphore_mem>>) src(%arg5 : memref<12288xi32, #tpu.memory_space<vmem>>) dst(%dma_wait3A_500 : memref<12288xi32, #tpu.memory_space<hbm>>)
        tpu.yield
      }) : () -> ()
      %scan3A_498 = arith.constant 0 : i32
      scf.yield %scan3A_498 : i32
    }
    %scan3A_481 = arith.constant 16 : i32
    return
  }
}

</mosaic_0001>

<sc_bundles>
// kernel: kernel.3.cloned.1.call-start
scs
__scs_entry_jumppad:
0x0: {  	(pc) =	sbr.rel $0x88, $3  }
0x1: {  	(tag) =	ssettag $0x0;
	lr =	simm.s32 $0x1  }
0x2: {  	[smem:$0x3FA0] =	sst lr;
	_ =	strace $0xD0000000  }
0x3: {  	_ = 	snop  }
0x4: {  	_ = 	snop  }
0x5: {  	_ = 	snop  }
0x6: {  	_ = 	snop  }
0x7: {  	_ = 	snop  }
__scs_overlays_trampoline_lowered:
0x8: {  	[smem:$0x3FAF] =	sst s0  }
0x9: {  	[smem:$0x3FB0] =	sst s1  }
0xa: {  	[smem:$0x3FB1] =	sst s2  }
0xb: {  	[smem:$0x3FB2] =	sst s3  }
0xc: {  	[smem:$0x3FB3] =	sst s4  }
0xd: {  	[smem:$0x3FB4] =	sst s5  }
0xe: {  	[smem:$0x3FB5] =	sst s6  }
0xf: {  	[smem:$0x3FB6] =	sst s7  }
0x10: {  	[smem:$0x3FB7] =	sst s8  }
0x11: {  	[smem:$0x3FB8] =	sst s9;
	s0 =	simm.s32 @!p0 $0x0  }
0x12: {  	s1 =	sld [smem:$0x3F9E];
	s0 =	simm.s32 @p0 $0x1  }
0x13: {  	[smem:$0x3FB9] =	sst s0;
	s0 =	simm.s32 @!p1 $0x0  }
0x14: {  	s2 =	sld [smem:$0x3F9D];
	s0 =	simm.s32 @p1 $0x1  }
0x15: {  	[smem:$0x3FBA] =	sst s0;
	s0 =	simm.s32 @!p2 $0x0  }
0x16: {  	s3 =	sld [smem:$0x3FDB];
	s0 =	simm.s32 @p2 $0x1  }
0x17: {  	s4 =	simm.s32 $0x1BF5;
	[smem:$0x3FBC] =	sst s0  }
0x18: {  	s0 =	sld [smem:$0x3F9F];
	_ =	swait.ge [sflag:s4], $0x0  }
0x19: {  	s7 =	sld [smem:$0x3FA0]  }
0x1a: {  	s8 =	sadd.s32 $0xFFFFE003, lr  }
0x1b: {  	s9 =	sadd.s32 $0xFFFFFEF7, lr;
	s5 =	simm.s32 $0xFFFFFFFF;
	p2 =	slt.u32 s8, $0xFFFFF086  }
0x1c: {  	p1 =	slt.u32 s9, $0xF7A;
	s5 =	simm.s32 @!p2 $0x0  }
0x1d: {  	s5 =	simm.s32 @p1 $0x1;
	p0 =	seq.s32 s7, s2  }
0x1e: {  	s7 =	smul.u32 @!p0 $0xF7A, s2;
	p2 =	seq.s32 @!p0 s5, $0x0  }
0x1f: {  	s9 =	smul.u32 $0xF7A, s1;
	s8 =	simm.s32 @!p0 $0x1BF5;
	p2 =	por !p2, p0  }
0x20: {  	[sflag:s8] =	ssyncset.s32 @!p0 $0xFFFFF086;
	s6 =	sadd.s32 @!p0 s3, s7;
	s7 =	simm.s32 @!p0 $0x108  }
0x21: {  	s3 =	sadd.s32 s3, s9;
	s6 =	sadd.s32 @!p0 $0x88, s6;
	s7 =	simm.s32 @p2 $0x1082  }
0x22: {  	[simem:s7], [sflag:s8] =	dma.local @!p0 [hbm:s6], $0xF7A  }
0x23: {  	s9 =	sor.u32 $0xD0000000, s2;
	s6 =	simm.s32 $0x108;
	_ =	swait.ge @!p0 [sflag:s8], $0x0  }
0x24: {  	s3 =	sadd.s32 $0x88, s3;
	s6 =	simm.s32 @!p1 $0x1082;
	[sflag:s4] =	ssyncset.s32 $0xFFFFF086  }
0x25: {  	[simem:s6], [sflag:s4] =	dma.local [hbm:s3], $0xF7A  }
0x26: {  	[smem:$0x3FA0] =	sst s1;
	(tag) =	ssettag s2;
	_ =	strace s9  }
0x27: {  	s1 =	sld [smem:$0x3FB0]  }
0x28: {  	s2 =	sld [smem:$0x3FB1]  }
0x29: {  	s4 =	sld [smem:$0x3FB3]  }
0x2a: {  	p0 =	seq.s32 s5, $0x0;
	s5 =	sld [smem:$0x3FB4]  }
0x2b: {  	s6 =	sld [smem:$0x3FB5]  }
0x2c: {  	s7 =	sld [smem:$0x3FB6]  }
0x2d: {  	s3 =	simm.s32 $0x108;
	s8 =	sld [smem:$0x3FB7]  }
0x2e: {  	s3 =	simm.s32 @!p0 $0x1082;
	s9 =	sld [smem:$0x3FB8]  }
0x2f: {  	lr =	sadd.s32 s0, s3;
	s0 =	sld [smem:$0x3FAF]  }
0x30: {  	s3 =	sld [smem:$0x3FB2]  }
0x31: {  	[smem:$0x3FBB] =	sst s10  }
0x32: {  	s10 =	sld [smem:$0x3FB9];
	_ =	sdelay $0x3  }
0x33: {  	p0 =	seq.s32 s10, $0x1;
	s10 =	sld [smem:$0x3FBB];
	_ =	sdelay $0x3  }
0x34: {  	[smem:$0x3FBB] =	sst s10  }
0x35: {  	s10 =	sld [smem:$0x3FBA];
	_ =	sdelay $0x3  }
0x36: {  	p1 =	seq.s32 s10, $0x1;
	s10 =	sld [smem:$0x3FBB];
	_ =	sdelay $0x3  }
0x37: {  	[smem:$0x3FBB] =	sst s10  }
0x38: {  	s10 =	sld [smem:$0x3FBC]  }
0x39: {  	_ = 	snop;
	(pc) =	sbr.ind lr, $3  }
0x3a: {  	_ = 	snop  }
0x3b: {  	_ = 	snop  }
0x3c: {  	p2 =	seq.s32 s10, $0x1;
	s10 =	sld [smem:$0x3FBB]  }
0x3d: {  	_ =	shalt  }
0x3e: {  	_ =	shalt  }
0x3f: {  	_ =	shalt  }
0x40: {  	_ =	shalt  }
0x41: {  	_ =	shalt  }
0x42: {  	_ =	shalt  }
0x43: {  	_ =	shalt  }
0x44: {  	_ =	shalt  }
0x45: {  	_ =	shalt  }
0x46: {  	_ =	shalt  }
0x47: {  	_ =	shalt  }
0x48: {  	_ =	shalt  }
0x49: {  	_ =	shalt  }
0x4a: {  	_ =	shalt  }
0x4b: {  	_ =	shalt  }
0x4c: {  	_ =	shalt  }
0x4d: {  	_ =	shalt  }
0x4e: {  	_ =	shalt  }
0x4f: {  	_ =	shalt  }
0x50: {  	_ =	shalt  }
0x51: {  	_ =	shalt  }
0x52: {  	_ =	shalt  }
0x53: {  	_ =	shalt  }
0x54: {  	_ =	shalt  }
0x55: {  	_ =	shalt  }
0x56: {  	_ =	shalt  }
0x57: {  	_ =	shalt  }
0x58: {  	_ =	shalt  }
0x59: {  	_ =	shalt  }
0x5a: {  	_ =	shalt  }
0x5b: {  	_ =	shalt  }
0x5c: {  	_ =	shalt  }
0x5d: {  	_ =	shalt  }
0x5e: {  	_ =	shalt  }
0x5f: {  	_ =	shalt  }
0x60: {  	_ =	shalt  }
0x61: {  	_ =	shalt  }
0x62: {  	_ =	shalt  }
0x63: {  	_ =	shalt  }
0x64: {  	_ =	shalt  }
0x65: {  	_ =	shalt  }
0x66: {  	_ =	shalt  }
0x67: {  	_ =	shalt  }
0x68: {  	_ =	shalt  }
0x69: {  	_ =	shalt  }
0x6a: {  	_ =	shalt  }
0x6b: {  	_ =	shalt  }
0x6c: {  	_ =	shalt  }
0x6d: {  	_ =	shalt  }
0x6e: {  	_ =	shalt  }
0x6f: {  	_ =	shalt  }
0x70: {  	_ =	shalt  }
0x71: {  	_ =	shalt  }
0x72: {  	_ =	shalt  }
0x73: {  	_ =	shalt  }
0x74: {  	_ =	shalt  }
0x75: {  	_ =	shalt  }
0x76: {  	_ =	shalt  }
0x77: {  	_ =	shalt  }
0x78: {  	_ =	shalt  }
0x79: {  	_ =	shalt  }
0x7a: {  	_ =	shalt  }
0x7b: {  	_ =	shalt  }
0x7c: {  	_ =	shalt  }
0x7d: {  	_ =	shalt  }
0x7e: {  	_ =	shalt  }
0x7f: {  	_ =	shalt  }
0x80: {  	_ =	shalt  }
0x81: {  	_ =	shalt  }
0x82: {  	_ =	shalt  }
0x83: {  	_ =	shalt  }
0x84: {  	_ =	shalt  }
0x85: {  	_ =	shalt  }
0x86: {  	_ =	shalt  }
0x87: {  	_ =	shalt  }
.Lfunc_end0:
.L_simem_size_0:
called_computation.2_lowered:
.L_overlay_start_0:
0x88: {  	s2 =	sld [smem:$0x3FD9]  }
0x89: {  	s3 =	sld [smem:$0x3FFE];
	_ =	sdelay $0x1  }
0x8a: {  	s1 =	srdreg.scid  }
0x8b: {  	s0 =	sand.u32 $0x1, s1  }
0x8c: {  	s16 =	sshll.u32 s0, $0xA;
	s2 =	sadd.s32 s3, s2  }
0x8d: {  	s2 =	sadd.s32 s2, s16  }
0x8e: {  	[smem:$0x3FC7] =	sst s2  }
0x8f: {  	_ = 	snop  }
0x90: {  	(tm) =	ssettm $0x1  }
0x91: {  	s17 =	sld [smem:$0x3FFB];
	_ =	sdelay $0x3  }
0x92: {  	_ =	strace s17  }
0x93: {  	s2 =	sld [smem:$0x3FFC];
	_ =	sdelay $0x3  }
0x94: {  	_ =	strace s2  }
0x95: {  	s2 =	sld [smem:$0x3FFD];
	_ =	sdelay $0x3  }
0x96: {  	_ =	strace s2  }
0x97: {  	_ =	strace $0x8FFFFFFF  }
0x98: {  	s18 =	sld [smem:$0x3FDB];
	_ =	sdelay $0x1  }
0x99: {  	s19 =	simm.s32 $_scs_section_size  }
0x9a: {  	s4 =	simm.s32 $_size__tile_overlayer_lowered;
	s5 =	simm.s32 $_tile_overlayer_lowered  }
0x9b: {  	s22 =	simm.s32 $0x1BFF;
	s21 =	sshll.u32 s5, $0x1;
	s2 =	sadd.s32 s19, s18  }
0x9c: {  	s6 =	simm.s32 $0x0;
	s20 =	sshll.u32 s4, $0x1;
	s4 =	sadd.s32 s21, s2  }
0x9d: {  	[timem:s6], [sflag:s22] =	dma.local [hbm:s4], s20  }
0x9e: {  	_ =	swait.ge [sflag:s22], s20  }
0x9f: {  	s3 =	ssub.s32 $0x0, s20;
	[sflag:s22] =	ssyncset.done $0x0  }
0xa0: {  	[sflag:s22] =	ssyncadd.s32 s3;
	_ =	sdelay $0x1  }
0xa1: {  	s23 =	simm.s32 $0x1B8B  }
0xa2: {  	_ =	swait.ge [sflag:s23], $0x1  }
0xa3: {  	[sflag:s23] =	ssyncset.done $0x0  }
0xa4: {  	s25 =	simm.s32 $0x1B8E;
	s24 =	sld [smem:$0x3FFE];
	[sflag:s23] =	ssyncadd.s32 $0xFFFFFFFF  }
0xa5: {  	s26 =	simm.s32 $execute0_lowered;
	[smem:$0x3FD2] =	sst s25  }
0xa6: {  	s4 =	sshll.u32 s26, $0x1;
	_ =	strace $0x80000046;
	[dreg:$0x1] =	wrdreg $0xFFFFFFFF  }
0xa7: {  	s28 =	simm.s32 $_size_execute0_lowered;
	s2 =	sadd.s32 s2, s4;
	[dreg:$0x0] =	wrdreg $0x0  }
0xa8: {  	s4 =	sshll.u32 s28, $0x1;
	[dreg:$0x2] =	wrdreg s2  }
0xa9: {  	[dreg:$0x3] =	wrdreg s4  }
0xaa: {  	[dreg:$0x4] =	wrdreg $0xC0  }
0xab: {  	_ =	task [dreg:s6], $0x5FFFF  }
0xac: {  	[dreg:$0x1] =	wrdreg $0xFFFFFFFF  }
0xad: {  	[dreg:$0x0] =	wrdreg $0x60  }
0xae: {  	[dreg:$0x2] =	wrdreg s24  }
0xaf: {  	[dreg:$0x3] =	wrdreg $0x9  }
0xb0: {  	_ =	task.clear_ibuf [dreg:s6], $0x4FFFF;
	_ =	strace $0x90000046  }
0xb1: {  	s29 =	simm.s32 $0x9;
	_ =	strace $0x80000048  }
0xb2: {  	_ =	swait.ge [sflag:s29], $0x1  }
0xb3: {  	[sflag:s29] =	ssyncadd.s32 $0xFFFFFFFF  }
0xb4: {  	_ =	strace $0x90000048  }
0xb5: {  	_ =	sfence  }
0xb6: {  	s30 =	sld [smem:$0x0];
	_ =	sdelay $0x2  }
0xb7: {  	s31 =	sshll.u32 s1, $0xD;
	s1 =	sshrl.u32 s1, $0x2  }
0xb8: {  	s3 =	sand.u32 $0x4000, s31;
	s1 =	sadd.s32 s1, s30  }
0xb9: {  	s0 =	sor.u32 s3, s0;
	s1 =	sshll.u32 s1, $0x11  }
0xba: {  	s0 =	sor.u32 s1, s0  }
0xbb: {  	s0 =	sadd.s32 $0x8F2B, s0  }
0xbc: {  	[sflag:s0] =	ssyncadd.remote.s32 $0x1  }
0xbd: {  	_ =	sfence.sel $0xFFFF  }
0xbe: {  	[dreg:$0x0] =	wrdreg $0xFFFFFFFF;
	(pc) =	sbr.abs _section_cstart, $3  }
0xbf: {  	[dreg:$0x1] =	wrdreg $0xFFFFFFFF  }
0xc0: {  	_ =	task.clear_ibuf [dreg:s6], $0x2FFFF;
	_ =	strace $0x9FFFFFFF  }
0xc1: {  	(tm) =	ssettm $0x7FFFFFFF  }
tec
execute0_lowered:
.L_overlay_start_1:
0x0: {  	(tag) =	ssettag $0x1  }
0x1: {  	v0 =	vimm.s32 $0x2D00;
	vm0 =	vcmask $0x300  }
0x2: {  	vm1 =	vcmask $0x704;
	vm2 =	vcmask $0xB08;
	vm3 =	vcmask $0xF0C  }
0x3: {  	vm4 =	vcmask $0x1310;
	vm5 =	vcmask $0x1714;
	vm6 =	vcmask $0x1B18  }
0x4: {  	vm7 =	vcmask $0x1F1C;
	vm8 =	vcmask $0x2320;
	v2 =	vimm.s32 $0x2E00  }
0x5: {  	v3 =	vimm.s32 $0x2F00;
	vm9 =	vcmask $0x2724;
	vm10 =	vcmask $0x2B28  }
0x6: {  	vm11 =	vcmask $0x2F2C;
	vm12 =	vcmask $0x3330;
	vm13 =	vcmask $0x3734  }
0x7: {  	vm14 =	vcmask $0x3B38;
	v10 =	vimm.s32 $0x100;
	v11 =	vimm.s32 $0x200  }
0x8: {  	v0 =	vsel vm0, $0x0, v0;
	v2 =	vsel vm0, $0x100, v2;
	v3 =	vsel vm0, $0x200, v3  }
0x9: {  	v10 =	vsel vm1, $0x200, v10;
	v11 =	vsel vm1, $0x0, v11;
	v0 =	vsel vm1, $0x400, v0  }
0xa: {  	v2 =	vsel vm1, $0x500, v2;
	v3 =	vsel vm1, $0x300, v3;
	v10 =	vsel vm2, $0x0, v10  }
0xb: {  	v11 =	vsel vm2, $0x100, v11;
	v0 =	vsel vm2, $0x800, v0;
	v2 =	vsel vm2, $0x600, v2  }
0xc: {  	v3 =	vsel vm2, $0x700, v3;
	v10 =	vsel vm4, $0x200, v10;
	v11 =	vsel vm4, $0x0, v11  }
0xd: {  	v0 =	vsel vm3, $0x900, v0;
	v2 =	vsel vm3, $0xA00, v2;
	v3 =	vsel vm3, $0xB00, v3  }
0xe: {  	v10 =	vsel vm5, $0x0, v10;
	v11 =	vsel vm5, $0x100, v11;
	v0 =	vsel vm4, $0xD00, v0  }
0xf: {  	v2 =	vsel vm4, $0xE00, v2;
	v3 =	vsel vm4, $0xC00, v3;
	v10 =	vsel vm7, $0x200, v10  }
0x10: {  	v11 =	vsel vm7, $0x0, v11;
	v1 =	vsel vm5, $0x1100, v0;
	v0 =	vimm.s32 $0x0  }
0x11: {  	v2 =	vsel vm5, $0xF00, v2;
	v3 =	vsel vm5, $0x1000, v3;
	v10 =	vsel vm8, $0x0, v10  }
0x12: {  	v11 =	vsel vm8, $0x100, v11;
	v1 =	vsel vm6, $0x1200, v1;
	v2 =	vsel vm6, $0x1300, v2  }
0x13: {  	v3 =	vsel vm6, $0x1400, v3;
	v9 =	vsel vm1, $0x100, v0;
	v10 =	vsel vm10, $0x200, v10  }
0x14: {  	v11 =	vsel vm10, $0x0, v11;
	v1 =	vsel vm7, $0x1600, v1;
	v2 =	vsel vm7, $0x1700, v2  }
0x15: {  	v3 =	vsel vm7, $0x1500, v3;
	v9 =	vsel vm2, $0x200, v9;
	v10 =	vsel vm11, $0x0, v10  }
0x16: {  	v13 =	vsel vm11, $0x100, v11;
	v1 =	vsel vm8, $0x1A00, v1;
	v2 =	vsel vm8, $0x1800, v2  }
0x17: {  	v3 =	vsel vm8, $0x1900, v3;
	v9 =	vsel vm4, $0x100, v9;
	v12 =	vsel vm13, $0x200, v10  }
0x18: {  	v13 =	vsel vm13, $0x0, v13;
	v1 =	vsel vm9, $0x1B00, v1;
	v2 =	vsel vm9, $0x1C00, v2  }
0x19: {  	s0 =	rddreg [dreg:$0x0];
	s1 =	srdreg.scid;
	v3 =	vsel vm9, $0x1D00, v3;
	v9 =	vsel vm5, $0x200, v9;
	v11 =	vsel vm14, $0x0, v12  }
0x1a: {  	s2 =	stileid.u32;
	s3 =	simm.s32 $0x0;
	s1 =	sand.u32 $0x1, s1;
	v13 =	vsel vm14, $0x100, v13;
	v1 =	vsel vm10, $0x1F00, v1;
	v2 =	vsel vm10, $0x2000, v2  }
0x1b: {  	s2 =	sshll.u32 s2, $0x1;
	[smem:$0x7FF] =	sst s3;
	s6 =	sadd.s32 $0x10000C00, s0;
	v3 =	vsel vm10, $0x1E00, v3;
	v9 =	vsel vm7, $0x100, v9;
	v1 =	vsel vm11, $0x2300, v1  }
0x1c: {  	s8 =	sadd.s32 $0xC00, s0;
	s2 =	sor.u32 s1, s2;
	_ =	strace $0x80000047;
	v2 =	vsel vm11, $0x2100, v2;
	v3 =	vsel vm11, $0x2200, v3;
	v9 =	vsel vm8, $0x200, v9  }
0x1d: {  	s1 =	ssub.s32 $0x2, s1;
	[smem:$0x7FA] =	sst s6;
	s4 =	smul.u32 $0x180000, s2;
	v1 =	vsel vm12, $0x2400, v1;
	v4 =	vsel vm12, $0x2500, v2;
	v2 =	vimm.s32 $0x1  }
0x1e: {  	[smem:$0x7FC] =	sst s8;
	s30 =	sshrl.u32 s1, $0x1;
	s5 =	smul.u32 $0x60000, s2;
	v5 =	vsel vm12, $0x2600, v3;
	v9 =	vsel vm10, $0x100, v9;
	v1 =	vsel vm13, $0x2800, v1  }
0x1f: {  	s2 =	sshllo.u32 s2, $0x1;
	s1 =	ssub.s32 s1, s30;
	[smem:$0x7F8] =	sst s4;
	v4 =	vsel vm13, $0x2900, v4;
	v5 =	vsel vm13, $0x2700, v5;
	v9 =	vsel vm11, $0x200, v9  }
0x20: {  	s7 =	smul.u32 $0xC0000, s2;
	s31 =	smax.u32 s1, $0x1;
	[smem:$0x7F9] =	sst s5;
	v1 =	vsel vm14, $0x2C00, v1;
	v3 =	vsel vm14, $0x2A00, v4;
	v4 =	vlaneseq.u32  }
0x21: {  	s9 =	smul.u32 $0x30000, s2;
	[smem:$0x7F7] =	sst s31;
	v5 =	vsel vm14, $0x2B00, v5;
	v9 =	vsel vm13, $0x100, v9;
	v8 =	vmul.u32 $0x4, v4  }
0x22: {  	s10 =	simm.s32 $0x1;
	[smem:$0x7FB] =	sst s7;
	v6 =	vmul.u32 $0x80000, v4;
	v7 =	vadd.s32 $0xFFFFFFFF, v4;
	v9 =	vsel vm14, $0x200, v9  }
0x23: {  	s11 =	simm.s32 $0xF000;
	s1 =	simm.s32 $0x0;
	[smem:$0x7FD] =	sst s9;
	v10 =	vor.u32 $0x1, v8;
	v12 =	vor.u32 $0x2, v8;
	v14 =	vor.u32 $0x3, v8  }
.LBB2_1:
0x24: {  	[smem:$0x7F6] =	sst s1;
	s0 =	simm.s32 $0x40;
	s1 =	simm.s32 $0x0  }
.LBB2_2:
0x25: {  	p0 =	sne.s32 s0, $0xBFC0;
	[tilespmem:s1+$0xF000] =	vst v0;
	s1 =	smov.u32 s0;
	s0 =	sadd.s32 $0x40, s0  }
.Ltmp0:
0x26: {  	(pc) =	sbr.rel @p0 .LBB2_2-.Ltmp0, $2  }
0x27: {  	_ =	sdelay $0x2  }
0x28: {  	s1 =	sshra.s32 s1, $0x2  }
0x29: {  	[tilespmem:s1+$0xF000] =	vst v0;
	s0 =	simm.s32 $0x0;
	s1 =	simm.s32 $0x0  }
.LBB2_4:
0x2a: {  	s2 =	smul.u32 $0xC000, s1;
	_ =	sdelay $0x1  }
0x2b: {  	s2 =	sadd.s32 s4, s2  }
0x2c: {  	s2 =	sshrl.u32 s2, $0x3  }
0x2d: {  	s2 =	sadd.s32 s6, s2  }
0x2e: {  	[tilespmem:s0], [sflag:$0x1] =	stream.linear.gather [hbm4b:s2+s0], $0xC000, $0x38;
	[tilespmem:$0x12400] =	vst v63  }
0x2f: {  	_ =	swait.ge [sflag:s10], $0xC000  }
0x30: {  	[sflag:s10] =	ssyncset.done $0x0  }
0x31: {  	s2 =	simm.s32 $0x0;
	[sflag:s10] =	ssyncadd.s32 $0xFFFF4000  }
.LBB2_5:
0x32: {  	s3 =	sshra.s32 s2, $0x2  }
0x33: {  	v15 =	vld [tilespmem:s3+$0x0];
	_ =	sdelay $0x4  }
0x34: {  	v15 =	vadd.s32 v1, v15;
	_ =	sdelay $0x4  }
0x35: {  	[tilespmem:v15+s11+$0x0] =	vst.idx.add.s32.msk $0xffff, v2  }
0x36: {  	v15 =	vld [tilespmem:s3+$0x10];
	_ =	sdelay $0x4  }
0x37: {  	v15 =	vadd.s32 v3, v15;
	_ =	sdelay $0x4  }
0x38: {  	[tilespmem:v15+s11+$0x0] =	vst.idx.add.s32.msk $0xffff, v2  }
0x39: {  	v15 =	vld [tilespmem:s3+$0x20];
	_ =	sdelay $0x4  }
0x3a: {  	p0 =	sne.s32 s2, $0x2FF40;
	v15 =	vadd.s32 v5, v15  }
.Ltmp1:
0x3b: {  	_ = 	snop;
	(pc) =	sbr.rel @p0 .LBB2_5-.Ltmp1, $2  }
0x3c: {  	_ =	sdelay $0x2  }
0x3d: {  	s2 =	sadd.s32 $0xC0, s2;
	[tilespmem:v15+s11+$0x0] =	vst.idx.add.s32.msk $0xffff, v2  }
0x3e: {  	s1 =	sadd.s32 $0x1, s1  }
0x3f: {  	p0 =	sne.s32 s1, $0x10  }
.Ltmp2:
0x40: {  	_ = 	snop;
	(pc) =	sbr.rel @p0 .LBB2_4-.Ltmp2, $1  }
0x41: {  	_ =	sdelay $0x3  }
0x42: {  	s1 =	simm.s32 $0x0;
	s2 =	simm.s32 $0xF000  }
0x43: {  	s0 =	sand.u32 $0xF0, s1;
	v16 =	vld [tilespmem:s2+$0x0]  }
0x44: {  	v15 =	vld [tilespmem:s0+$0xF300]  }
0x45: {  	v17 =	vld [tilespmem:s0+$0xF600]  }
0x46: {  	v18 =	vld [tilespmem:s0+$0xF900]  }
0x47: {  	v19 =	vld [tilespmem:s0+$0xFC00]  }
0x48: {  	v20 =	vld [tilespmem:s0+$0xFF00]  }
0x49: {  	v15 =	vadd.s32 v16, v15;
	v16 =	vld [tilespmem:s0+$0x10200]  }
0x4a: {  	v15 =	vadd.s32 v15, v17;
	v17 =	vld [tilespmem:s0+$0x10500]  }
0x4b: {  	v15 =	vadd.s32 v15, v18;
	v18 =	vld [tilespmem:s0+$0x10800]  }
0x4c: {  	v15 =	vadd.s32 v15, v19;
	v19 =	vld [tilespmem:s0+$0x10B00]  }
0x4d: {  	v15 =	vadd.s32 v15, v20;
	v20 =	vld [tilespmem:s0+$0x10E00]  }
0x4e: {  	v15 =	vadd.s32 v15, v16;
	v16 =	vld [tilespmem:s0+$0x11100]  }
0x4f: {  	v15 =	vadd.s32 v15, v17;
	v17 =	vld [tilespmem:s0+$0x11400]  }
0x50: {  	v15 =	vadd.s32 v15, v18;
	v18 =	vld [tilespmem:s0+$0x11700]  }
0x51: {  	v15 =	vadd.s32 v15, v19;
	v19 =	vld [tilespmem:s0+$0x11A00]  }
0x52: {  	v15 =	vadd.s32 v15, v20;
	v20 =	vld [tilespmem:s0+$0x11D00]  }
0x53: {  	v15 =	vadd.s32 v15, v16  }
0x54: {  	v15 =	vadd.s32 v15, v17  }
0x55: {  	v15 =	vadd.s32 v15, v18  }
0x56: {  	v15 =	vadd.s32 v15, v19  }
0x57: {  	v15 =	vadd.s32 v15, v20  }
0x58: {  	(xrf0) =	vadd.scan.msk.s32 $0xffff, v15;
	_ =	sdelay $0x5  }
0x59: {  	v16, _, _ =	vpop (xrf0)  }
0x5a: {  	s2 =	simm.s32 $0x12300;
	s0 =	simm.s32 $0x10;
	v16 =	vadd.s32 s1, v16  }
0x5b: {  	s4 =	sand.u32 $0xF0, s0;
	[tilespmem:s2+$0x0] =	vst v16;
	v16 =	vxor.u32 $0x80000000, v16  }
0x5c: {  	s3 =	simm.s32 $0xF010;
	v17 =	vmov s1;
	v20 =	vld [tilespmem:s4+$0xF300];
	(xrf0) =	vmax.scan.msk.u32 $0xffff, v16  }
0x5d: {  	v16 =	vshll.u32 v17, $0x13;
	v21 =	vld [tilespmem:s3+$0x0]  }
0x5e: {  	v19 =	vld [tilespmem:s4+$0xF600];
	v16 =	vor.u32 v6, v16  }
0x5f: {  	vm15 =	vgt.s32 v15, $0x0;
	v17 =	vld [tilespmem:s4+$0xF900];
	v15 =	vadd.s32 v16, v15  }
0x60: {  	v22 =	vimm.s32 $0xFFFFFFFF;
	v18 =	vld [tilespmem:s4+$0xFC00];
	v15 =	vnsel vm15, $0xFFFFFFFF, v15  }
0x61: {  	v16 =	vld [tilespmem:s4+$0xFF00];
	vm15 =	vgt.s32 v22, v15  }
0x62: {  	s5 =	simm.s32 $0x30;
	s1 =	simm.s32 $0x20;
	v15 =	vsel vm15, v22, v15;
	v22 =	vadd.s32 v21, v20;
	v20 =	vld [tilespmem:s4+$0x10200];
	v21, _, _ =	vpop (xrf0)  }
.LBB2_8:
0x63: {  	p0 =	sne.s32 s5, $0xF0;
	v19 =	vadd.s32 v22, v19;
	v22 =	vld [tilespmem:s4+$0x10500];
	(v2sf) =	vpush v21, $0xF  }
0x64: {  	v17 =	vadd.s32 v19, v17;
	v19 =	vld [tilespmem:s4+$0x10800]  }
0x65: {  	v17 =	vadd.s32 v17, v18;
	v18 =	vld [tilespmem:s4+$0x10B00]  }
0x66: {  	v16 =	vadd.s32 v17, v16;
	v17 =	vld [tilespmem:s4+$0x10E00]  }
0x67: {  	v16 =	vadd.s32 v16, v20;
	v20 =	vld [tilespmem:s4+$0x11100]  }
0x68: {  	v16 =	vadd.s32 v16, v22;
	v21 =	vld [tilespmem:s4+$0x11400]  }
0x69: {  	v16 =	vadd.s32 v16, v19;
	v19 =	vld [tilespmem:s4+$0x11700]  }
0x6a: {  	v16 =	vadd.s32 v16, v18;
	v18 =	vld [tilespmem:s4+$0x11A00]  }
0x6b: {  	v16 =	vadd.s32 v16, v17;
	v17 =	vld [tilespmem:s4+$0x11D00]  }
0x6c: {  	v16 =	vadd.s32 v16, v20  }
0x6d: {  	v16 =	vadd.s32 v16, v21  }
0x6e: {  	v16 =	vadd.s32 v16, v19;
	v19 =	vmov s0;
	s0 =	smov.u32 s1;
	s1 =	smov.u32 s5  }
0x6f: {  	v16 =	vadd.s32 v16, v18;
	v18 =	vshll.u32 v19, $0x13  }
0x70: {  	v16 =	vadd.s32 v16, v17;
	v17 =	vor.u32 v6, v18  }
0x71: {  	vm15 =	vgt.s32 v16, $0x0;
	v17 =	vadd.s32 v17, v16;
	(xrf0) =	vadd.scan.msk.s32 $0xffff, v16  }
0x72: {  	v16 =	vnsel vm15, $0xFFFFFFFF, v17;
	s4 =	spop (v2sf)  }
0x73: {  	vm15 =	vgt.s32 v15, v16;
	s4 =	sxor.u32 $0x80000000, s4  }
0x74: {  	v15 =	vsel vm15, v15, v16;
	_ =	sdelay $0x2  }
0x75: {  	v16, _, _ =	vpop (xrf0)  }
0x76: {  	s2 =	sadd.s32 $0x10, s2;
	v16 =	vadd.s32 s4, v16  }
0x77: {  	s4 =	sand.u32 $0xF0, s0;
	[tilespmem:s2+$0x0] =	vst v16;
	v16 =	vxor.u32 $0x80000000, v16  }
0x78: {  	s3 =	sadd.s32 $0x10, s3;
	v20 =	vld [tilespmem:s4+$0xF300];
	(xrf0) =	vmax.scan.msk.u32 $0xffff, v16  }
0x79: {  	v21 =	vld [tilespmem:s3+$0x0]  }
.Ltmp3:
0x7a: {  	v19 =	vld [tilespmem:s4+$0xF600];
	(pc) =	sbr.rel @p0 .LBB2_8-.Ltmp3, $4  }
0x7b: {  	v17 =	vld [tilespmem:s4+$0xF900]  }
0x7c: {  	v18 =	vld [tilespmem:s4+$0xFC00]  }
0x7d: {  	v16 =	vld [tilespmem:s4+$0xFF00]  }
0x7e: {  	s5 =	sadd.s32 $0x10, s5;
	v22 =	vadd.s32 v21, v20;
	v20 =	vld [tilespmem:s4+$0x10200];
	v21, _, _ =	vpop (xrf0)  }
0x7f: {  	v19 =	vadd.s32 v22, v19;
	v52 =	vld [tilespmem:s4+$0x10500]  }
0x80: {  	v17 =	vadd.s32 v19, v17;
	v19 =	vld [tilespmem:s4+$0x10800]  }
0x81: {  	v17 =	vadd.s32 v17, v18;
	v18 =	vld [tilespmem:s4+$0x10B00]  }
0x82: {  	v16 =	vadd.s32 v17, v16;
	v17 =	vld [tilespmem:s4+$0x10E00]  }
0x83: {  	(v2sf) =	vpush v21, $0xF;
	v53 =	vld [tilespmem:s4+$0x11100];
	v16 =	vadd.s32 v16, v20  }
0x84: {  	v54 =	vld [tilespmem:s4+$0x11400];
	v16 =	vadd.s32 v16, v52  }
0x85: {  	v16 =	vadd.s32 v16, v19;
	v19 =	vld [tilespmem:s4+$0x11700]  }
0x86: {  	v16 =	vadd.s32 v16, v18;
	v18 =	vld [tilespmem:s4+$0x11A00]  }
0x87: {  	v16 =	vadd.s32 v16, v17;
	v17 =	vld [tilespmem:s4+$0x11D00]  }
0x88: {  	v16 =	vadd.s32 v16, v53  }
0x89: {  	v16 =	vadd.s32 v16, v54  }
0x8a: {  	v16 =	vadd.s32 v16, v19  }
0x8b: {  	v16 =	vadd.s32 v16, v18  }
0x8c: {  	v16 =	vadd.s32 v16, v17  }
0x8d: {  	(xrf0) =	vadd.scan.msk.s32 $0xffff, v16;
	_ =	sdelay $0x4  }
0x8e: {  	s20 =	spop (v2sf)  }
0x8f: {  	s4 =	sxor.u32 $0x80000000, s20;
	v17, _, _ =	vpop (xrf0)  }
0x90: {  	s2 =	sadd.s32 $0x10, s2;
	v17 =	vadd.s32 s4, v17  }
0x91: {  	s21 =	sand.u32 $0xF0, s1;
	[tilespmem:s2+$0x0] =	vst v17  }
0x92: {  	s3 =	sadd.s32 $0x10, s3;
	v18 =	vld [tilespmem:s21+$0xF300]  }
0x93: {  	v19 =	vld [tilespmem:s3+$0x0]  }
0x94: {  	v55 =	vld [tilespmem:s21+$0xF600]  }
0x95: {  	v17 =	vxor.u32 $0x80000000, v17;
	v56 =	vld [tilespmem:s21+$0xF900]  }
0x96: {  	(xrf0) =	vmax.scan.msk.u32 $0xffff, v17;
	v17 =	vld [tilespmem:s21+$0xFC00]  }
0x97: {  	v57 =	vld [tilespmem:s21+$0xFF00]  }
0x98: {  	v18 =	vadd.s32 v19, v18;
	v19 =	vld [tilespmem:s21+$0x10200]  }
0x99: {  	v58 =	vld [tilespmem:s21+$0x10500];
	v18 =	vadd.s32 v18, v55  }
0x9a: {  	v59 =	vld [tilespmem:s21+$0x10800];
	v18 =	vadd.s32 v18, v56  }
0x9b: {  	v17 =	vadd.s32 v18, v17;
	v18 =	vld [tilespmem:s21+$0x10B00]  }
0x9c: {  	v60 =	vld [tilespmem:s21+$0x10E00];
	v17 =	vadd.s32 v17, v57  }
0x9d: {  	v17 =	vadd.s32 v17, v19;
	v19 =	vld [tilespmem:s21+$0x11100]  }
0x9e: {  	v61 =	vld [tilespmem:s21+$0x11400];
	v17 =	vadd.s32 v17, v58  }
0x9f: {  	v62 =	vld [tilespmem:s21+$0x11700];
	v17 =	vadd.s32 v17, v59  }
0xa0: {  	v17 =	vadd.s32 v17, v18;
	v18 =	vld [tilespmem:s21+$0x11A00]  }
0xa1: {  	v17 =	vadd.s32 v17, v60  }
0xa2: {  	v17 =	vadd.s32 v17, v19  }
0xa3: {  	v17 =	vadd.s32 v17, v61  }
0xa4: {  	v17 =	vadd.s32 v17, v62  }
0xa5: {  	v17 =	vadd.s32 v17, v18;
	v18 =	vmov s0  }
0xa6: {  	v18 =	vshll.u32 v18, $0x13  }
0xa7: {  	v63 =	vld [tilespmem:s21+$0x11D00];
	v18 =	vor.u32 v6, v18  }
0xa8: {  	vm15 =	vgt.s32 v16, $0x0;
	v23, _, _ =	vpop (xrf0);
	v16 =	vadd.s32 v18, v16  }
0xa9: {  	(v2sf) =	vpush v23, $0xF;
	v19 =	vmov s1;
	v16 =	vnsel vm15, $0xFFFFFFFF, v16  }
0xaa: {  	v18 =	vshll.u32 v19, $0x13;
	v19 =	vimm.s32 $0x0;
	vm15 =	vgt.s32 v15, v16  }
0xab: {  	v19 =	vsel vm15, $0xFFFFFFFF, v19  }
0xac: {  	v17 =	vadd.s32 v17, v63;
	v18 =	vor.u32 v6, v18;
	[tilespmem:$0x1FFE0] =	vst v19  }
0xad: {  	(xrf0) =	vadd.scan.msk.s32 $0xffff, v17;
	vm15 =	vgt.s32 v17, $0x0;
	v17 =	vadd.s32 v18, v17;
	v18 =	vld [tilespmem:$0x1FFE0];
	_ =	sdelay $0x2  }
0xae: {  	v19 =	vimm.s32 $0x0  }
0xaf: {  	v19 =	vsel vm15, $0xFFFFFFFF, v19  }
0xb0: {  	[tilespmem:$0x1FFF0] =	vst v19;
	vm15 =	vnez.u8 v18  }
0xb1: {  	v15 =	vsel vm15, v15, v16;
	v16 =	vld [tilespmem:$0x1FFF0];
	_ =	sdelay $0x4  }
0xb2: {  	s22 =	spop (v2sf);
	vm15 =	vnez.u8 v16  }
0xb3: {  	s0 =	sxor.u32 $0x80000000, s22;
	v16 =	vnsel vm15, $0xFFFFFFFF, v17;
	v17, _, _ =	vpop (xrf0)  }
0xb4: {  	vm15 =	vgt.s32 v15, v16;
	v17 =	vadd.s32 s0, v17  }
0xb5: {  	v15 =	vsel vm15, v15, v16;
	v16 =	vxor.u32 $0x80000000, v17  }
0xb6: {  	(xrf0) =	vmax.scan.msk.u32 $0xffff, v16;
	v15 =	vxor.u32 $0x80000000, v15  }
0xb7: {  	(xrf0) =	vmax.scan.msk.u32 $0xffff, v15;
	_ =	sdelay $0x4  }
0xb8: {  	v15, _, _ =	vpop (xrf0)  }
0xb9: {  	(v2sf) =	vpush v15, $0xF;
	v15, _, _ =	vpop (xrf0)  }
0xba: {  	(v2sf) =	vpush v15, $0xF;
	_ =	sdelay $0xd  }
0xbb: {  	s23 =	spop (v2sf)  }
0xbc: {  	s0 =	spop (v2sf)  }
0xbd: {  	s0 =	sand.u32 $0x7FFFF, s0  }
0xbe: {  	[smem:$0x7F3] =	sst s0;
	s0 =	ssub.s32 $0x40000, s0  }
0xbf: {  	s24 =	smulhi.u32 $0x80808081, s0;
	s25 =	sshra.s32 s0, $0x1F  }
0xc0: {  	s3 =	smul.u32 $0x80808081, s25  }
0xc1: {  	s1 =	ssub.s32 s24, s0  }
0xc2: {  	s1 =	sadd.s32 s3, s1  }
0xc3: {  	s0 =	sadd.s32 s0, s1  }
0xc4: {  	s1 =	sshra.s32 s0, $0x7;
	s26 =	sshrl.u32 s0, $0x1F  }
0xc5: {  	s1 =	sadd.s32 s26, s1  }
0xc6: {  	p0 =	sgt.s32 s1, $0x1  }
0xc7: {  	s1 =	simm.s32 @!p0 $0x1  }
0xc8: {  	v15 =	vmov s1  }
0xc9: {  	(v2sf) =	vpush v15, $0xE  }
0xca: {  	s5 =	simm.s32 $0x0;
	(v2sf) =	vpush v15, $0xD  }
0xcb: {  	v16 =	vadd.s32 s5, v7;
	(v2sf) =	vpush v15, $0xC  }
0xcc: {  	vm15 =	vgt.s32 v16, $0x0;
	(v2sf) =	vpush v15, $0xB  }
0xcd: {  	v16 =	vnsel vm15, $0x0, v16;
	(v2sf) =	vpush v15, $0xA  }
0xce: {  	(v2sf) =	vpush v15, $0x9  }
0xcf: {  	(v2sf) =	vpush v15, $0x8  }
0xd0: {  	s7 =	sadd.s32 $0x10, s2;
	(v2sf) =	vpush v15, $0x7  }
0xd1: {  	s8 =	simm.s32 $0x12300;
	[tilespmem:s7+$0x0] =	vst v17;
	(v2sf) =	vpush v15, $0x6  }
0xd2: {  	v17 =	vld.idx.msk [tilespmem:v16+s8+$0x0], $0xffff;
	(v2sf) =	vpush v15, $0x5  }
0xd3: {  	(v2sf) =	vpush v15, $0x4  }
0xd4: {  	s6 =	simm.s32 $0x0;
	(v2sf) =	vpush v15, $0x3  }
0xd5: {  	v16 =	vmov s6;
	s0 =	sshra.s32 s0, $0x8;
	(v2sf) =	vpush v15, $0x2  }
0xd6: {  	vm15 =	veq.s32 v16, v4;
	s0 =	sadd.s32 s26, s0;
	(v2sf) =	vpush v15, $0x1  }
0xd7: {  	v17 =	vsel vm15, $0x0, v17;
	v16 =	vmov s0;
	(v2sf) =	vpush v15, $0x0  }
0xd8: {  	v17 =	vadd.s32 v16, v17;
	(v2sf) =	vpush v15, $0xF;
	s9 =	spop (v2sf)  }
0xd9: {  	s15 =	spop (v2sf);
	(v2sf) =	vpush v17, $0xE  }
0xda: {  	s7 =	spop (v2sf)  }
0xdb: {  	s8 =	spop (v2sf);
	(v2sf) =	vpush v17, $0xD  }
0xdc: {  	s10 =	spop (v2sf);
	(v2sf) =	vpush v17, $0xC  }
0xdd: {  	s11 =	spop (v2sf);
	(v2sf) =	vpush v17, $0xB  }
0xde: {  	s17 =	spop (v2sf);
	(v2sf) =	vpush v17, $0xA  }
0xdf: {  	s13 =	spop (v2sf);
	(v2sf) =	vpush v17, $0x9  }
0xe0: {  	s12 =	spop (v2sf);
	(v2sf) =	vpush v17, $0x8  }
0xe1: {  	s16 =	spop (v2sf);
	(v2sf) =	vpush v17, $0x7  }
0xe2: {  	s14 =	spop (v2sf);
	(v2sf) =	vpush v17, $0x6  }
0xe3: {  	s24 =	spop (v2sf);
	(v2sf) =	vpush v17, $0x5  }
0xe4: {  	s21 =	spop (v2sf);
	(v2sf) =	vpush v17, $0x4  }
0xe5: {  	s19 =	sshra.s32 s9, $0x1F;
	s25 =	spop (v2sf);
	(v2sf) =	vpush v17, $0x3  }
0xe6: {  	s6 =	sshra.s32 s15, $0x1F;
	s0 =	sxor.u32 s19, s9;
	s26 =	spop (v2sf);
	(v2sf) =	vpush v17, $0x2  }
0xe7: {  	[smem:$0x7F1] =	sst s19;
	s0 =	ssub.s32 s0, s19;
	s20 =	spop (v2sf);
	(v2sf) =	vpush v17, $0x1  }
0xe8: {  	[smem:$0x7EF] =	sst s6;
	s9 =	sshra.s32 s8, $0x1F;
	(v2sf) =	vpush v17, $0x0;
	s18 =	spop (v2sf)  }
0xe9: {  	s3 =	sxor.u32 s6, s15;
	s8 =	sxor.u32 s9, s8;
	(v2sf) =	vpush v17, $0xF;
	s22 =	sshra.s32 s18, $0x1F  }
0xea: {  	[smem:$0x7ED] =	sst s17;
	s5 =	spop (v2sf);
	s4 =	sxor.u32 s22, s18  }
0xeb: {  	[smem:$0x7F2] =	sst s22;
	s18 =	spop (v2sf);
	s4 =	ssub.s32 s4, s22  }
0xec: {  	s23 =	sshra.s32 s5, $0x1F;
	s22 =	spop (v2sf);
	(drf) =	sdiv.u32 s4, s0  }
0xed: {  	[smem:$0x7F0] =	sst s23;
	s4 =	sxor.u32 s23, s5;
	s28 =	spop (v2sf)  }
0xee: {  	s0 =	ssub.s32 s3, s6;
	s5 =	sshra.s32 s7, $0x1F;
	s15 =	spop (v2sf)  }
0xef: {  	s19 =	sshra.s32 s18, $0x1F;
	s2 =	ssub.s32 s4, s23;
	s17 =	spop (v2sf)  }
0xf0: {  	[smem:$0x7EE] =	sst s5;
	s6 =	sxor.u32 s5, s7;
	s23 =	spop (v2sf)  }
0xf1: {  	s7 =	sxor.u32 s19, s18;
	(drf) =	sdiv.u32 s2, s0;
	s29 =	spop (v2sf)  }
0xf2: {  	s0 =	ssub.s32 s6, s5;
	s2 =	ssub.s32 s7, s19;
	s30 =	spop (v2sf)  }
0xf3: {  	s7 =	sshra.s32 s22, $0x1F;
	(drf) =	sdiv.u32 s2, s0;
	s5 =	spop (v2sf)  }
0xf4: {  	s0 =	ssub.s32 s8, s9;
	s18 =	sxor.u32 s7, s22;
	s4 =	spop (v2sf)  }
0xf5: {  	s8 =	sshra.s32 s10, $0x1F;
	s22 =	ssub.s32 s18, s7;
	s3 =	spop (v2sf)  }
0xf6: {  	s18 =	sshra.s32 s20, $0x1F;
	(drf) =	sdiv.u32 s22, s0;
	s31 =	spop (v2sf)  }
0xf7: {  	s0 =	sxor.u32 s8, s10;
	s10 =	sshra.s32 s28, $0x1F;
	s1 =	spop (v2sf)  }
0xf8: {  	s6 =	sxor.u32 s18, s20;
	s28 =	sxor.u32 s10, s28;
	s2 =	spop (v2sf)  }
0xf9: {  	s22 =	ssub.s32 s0, s8;
	s28 =	ssub.s32 s28, s10;
	s20 =	sshra.s32 s2, $0x1F  }
0xfa: {  	(drf) =	sdiv.u32 s28, s22;
	s22 =	sshra.s32 s25, $0x1F;
	s0 =	sxor.u32 s20, s2  }
0xfb: {  	s28 =	sshra.s32 s1, $0x1F;
	s2 =	ssub.s32 s6, s18;
	s0 =	ssub.s32 s0, s20  }
0xfc: {  	(drf) =	sdiv.u32 s0, s2;
	s0 =	sxor.u32 s22, s25;
	s25 =	sshra.s32 s26, $0x1F  }
0xfd: {  	s1 =	sxor.u32 s28, s1;
	s6 =	sxor.u32 s25, s26;
	s26 =	sshra.s32 s31, $0x1F  }
0xfe: {  	s1 =	ssub.s32 s1, s28;
	s2 =	ssub.s32 s6, s25;
	s31 =	sxor.u32 s26, s31  }
0xff: {  	s0 =	ssub.s32 s0, s22;
	(drf) =	sdiv.u32 s1, s2;
	s6 =	ssub.s32 s31, s26  }
0x100: {  	(drf) =	sdiv.u32 s6, s0;
	s6 =	sshra.s32 s24, $0x1F  }
0x101: {  	s31 =	sshra.s32 s3, $0x1F;
	s1 =	sxor.u32 s6, s24;
	s24 =	sshra.s32 s21, $0x1F  }
0x102: {  	s3 =	sxor.u32 s31, s3;
	s0 =	sxor.u32 s24, s21  }
0x103: {  	s3 =	ssub.s32 s3, s31;
	s21 =	sshra.s32 s4, $0x1F;
	s2 =	ssub.s32 s0, s24  }
0x104: {  	s1 =	ssub.s32 s1, s6;
	s4 =	sxor.u32 s21, s4;
	(drf) =	sdiv.u32 s3, s2  }
0x105: {  	s4 =	ssub.s32 s4, s21;
	s2 =	sshra.s32 s16, $0x1F;
	s3 =	sshra.s32 s14, $0x1F  }
0x106: {  	(drf) =	sdiv.u32 s4, s1;
	s0 =	sxor.u32 s2, s16;
	s4 =	sshra.s32 s5, $0x1F  }
0x107: {  	s14 =	sxor.u32 s3, s14;
	s16 =	sshra.s32 s30, $0x1F;
	s5 =	sxor.u32 s4, s5  }
0x108: {  	s14 =	ssub.s32 s14, s3;
	s30 =	sxor.u32 s16, s30;
	s5 =	ssub.s32 s5, s4  }
0x109: {  	s1 =	ssub.s32 s0, s2;
	(drf) =	sdiv.u32 s5, s14;
	s14 =	ssub.s32 s30, s16  }
0x10a: {  	s5 =	sshra.s32 s13, $0x1F;
	s30 =	sshra.s32 s23, $0x1F;
	(drf) =	sdiv.u32 s14, s1  }
0x10b: {  	s0 =	sxor.u32 s5, s13;
	s13 =	sshra.s32 s12, $0x1F;
	s14 =	sshra.s32 s29, $0x1F  }
0x10c: {  	s23 =	sxor.u32 s30, s23;
	s12 =	sxor.u32 s13, s12;
	s29 =	sxor.u32 s14, s29  }
0x10d: {  	s1 =	ssub.s32 s0, s5;
	s12 =	ssub.s32 s12, s13;
	s29 =	ssub.s32 s29, s14  }
0x10e: {  	s0 =	ssub.s32 s23, s30;
	(drf) =	sdiv.u32 s29, s12;
	s12 =	sshra.s32 s11, $0x1F  }
0x10f: {  	(drf) =	sdiv.u32 s0, s1;
	s1 =	sxor.u32 s12, s11;
	s11 =	sld [smem:$0x7ED]  }
0x110: {  	_ =	sdelay $0x1  }
0x111: {  	s29 =	sshra.s32 s17, $0x1F;
	s23 =	sshra.s32 s11, $0x1F  }
0x112: {  	s17 =	sxor.u32 s29, s17;
	s0 =	sshra.s32 s15, $0x1F;
	s11 =	sxor.u32 s23, s11  }
0x113: {  	s15 =	sxor.u32 s0, s15;
	s17 =	ssub.s32 s17, s29;
	s11 =	ssub.s32 s11, s23  }
0x114: {  	s1 =	ssub.s32 s1, s12;
	(drf) =	sdiv.u32 s17, s11;
	s17 =	ssub.s32 s15, s0  }
0x115: {  	(drf) =	sdiv.u32 s17, s1;
	s1 =	spop (drf)  }
0x116: {  	s10 =	sxor.u32 s8, s10;
	s11 =	spop (drf)  }
0x117: {  	s18 =	sxor.u32 s18, s20;
	s0 =	sxor.u32 s12, s0;
	s12 =	spop (drf)  }
0x118: {  	s6 =	sxor.u32 s6, s21;
	s3 =	sxor.u32 s3, s4;
	s4 =	spop (drf)  }
0x119: {  	s21 =	sxor.u32 s22, s26;
	s2 =	sxor.u32 s2, s16;
	s16 =	spop (drf)  }
0x11a: {  	s5 =	sxor.u32 s5, s30;
	s17 =	sxor.u32 s25, s28;
	s25 =	spop (drf)  }
0x11b: {  	s13 =	sxor.u32 s13, s14;
	s15 =	sxor.u32 s24, s31;
	s24 =	spop (drf)  }
0x11c: {  	s14 =	sxor.u32 s23, s29;
	s20 =	sxor.u32 s18, s25;
	s26 =	spop (drf)  }
0x11d: {  	s18 =	ssub.s32 s20, s18;
	s25 =	sxor.u32 s17, s24;
	s22 =	spop (drf)  }
0x11e: {  	s17 =	ssub.s32 s25, s17;
	v17 =	vmov s18;
	s20 =	sxor.u32 s21, s26;
	s26 =	spop (drf)  }
0x11f: {  	v17 =	vsel vm0, s17, v17;
	s24 =	ssub.s32 s20, s21;
	s25 =	sxor.u32 s15, s22;
	s21 =	spop (drf)  }
0x120: {  	v17 =	vsel vm1, s24, v17;
	s15 =	ssub.s32 s25, s15;
	s20 =	sxor.u32 s6, s26;
	s24 =	spop (drf)  }
0x121: {  	v17 =	vsel vm2, s15, v17;
	s6 =	ssub.s32 s20, s6;
	s22 =	sxor.u32 s3, s21;
	s26 =	spop (drf)  }
0x122: {  	v17 =	vsel vm3, s6, v17;
	s3 =	ssub.s32 s22, s3;
	s25 =	sxor.u32 s2, s24;
	s17 =	sxor.u32 s13, s26  }
0x123: {  	v17 =	vsel vm4, s3, v17;
	s2 =	ssub.s32 s25, s2;
	s18 =	spop (drf);
	s20 =	ssub.s32 s17, s13  }
0x124: {  	v17 =	vsel vm5, s2, v17;
	s21 =	sxor.u32 s5, s18;
	s22 =	spop (drf);
	s17 =	sld [smem:$0x7EE]  }
0x125: {  	(v2sf) =	vpush v15, $0xE;
	s13 =	sxor.u32 s10, s16;
	v17 =	vsel vm6, s20, v17;
	s24 =	ssub.s32 s21, s5;
	s20 =	sld [smem:$0x7EF]  }
0x126: {  	(v2sf) =	vpush v15, $0xD;
	s25 =	sxor.u32 s14, s22;
	s26 =	spop (drf);
	s21 =	sld [smem:$0x7F0]  }
0x127: {  	(v2sf) =	vpush v15, $0xC;
	v17 =	vsel vm7, s24, v17;
	s3 =	ssub.s32 s25, s14;
	s6 =	sxor.u32 s0, s26;
	s25 =	sld [smem:$0x7F1]  }
0x128: {  	(v2sf) =	vpush v15, $0xB;
	s14 =	sxor.u32 s9, s7;
	s26 =	sld [smem:$0x7F2];
	v17 =	vsel vm8, s3, v17;
	s0 =	ssub.s32 s6, s0  }
0x129: {  	(v2sf) =	vpush v15, $0xA;
	s15 =	ssub.s32 s13, s10;
	s16 =	sxor.u32 s14, s4;
	s4 =	sxor.u32 s17, s19;
	v17 =	vsel vm9, s0, v17  }
0x12a: {  	(v2sf) =	vpush v15, $0x9;
	s18 =	ssub.s32 s16, s14;
	s19 =	sxor.u32 s4, s12;
	s3 =	sxor.u32 s20, s21;
	v17 =	vsel vm10, s15, v17  }
0x12b: {  	(v2sf) =	vpush v15, $0x8;
	s22 =	ssub.s32 s19, s4;
	s24 =	sxor.u32 s3, s11;
	s4 =	sxor.u32 s25, s26;
	v17 =	vsel vm11, s18, v17  }
0x12c: {  	(v2sf) =	vpush v15, $0x7;
	s6 =	simm.s32 $0x10;
	s8 =	ssub.s32 s24, s3;
	s1 =	sxor.u32 s4, s1;
	v17 =	vsel vm12, s22, v17  }
0x12d: {  	(v2sf) =	vpush v15, $0x6;
	s10 =	sld [smem:$0x7F3];
	v18 =	vadd.s32 s6, v7;
	s9 =	ssub.s32 s1, s4;
	v17 =	vsel vm13, s8, v17  }
0x12e: {  	(v2sf) =	vpush v15, $0x5;
	vm15 =	vgt.s32 v18, $0x0;
	v17 =	vsel vm14, s9, v17  }
0x12f: {  	v18 =	vnsel vm15, $0x0, v18;
	vm15 =	vgt.s32 v17, $0x0  }
0x130: {  	s0 =	sadd.s32 $0xFFFC00FE, s10;
	s11 =	simm.s32 $0x0;
	v17 =	vnsel vm15, $0x0, v17  }
0x131: {  	p0 =	slt.u32 s0, $0x1FD;
	v19 =	vor.u32 s11, v4;
	v17 =	vmin.u32 v17, $0xFF  }
0x132: {  	s12 =	simm.s32 $0x12000;
	v17 =	vpsel p0, v19, v17  }
0x133: {  	(v2sf) =	vpush v15, $0x4;
	s23 =	simm.s32 $0x12300;
	[tilespmem:s12+$0x0] =	vst v17  }
0x134: {  	(v2sf) =	vpush v15, $0x3;
	s7 =	spop (v2sf);
	v17 =	vld.idx.msk [tilespmem:v18+s23+$0x0], $0xffff  }
0x135: {  	(v2sf) =	vpush v15, $0x2;
	s13 =	simm.s32 $0x12000;
	s18 =	spop (v2sf)  }
0x136: {  	(v2sf) =	vpush v15, $0x1;
	[dreg:$0x2] =	wrdreg s13;
	s13 =	spop (v2sf)  }
0x137: {  	(v2sf) =	vpush v15, $0x0;
	s10 =	spop (v2sf);
	v18 =	vmov s6  }
0x138: {  	(v2sf) =	vpush v15, $0xF;
	s30 =	spop (v2sf);
	vm15 =	veq.s32 v18, v4  }
0x139: {  	s11 =	spop (v2sf);
	v17 =	vsel vm15, $0x0, v17  }
0x13a: {  	s3 =	spop (v2sf);
	v17 =	vadd.s32 v16, v17  }
0x13b: {  	s14 =	spop (v2sf);
	(v2sf) =	vpush v17, $0xE  }
0x13c: {  	s15 =	spop (v2sf);
	(v2sf) =	vpush v17, $0xD  }
0x13d: {  	s17 =	spop (v2sf);
	(v2sf) =	vpush v17, $0xC  }
0x13e: {  	s5 =	simm.s32 $0x10;
	(v2sf) =	vpush v17, $0xB  }
0x13f: {  	[dreg:$0xb] =	wrdreg s5;
	(v2sf) =	vpush v17, $0xA  }
0x140: {  	s0 =	simm.s32 $0x20;
	s8 =	sshra.s32 s18, $0x1F;
	s21 =	sshra.s32 s13, $0x1F;
	(v2sf) =	vpush v17, $0x9  }
0x141: {  	s24 =	sshra.s32 s10, $0x1F;
	s22 =	sshra.s32 s30, $0x1F;
	s26 =	sshra.s32 s3, $0x1F;
	(v2sf) =	vpush v17, $0x8  }
0x142: {  	[dreg:$0x1e] =	wrdreg s14;
	s9 =	sshra.s32 s14, $0x1F;
	s25 =	spop (v2sf);
	(v2sf) =	vpush v17, $0x7  }
0x143: {  	s14 =	sshra.s32 s11, $0x1F;
	[smem:$0x7F5] =	sst s15;
	s23 =	spop (v2sf);
	(v2sf) =	vpush v17, $0x6  }
0x144: {  	s1 =	sshra.s32 s15, $0x1F;
	s6 =	sshra.s32 s7, $0x1F;
	s12 =	spop (v2sf);
	(v2sf) =	vpush v17, $0x5  }
0x145: {  	s20 =	smov.u32 s17;
	s17 =	sshra.s32 s17, $0x1F;
	s16 =	spop (v2sf);
	(v2sf) =	vpush v17, $0x4  }
0x146: {  	[smem:$0x7F4] =	sst s25;
	s29 =	sshra.s32 s25, $0x1F;
	s19 =	spop (v2sf);
	(v2sf) =	vpush v17, $0x3  }
0x147: {  	s4 =	sshra.s32 s23, $0x1F;
	s15 =	sshra.s32 s12, $0x1F;
	s28 =	spop (v2sf);
	(v2sf) =	vpush v17, $0x2  }
0x148: {  	s31 =	sshra.s32 s16, $0x1F;
	s25 =	sshra.s32 s19, $0x1F;
	s2 =	sshra.s32 s28, $0x1F;
	(v2sf) =	vpush v17, $0x1  }
.LBB2_10:
0x149: {  	[smem:$0x7E9] =	sst s21  }
0x14a: {  	[dreg:$0x6] =	wrdreg s0  }
0x14b: {  	s5 =	rddreg [dreg:$0x2]  }
0x14c: {  	[dreg:$0x17] =	wrdreg s8  }
0x14d: {  	[smem:$0x7E8] =	sst s24  }
0x14e: {  	[smem:$0x7E7] =	sst s22  }
0x14f: {  	[smem:$0x7C3] =	sst s17  }
0x150: {  	p1 =	sne.s32 s0, $0xF0;
	[smem:$0x7C4] =	sst s31  }
0x151: {  	s0 =	smov.u32 s6;
	s6 =	sxor.u32 s6, s7;
	[dreg:$0x2] =	wrdreg s5  }
0x152: {  	[smem:$0x7BA] =	sst s6  }
0x153: {  	s7 =	sxor.u32 s21, s13;
	[dreg:$0x15] =	wrdreg s0  }
0x154: {  	[smem:$0x7BB] =	sst s7  }
0x155: {  	s5 =	sxor.u32 s8, s18;
	s7 =	rddreg [dreg:$0x1e]  }
0x156: {  	s18 =	sxor.u32 s24, s10;
	s10 =	spop (v2sf);
	[smem:$0x7B9] =	sst s5  }
0x157: {  	s6 =	sxor.u32 s14, s11;
	[smem:$0x7BD] =	sst s10  }
0x158: {  	s11 =	sxor.u32 s22, s30;
	s13 =	spop (v2sf);
	s5 =	sld [smem:$0x7F5]  }
0x159: {  	s30 =	sxor.u32 s9, s7;
	s22 =	ssub.s32 s11, s22;
	[smem:$0x7BC] =	sst s13  }
0x15a: {  	s7 =	sxor.u32 s17, s20;
	s10 =	spop (v2sf);
	[smem:$0x7CF] =	sst s22  }
0x15b: {  	s19 =	sxor.u32 s25, s19;
	s7 =	ssub.s32 s7, s17;
	[smem:$0x7C0] =	sst s10  }
0x15c: {  	s22 =	ssub.s32 s19, s25;
	[smem:$0x7DA] =	sst s7  }
0x15d: {  	[smem:$0x7D3] =	sst s22  }
0x15e: {  	s10 =	spop (v2sf);
	s19 =	sld [smem:$0x7BC]  }
0x15f: {  	s13 =	sxor.u32 s26, s3;
	s3 =	smov.u32 s1;
	[smem:$0x7BF] =	sst s10  }
0x160: {  	s20 =	sxor.u32 s3, s5;
	s5 =	sld [smem:$0x7F4];
	s10 =	spop (v2sf)  }
0x161: {  	[smem:$0x7BE] =	sst s10;
	s10 =	sxor.u32 s31, s16;
	s16 =	spop (v2sf)  }
0x162: {  	s1 =	smov.u32 s26;
	[smem:$0x7C2] =	sst s16;
	s26 =	spop (v2sf)  }
0x163: {  	[smem:$0x7C1] =	sst s26  }
0x164: {  	s11 =	ssub.s32 s20, s3;
	s5 =	sxor.u32 s29, s5;
	s26 =	sld [smem:$0x7B9]  }
0x165: {  	[smem:$0x7DB] =	sst s11;
	s17 =	ssub.s32 s5, s29  }
0x166: {  	s28 =	sxor.u32 s2, s28;
	[smem:$0x7D9] =	sst s17  }
0x167: {  	s16 =	smov.u32 s2;
	s2 =	ssub.s32 s26, s8;
	s26 =	sld [smem:$0x7BA]  }
0x168: {  	s8 =	ssub.s32 s18, s24;
	s18 =	sld [smem:$0x7BB]  }
0x169: {  	s24 =	ssub.s32 s30, s9;
	s30 =	sld [smem:$0x7BE]  }
0x16a: {  	[smem:$0x7CA] =	sst s2  }
0x16b: {  	[smem:$0x7CD] =	sst s8  }
0x16c: {  	[smem:$0x7DC] =	sst s24;
	s24 =	sshra.s32 s19, $0x1F  }
0x16d: {  	[smem:$0x7EB] =	sst s24;
	s0 =	ssub.s32 s26, s0  }
0x16e: {  	s26 =	spop (v2sf);
	[smem:$0x7C8] =	sst s0  }
0x16f: {  	s11 =	sshra.s32 s30, $0x1F;
	[smem:$0x7C7] =	sst s26  }
0x170: {  	[smem:$0x7C5] =	sst s11  }
0x171: {  	s0 =	ssub.s32 s18, s21;
	s18 =	ssub.s32 s10, s31;
	s31 =	sld [smem:$0x7C1]  }
0x172: {  	s11 =	sld [smem:$0x7C2]  }
0x173: {  	s2 =	spop (v2sf);
	[smem:$0x7CC] =	sst s0  }
0x174: {  	s21 =	ssub.s32 s6, s14;
	[smem:$0x7C9] =	sst s2  }
0x175: {  	s23 =	sxor.u32 s4, s23;
	s6 =	ssub.s32 s13, s1;
	[smem:$0x7DE] =	sst s21  }
0x176: {  	s13 =	ssub.s32 s23, s4;
	[smem:$0x7DD] =	sst s6  }
0x177: {  	[smem:$0x7D8] =	sst s13  }
0x178: {  	(v2sf) =	vpush v17, $0x0;
	s23 =	ssub.s32 s28, s16;
	[smem:$0x7D5] =	sst s18  }
0x179: {  	[smem:$0x7D1] =	sst s23  }
0x17a: {  	s13 =	sld [smem:$0x7BF]  }
0x17b: {  	s12 =	sxor.u32 s15, s12;
	s8 =	spop (v2sf);
	s18 =	sld [smem:$0x7C0]  }
0x17c: {  	s21 =	ssub.s32 s12, s15;
	[smem:$0x7CB] =	sst s8  }
0x17d: {  	[smem:$0x7D7] =	sst s21  }
0x17e: {  	s6 =	spop (v2sf);
	s21 =	sld [smem:$0x7BD]  }
0x17f: {  	[smem:$0x7D6] =	sst s6;
	s20 =	spop (v2sf)  }
0x180: {  	[smem:$0x7D4] =	sst s20;
	s5 =	spop (v2sf)  }
0x181: {  	s12 =	sshra.s32 s13, $0x1F;
	[smem:$0x7D2] =	sst s5  }
0x182: {  	(v2sf) =	vpush v17, $0xF;
	s22 =	sshra.s32 s11, $0x1F;
	s17 =	sshra.s32 s18, $0x1F;
	[smem:$0x7C6] =	sst s12  }
0x183: {  	s7 =	spop (v2sf);
	[smem:$0x7EA] =	sst s17;
	s12 =	sshra.s32 s8, $0x1F  }
0x184: {  	s8 =	sshra.s32 s20, $0x1F;
	s20 =	sxor.u32 s14, s22;
	s14 =	sld [smem:$0x7C4]  }
0x185: {  	s23 =	sshra.s32 s31, $0x1F;
	[smem:$0x7D0] =	sst s7  }
0x186: {  	s24 =	sshra.s32 s21, $0x1F;
	s17 =	sshra.s32 s26, $0x1F;
	[smem:$0x7E6] =	sst s20  }
0x187: {  	s26 =	sshra.s32 s2, $0x1F;
	s0 =	spop (v2sf);
	[smem:$0x7EC] =	sst s24  }
0x188: {  	s2 =	smov.u32 s9;
	s3 =	sxor.u32 s3, s26;
	[smem:$0x7CE] =	sst s0  }
0x189: {  	s10 =	sshra.s32 s6, $0x1F;
	s2 =	sxor.u32 s2, s17;
	[smem:$0x7E3] =	sst s3  }
0x18a: {  	s20 =	smov.u32 s23;
	s23 =	sxor.u32 s1, s23;
	[smem:$0x7E4] =	sst s2  }
0x18b: {  	s1 =	sxor.u32 s29, s10;
	[smem:$0x7E5] =	sst s23  }
0x18c: {  	[smem:$0x7E1] =	sst s1  }
0x18d: {  	s9 =	sshra.s32 s7, $0x1F;
	s7 =	sshra.s32 s5, $0x1F;
	s2 =	sld [smem:$0x7C3]  }
0x18e: {  	s6 =	sshra.s32 s0, $0x1F;
	s0 =	sxor.u32 s4, s8;
	s1 =	sld [smem:$0x7EB]  }
0x18f: {  	s4 =	sxor.u32 s15, s7;
	[smem:$0x7E0] =	sst s0  }
0x190: {  	[smem:$0x7DF] =	sst s4  }
0x191: {  	s28 =	spop (v2sf);
	s29 =	sxor.u32 s14, s9;
	s14 =	sld [smem:$0x7C5]  }
0x192: {  	s5 =	sshra.s32 s28, $0x1F;
	s0 =	sld [smem:$0x7EA];
	s3 =	sxor.u32 s2, s12  }
0x193: {  	s2 =	sxor.u32 s24, s21;
	s21 =	sxor.u32 s16, s5;
	s16 =	sld [smem:$0x7C8]  }
0x194: {  	s4 =	sxor.u32 s1, s19;
	s19 =	sxor.u32 s14, s30;
	s30 =	sld [smem:$0x7C6]  }
0x195: {  	s15 =	smov.u32 s24;
	[smem:$0x7E2] =	sst s3  }
0x196: {  	s2 =	ssub.s32 s2, s15;
	s15 =	sld [smem:$0x7C7]  }
0x197: {  	s23 =	sxor.u32 s25, s6;
	s25 =	sxor.u32 s30, s13;
	s13 =	sld [smem:$0x7CA]  }
0x198: {  	s3 =	sxor.u32 s0, s18;
	s4 =	ssub.s32 s4, s1;
	s1 =	sld [smem:$0x7CC]  }
0x199: {  	s18 =	sxor.u32 s22, s11;
	s11 =	sld [smem:$0x7C9];
	(drf) =	sdiv.u32 s2, s16  }
0x19a: {  	s3 =	ssub.s32 s3, s0;
	(drf) =	sdiv.u32 s4, s13;
	s13 =	sld [smem:$0x7CD]  }
0x19b: {  	(drf) =	sdiv.u32 s3, s1;
	s1 =	ssub.s32 s19, s14;
	s19 =	sld [smem:$0x7CE]  }
0x19c: {  	s16 =	sld [smem:$0x7CB]  }
0x19d: {  	s2 =	sxor.u32 s26, s11;
	s11 =	sxor.u32 s5, s28;
	s25 =	ssub.s32 s25, s30  }
0x19e: {  	(drf) =	sdiv.u32 s25, s13;
	s25 =	sxor.u32 s6, s19;
	s19 =	sld [smem:$0x7D0]  }
0x19f: {  	s0 =	ssub.s32 s11, s5;
	s5 =	sld [smem:$0x7CF]  }
0x1a0: {  	s11 =	sld [smem:$0x7D3]  }
0x1a1: {  	s13 =	ssub.s32 s25, s6;
	s25 =	sld [smem:$0x7D1];
	s3 =	sxor.u32 s9, s19  }
0x1a2: {  	s15 =	sxor.u32 s17, s15;
	s6 =	ssub.s32 s3, s9;
	s9 =	sld [smem:$0x7D2]  }
0x1a3: {  	s2 =	ssub.s32 s2, s26;
	s26 =	sld [smem:$0x7DE];
	s4 =	sxor.u32 s12, s16  }
0x1a4: {  	s4 =	ssub.s32 s4, s12;
	(drf) =	sdiv.u32 s1, s5;
	s19 =	sld [smem:$0x7D4]  }
0x1a5: {  	(drf) =	sdiv.u32 s0, s25;
	s25 =	sld [smem:$0x7D5];
	s3 =	sxor.u32 s7, s9  }
0x1a6: {  	(drf) =	sdiv.u32 s13, s11;
	s13 =	ssub.s32 s3, s7;
	s7 =	sld [smem:$0x7D6]  }
0x1a7: {  	s12 =	ssub.s32 s15, s17;
	s17 =	sld [smem:$0x7DC];
	s3 =	sxor.u32 s8, s19  }
0x1a8: {  	(drf) =	sdiv.u32 s6, s25;
	s6 =	ssub.s32 s3, s8;
	s8 =	sld [smem:$0x7D7]  }
0x1a9: {  	s1 =	spop (drf);
	s9 =	sld [smem:$0x7D8];
	s3 =	sxor.u32 s10, s7  }
0x1aa: {  	s0 =	spop (drf);
	s3 =	ssub.s32 s3, s10;
	s10 =	sld [smem:$0x7D9]  }
0x1ab: {  	s11 =	sld [smem:$0x7DA];
	(drf) =	sdiv.u32 s13, s8  }
0x1ac: {  	s13 =	sld [smem:$0x7DB];
	(drf) =	sdiv.u32 s6, s9  }
0x1ad: {  	s19 =	ssub.s32 s18, s22;
	s22 =	sld [smem:$0x7DD];
	(drf) =	sdiv.u32 s3, s10  }
0x1ae: {  	s6 =	spop (drf);
	(drf) =	sdiv.u32 s4, s11  }
0x1af: {  	s24 =	sxor.u32 s20, s31;
	s4 =	spop (drf);
	(drf) =	sdiv.u32 s2, s13  }
0x1b0: {  	s15 =	ssub.s32 s24, s20;
	s5 =	spop (drf);
	(drf) =	sdiv.u32 s12, s17  }
0x1b1: {  	s20 =	spop (drf);
	(drf) =	sdiv.u32 s15, s22  }
0x1b2: {  	s24 =	sxor.u32 s21, s20;
	s25 =	spop (drf);
	s15 =	sld [smem:$0x7DF]  }
0x1b3: {  	s20 =	sld [smem:$0x7E0];
	(drf) =	sdiv.u32 s19, s26;
	s10 =	sxor.u32 s23, s25  }
0x1b4: {  	s2 =	ssub.s32 s24, s21;
	s11 =	spop (drf);
	s24 =	sld [smem:$0x7E1]  }
0x1b5: {  	s3 =	ssub.s32 s10, s23;
	s12 =	sxor.u32 s29, s11;
	s13 =	spop (drf)  }
0x1b6: {  	s10 =	sld [smem:$0x7E2];
	s17 =	sxor.u32 s15, s13;
	s18 =	spop (drf)  }
0x1b7: {  	v17 =	vmov s2;
	s2 =	ssub.s32 s12, s29;
	s19 =	ssub.s32 s17, s15;
	s21 =	sxor.u32 s20, s18  }
0x1b8: {  	v17 =	vsel vm0, s3, v17;
	s15 =	sld [smem:$0x7E3];
	s22 =	spop (drf);
	s23 =	ssub.s32 s21, s20  }
0x1b9: {  	v17 =	vsel vm1, s2, v17;
	s20 =	sld [smem:$0x7E4];
	s25 =	sxor.u32 s24, s22;
	s26 =	spop (drf)  }
0x1ba: {  	v17 =	vsel vm2, s19, v17;
	s9 =	ssub.s32 s25, s24;
	s11 =	sxor.u32 s10, s26;
	s24 =	sld [smem:$0x7E5]  }
0x1bb: {  	v17 =	vsel vm3, s23, v17;
	s13 =	ssub.s32 s11, s10;
	s11 =	sld [smem:$0x7E6]  }
0x1bc: {  	s12 =	spop (drf);
	v17 =	vsel vm4, s9, v17;
	s9 =	sld [smem:$0x7EC]  }
0x1bd: {  	s17 =	sxor.u32 s15, s12;
	s18 =	spop (drf);
	v17 =	vsel vm5, s13, v17;
	s13 =	sld [smem:$0x7E7]  }
0x1be: {  	s19 =	ssub.s32 s17, s15;
	s21 =	sxor.u32 s20, s18;
	s18 =	sld [smem:$0x7E8]  }
0x1bf: {  	s22 =	spop (drf);
	s23 =	ssub.s32 s21, s20;
	s21 =	sld [smem:$0x7E9]  }
0x1c0: {  	(v2sf) =	vpush v15, $0xE;
	s25 =	sxor.u32 s24, s22;
	s26 =	spop (drf);
	s22 =	sld [smem:$0x7EA]  }
0x1c1: {  	(v2sf) =	vpush v15, $0xD;
	v17 =	vsel vm6, s19, v17;
	s10 =	ssub.s32 s25, s24;
	s25 =	rddreg [dreg:$0x17];
	s7 =	sxor.u32 s13, s14  }
0x1c2: {  	(v2sf) =	vpush v15, $0xC;
	v17 =	vsel vm7, s23, v17;
	s12 =	sxor.u32 s11, s26;
	s26 =	sld [smem:$0x7EB];
	s17 =	sxor.u32 s7, s5  }
0x1c3: {  	(v2sf) =	vpush v15, $0xB;
	v17 =	vsel vm8, s10, v17;
	s15 =	ssub.s32 s12, s11;
	s5 =	sxor.u32 s18, s30;
	s19 =	ssub.s32 s17, s7  }
0x1c4: {  	(v2sf) =	vpush v15, $0xA;
	v17 =	vsel vm9, s15, v17;
	s20 =	sxor.u32 s5, s4;
	s4 =	sxor.u32 s21, s22;
	s7 =	rddreg [dreg:$0x15]  }
0x1c5: {  	(v2sf) =	vpush v15, $0x9;
	v17 =	vsel vm10, s19, v17;
	s23 =	ssub.s32 s20, s5;
	s24 =	sxor.u32 s4, s6;
	s5 =	sxor.u32 s25, s26  }
0x1c6: {  	(v2sf) =	vpush v15, $0x8;
	s3 =	sxor.u32 s7, s9;
	v17 =	vsel vm11, s23, v17;
	s6 =	ssub.s32 s24, s4;
	s0 =	sxor.u32 s5, s0  }
0x1c7: {  	(v2sf) =	vpush v15, $0x7;
	s10 =	rddreg [dreg:$0x6];
	s1 =	sxor.u32 s3, s1;
	v17 =	vsel vm12, s6, v17;
	s0 =	ssub.s32 s0, s5  }
0x1c8: {  	(v2sf) =	vpush v15, $0x6;
	v18 =	vadd.s32 s10, v7;
	s11 =	ssub.s32 s1, s3;
	v17 =	vsel vm13, s0, v17  }
0x1c9: {  	(v2sf) =	vpush v15, $0x5;
	vm15 =	vgt.s32 v18, $0x0;
	v17 =	vsel vm14, s11, v17  }
0x1ca: {  	(v2sf) =	vpush v15, $0x4;
	v18 =	vnsel vm15, $0x0, v18;
	vm15 =	vgt.s32 v17, $0x0  }
0x1cb: {  	(v2sf) =	vpush v15, $0x3;
	s12 =	rddreg [dreg:$0xb];
	v17 =	vnsel vm15, $0x0, v17  }
0x1cc: {  	s16 =	rddreg [dreg:$0x2];
	(v2sf) =	vpush v15, $0x2;
	v19 =	vor.u32 s12, v4;
	v17 =	vmin.u32 v17, $0xFF  }
0x1cd: {  	s16 =	sadd.s32 $0x10, s16;
	(v2sf) =	vpush v15, $0x1;
	v17 =	vpsel p0, v19, v17  }
0x1ce: {  	(v2sf) =	vpush v15, $0x0;
	s8 =	simm.s32 $0x12300;
	[tilespmem:s16+$0x0] =	vst v17  }
0x1cf: {  	(v2sf) =	vpush v15, $0xF;
	s7 =	spop (v2sf);
	s0 =	rddreg [dreg:$0x6];
	v17 =	vld.idx.msk [tilespmem:v18+s8+$0x0], $0xffff  }
0x1d0: {  	s18 =	spop (v2sf);
	s13 =	smov.u32 s0  }
0x1d1: {  	[dreg:$0xb] =	wrdreg s13;
	s13 =	spop (v2sf)  }
0x1d2: {  	s10 =	spop (v2sf);
	v18 =	vmov s0  }
0x1d3: {  	s30 =	spop (v2sf);
	vm15 =	veq.s32 v18, v4  }
0x1d4: {  	s11 =	spop (v2sf);
	v17 =	vsel vm15, $0x0, v17  }
0x1d5: {  	s3 =	spop (v2sf);
	v17 =	vadd.s32 v16, v17  }
0x1d6: {  	s14 =	spop (v2sf);
	(v2sf) =	vpush v17, $0xE  }
0x1d7: {  	s15 =	spop (v2sf);
	(v2sf) =	vpush v17, $0xD  }
0x1d8: {  	s17 =	spop (v2sf);
	(v2sf) =	vpush v17, $0xC  }
0x1d9: {  	s25 =	spop (v2sf);
	(v2sf) =	vpush v17, $0xB  }
0x1da: {  	s23 =	spop (v2sf);
	(v2sf) =	vpush v17, $0xA  }
0x1db: {  	[dreg:$0x2] =	wrdreg s16;
	s6 =	sshra.s32 s7, $0x1F;
	s12 =	spop (v2sf);
	(v2sf) =	vpush v17, $0x9  }
0x1dc: {  	s21 =	sshra.s32 s13, $0x1F;
	s24 =	sshra.s32 s10, $0x1F;
	s16 =	spop (v2sf);
	(v2sf) =	vpush v17, $0x8  }
0x1dd: {  	s22 =	sshra.s32 s30, $0x1F;
	s8 =	sshra.s32 s18, $0x1F;
	s19 =	spop (v2sf);
	(v2sf) =	vpush v17, $0x7  }
0x1de: {  	s26 =	sshra.s32 s3, $0x1F;
	s0 =	sadd.s32 $0x10, s0;
	s28 =	spop (v2sf);
	(v2sf) =	vpush v17, $0x6  }
.Ltmp4:
0x1df: {  	[dreg:$0x1e] =	wrdreg s14;
	s9 =	sshra.s32 s14, $0x1F;
	(v2sf) =	vpush v17, $0x5;
	(pc) =	sbr.rel @p1 .LBB2_10-.Ltmp4, $4  }
0x1e0: {  	s14 =	sshra.s32 s11, $0x1F;
	[smem:$0x7F5] =	sst s15;
	s1 =	sshra.s32 s15, $0x1F;
	(v2sf) =	vpush v17, $0x4  }
0x1e1: {  	s20 =	smov.u32 s17;
	s17 =	sshra.s32 s17, $0x1F;
	[smem:$0x7F4] =	sst s25;
	(v2sf) =	vpush v17, $0x3  }
0x1e2: {  	s29 =	sshra.s32 s25, $0x1F;
	s4 =	sshra.s32 s23, $0x1F;
	s15 =	sshra.s32 s12, $0x1F;
	(v2sf) =	vpush v17, $0x2  }
0x1e3: {  	s31 =	sshra.s32 s16, $0x1F;
	s25 =	sshra.s32 s19, $0x1F;
	s2 =	sshra.s32 s28, $0x1F;
	(v2sf) =	vpush v17, $0x1  }
0x1e4: {  	[smem:$0x7B1] =	sst s26  }
0x1e5: {  	[smem:$0x7C4] =	sst s31  }
0x1e6: {  	[smem:$0x7B2] =	sst s3  }
0x1e7: {  	[dreg:$0x17] =	wrdreg s8  }
0x1e8: {  	[smem:$0x7E9] =	sst s21  }
0x1e9: {  	s26 =	smov.u32 s6;
	s6 =	sxor.u32 s6, s7;
	[smem:$0x7E8] =	sst s24  }
0x1ea: {  	[smem:$0x7E7] =	sst s22;
	s12 =	sxor.u32 s15, s12;
	s0 =	spop (v2sf)  }
0x1eb: {  	[dreg:$0x15] =	wrdreg s26;
	s6 =	ssub.s32 s6, s26;
	s3 =	spop (v2sf)  }
0x1ec: {  	s26 =	smov.u32 s9;
	s31 =	sshra.s32 s0, $0x1F;
	s5 =	spop (v2sf)  }
0x1ed: {  	(v2sf) =	vpush v17, $0x0;
	[smem:$0x7B8] =	sst s31;
	s0 =	sxor.u32 s31, s0;
	s7 =	spop (v2sf)  }
0x1ee: {  	(v2sf) =	vpush v17, $0xF;
	s0 =	ssub.s32 s0, s31;
	[smem:$0x7AE] =	sst s7;
	s9 =	spop (v2sf)  }
0x1ef: {  	(drf) =	sdiv.u32 s0, s6;
	s7 =	sshra.s32 s3, $0x1F;
	s6 =	sxor.u32 s8, s18  }
0x1f0: {  	s31 =	spop (v2sf);
	[smem:$0x7B7] =	sst s7;
	s18 =	sxor.u32 s7, s3  }
0x1f1: {  	s0 =	ssub.s32 s6, s8;
	[smem:$0x7B3] =	sst s31;
	s31 =	spop (v2sf)  }
0x1f2: {  	s7 =	ssub.s32 s18, s7;
	[smem:$0x7B0] =	sst s31;
	s18 =	spop (v2sf)  }
0x1f3: {  	(drf) =	sdiv.u32 s7, s0;
	s7 =	sxor.u32 s21, s13;
	s13 =	sld [smem:$0x7AE]  }
0x1f4: {  	s31 =	sshra.s32 s5, $0x1F;
	[smem:$0x7AF] =	sst s18;
	s8 =	spop (v2sf)  }
0x1f5: {  	[smem:$0x7B6] =	sst s31;
	s5 =	sxor.u32 s31, s5;
	s0 =	ssub.s32 s7, s21  }
0x1f6: {  	s21 =	sxor.u32 s24, s10;
	s7 =	sxor.u32 s22, s30;
	s10 =	smov.u32 s22  }
0x1f7: {  	s22 =	sshra.s32 s9, $0x1F;
	s6 =	spop (v2sf);
	s5 =	ssub.s32 s5, s31  }
0x1f8: {  	s9 =	sxor.u32 s22, s9;
	s7 =	ssub.s32 s7, s10;
	s3 =	spop (v2sf)  }
0x1f9: {  	(drf) =	sdiv.u32 s5, s0;
	s31 =	sshra.s32 s13, $0x1F;
	s18 =	spop (v2sf)  }
0x1fa: {  	s0 =	ssub.s32 s21, s24;
	s5 =	sxor.u32 s31, s13;
	s13 =	spop (v2sf)  }
0x1fb: {  	s21 =	smov.u32 s2;
	s5 =	ssub.s32 s5, s31;
	s24 =	spop (v2sf)  }
0x1fc: {  	s9 =	ssub.s32 s9, s22;
	(drf) =	sdiv.u32 s5, s0;
	s5 =	spop (v2sf)  }
0x1fd: {  	[smem:$0x7B5] =	sst s31;
	s31 =	sxor.u32 s2, s28;
	s0 =	spop (v2sf)  }
0x1fe: {  	(drf) =	sdiv.u32 s9, s7;
	s7 =	sshra.s32 s5, $0x1F;
	s2 =	sshra.s32 s0, $0x1F  }
0x1ff: {  	s12 =	ssub.s32 s12, s15;
	s30 =	sxor.u32 s7, s5;
	s0 =	sxor.u32 s2, s0  }
0x200: {  	s9 =	ssub.s32 s31, s21;
	s10 =	ssub.s32 s0, s2;
	s0 =	ssub.s32 s30, s7  }
0x201: {  	s30 =	sshra.s32 s13, $0x1F;
	(drf) =	sdiv.u32 s10, s9;
	s10 =	sld [smem:$0x7C4]  }
0x202: {  	[smem:$0x7B4] =	sst s22;
	s5 =	sshra.s32 s24, $0x1F;
	s13 =	sxor.u32 s30, s13  }
0x203: {  	s28 =	sxor.u32 s25, s19;
	s31 =	sxor.u32 s5, s24;
	s13 =	ssub.s32 s13, s30  }
0x204: {  	s22 =	sxor.u32 s10, s16;
	s16 =	ssub.s32 s28, s25;
	s24 =	smov.u32 s10  }
0x205: {  	s28 =	smov.u32 s4;
	(drf) =	sdiv.u32 s0, s16;
	s9 =	ssub.s32 s22, s10  }
0x206: {  	s0 =	ssub.s32 s31, s5;
	s10 =	sxor.u32 s4, s23;
	s31 =	sld [smem:$0x7F4]  }
0x207: {  	s16 =	sshra.s32 s18, $0x1F;
	s23 =	sxor.u32 s17, s20;
	s20 =	rddreg [dreg:$0x1e]  }
0x208: {  	(drf) =	sdiv.u32 s0, s9;
	s0 =	smov.u32 s15;
	s18 =	sxor.u32 s16, s18  }
0x209: {  	s9 =	ssub.s32 s10, s4;
	s15 =	sshra.s32 s6, $0x1F;
	(drf) =	sdiv.u32 s13, s12  }
0x20a: {  	s22 =	ssub.s32 s18, s16;
	s12 =	sshra.s32 s3, $0x1F;
	s6 =	sxor.u32 s15, s6  }
0x20b: {  	s18 =	ssub.s32 s23, s17;
	(drf) =	sdiv.u32 s22, s9;
	s4 =	sxor.u32 s29, s31  }
0x20c: {  	s3 =	sxor.u32 s12, s3;
	s19 =	ssub.s32 s6, s15;
	s22 =	sld [smem:$0x7F5]  }
0x20d: {  	s31 =	sld [smem:$0x7AF];
	s4 =	ssub.s32 s4, s29;
	s13 =	ssub.s32 s3, s12  }
0x20e: {  	s3 =	sxor.u32 s26, s20;
	s20 =	sld [smem:$0x7B3];
	(drf) =	sdiv.u32 s13, s4  }
0x20f: {  	s4 =	sshra.s32 s8, $0x1F;
	(drf) =	sdiv.u32 s19, s18;
	s19 =	smov.u32 s1  }
0x210: {  	s8 =	sxor.u32 s4, s8;
	s10 =	sshra.s32 s31, $0x1F;
	s23 =	sxor.u32 s19, s22  }
0x211: {  	s8 =	ssub.s32 s8, s4;
	s22 =	sld [smem:$0x7B1];
	s9 =	ssub.s32 s23, s19  }
0x212: {  	s1 =	sxor.u32 s10, s31;
	(drf) =	sdiv.u32 s8, s9;
	s8 =	sld [smem:$0x7B0]  }
0x213: {  	s6 =	ssub.s32 s1, s10;
	s1 =	sxor.u32 s14, s11;
	s11 =	sld [smem:$0x7B2]  }
0x214: {  	s3 =	ssub.s32 s3, s26  }
0x215: {  	(drf) =	sdiv.u32 s6, s3;
	s6 =	sshra.s32 s8, $0x1F  }
0x216: {  	s31 =	sshra.s32 s20, $0x1F;
	s13 =	sxor.u32 s22, s11;
	s18 =	sxor.u32 s6, s8  }
0x217: {  	s11 =	sxor.u32 s31, s20;
	s8 =	ssub.s32 s13, s22;
	s3 =	ssub.s32 s18, s6  }
0x218: {  	s1 =	ssub.s32 s1, s14;
	s13 =	ssub.s32 s11, s31;
	(drf) =	sdiv.u32 s3, s8  }
0x219: {  	(drf) =	sdiv.u32 s13, s1;
	s1 =	spop (drf)  }
0x21a: {  	s3 =	spop (drf)  }
0x21b: {  	s9 =	sxor.u32 s19, s4;
	s4 =	spop (drf)  }
0x21c: {  	s7 =	sxor.u32 s25, s7;
	s8 =	sxor.u32 s14, s31;
	s14 =	spop (drf)  }
0x21d: {  	s5 =	sxor.u32 s24, s5;
	s13 =	sxor.u32 s28, s16;
	s16 =	spop (drf)  }
0x21e: {  	s15 =	sxor.u32 s17, s15;
	s17 =	sxor.u32 s0, s30;
	s20 =	spop (drf)  }
0x21f: {  	s12 =	sxor.u32 s29, s12;
	s6 =	sxor.u32 s22, s6;
	s22 =	spop (drf)  }
0x220: {  	s10 =	sxor.u32 s26, s10;
	s18 =	sxor.u32 s21, s2;
	s24 =	spop (drf)  }
0x221: {  	s21 =	sxor.u32 s18, s20;
	s23 =	sxor.u32 s7, s22;
	s26 =	spop (drf)  }
0x222: {  	s0 =	ssub.s32 s21, s18;
	s7 =	ssub.s32 s23, s7;
	s29 =	spop (drf)  }
0x223: {  	v15 =	vmov s0;
	s25 =	sxor.u32 s5, s24;
	s28 =	sxor.u32 s17, s26;
	s2 =	spop (drf)  }
0x224: {  	v15 =	vsel vm0, s7, v15;
	s0 =	ssub.s32 s25, s5;
	s30 =	ssub.s32 s28, s17;
	s17 =	spop (drf)  }
0x225: {  	v15 =	vsel vm1, s0, v15;
	s31 =	sxor.u32 s13, s29;
	s20 =	spop (drf)  }
0x226: {  	s5 =	sld [smem:$0x7E7];
	v15 =	vsel vm2, s30, v15;
	s11 =	ssub.s32 s31, s13;
	s23 =	spop (drf)  }
0x227: {  	s13 =	sxor.u32 s12, s2;
	v15 =	vsel vm3, s11, v15;
	s11 =	sld [smem:$0x7B5];
	s26 =	spop (drf)  }
0x228: {  	s18 =	ssub.s32 s13, s12;
	s12 =	sld [smem:$0x7E8];
	s29 =	sxor.u32 s6, s26  }
0x229: {  	s19 =	sxor.u32 s15, s17;
	s31 =	ssub.s32 s29, s6;
	s6 =	sld [smem:$0x7B4]  }
0x22a: {  	s17 =	sld [smem:$0x7B6];
	s21 =	ssub.s32 s19, s15;
	s22 =	sxor.u32 s9, s20  }
0x22b: {  	v15 =	vsel vm4, s18, v15;
	s20 =	rddreg [dreg:$0x17];
	s24 =	ssub.s32 s22, s9;
	s25 =	sxor.u32 s10, s23  }
0x22c: {  	v15 =	vsel vm5, s21, v15;
	s21 =	sld [smem:$0x7B7];
	s28 =	ssub.s32 s25, s10;
	s2 =	sxor.u32 s5, s6  }
0x22d: {  	v15 =	vsel vm6, s24, v15;
	s30 =	spop (drf);
	s13 =	sxor.u32 s2, s16;
	s16 =	sld [smem:$0x7E9]  }
0x22e: {  	s23 =	rddreg [dreg:$0x15];
	v15 =	vsel vm7, s28, v15;
	s9 =	sxor.u32 s8, s30  }
0x22f: {  	s24 =	sld [smem:$0x7B8];
	v15 =	vsel vm8, s31, v15;
	s10 =	ssub.s32 s9, s8;
	s5 =	sxor.u32 s12, s11  }
0x230: {  	v15 =	vsel vm9, s10, v15;
	s18 =	sxor.u32 s5, s14;
	s15 =	ssub.s32 s13, s2;
	s2 =	sxor.u32 s16, s17  }
0x231: {  	s19 =	ssub.s32 s18, s5;
	s5 =	sxor.u32 s20, s21;
	v15 =	vsel vm10, s15, v15;
	s4 =	sxor.u32 s2, s4  }
0x232: {  	s3 =	sxor.u32 s5, s3;
	v15 =	vsel vm11, s19, v15;
	s22 =	ssub.s32 s4, s2;
	s2 =	sxor.u32 s23, s24  }
0x233: {  	s25 =	ssub.s32 s3, s5;
	v15 =	vsel vm12, s22, v15;
	s1 =	sxor.u32 s2, s1  }
0x234: {  	v15 =	vsel vm13, s25, v15;
	s26 =	ssub.s32 s1, s2  }
0x235: {  	v15 =	vsel vm14, s26, v15  }
0x236: {  	vm15 =	vgt.s32 v15, $0x0  }
0x237: {  	s28 =	rddreg [dreg:$0xb];
	v15 =	vnsel vm15, $0x0, v15  }
0x238: {  	s29 =	rddreg [dreg:$0x2];
	v16 =	vor.u32 s28, v4;
	v15 =	vmin.u32 v15, $0xFF  }
0x239: {  	s30 =	simm.s32 $0x0;
	s0 =	sadd.s32 $0x10, s29;
	v15 =	vpsel p0, v16, v15  }
0x23a: {  	s31 =	sand.u32 $0xF0, s30;
	[tilespmem:s0+$0x0] =	vst v15  }
0x23b: {  	v15 =	vld [tilespmem:s31+$0xF400]  }
0x23c: {  	v16 =	vld [tilespmem:s31+$0xF100]  }
0x23d: {  	v17 =	vld [tilespmem:s31+$0xF700]  }
0x23e: {  	v18 =	vld [tilespmem:s31+$0xFA00]  }
0x23f: {  	v19 =	vld [tilespmem:s31+$0xFD00]  }
0x240: {  	v20 =	vld [tilespmem:s31+$0x10000]  }
0x241: {  	v15 =	vadd.s32 v16, v15;
	v16 =	vld [tilespmem:s31+$0x10300]  }
0x242: {  	v15 =	vadd.s32 v15, v17;
	v17 =	vld [tilespmem:s31+$0x10600]  }
0x243: {  	v15 =	vadd.s32 v15, v18;
	v18 =	vld [tilespmem:s31+$0x10900]  }
0x244: {  	v15 =	vadd.s32 v15, v19;
	v19 =	vld [tilespmem:s31+$0x10C00]  }
0x245: {  	v15 =	vadd.s32 v15, v20;
	v20 =	vld [tilespmem:s31+$0x10F00]  }
0x246: {  	v15 =	vadd.s32 v15, v16;
	v16 =	vld [tilespmem:s31+$0x11200]  }
0x247: {  	v15 =	vadd.s32 v15, v17;
	v17 =	vld [tilespmem:s31+$0x11500]  }
0x248: {  	v15 =	vadd.s32 v15, v18;
	v18 =	vld [tilespmem:s31+$0x11800]  }
0x249: {  	v15 =	vadd.s32 v15, v19;
	v19 =	vld [tilespmem:s31+$0x11B00]  }
0x24a: {  	v15 =	vadd.s32 v15, v20;
	v20 =	vld [tilespmem:s31+$0x11E00]  }
0x24b: {  	v15 =	vadd.s32 v15, v16  }
0x24c: {  	v15 =	vadd.s32 v15, v17  }
0x24d: {  	v15 =	vadd.s32 v15, v18  }
0x24e: {  	v15 =	vadd.s32 v15, v19  }
0x24f: {  	v15 =	vadd.s32 v15, v20  }
0x250: {  	(xrf0) =	vadd.scan.msk.s32 $0xffff, v15;
	_ =	sdelay $0x5  }
0x251: {  	v16, _, _ =	vpop (xrf0)  }
0x252: {  	s3 =	simm.s32 $0x10;
	s4 =	simm.s32 $0x12300;
	v16 =	vadd.s32 s30, v16  }
0x253: {  	s1 =	sand.u32 $0xF0, s3;
	[tilespmem:s4+$0x0] =	vst v16;
	v16 =	vxor.u32 $0x80000000, v16  }
0x254: {  	v17 =	vmov s30;
	v20 =	vld [tilespmem:s1+$0xF400];
	(xrf0) =	vmax.scan.msk.u32 $0xffff, v16  }
0x255: {  	v16 =	vshll.u32 v17, $0x13;
	v21 =	vld [tilespmem:s1+$0xF100]  }
0x256: {  	v19 =	vld [tilespmem:s1+$0xF700];
	v16 =	vor.u32 v6, v16  }
0x257: {  	vm15 =	vgt.s32 v15, $0x0;
	v17 =	vld [tilespmem:s1+$0xFA00];
	v15 =	vadd.s32 v16, v15  }
0x258: {  	v22 =	vimm.s32 $0xFFFFFFFF;
	v18 =	vld [tilespmem:s1+$0xFD00];
	v15 =	vnsel vm15, $0xFFFFFFFF, v15  }
0x259: {  	v16 =	vld [tilespmem:s1+$0x10000];
	vm15 =	vgt.s32 v22, v15  }
0x25a: {  	s2 =	simm.s32 $0x30;
	s0 =	simm.s32 $0x20;
	v15 =	vsel vm15, v22, v15;
	v22 =	vadd.s32 v21, v20;
	v20 =	vld [tilespmem:s1+$0x10300];
	v21, _, _ =	vpop (xrf0)  }
.LBB2_12:
0x25b: {  	p0 =	sne.s32 s2, $0xF0;
	v19 =	vadd.s32 v22, v19;
	v22 =	vld [tilespmem:s1+$0x10600];
	(v2sf) =	vpush v21, $0xF  }
0x25c: {  	v17 =	vadd.s32 v19, v17;
	v19 =	vld [tilespmem:s1+$0x10900]  }
0x25d: {  	v17 =	vadd.s32 v17, v18;
	v18 =	vld [tilespmem:s1+$0x10C00]  }
0x25e: {  	v16 =	vadd.s32 v17, v16;
	v17 =	vld [tilespmem:s1+$0x10F00]  }
0x25f: {  	v16 =	vadd.s32 v16, v20;
	v20 =	vld [tilespmem:s1+$0x11200]  }
0x260: {  	v16 =	vadd.s32 v16, v22;
	v21 =	vld [tilespmem:s1+$0x11500]  }
0x261: {  	v16 =	vadd.s32 v16, v19;
	v19 =	vld [tilespmem:s1+$0x11800]  }
0x262: {  	v16 =	vadd.s32 v16, v18;
	v18 =	vld [tilespmem:s1+$0x11B00]  }
0x263: {  	v16 =	vadd.s32 v16, v17;
	v17 =	vld [tilespmem:s1+$0x11E00]  }
0x264: {  	v16 =	vadd.s32 v16, v20  }
0x265: {  	v16 =	vadd.s32 v16, v21  }
0x266: {  	v16 =	vadd.s32 v16, v19;
	v19 =	vmov s3;
	s3 =	smov.u32 s0;
	s0 =	smov.u32 s2  }
0x267: {  	v16 =	vadd.s32 v16, v18;
	v18 =	vshll.u32 v19, $0x13  }
0x268: {  	v16 =	vadd.s32 v16, v17;
	v17 =	vor.u32 v6, v18  }
0x269: {  	vm15 =	vgt.s32 v16, $0x0;
	v17 =	vadd.s32 v17, v16;
	(xrf0) =	vadd.scan.msk.s32 $0xffff, v16  }
0x26a: {  	v16 =	vnsel vm15, $0xFFFFFFFF, v17;
	s1 =	spop (v2sf)  }
0x26b: {  	vm15 =	vgt.s32 v15, v16;
	s1 =	sxor.u32 $0x80000000, s1  }
0x26c: {  	v15 =	vsel vm15, v15, v16;
	_ =	sdelay $0x2  }
0x26d: {  	v16, _, _ =	vpop (xrf0)  }
0x26e: {  	s4 =	sadd.s32 $0x10, s4;
	v16 =	vadd.s32 s1, v16  }
0x26f: {  	s1 =	sand.u32 $0xF0, s3;
	[tilespmem:s4+$0x0] =	vst v16;
	v16 =	vxor.u32 $0x80000000, v16  }
0x270: {  	v20 =	vld [tilespmem:s1+$0xF400];
	(xrf0) =	vmax.scan.msk.u32 $0xffff, v16  }
0x271: {  	v21 =	vld [tilespmem:s1+$0xF100]  }
.Ltmp5:
0x272: {  	v19 =	vld [tilespmem:s1+$0xF700];
	(pc) =	sbr.rel @p0 .LBB2_12-.Ltmp5, $4  }
0x273: {  	v17 =	vld [tilespmem:s1+$0xFA00]  }
0x274: {  	v18 =	vld [tilespmem:s1+$0xFD00]  }
0x275: {  	v16 =	vld [tilespmem:s1+$0x10000]  }
0x276: {  	s2 =	sadd.s32 $0x10, s2;
	v22 =	vadd.s32 v21, v20;
	v20 =	vld [tilespmem:s1+$0x10300];
	v21, _, _ =	vpop (xrf0)  }
0x277: {  	v19 =	vadd.s32 v22, v19;
	v52 =	vld [tilespmem:s1+$0x10600]  }
0x278: {  	v17 =	vadd.s32 v19, v17;
	v19 =	vld [tilespmem:s1+$0x10900]  }
0x279: {  	v17 =	vadd.s32 v17, v18;
	v18 =	vld [tilespmem:s1+$0x10C00]  }
0x27a: {  	v16 =	vadd.s32 v17, v16;
	v17 =	vld [tilespmem:s1+$0x10F00]  }
0x27b: {  	(v2sf) =	vpush v21, $0xF;
	v53 =	vld [tilespmem:s1+$0x11200];
	v16 =	vadd.s32 v16, v20  }
0x27c: {  	v54 =	vld [tilespmem:s1+$0x11500];
	v16 =	vadd.s32 v16, v52  }
0x27d: {  	v16 =	vadd.s32 v16, v19;
	v19 =	vld [tilespmem:s1+$0x11800]  }
0x27e: {  	v16 =	vadd.s32 v16, v18;
	v18 =	vld [tilespmem:s1+$0x11B00]  }
0x27f: {  	v16 =	vadd.s32 v16, v17;
	v17 =	vld [tilespmem:s1+$0x11E00]  }
0x280: {  	v16 =	vadd.s32 v16, v53  }
0x281: {  	v16 =	vadd.s32 v16, v54  }
0x282: {  	v16 =	vadd.s32 v16, v19  }
0x283: {  	v16 =	vadd.s32 v16, v18  }
0x284: {  	v16 =	vadd.s32 v16, v17  }
0x285: {  	(xrf0) =	vadd.scan.msk.s32 $0xffff, v16;
	_ =	sdelay $0x4  }
0x286: {  	s7 =	spop (v2sf)  }
0x287: {  	s1 =	sxor.u32 $0x80000000, s7;
	v17, _, _ =	vpop (xrf0)  }
0x288: {  	s8 =	sadd.s32 $0x10, s4;
	v17 =	vadd.s32 s1, v17  }
0x289: {  	s2 =	sand.u32 $0xF0, s0;
	[tilespmem:s8+$0x0] =	vst v17  }
0x28a: {  	v18 =	vld [tilespmem:s2+$0xF400]  }
0x28b: {  	v19 =	vld [tilespmem:s2+$0xF100]  }
0x28c: {  	v55 =	vld [tilespmem:s2+$0xF700]  }
0x28d: {  	v17 =	vxor.u32 $0x80000000, v17;
	v56 =	vld [tilespmem:s2+$0xFA00]  }
0x28e: {  	(xrf0) =	vmax.scan.msk.u32 $0xffff, v17;
	v17 =	vld [tilespmem:s2+$0xFD00]  }
0x28f: {  	v57 =	vld [tilespmem:s2+$0x10000]  }
0x290: {  	v18 =	vadd.s32 v19, v18;
	v19 =	vld [tilespmem:s2+$0x10300]  }
0x291: {  	v58 =	vld [tilespmem:s2+$0x10600];
	v18 =	vadd.s32 v18, v55  }
0x292: {  	v59 =	vld [tilespmem:s2+$0x10900];
	v18 =	vadd.s32 v18, v56  }
0x293: {  	v17 =	vadd.s32 v18, v17;
	v18 =	vld [tilespmem:s2+$0x10C00]  }
0x294: {  	v60 =	vld [tilespmem:s2+$0x10F00];
	v17 =	vadd.s32 v17, v57  }
0x295: {  	v17 =	vadd.s32 v17, v19;
	v19 =	vld [tilespmem:s2+$0x11200]  }
0x296: {  	v61 =	vld [tilespmem:s2+$0x11500];
	v17 =	vadd.s32 v17, v58  }
0x297: {  	v62 =	vld [tilespmem:s2+$0x11800];
	v17 =	vadd.s32 v17, v59  }
0x298: {  	v17 =	vadd.s32 v17, v18;
	v18 =	vld [tilespmem:s2+$0x11B00]  }
0x299: {  	v17 =	vadd.s32 v17, v60  }
0x29a: {  	v17 =	vadd.s32 v17, v19  }
0x29b: {  	v17 =	vadd.s32 v17, v61  }
0x29c: {  	v17 =	vadd.s32 v17, v62  }
0x29d: {  	v17 =	vadd.s32 v17, v18;
	v18 =	vmov s3  }
0x29e: {  	v18 =	vshll.u32 v18, $0x13  }
0x29f: {  	v63 =	vld [tilespmem:s2+$0x11E00];
	v18 =	vor.u32 v6, v18  }
0x2a0: {  	vm15 =	vgt.s32 v16, $0x0;
	v23, _, _ =	vpop (xrf0);
	v16 =	vadd.s32 v18, v16  }
0x2a1: {  	(v2sf) =	vpush v23, $0xF;
	v19 =	vmov s0;
	v16 =	vnsel vm15, $0xFFFFFFFF, v16  }
0x2a2: {  	v18 =	vshll.u32 v19, $0x13;
	v19 =	vimm.s32 $0x0;
	vm15 =	vgt.s32 v15, v16  }
0x2a3: {  	v19 =	vsel vm15, $0xFFFFFFFF, v19  }
0x2a4: {  	v17 =	vadd.s32 v17, v63;
	v18 =	vor.u32 v6, v18;
	[tilespmem:$0x1FFC0] =	vst v19  }
0x2a5: {  	(xrf0) =	vadd.scan.msk.s32 $0xffff, v17;
	vm15 =	vgt.s32 v17, $0x0;
	v17 =	vadd.s32 v18, v17;
	v18 =	vld [tilespmem:$0x1FFC0];
	_ =	sdelay $0x2  }
0x2a6: {  	v19 =	vimm.s32 $0x0  }
0x2a7: {  	v19 =	vsel vm15, $0xFFFFFFFF, v19  }
0x2a8: {  	[tilespmem:$0x1FFD0] =	vst v19;
	vm15 =	vnez.u8 v18  }
0x2a9: {  	v15 =	vsel vm15, v15, v16;
	v16 =	vld [tilespmem:$0x1FFD0];
	_ =	sdelay $0x4  }
0x2aa: {  	s9 =	spop (v2sf);
	vm15 =	vnez.u8 v16  }
0x2ab: {  	s0 =	sxor.u32 $0x80000000, s9;
	v16 =	vnsel vm15, $0xFFFFFFFF, v17;
	v17, _, _ =	vpop (xrf0)  }
0x2ac: {  	vm15 =	vgt.s32 v15, v16;
	v17 =	vadd.s32 s0, v17  }
0x2ad: {  	v15 =	vsel vm15, v15, v16;
	v16 =	vxor.u32 $0x80000000, v17  }
0x2ae: {  	(xrf0) =	vmax.scan.msk.u32 $0xffff, v16;
	v15 =	vxor.u32 $0x80000000, v15  }
0x2af: {  	(xrf0) =	vmax.scan.msk.u32 $0xffff, v15;
	_ =	sdelay $0x4  }
0x2b0: {  	v15, _, _ =	vpop (xrf0)  }
0x2b1: {  	(v2sf) =	vpush v15, $0xF;
	v15, _, _ =	vpop (xrf0)  }
0x2b2: {  	(v2sf) =	vpush v15, $0xF;
	_ =	sdelay $0xd  }
0x2b3: {  	s10 =	spop (v2sf)  }
0x2b4: {  	s0 =	spop (v2sf)  }
0x2b5: {  	s0 =	sand.u32 $0x7FFFF, s0  }
0x2b6: {  	s11 =	ssub.s32 $0x40000, s0  }
0x2b7: {  	s12 =	smulhi.u32 $0x80808081, s11;
	s13 =	sshra.s32 s11, $0x1F  }
0x2b8: {  	s4 =	smul.u32 $0x80808081, s13  }
0x2b9: {  	s3 =	ssub.s32 s12, s11  }
0x2ba: {  	s3 =	sadd.s32 s4, s3  }
0x2bb: {  	s2 =	sadd.s32 s11, s3  }
0x2bc: {  	s3 =	sshra.s32 s2, $0x7;
	s14 =	sshrl.u32 s2, $0x1F  }
0x2bd: {  	s3 =	sadd.s32 s14, s3  }
0x2be: {  	p0 =	sgt.s32 s3, $0x1  }
0x2bf: {  	s3 =	simm.s32 @!p0 $0x1  }
0x2c0: {  	v15 =	vmov s3  }
0x2c1: {  	(v2sf) =	vpush v15, $0xE  }
0x2c2: {  	(v2sf) =	vpush v15, $0xD  }
0x2c3: {  	(v2sf) =	vpush v15, $0xC  }
0x2c4: {  	(v2sf) =	vpush v15, $0xB  }
0x2c5: {  	s15 =	simm.s32 $0x0;
	(v2sf) =	vpush v15, $0xA  }
0x2c6: {  	v16 =	vadd.s32 s15, v7;
	(v2sf) =	vpush v15, $0x9  }
0x2c7: {  	vm15 =	vgt.s32 v16, $0x0;
	(v2sf) =	vpush v15, $0x8  }
0x2c8: {  	v16 =	vnsel vm15, $0x0, v16;
	(v2sf) =	vpush v15, $0x7  }
0x2c9: {  	(v2sf) =	vpush v15, $0x6  }
0x2ca: {  	(v2sf) =	vpush v15, $0x5  }
0x2cb: {  	s1 =	sadd.s32 $0x10, s8;
	(v2sf) =	vpush v15, $0x4  }
0x2cc: {  	s16 =	simm.s32 $0x12300;
	[tilespmem:s1+$0x0] =	vst v17;
	(v2sf) =	vpush v15, $0x3  }
0x2cd: {  	v17 =	vld.idx.msk [tilespmem:v16+s16+$0x0], $0xffff;
	(v2sf) =	vpush v15, $0x2  }
0x2ce: {  	(v2sf) =	vpush v15, $0x1  }
0x2cf: {  	(v2sf) =	vpush v15, $0x0  }
0x2d0: {  	v16 =	vmov s15;
	s17 =	sshra.s32 s2, $0x8;
	s19 =	spop (v2sf)  }
0x2d1: {  	vm15 =	veq.s32 v16, v4;
	s1 =	sadd.s32 s14, s17;
	(v2sf) =	vpush v15, $0xF;
	s16 =	spop (v2sf)  }
0x2d2: {  	s31 =	simm.s32 $0x0;
	v17 =	vsel vm15, $0x0, v17;
	v16 =	vmov s1;
	s25 =	spop (v2sf)  }
0x2d3: {  	[dreg:$0xc] =	wrdreg s31;
	s0 =	sadd.s32 $0xFFFC00FE, s0;
	v17 =	vadd.s32 v16, v17;
	s3 =	spop (v2sf)  }
0x2d4: {  	s1 =	simm.s32 $0x10;
	p0 =	slt.u32 s0, $0x1FD;
	(v2sf) =	vpush v17, $0xE;
	s9 =	spop (v2sf)  }
0x2d5: {  	s20 =	sshra.s32 s19, $0x1F;
	(v2sf) =	vpush v17, $0xD;
	s8 =	sshra.s32 s16, $0x1F;
	s18 =	spop (v2sf)  }
0x2d6: {  	(v2sf) =	vpush v17, $0xC;
	s11 =	sshra.s32 s25, $0x1F;
	s13 =	sshra.s32 s3, $0x1F;
	s21 =	spop (v2sf)  }
0x2d7: {  	s0 =	sshra.s32 s9, $0x1F;
	(v2sf) =	vpush v17, $0xB;
	[dreg:$0x1b] =	wrdreg s18;
	s22 =	spop (v2sf)  }
0x2d8: {  	s23 =	sshra.s32 s18, $0x1F;
	(v2sf) =	vpush v17, $0xA;
	[dreg:$0x12] =	wrdreg s21;
	s10 =	spop (v2sf)  }
0x2d9: {  	s24 =	sshra.s32 s21, $0x1F;
	[smem:$0x7A9] =	sst s23;
	(v2sf) =	vpush v17, $0x9;
	s15 =	spop (v2sf)  }
0x2da: {  	[smem:$0x7A8] =	sst s22;
	s22 =	sshra.s32 s22, $0x1F;
	(v2sf) =	vpush v17, $0x8;
	s6 =	spop (v2sf)  }
0x2db: {  	[smem:$0x7AC] =	sst s10;
	s29 =	sshra.s32 s10, $0x1F;
	(v2sf) =	vpush v17, $0x7;
	s30 =	spop (v2sf)  }
0x2dc: {  	(v2sf) =	vpush v17, $0x6;
	[smem:$0x7AA] =	sst s6;
	s26 =	sshra.s32 s6, $0x1F;
	s17 =	spop (v2sf)  }
0x2dd: {  	(v2sf) =	vpush v17, $0x5;
	[smem:$0x7AB] =	sst s26;
	s26 =	sshra.s32 s15, $0x1F;
	s5 =	spop (v2sf)  }
0x2de: {  	s18 =	sshra.s32 s30, $0x1F;
	(v2sf) =	vpush v17, $0x4;
	s6 =	smov.u32 s17;
	s14 =	spop (v2sf)  }
0x2df: {  	s17 =	smov.u32 s5;
	(v2sf) =	vpush v17, $0x3;
	s5 =	smov.u32 s15;
	s21 =	sshra.s32 s6, $0x1F  }
0x2e0: {  	s7 =	spop (v2sf);
	s28 =	sshra.s32 s17, $0x1F;
	(v2sf) =	vpush v17, $0x2;
	[smem:$0x7AD] =	sst s14  }
0x2e1: {  	s23 =	sshra.s32 s14, $0x1F;
	(v2sf) =	vpush v17, $0x1;
	s12 =	smov.u32 s7;
	s2 =	sshra.s32 s7, $0x1F  }
.LBB2_14:
0x2e2: {  	[smem:$0x7A2] =	sst s0  }
0x2e3: {  	[smem:$0x7A4] =	sst s11  }
0x2e4: {  	[smem:$0x7A3] =	sst s13  }
0x2e5: {  	[dreg:$0x7] =	wrdreg s1  }
0x2e6: {  	[smem:$0x7A6] =	sst s20  }
0x2e7: {  	[dreg:$0x18] =	wrdreg s8  }
0x2e8: {  	s4 =	sxor.u32 s8, s16;
	s16 =	rddreg [dreg:$0x1b]  }
0x2e9: {  	[smem:$0x77E] =	sst s26  }
0x2ea: {  	[smem:$0x77D] =	sst s24  }
0x2eb: {  	s7 =	sxor.u32 s13, s3;
	[smem:$0x770] =	sst s4  }
0x2ec: {  	s14 =	sxor.u32 s11, s25;
	[smem:$0x771] =	sst s7  }
0x2ed: {  	[smem:$0x772] =	sst s14  }
0x2ee: {  	s7 =	smov.u32 s29;
	s29 =	sld [smem:$0x7A9]  }
0x2ef: {  	s4 =	sxor.u32 s20, s19;
	s19 =	sld [smem:$0x7A8]  }
0x2f0: {  	s10 =	smov.u32 s20;
	s15 =	spop (v2sf);
	s20 =	rddreg [dreg:$0x12]  }
0x2f1: {  	s31 =	smov.u32 s18;
	[smem:$0x779] =	sst s15  }
0x2f2: {  	s18 =	spop (v2sf);
	s4 =	ssub.s32 s4, s10;
	s10 =	sld [smem:$0x771]  }
0x2f3: {  	s14 =	sxor.u32 s0, s9;
	[smem:$0x778] =	sst s18  }
0x2f4: {  	s6 =	sxor.u32 s21, s6;
	s0 =	ssub.s32 s14, s0;
	[smem:$0x784] =	sst s4  }
0x2f5: {  	s14 =	ssub.s32 s6, s21;
	[smem:$0x78B] =	sst s0  }
0x2f6: {  	[smem:$0x793] =	sst s14  }
0x2f7: {  	s25 =	spop (v2sf);
	[smem:$0x7A9] =	sst s29  }
0x2f8: {  	p1 =	sne.s32 s1, $0xF0;
	[smem:$0x77B] =	sst s25  }
0x2f9: {  	s15 =	sxor.u32 s24, s20;
	s1 =	sxor.u32 s29, s16;
	s16 =	sld [smem:$0x7AC]  }
0x2fa: {  	s3 =	sxor.u32 s22, s19;
	s25 =	sxor.u32 s31, s30;
	s30 =	sld [smem:$0x7AB]  }
0x2fb: {  	s19 =	sxor.u32 s26, s5;
	s20 =	spop (v2sf);
	s5 =	sld [smem:$0x7AA]  }
0x2fc: {  	[smem:$0x77A] =	sst s20  }
0x2fd: {  	[smem:$0x774] =	sst s25  }
0x2fe: {  	s4 =	ssub.s32 s19, s26;
	s19 =	rddreg [dreg:$0xc]  }
0x2ff: {  	s25 =	spop (v2sf);
	s6 =	sld [smem:$0x77B]  }
0x300: {  	s1 =	ssub.s32 s1, s29;
	[smem:$0x780] =	sst s25  }
0x301: {  	[smem:$0x79A] =	sst s1  }
0x302: {  	[smem:$0x796] =	sst s4  }
0x303: {  	[dreg:$0xc] =	wrdreg s19  }
0x304: {  	s9 =	smov.u32 s7;
	s19 =	sld [smem:$0x779];
	s18 =	sxor.u32 s7, s16  }
0x305: {  	s20 =	sxor.u32 s30, s5;
	s7 =	sxor.u32 s28, s17;
	s17 =	sld [smem:$0x7AD]  }
0x306: {  	s5 =	sxor.u32 s2, s12;
	s12 =	ssub.s32 s10, s13;
	s13 =	sld [smem:$0x772]  }
0x307: {  	s25 =	sshra.s32 s25, $0x1F;
	s10 =	sld [smem:$0x774]  }
0x308: {  	[smem:$0x77F] =	sst s25  }
0x309: {  	[smem:$0x773] =	sst s18  }
0x30a: {  	s16 =	spop (v2sf);
	[smem:$0x775] =	sst s7  }
0x30b: {  	[smem:$0x77C] =	sst s16  }
0x30c: {  	[smem:$0x777] =	sst s5  }
0x30d: {  	s7 =	sld [smem:$0x770]  }
0x30e: {  	s16 =	spop (v2sf);
	[smem:$0x789] =	sst s12  }
0x30f: {  	[smem:$0x782] =	sst s16  }
0x310: {  	s18 =	sxor.u32 s23, s17;
	s17 =	ssub.s32 s13, s11;
	s13 =	sld [smem:$0x775]  }
0x311: {  	[smem:$0x776] =	sst s18  }
0x312: {  	[smem:$0x788] =	sst s17  }
0x313: {  	s11 =	ssub.s32 s20, s30;
	s8 =	ssub.s32 s7, s8;
	s7 =	sld [smem:$0x773]  }
0x314: {  	s18 =	smov.u32 s2;
	[smem:$0x795] =	sst s11  }
0x315: {  	s2 =	ssub.s32 s3, s22;
	s3 =	ssub.s32 s15, s24;
	s24 =	sld [smem:$0x777]  }
0x316: {  	[smem:$0x786] =	sst s8  }
0x317: {  	[smem:$0x798] =	sst s2  }
0x318: {  	[smem:$0x799] =	sst s3  }
0x319: {  	s8 =	spop (v2sf);
	s20 =	sld [smem:$0x776]  }
0x31a: {  	[smem:$0x783] =	sst s8  }
0x31b: {  	s5 =	spop (v2sf);
	s25 =	sshra.s32 s8, $0x1F;
	s8 =	sld [smem:$0x77C]  }
0x31c: {  	[smem:$0x785] =	sst s5  }
0x31d: {  	s0 =	ssub.s32 s7, s9;
	s7 =	sld [smem:$0x778]  }
0x31e: {  	s15 =	smov.u32 s9;
	s9 =	sld [smem:$0x77A]  }
0x31f: {  	s12 =	spop (v2sf);
	s29 =	sshra.s32 s5, $0x1F;
	s5 =	sld [smem:$0x7A9]  }
0x320: {  	[smem:$0x787] =	sst s12  }
0x321: {  	(v2sf) =	vpush v17, $0x0;
	s3 =	spop (v2sf);
	[smem:$0x797] =	sst s0  }
0x322: {  	s0 =	ssub.s32 s10, s31;
	[smem:$0x792] =	sst s3  }
0x323: {  	s4 =	spop (v2sf);
	[smem:$0x794] =	sst s0  }
0x324: {  	s0 =	ssub.s32 s13, s28;
	[smem:$0x790] =	sst s4  }
0x325: {  	s13 =	sshra.s32 s19, $0x1F;
	[smem:$0x791] =	sst s0  }
0x326: {  	s17 =	smov.u32 s31;
	s11 =	spop (v2sf);
	[smem:$0x7A7] =	sst s13  }
0x327: {  	s0 =	ssub.s32 s20, s23;
	s14 =	sshra.s32 s7, $0x1F;
	[smem:$0x78E] =	sst s11  }
0x328: {  	s31 =	sshra.s32 s9, $0x1F;
	s20 =	sshra.s32 s12, $0x1F;
	[smem:$0x78F] =	sst s0  }
0x329: {  	[smem:$0x781] =	sst s31;
	s12 =	sshra.s32 s11, $0x1F;
	s11 =	sshra.s32 s4, $0x1F  }
0x32a: {  	s4 =	sxor.u32 s15, s29;
	s15 =	sxor.u32 s22, s25;
	s22 =	sld [smem:$0x77D]  }
0x32b: {  	s1 =	spop (v2sf);
	[smem:$0x7A5] =	sst s14  }
0x32c: {  	(v2sf) =	vpush v17, $0xF;
	s0 =	ssub.s32 s24, s18;
	[smem:$0x78C] =	sst s1  }
0x32d: {  	[smem:$0x78D] =	sst s0  }
0x32e: {  	[smem:$0x79E] =	sst s4  }
0x32f: {  	s10 =	sshra.s32 s16, $0x1F;
	[smem:$0x79F] =	sst s15  }
0x330: {  	s16 =	sshra.s32 s3, $0x1F;
	s2 =	spop (v2sf);
	s15 =	sld [smem:$0x77E]  }
0x331: {  	s0 =	sshra.s32 s8, $0x1F;
	s4 =	sxor.u32 s17, s11;
	s17 =	sld [smem:$0x780]  }
0x332: {  	[smem:$0x78A] =	sst s2;
	s3 =	sshra.s32 s2, $0x1F;
	s2 =	sxor.u32 s5, s0  }
0x333: {  	[smem:$0x7A1] =	sst s2;
	s2 =	sxor.u32 s22, s10  }
0x334: {  	[smem:$0x7A0] =	sst s2;
	s2 =	sxor.u32 s15, s20  }
0x335: {  	s26 =	smov.u32 s23;
	s31 =	sshra.s32 s1, $0x1F;
	[smem:$0x79D] =	sst s2  }
0x336: {  	s2 =	sxor.u32 s13, s19;
	s19 =	sxor.u32 s28, s31;
	s28 =	sld [smem:$0x781]  }
0x337: {  	s7 =	sxor.u32 s14, s7;
	s5 =	smov.u32 s10;
	[smem:$0x79B] =	sst s4  }
0x338: {  	s10 =	sxor.u32 s30, s16;
	s30 =	sxor.u32 s21, s12;
	s21 =	smov.u32 s14  }
0x339: {  	s4 =	sxor.u32 s28, s9;
	s9 =	ssub.s32 s7, s21;
	s21 =	sld [smem:$0x784]  }
0x33a: {  	s23 =	sshra.s32 s6, $0x1F;
	[smem:$0x79C] =	sst s10;
	s10 =	smov.u32 s13  }
0x33b: {  	s24 =	spop (v2sf);
	s22 =	sld [smem:$0x782];
	s2 =	ssub.s32 s2, s10  }
0x33c: {  	s1 =	sshra.s32 s24, $0x1F;
	(drf) =	sdiv.u32 s2, s21;
	s2 =	sld [smem:$0x785]  }
0x33d: {  	s6 =	sxor.u32 s23, s6;
	s14 =	sxor.u32 s18, s1;
	s18 =	sld [smem:$0x77F]  }
0x33e: {  	s15 =	sxor.u32 s5, s22;
	s22 =	smov.u32 s5;
	s5 =	sld [smem:$0x783]  }
0x33f: {  	s21 =	sxor.u32 s29, s2;
	s2 =	ssub.s32 s6, s23;
	s6 =	sld [smem:$0x786]  }
0x340: {  	s7 =	sld [smem:$0x787]  }
0x341: {  	s10 =	sxor.u32 s25, s5;
	s5 =	sxor.u32 s1, s24;
	s24 =	sld [smem:$0x789]  }
0x342: {  	s13 =	sxor.u32 s26, s3;
	(drf) =	sdiv.u32 s9, s6;
	s9 =	sld [smem:$0x788]  }
0x343: {  	s26 =	sxor.u32 s18, s17;
	s1 =	ssub.s32 s5, s1;
	s5 =	sld [smem:$0x78E]  }
0x344: {  	s4 =	ssub.s32 s4, s28;
	s6 =	sxor.u32 s20, s7;
	s7 =	sld [smem:$0x78B]  }
0x345: {  	(drf) =	sdiv.u32 s2, s9;
	s9 =	ssub.s32 s26, s18;
	s26 =	sld [smem:$0x78A]  }
0x346: {  	(drf) =	sdiv.u32 s4, s24;
	s24 =	sld [smem:$0x78C]  }
0x347: {  	s8 =	sxor.u32 s0, s8;
	(drf) =	sdiv.u32 s9, s7;
	s7 =	sld [smem:$0x78F]  }
0x348: {  	s17 =	smov.u32 s0;
	s0 =	sxor.u32 s3, s26;
	s26 =	sld [smem:$0x78D]  }
0x349: {  	s2 =	sxor.u32 s31, s24;
	s24 =	sld [smem:$0x791]  }
0x34a: {  	s9 =	ssub.s32 s0, s3;
	s3 =	sld [smem:$0x793];
	s4 =	ssub.s32 s2, s31  }
0x34b: {  	s2 =	sxor.u32 s12, s5;
	s31 =	sld [smem:$0x792];
	(drf) =	sdiv.u32 s1, s26  }
0x34c: {  	(drf) =	sdiv.u32 s9, s7;
	s9 =	ssub.s32 s2, s12;
	s12 =	sld [smem:$0x790]  }
0x34d: {  	s5 =	sld [smem:$0x794];
	s1 =	spop (drf)  }
0x34e: {  	(drf) =	sdiv.u32 s4, s24;
	s24 =	sld [smem:$0x798]  }
0x34f: {  	s2 =	sxor.u32 s11, s12;
	s12 =	ssub.s32 s21, s29;
	s21 =	sld [smem:$0x797]  }
0x350: {  	s26 =	ssub.s32 s2, s11;
	s2 =	sxor.u32 s16, s31;
	s11 =	sld [smem:$0x795]  }
0x351: {  	(drf) =	sdiv.u32 s9, s3;
	s2 =	ssub.s32 s2, s16;
	s16 =	sld [smem:$0x796]  }
0x352: {  	s31 =	sld [smem:$0x799];
	(drf) =	sdiv.u32 s26, s5  }
0x353: {  	s7 =	ssub.s32 s6, s20;
	(drf) =	sdiv.u32 s2, s11;
	s2 =	spop (drf)  }
0x354: {  	(drf) =	sdiv.u32 s7, s16;
	s0 =	spop (drf)  }
0x355: {  	(drf) =	sdiv.u32 s12, s21;
	s3 =	spop (drf)  }
0x356: {  	s20 =	ssub.s32 s10, s25;
	s12 =	sld [smem:$0x79A];
	s4 =	spop (drf)  }
0x357: {  	s22 =	ssub.s32 s15, s22;
	(drf) =	sdiv.u32 s20, s24;
	s26 =	spop (drf)  }
0x358: {  	s25 =	ssub.s32 s8, s17;
	(drf) =	sdiv.u32 s22, s31;
	s11 =	spop (drf)  }
0x359: {  	s10 =	sxor.u32 s14, s26;
	(drf) =	sdiv.u32 s25, s12;
	s25 =	sld [smem:$0x79B]  }
0x35a: {  	s5 =	ssub.s32 s10, s14;
	s10 =	sld [smem:$0x79C]  }
0x35b: {  	s15 =	sxor.u32 s13, s11;
	s16 =	spop (drf);
	s14 =	sld [smem:$0x79D]  }
0x35c: {  	s6 =	ssub.s32 s15, s13;
	s17 =	sxor.u32 s19, s16;
	s20 =	spop (drf)  }
0x35d: {  	v17 =	vmov s5;
	s5 =	ssub.s32 s17, s19;
	s22 =	spop (drf);
	s19 =	sld [smem:$0x79E]  }
0x35e: {  	v17 =	vsel vm0, s6, v17;
	s21 =	sxor.u32 s30, s20;
	s6 =	sld [smem:$0x7A0];
	s26 =	sxor.u32 s25, s22  }
0x35f: {  	v17 =	vsel vm1, s5, v17;
	s24 =	ssub.s32 s21, s30;
	s31 =	spop (drf);
	s8 =	ssub.s32 s26, s25  }
0x360: {  	v17 =	vsel vm2, s24, v17;
	s11 =	sxor.u32 s10, s31;
	s12 =	spop (drf);
	s24 =	sld [smem:$0x79F]  }
0x361: {  	s13 =	ssub.s32 s11, s10;
	s15 =	sxor.u32 s14, s12;
	s12 =	sld [smem:$0x7A1]  }
0x362: {  	v17 =	vsel vm3, s8, v17;
	s16 =	spop (drf);
	s17 =	ssub.s32 s15, s14;
	s14 =	sld [smem:$0x7A2]  }
0x363: {  	v17 =	vsel vm4, s13, v17;
	s20 =	sxor.u32 s19, s16;
	s16 =	sld [smem:$0x7A3]  }
0x364: {  	v17 =	vsel vm5, s17, v17;
	s17 =	sld [smem:$0x7A4]  }
0x365: {  	s21 =	spop (drf);
	s22 =	ssub.s32 s20, s19;
	s19 =	sld [smem:$0x7A5]  }
0x366: {  	s26 =	spop (drf);
	s20 =	sld [smem:$0x7A6]  }
0x367: {  	(v2sf) =	vpush v15, $0xE;
	s25 =	sxor.u32 s24, s21;
	s21 =	sld [smem:$0x7A7];
	s7 =	sxor.u32 s6, s26  }
0x368: {  	(v2sf) =	vpush v15, $0xD;
	v17 =	vsel vm6, s22, v17;
	s31 =	ssub.s32 s25, s24;
	s10 =	spop (drf);
	s11 =	ssub.s32 s7, s6  }
0x369: {  	(v2sf) =	vpush v15, $0xC;
	v17 =	vsel vm7, s31, v17;
	s13 =	sxor.u32 s12, s10;
	s7 =	sxor.u32 s14, s18;
	s6 =	sxor.u32 s16, s28  }
0x36a: {  	(v2sf) =	vpush v15, $0xB;
	s18 =	rddreg [dreg:$0x18];
	v17 =	vsel vm8, s11, v17;
	s15 =	ssub.s32 s13, s12;
	s4 =	sxor.u32 s7, s4  }
0x36b: {  	(v2sf) =	vpush v15, $0xA;
	s3 =	sxor.u32 s6, s3;
	s5 =	sxor.u32 s17, s23;
	v17 =	vsel vm9, s15, v17;
	s4 =	ssub.s32 s4, s7  }
0x36c: {  	(v2sf) =	vpush v15, $0x9;
	s3 =	ssub.s32 s3, s6;
	s0 =	sxor.u32 s5, s0;
	v17 =	vsel vm10, s4, v17;
	s4 =	sxor.u32 s18, s19  }
0x36d: {  	(v2sf) =	vpush v15, $0x8;
	s0 =	ssub.s32 s0, s5;
	v17 =	vsel vm11, s3, v17;
	s2 =	sxor.u32 s4, s2;
	s3 =	sxor.u32 s20, s21  }
0x36e: {  	(v2sf) =	vpush v15, $0x7;
	s23 =	rddreg [dreg:$0x7];
	v17 =	vsel vm12, s0, v17;
	s22 =	ssub.s32 s2, s4;
	s1 =	sxor.u32 s3, s1  }
0x36f: {  	(v2sf) =	vpush v15, $0x6;
	v18 =	vadd.s32 s23, v7;
	v17 =	vsel vm13, s22, v17;
	s24 =	ssub.s32 s1, s3  }
0x370: {  	(v2sf) =	vpush v15, $0x5;
	vm15 =	vgt.s32 v18, $0x0;
	v17 =	vsel vm14, s24, v17  }
0x371: {  	(v2sf) =	vpush v15, $0x4;
	v18 =	vnsel vm15, $0x0, v18;
	vm15 =	vgt.s32 v17, $0x0  }
0x372: {  	(v2sf) =	vpush v15, $0x3;
	s25 =	rddreg [dreg:$0xc];
	v17 =	vnsel vm15, $0x0, v17  }
0x373: {  	(v2sf) =	vpush v15, $0x2;
	v19 =	vor.u32 s25, v4;
	v17 =	vmin.u32 v17, $0xFF  }
0x374: {  	(v2sf) =	vpush v15, $0x1;
	s0 =	sand.u32 $0xF0, s25;
	v17 =	vpsel p0, v19, v17  }
0x375: {  	(v2sf) =	vpush v15, $0x0;
	s9 =	simm.s32 $0x12300;
	[tilespmem:s0+$0x12100] =	vst v17  }
0x376: {  	(v2sf) =	vpush v15, $0xF;
	s19 =	spop (v2sf);
	v17 =	vld.idx.msk [tilespmem:v18+s9+$0x0], $0xffff  }
0x377: {  	s16 =	spop (v2sf)  }
0x378: {  	s25 =	spop (v2sf);
	s1 =	rddreg [dreg:$0x7]  }
0x379: {  	s3 =	spop (v2sf);
	v18 =	vmov s1  }
0x37a: {  	s9 =	spop (v2sf);
	vm15 =	veq.s32 v18, v4  }
0x37b: {  	s31 =	spop (v2sf);
	v17 =	vsel vm15, $0x0, v17  }
0x37c: {  	s6 =	spop (v2sf);
	v17 =	vadd.s32 v16, v17  }
0x37d: {  	s20 =	sshra.s32 s19, $0x1F;
	s7 =	spop (v2sf);
	(v2sf) =	vpush v17, $0xE  }
0x37e: {  	s8 =	sshra.s32 s16, $0x1F;
	s11 =	sshra.s32 s25, $0x1F;
	s17 =	spop (v2sf);
	(v2sf) =	vpush v17, $0xD  }
0x37f: {  	s26 =	smov.u32 s1;
	s13 =	sshra.s32 s3, $0x1F;
	s10 =	spop (v2sf);
	(v2sf) =	vpush v17, $0xC  }
0x380: {  	[dreg:$0xc] =	wrdreg s26;
	s1 =	sadd.s32 $0x10, s1;
	s12 =	spop (v2sf);
	(v2sf) =	vpush v17, $0xB  }
0x381: {  	s0 =	sshra.s32 s9, $0x1F;
	[dreg:$0x1b] =	wrdreg s31;
	s30 =	spop (v2sf);
	(v2sf) =	vpush v17, $0xA  }
0x382: {  	s26 =	sshra.s32 s31, $0x1F;
	[dreg:$0x12] =	wrdreg s6;
	s15 =	spop (v2sf);
	(v2sf) =	vpush v17, $0x9  }
0x383: {  	s24 =	sshra.s32 s6, $0x1F;
	[smem:$0x7A9] =	sst s26;
	s21 =	spop (v2sf);
	(v2sf) =	vpush v17, $0x8  }
0x384: {  	[smem:$0x7A8] =	sst s7;
	s22 =	sshra.s32 s7, $0x1F;
	s23 =	spop (v2sf);
	(v2sf) =	vpush v17, $0x7  }
0x385: {  	[smem:$0x7AC] =	sst s17;
	s29 =	sshra.s32 s17, $0x1F;
	s14 =	spop (v2sf);
	(v2sf) =	vpush v17, $0x6  }
.Ltmp6:
0x386: {  	[smem:$0x7AA] =	sst s12;
	s31 =	sshra.s32 s12, $0x1F;
	(v2sf) =	vpush v17, $0x5;
	(pc) =	sbr.rel @p1 .LBB2_14-.Ltmp6, $4  }
0x387: {  	s5 =	smov.u32 s10;
	s26 =	sshra.s32 s10, $0x1F;
	[smem:$0x7AB] =	sst s31;
	(v2sf) =	vpush v17, $0x4  }
0x388: {  	s18 =	sshra.s32 s30, $0x1F;
	s6 =	smov.u32 s15;
	s17 =	smov.u32 s21;
	(v2sf) =	vpush v17, $0x3  }
0x389: {  	s28 =	sshra.s32 s21, $0x1F;
	s21 =	sshra.s32 s6, $0x1F;
	[smem:$0x7AD] =	sst s23;
	(v2sf) =	vpush v17, $0x2  }
0x38a: {  	s23 =	sshra.s32 s23, $0x1F;
	s12 =	smov.u32 s14;
	s2 =	sshra.s32 s14, $0x1F;
	(v2sf) =	vpush v17, $0x1  }
0x38b: {  	[smem:$0x7A2] =	sst s0  }
0x38c: {  	[smem:$0x77D] =	sst s24  }
0x38d: {  	[smem:$0x769] =	sst s28  }
0x38e: {  	s31 =	smov.u32 s17;
	s17 =	smov.u32 s6;
	[smem:$0x7A6] =	sst s20  }
0x38f: {  	s14 =	smov.u32 s20;
	s19 =	sxor.u32 s20, s19;
	[dreg:$0x18] =	wrdreg s8  }
0x390: {  	s16 =	sxor.u32 s8, s16;
	s25 =	sxor.u32 s11, s25;
	[smem:$0x7A4] =	sst s11  }
0x391: {  	[smem:$0x7A3] =	sst s13;
	s1 =	spop (v2sf);
	s0 =	ssub.s32 s19, s14  }
0x392: {  	s14 =	smov.u32 s23;
	s7 =	spop (v2sf);
	s10 =	sshra.s32 s1, $0x1F  }
0x393: {  	s24 =	spop (v2sf);
	s28 =	smov.u32 s10;
	[smem:$0x76F] =	sst s10  }
0x394: {  	(v2sf) =	vpush v17, $0x0;
	s1 =	sxor.u32 s10, s1;
	s10 =	sshra.s32 s7, $0x1F;
	s15 =	spop (v2sf)  }
0x395: {  	(v2sf) =	vpush v17, $0xF;
	s4 =	ssub.s32 s1, s28;
	[smem:$0x76E] =	sst s10;
	s19 =	sxor.u32 s10, s7  }
0x396: {  	s20 =	sshra.s32 s24, $0x1F;
	s23 =	spop (v2sf);
	(drf) =	sdiv.u32 s4, s0  }
0x397: {  	s0 =	ssub.s32 s16, s8;
	s7 =	ssub.s32 s19, s10;
	[smem:$0x76D] =	sst s20  }
0x398: {  	s28 =	sxor.u32 s20, s24;
	s10 =	smov.u32 s26;
	s6 =	spop (v2sf)  }
0x399: {  	(drf) =	sdiv.u32 s7, s0;
	s0 =	ssub.s32 s25, s11;
	s24 =	sshra.s32 s23, $0x1F  }
0x39a: {  	[smem:$0x76B] =	sst s6;
	s4 =	spop (v2sf);
	s6 =	ssub.s32 s28, s20  }
0x39b: {  	s23 =	sxor.u32 s24, s23;
	[smem:$0x76A] =	sst s4;
	s1 =	spop (v2sf)  }
0x39c: {  	(drf) =	sdiv.u32 s6, s0;
	s4 =	sshra.s32 s15, $0x1F;
	s6 =	sxor.u32 s13, s3  }
0x39d: {  	s8 =	spop (v2sf);
	s0 =	ssub.s32 s6, s13;
	s13 =	sld [smem:$0x7A2]  }
0x39e: {  	s3 =	sxor.u32 s2, s12;
	s11 =	sxor.u32 s4, s15;
	s16 =	spop (v2sf)  }
0x39f: {  	[smem:$0x76C] =	sst s4;
	s6 =	ssub.s32 s11, s4;
	s25 =	spop (v2sf)  }
0x3a0: {  	(drf) =	sdiv.u32 s6, s0;
	s26 =	spop (v2sf);
	s19 =	sxor.u32 s13, s9  }
0x3a1: {  	s15 =	spop (v2sf);
	s7 =	ssub.s32 s19, s13;
	s19 =	sld [smem:$0x769]  }
0x3a2: {  	s23 =	ssub.s32 s23, s24;
	s13 =	sld [smem:$0x7AD];
	s28 =	spop (v2sf)  }
0x3a3: {  	s9 =	ssub.s32 s3, s2;
	(drf) =	sdiv.u32 s23, s7;
	s6 =	spop (v2sf)  }
0x3a4: {  	s23 =	smov.u32 s14;
	s20 =	spop (v2sf);
	s7 =	sshra.s32 s6, $0x1F  }
0x3a5: {  	s12 =	sxor.u32 s19, s31;
	s0 =	sshra.s32 s20, $0x1F;
	s31 =	sxor.u32 s7, s6  }
0x3a6: {  	s6 =	sshra.s32 s28, $0x1F;
	s11 =	sxor.u32 s0, s20;
	s20 =	sxor.u32 s14, s13  }
0x3a7: {  	s14 =	ssub.s32 s31, s7;
	s3 =	sxor.u32 s6, s28;
	s31 =	sxor.u32 s10, s5  }
0x3a8: {  	s11 =	ssub.s32 s11, s0;
	s13 =	ssub.s32 s20, s23;
	s4 =	ssub.s32 s3, s6  }
0x3a9: {  	s3 =	sld [smem:$0x7AA];
	(drf) =	sdiv.u32 s11, s9;
	s11 =	ssub.s32 s12, s19  }
0x3aa: {  	s9 =	sxor.u32 s18, s30;
	s12 =	sshra.s32 s15, $0x1F;
	(drf) =	sdiv.u32 s14, s13  }
0x3ab: {  	s14 =	sxor.u32 s21, s17;
	s20 =	sxor.u32 s12, s15;
	s17 =	sshra.s32 s26, $0x1F  }
0x3ac: {  	s28 =	ssub.s32 s9, s18;
	s15 =	sshra.s32 s16, $0x1F;
	(drf) =	sdiv.u32 s4, s11  }
0x3ad: {  	s13 =	ssub.s32 s14, s21;
	s4 =	ssub.s32 s20, s12;
	s26 =	sxor.u32 s17, s26  }
0x3ae: {  	(drf) =	sdiv.u32 s4, s13;
	s30 =	ssub.s32 s26, s17;
	s26 =	sld [smem:$0x7A8]  }
0x3af: {  	s11 =	sshra.s32 s25, $0x1F;
	(drf) =	sdiv.u32 s30, s28;
	s30 =	sld [smem:$0x7AB]  }
0x3b0: {  	s16 =	sxor.u32 s15, s16;
	s20 =	ssub.s32 s31, s10;
	s31 =	sld [smem:$0x7AC]  }
0x3b1: {  	s5 =	sxor.u32 s11, s25;
	s25 =	ssub.s32 s16, s15;
	s16 =	rddreg [dreg:$0x12]  }
0x3b2: {  	s13 =	ssub.s32 s5, s11;
	s28 =	sxor.u32 s22, s26;
	s4 =	sxor.u32 s30, s3  }
0x3b3: {  	s26 =	sld [smem:$0x76B];
	s5 =	ssub.s32 s28, s22;
	s14 =	ssub.s32 s4, s30  }
0x3b4: {  	s4 =	sxor.u32 s29, s31;
	s31 =	sld [smem:$0x7A9];
	(drf) =	sdiv.u32 s13, s14  }
0x3b5: {  	s13 =	sshra.s32 s1, $0x1F;
	s9 =	ssub.s32 s4, s29;
	s4 =	sld [smem:$0x77D]  }
0x3b6: {  	s14 =	sld [smem:$0x76A];
	(drf) =	sdiv.u32 s25, s20;
	s20 =	sshra.s32 s8, $0x1F  }
0x3b7: {  	s28 =	sshra.s32 s26, $0x1F;
	s1 =	sxor.u32 s13, s1;
	s8 =	sxor.u32 s20, s8  }
0x3b8: {  	s1 =	ssub.s32 s1, s13;
	s8 =	ssub.s32 s8, s20;
	s3 =	sxor.u32 s4, s16  }
0x3b9: {  	(drf) =	sdiv.u32 s8, s9;
	s9 =	rddreg [dreg:$0x1b];
	s8 =	sshra.s32 s14, $0x1F  }
0x3ba: {  	s3 =	ssub.s32 s3, s4;
	(drf) =	sdiv.u32 s1, s5;
	s25 =	sxor.u32 s8, s14  }
0x3bb: {  	s1 =	sxor.u32 s31, s9;
	s14 =	sxor.u32 s28, s26;
	s5 =	ssub.s32 s25, s8  }
0x3bc: {  	s1 =	ssub.s32 s1, s31;
	s16 =	ssub.s32 s14, s28;
	(drf) =	sdiv.u32 s5, s3  }
0x3bd: {  	(drf) =	sdiv.u32 s16, s1;
	s1 =	spop (drf)  }
0x3be: {  	s3 =	spop (drf)  }
0x3bf: {  	s7 =	sxor.u32 s23, s7;
	s8 =	sxor.u32 s4, s8;
	s4 =	spop (drf)  }
0x3c0: {  	s0 =	sxor.u32 s2, s0;
	s6 =	sxor.u32 s19, s6;
	s16 =	spop (drf)  }
0x3c1: {  	s12 =	sxor.u32 s21, s12;
	s14 =	sxor.u32 s18, s17;
	s17 =	spop (drf)  }
0x3c2: {  	s15 =	sxor.u32 s10, s15;
	s9 =	sxor.u32 s29, s20;
	s20 =	spop (drf)  }
0x3c3: {  	s11 =	sxor.u32 s30, s11;
	s13 =	sxor.u32 s22, s13;
	s21 =	spop (drf)  }
0x3c4: {  	s5 =	sxor.u32 s31, s28;
	s18 =	sxor.u32 s0, s20;
	s23 =	spop (drf)  }
0x3c5: {  	s0 =	ssub.s32 s18, s0;
	s22 =	sxor.u32 s7, s21;
	s26 =	spop (drf)  }
0x3c6: {  	s7 =	ssub.s32 s22, s7;
	v15 =	vmov s0;
	s25 =	sxor.u32 s6, s23;
	s29 =	spop (drf)  }
0x3c7: {  	v15 =	vsel vm0, s7, v15;
	s0 =	ssub.s32 s25, s6;
	s28 =	sxor.u32 s12, s26;
	s2 =	spop (drf)  }
0x3c8: {  	v15 =	vsel vm1, s0, v15;
	s30 =	ssub.s32 s28, s12;
	s31 =	sxor.u32 s14, s29;
	s12 =	sxor.u32 s11, s2  }
0x3c9: {  	v15 =	vsel vm2, s30, v15;
	s10 =	ssub.s32 s31, s14;
	s14 =	spop (drf);
	s18 =	ssub.s32 s12, s11  }
0x3ca: {  	v15 =	vsel vm3, s10, v15;
	s19 =	sxor.u32 s15, s14;
	s20 =	spop (drf);
	s12 =	sld [smem:$0x76C]  }
0x3cb: {  	v15 =	vsel vm4, s18, v15;
	s21 =	ssub.s32 s19, s15;
	s22 =	sxor.u32 s9, s20;
	s18 =	sld [smem:$0x7A4]  }
0x3cc: {  	s23 =	spop (drf);
	s25 =	ssub.s32 s22, s9;
	s9 =	sld [smem:$0x7A2]  }
0x3cd: {  	v15 =	vsel vm5, s21, v15;
	s26 =	sxor.u32 s13, s23;
	s21 =	sld [smem:$0x76E]  }
0x3ce: {  	s28 =	spop (drf);
	s22 =	rddreg [dreg:$0x18];
	s29 =	ssub.s32 s26, s13  }
0x3cf: {  	s30 =	sxor.u32 s8, s28;
	s13 =	sld [smem:$0x7A3];
	s2 =	sxor.u32 s9, s24  }
0x3d0: {  	v15 =	vsel vm6, s25, v15;
	s31 =	spop (drf);
	s14 =	sxor.u32 s2, s17;
	s17 =	sld [smem:$0x76D]  }
0x3d1: {  	s25 =	sld [smem:$0x76F];
	v15 =	vsel vm7, s29, v15;
	s8 =	ssub.s32 s30, s8;
	s10 =	sxor.u32 s5, s31  }
0x3d2: {  	v15 =	vsel vm8, s8, v15;
	s11 =	ssub.s32 s10, s5;
	s24 =	sld [smem:$0x7A6];
	s5 =	sxor.u32 s13, s12  }
0x3d3: {  	v15 =	vsel vm9, s11, v15;
	s15 =	ssub.s32 s14, s2;
	s19 =	sxor.u32 s5, s16;
	s2 =	sxor.u32 s18, s17  }
0x3d4: {  	v15 =	vsel vm10, s15, v15;
	s20 =	ssub.s32 s19, s5;
	s5 =	sxor.u32 s22, s21;
	s4 =	sxor.u32 s2, s4  }
0x3d5: {  	v15 =	vsel vm11, s20, v15;
	s3 =	sxor.u32 s5, s3;
	s23 =	ssub.s32 s4, s2;
	s2 =	sxor.u32 s24, s25  }
0x3d6: {  	s26 =	ssub.s32 s3, s5;
	v15 =	vsel vm12, s23, v15;
	s1 =	sxor.u32 s2, s1  }
0x3d7: {  	v15 =	vsel vm13, s26, v15;
	s28 =	ssub.s32 s1, s2  }
0x3d8: {  	v15 =	vsel vm14, s28, v15  }
0x3d9: {  	vm15 =	vgt.s32 v15, $0x0  }
0x3da: {  	s29 =	rddreg [dreg:$0xc];
	v15 =	vnsel vm15, $0x0, v15  }
0x3db: {  	v16 =	vor.u32 s29, v4;
	v15 =	vmin.u32 v15, $0xFF  }
0x3dc: {  	s30 =	simm.s32 $0x0;
	s0 =	sand.u32 $0xF0, s29;
	v15 =	vpsel p0, v16, v15  }
0x3dd: {  	s31 =	sand.u32 $0xF0, s30;
	[tilespmem:s0+$0x12100] =	vst v15  }
0x3de: {  	v15 =	vld [tilespmem:s31+$0xF500]  }
0x3df: {  	v16 =	vld [tilespmem:s31+$0xF200]  }
0x3e0: {  	v17 =	vld [tilespmem:s31+$0xF800]  }
0x3e1: {  	v18 =	vld [tilespmem:s31+$0xFB00]  }
0x3e2: {  	v19 =	vld [tilespmem:s31+$0xFE00]  }
0x3e3: {  	v20 =	vld [tilespmem:s31+$0x10100]  }
0x3e4: {  	v15 =	vadd.s32 v16, v15;
	v16 =	vld [tilespmem:s31+$0x10400]  }
0x3e5: {  	v15 =	vadd.s32 v15, v17;
	v17 =	vld [tilespmem:s31+$0x10700]  }
0x3e6: {  	v15 =	vadd.s32 v15, v18;
	v18 =	vld [tilespmem:s31+$0x10A00]  }
0x3e7: {  	v15 =	vadd.s32 v15, v19;
	v19 =	vld [tilespmem:s31+$0x10D00]  }
0x3e8: {  	v15 =	vadd.s32 v15, v20;
	v20 =	vld [tilespmem:s31+$0x11000]  }
0x3e9: {  	v15 =	vadd.s32 v15, v16;
	v16 =	vld [tilespmem:s31+$0x11300]  }
0x3ea: {  	v15 =	vadd.s32 v15, v17;
	v17 =	vld [tilespmem:s31+$0x11600]  }
0x3eb: {  	v15 =	vadd.s32 v15, v18;
	v18 =	vld [tilespmem:s31+$0x11900]  }
0x3ec: {  	v15 =	vadd.s32 v15, v19;
	v19 =	vld [tilespmem:s31+$0x11C00]  }
0x3ed: {  	v15 =	vadd.s32 v15, v20;
	v20 =	vld [tilespmem:s31+$0x11F00]  }
0x3ee: {  	v15 =	vadd.s32 v15, v16  }
0x3ef: {  	v15 =	vadd.s32 v15, v17  }
0x3f0: {  	v15 =	vadd.s32 v15, v18  }
0x3f1: {  	v15 =	vadd.s32 v15, v19  }
0x3f2: {  	v15 =	vadd.s32 v15, v20  }
0x3f3: {  	(xrf0) =	vadd.scan.msk.s32 $0xffff, v15;
	_ =	sdelay $0x5  }
0x3f4: {  	v16, _, _ =	vpop (xrf0)  }
0x3f5: {  	s4 =	simm.s32 $0x12300;
	s0 =	simm.s32 $0x10;
	v16 =	vadd.s32 s30, v16  }
0x3f6: {  	s2 =	sand.u32 $0xF0, s0;
	[tilespmem:s4+$0x0] =	vst v16;
	v16 =	vxor.u32 $0x80000000, v16  }
0x3f7: {  	v17 =	vmov s30;
	v20 =	vld [tilespmem:s2+$0xF500];
	(xrf0) =	vmax.scan.msk.u32 $0xffff, v16  }
0x3f8: {  	v16 =	vshll.u32 v17, $0x13;
	v21 =	vld [tilespmem:s2+$0xF200]  }
0x3f9: {  	v19 =	vld [tilespmem:s2+$0xF800];
	v16 =	vor.u32 v6, v16  }
0x3fa: {  	vm15 =	vgt.s32 v15, $0x0;
	v17 =	vld [tilespmem:s2+$0xFB00];
	v15 =	vadd.s32 v16, v15  }
0x3fb: {  	v22 =	vimm.s32 $0xFFFFFFFF;
	v18 =	vld [tilespmem:s2+$0xFE00];
	v15 =	vnsel vm15, $0xFFFFFFFF, v15  }
0x3fc: {  	v16 =	vld [tilespmem:s2+$0x10100];
	vm15 =	vgt.s32 v22, v15  }
0x3fd: {  	s3 =	simm.s32 $0x30;
	s1 =	simm.s32 $0x20;
	v15 =	vsel vm15, v22, v15;
	v22 =	vadd.s32 v21, v20;
	v20 =	vld [tilespmem:s2+$0x10400];
	v21, _, _ =	vpop (xrf0)  }
.LBB2_16:
0x3fe: {  	p0 =	sne.s32 s3, $0xF0;
	v19 =	vadd.s32 v22, v19;
	v22 =	vld [tilespmem:s2+$0x10700];
	(v2sf) =	vpush v21, $0xF  }
0x3ff: {  	v17 =	vadd.s32 v19, v17;
	v19 =	vld [tilespmem:s2+$0x10A00]  }
0x400: {  	v17 =	vadd.s32 v17, v18;
	v18 =	vld [tilespmem:s2+$0x10D00]  }
0x401: {  	v16 =	vadd.s32 v17, v16;
	v17 =	vld [tilespmem:s2+$0x11000]  }
0x402: {  	v16 =	vadd.s32 v16, v20;
	v20 =	vld [tilespmem:s2+$0x11300]  }
0x403: {  	v16 =	vadd.s32 v16, v22;
	v21 =	vld [tilespmem:s2+$0x11600]  }
0x404: {  	v16 =	vadd.s32 v16, v19;
	v19 =	vld [tilespmem:s2+$0x11900]  }
0x405: {  	v16 =	vadd.s32 v16, v18;
	v18 =	vld [tilespmem:s2+$0x11C00]  }
0x406: {  	v16 =	vadd.s32 v16, v17;
	v17 =	vld [tilespmem:s2+$0x11F00]  }
0x407: {  	v16 =	vadd.s32 v16, v20  }
0x408: {  	v16 =	vadd.s32 v16, v21  }
0x409: {  	v16 =	vadd.s32 v16, v19;
	v19 =	vmov s0;
	s0 =	smov.u32 s1;
	s1 =	smov.u32 s3  }
0x40a: {  	v16 =	vadd.s32 v16, v18;
	v18 =	vshll.u32 v19, $0x13  }
0x40b: {  	v16 =	vadd.s32 v16, v17;
	v17 =	vor.u32 v6, v18  }
0x40c: {  	vm15 =	vgt.s32 v16, $0x0;
	v17 =	vadd.s32 v17, v16;
	(xrf0) =	vadd.scan.msk.s32 $0xffff, v16  }
0x40d: {  	v16 =	vnsel vm15, $0xFFFFFFFF, v17;
	s2 =	spop (v2sf)  }
0x40e: {  	vm15 =	vgt.s32 v15, v16;
	s2 =	sxor.u32 $0x80000000, s2  }
0x40f: {  	v15 =	vsel vm15, v15, v16;
	_ =	sdelay $0x2  }
0x410: {  	v16, _, _ =	vpop (xrf0)  }
0x411: {  	s4 =	sadd.s32 $0x10, s4;
	v16 =	vadd.s32 s2, v16  }
0x412: {  	s2 =	sand.u32 $0xF0, s0;
	[tilespmem:s4+$0x0] =	vst v16;
	v16 =	vxor.u32 $0x80000000, v16  }
0x413: {  	v20 =	vld [tilespmem:s2+$0xF500];
	(xrf0) =	vmax.scan.msk.u32 $0xffff, v16  }
0x414: {  	v21 =	vld [tilespmem:s2+$0xF200]  }
.Ltmp7:
0x415: {  	v19 =	vld [tilespmem:s2+$0xF800];
	(pc) =	sbr.rel @p0 .LBB2_16-.Ltmp7, $4  }
0x416: {  	v17 =	vld [tilespmem:s2+$0xFB00]  }
0x417: {  	v18 =	vld [tilespmem:s2+$0xFE00]  }
0x418: {  	v16 =	vld [tilespmem:s2+$0x10100]  }
0x419: {  	s3 =	sadd.s32 $0x10, s3;
	v22 =	vadd.s32 v21, v20;
	v20 =	vld [tilespmem:s2+$0x10400];
	v21, _, _ =	vpop (xrf0)  }
0x41a: {  	v19 =	vadd.s32 v22, v19;
	v52 =	vld [tilespmem:s2+$0x10700]  }
0x41b: {  	v17 =	vadd.s32 v19, v17;
	v19 =	vld [tilespmem:s2+$0x10A00]  }
0x41c: {  	v17 =	vadd.s32 v17, v18;
	v18 =	vld [tilespmem:s2+$0x10D00]  }
0x41d: {  	v16 =	vadd.s32 v17, v16;
	v17 =	vld [tilespmem:s2+$0x11000]  }
0x41e: {  	(v2sf) =	vpush v21, $0xF;
	v53 =	vld [tilespmem:s2+$0x11300];
	v16 =	vadd.s32 v16, v20  }
0x41f: {  	v54 =	vld [tilespmem:s2+$0x11600];
	v16 =	vadd.s32 v16, v52  }
0x420: {  	v16 =	vadd.s32 v16, v19;
	v19 =	vld [tilespmem:s2+$0x11900]  }
0x421: {  	v16 =	vadd.s32 v16, v18;
	v18 =	vld [tilespmem:s2+$0x11C00]  }
0x422: {  	v16 =	vadd.s32 v16, v17;
	v17 =	vld [tilespmem:s2+$0x11F00]  }
0x423: {  	v16 =	vadd.s32 v16, v53  }
0x424: {  	v16 =	vadd.s32 v16, v54  }
0x425: {  	v16 =	vadd.s32 v16, v19  }
0x426: {  	v16 =	vadd.s32 v16, v18  }
0x427: {  	v16 =	vadd.s32 v16, v17  }
0x428: {  	(xrf0) =	vadd.scan.msk.s32 $0xffff, v16;
	_ =	sdelay $0x4  }
0x429: {  	s5 =	spop (v2sf)  }
0x42a: {  	s2 =	sxor.u32 $0x80000000, s5;
	v17, _, _ =	vpop (xrf0)  }
0x42b: {  	s6 =	sadd.s32 $0x10, s4;
	v17 =	vadd.s32 s2, v17  }
0x42c: {  	s3 =	sand.u32 $0xF0, s1;
	[tilespmem:s6+$0x0] =	vst v17  }
0x42d: {  	v18 =	vld [tilespmem:s3+$0xF500]  }
0x42e: {  	v19 =	vld [tilespmem:s3+$0xF200]  }
0x42f: {  	v55 =	vld [tilespmem:s3+$0xF800]  }
0x430: {  	v17 =	vxor.u32 $0x80000000, v17;
	v56 =	vld [tilespmem:s3+$0xFB00]  }
0x431: {  	(xrf0) =	vmax.scan.msk.u32 $0xffff, v17;
	v17 =	vld [tilespmem:s3+$0xFE00]  }
0x432: {  	v57 =	vld [tilespmem:s3+$0x10100]  }
0x433: {  	v18 =	vadd.s32 v19, v18;
	v19 =	vld [tilespmem:s3+$0x10400]  }
0x434: {  	v58 =	vld [tilespmem:s3+$0x10700];
	v18 =	vadd.s32 v18, v55  }
0x435: {  	v59 =	vld [tilespmem:s3+$0x10A00];
	v18 =	vadd.s32 v18, v56  }
0x436: {  	v17 =	vadd.s32 v18, v17;
	v18 =	vld [tilespmem:s3+$0x10D00]  }
0x437: {  	v60 =	vld [tilespmem:s3+$0x11000];
	v17 =	vadd.s32 v17, v57  }
0x438: {  	v17 =	vadd.s32 v17, v19;
	v19 =	vld [tilespmem:s3+$0x11300]  }
0x439: {  	v61 =	vld [tilespmem:s3+$0x11600];
	v17 =	vadd.s32 v17, v58  }
0x43a: {  	v62 =	vld [tilespmem:s3+$0x11900];
	v17 =	vadd.s32 v17, v59  }
0x43b: {  	v17 =	vadd.s32 v17, v18;
	v18 =	vld [tilespmem:s3+$0x11C00]  }
0x43c: {  	v17 =	vadd.s32 v17, v60  }
0x43d: {  	v17 =	vadd.s32 v17, v19  }
0x43e: {  	v17 =	vadd.s32 v17, v61  }
0x43f: {  	v17 =	vadd.s32 v17, v62  }
0x440: {  	v17 =	vadd.s32 v17, v18;
	v18 =	vmov s0  }
0x441: {  	v18 =	vshll.u32 v18, $0x13  }
0x442: {  	v63 =	vld [tilespmem:s3+$0x11F00];
	v18 =	vor.u32 v6, v18  }
0x443: {  	vm15 =	vgt.s32 v16, $0x0;
	v23, _, _ =	vpop (xrf0);
	v16 =	vadd.s32 v18, v16  }
0x444: {  	(v2sf) =	vpush v23, $0xF;
	v19 =	vmov s1;
	v16 =	vnsel vm15, $0xFFFFFFFF, v16  }
0x445: {  	v18 =	vshll.u32 v19, $0x13;
	v19 =	vimm.s32 $0x0;
	vm15 =	vgt.s32 v15, v16  }
0x446: {  	v19 =	vsel vm15, $0xFFFFFFFF, v19  }
0x447: {  	v17 =	vadd.s32 v17, v63;
	v18 =	vor.u32 v6, v18;
	[tilespmem:$0x1FFA0] =	vst v19  }
0x448: {  	(xrf0) =	vadd.scan.msk.s32 $0xffff, v17;
	vm15 =	vgt.s32 v17, $0x0;
	v17 =	vadd.s32 v18, v17;
	v18 =	vld [tilespmem:$0x1FFA0];
	_ =	sdelay $0x2  }
0x449: {  	v19 =	vimm.s32 $0x0  }
0x44a: {  	v19 =	vsel vm15, $0xFFFFFFFF, v19  }
0x44b: {  	[tilespmem:$0x1FFB0] =	vst v19;
	vm15 =	vnez.u8 v18  }
0x44c: {  	v15 =	vsel vm15, v15, v16;
	v16 =	vld [tilespmem:$0x1FFB0];
	_ =	sdelay $0x4  }
0x44d: {  	s7 =	spop (v2sf);
	vm15 =	vnez.u8 v16  }
0x44e: {  	s0 =	sxor.u32 $0x80000000, s7;
	v16 =	vnsel vm15, $0xFFFFFFFF, v17;
	v17, _, _ =	vpop (xrf0)  }
0x44f: {  	vm15 =	vgt.s32 v15, v16;
	v17 =	vadd.s32 s0, v17  }
0x450: {  	v15 =	vsel vm15, v15, v16;
	v16 =	vxor.u32 $0x80000000, v17  }
0x451: {  	(xrf0) =	vmax.scan.msk.u32 $0xffff, v16;
	v15 =	vxor.u32 $0x80000000, v15  }
0x452: {  	(xrf0) =	vmax.scan.msk.u32 $0xffff, v15;
	_ =	sdelay $0x4  }
0x453: {  	v15, _, _ =	vpop (xrf0)  }
0x454: {  	(v2sf) =	vpush v15, $0xF;
	v15, _, _ =	vpop (xrf0)  }
0x455: {  	(v2sf) =	vpush v15, $0xF;
	_ =	sdelay $0xd  }
0x456: {  	s8 =	spop (v2sf)  }
0x457: {  	s0 =	spop (v2sf)  }
0x458: {  	s0 =	sand.u32 $0x7FFFF, s0  }
0x459: {  	s9 =	ssub.s32 $0x40000, s0  }
0x45a: {  	s10 =	smulhi.u32 $0x80808081, s9;
	s11 =	sshra.s32 s9, $0x1F  }
0x45b: {  	s4 =	smul.u32 $0x80808081, s11  }
0x45c: {  	s3 =	ssub.s32 s10, s9  }
0x45d: {  	s3 =	sadd.s32 s4, s3  }
0x45e: {  	s1 =	sadd.s32 s9, s3  }
0x45f: {  	s3 =	sshra.s32 s1, $0x7;
	s5 =	sshrl.u32 s1, $0x1F  }
0x460: {  	s3 =	sadd.s32 s5, s3  }
0x461: {  	p0 =	sgt.s32 s3, $0x1  }
0x462: {  	s3 =	simm.s32 @!p0 $0x1  }
0x463: {  	v15 =	vmov s3  }
0x464: {  	(v2sf) =	vpush v15, $0xE  }
0x465: {  	(v2sf) =	vpush v15, $0xD  }
0x466: {  	(v2sf) =	vpush v15, $0xC  }
0x467: {  	s12 =	simm.s32 $0x0;
	(v2sf) =	vpush v15, $0xB  }
0x468: {  	v16 =	vadd.s32 s12, v7;
	(v2sf) =	vpush v15, $0xA  }
0x469: {  	vm15 =	vgt.s32 v16, $0x0;
	(v2sf) =	vpush v15, $0x9  }
0x46a: {  	v16 =	vnsel vm15, $0x0, v16;
	(v2sf) =	vpush v15, $0x8  }
0x46b: {  	(v2sf) =	vpush v15, $0x7  }
0x46c: {  	(v2sf) =	vpush v15, $0x6  }
0x46d: {  	s2 =	sadd.s32 $0x10, s6;
	(v2sf) =	vpush v15, $0x5  }
0x46e: {  	s13 =	simm.s32 $0x12300;
	[tilespmem:s2+$0x0] =	vst v17;
	(v2sf) =	vpush v15, $0x4  }
0x46f: {  	v17 =	vld.idx.msk [tilespmem:v16+s13+$0x0], $0xffff;
	(v2sf) =	vpush v15, $0x3  }
0x470: {  	(v2sf) =	vpush v15, $0x2  }
0x471: {  	(v2sf) =	vpush v15, $0x1  }
0x472: {  	v16 =	vmov s12;
	s1 =	sshra.s32 s1, $0x8;
	(v2sf) =	vpush v15, $0x0  }
0x473: {  	vm15 =	veq.s32 v16, v4;
	s1 =	sadd.s32 s5, s1;
	(v2sf) =	vpush v15, $0xF;
	s18 =	spop (v2sf)  }
0x474: {  	v17 =	vsel vm15, $0x0, v17;
	v16 =	vmov s1;
	s17 =	spop (v2sf)  }
0x475: {  	s0 =	sadd.s32 $0xFFFC00FE, s0;
	v17 =	vadd.s32 v16, v17;
	s11 =	spop (v2sf)  }
0x476: {  	p0 =	slt.u32 s0, $0x1FD;
	(v2sf) =	vpush v17, $0xE;
	s4 =	spop (v2sf)  }
0x477: {  	s0 =	simm.s32 $0x10;
	s9 =	sshra.s32 s18, $0x1F;
	(v2sf) =	vpush v17, $0xD;
	s12 =	spop (v2sf)  }
0x478: {  	s6 =	sshra.s32 s17, $0x1F;
	(v2sf) =	vpush v17, $0xC;
	s24 =	sshra.s32 s11, $0x1F;
	s7 =	spop (v2sf)  }
0x479: {  	s26 =	sshra.s32 s4, $0x1F;
	s14 =	spop (v2sf);
	(v2sf) =	vpush v17, $0xB;
	[smem:$0x765] =	sst s7  }
0x47a: {  	s3 =	sshra.s32 s12, $0x1F;
	s10 =	spop (v2sf);
	(v2sf) =	vpush v17, $0xA;
	[dreg:$0x10] =	wrdreg s14  }
0x47b: {  	s23 =	sshra.s32 s14, $0x1F;
	s14 =	sshra.s32 s7, $0x1F;
	s8 =	spop (v2sf);
	(v2sf) =	vpush v17, $0x9  }
0x47c: {  	[smem:$0x764] =	sst s10;
	s5 =	sshra.s32 s10, $0x1F;
	s21 =	spop (v2sf);
	(v2sf) =	vpush v17, $0x8  }
0x47d: {  	[smem:$0x767] =	sst s8;
	s31 =	sshra.s32 s8, $0x1F;
	s20 =	spop (v2sf);
	(v2sf) =	vpush v17, $0x7  }
0x47e: {  	s7 =	smov.u32 s21;
	s25 =	sshra.s32 s21, $0x1F;
	s15 =	spop (v2sf);
	(v2sf) =	vpush v17, $0x6  }
0x47f: {  	[smem:$0x766] =	sst s20;
	s28 =	sshra.s32 s20, $0x1F;
	s13 =	spop (v2sf);
	(v2sf) =	vpush v17, $0x5  }
0x480: {  	s21 =	sshra.s32 s15, $0x1F;
	s19 =	spop (v2sf);
	(v2sf) =	vpush v17, $0x4;
	[smem:$0x768] =	sst s13  }
0x481: {  	s30 =	sshra.s32 s13, $0x1F;
	s16 =	spop (v2sf);
	(v2sf) =	vpush v17, $0x3;
	s22 =	smov.u32 s19  }
0x482: {  	s8 =	sshra.s32 s19, $0x1F;
	s19 =	simm.s32 $0x0;
	s2 =	spop (v2sf);
	(v2sf) =	vpush v17, $0x2  }
0x483: {  	s20 =	sshra.s32 s16, $0x1F;
	[dreg:$0xe] =	wrdreg s19;
	(v2sf) =	vpush v17, $0x1;
	s29 =	sshra.s32 s2, $0x1F  }
.LBB2_18:
0x484: {  	[smem:$0x73B] =	sst s8  }
0x485: {  	[dreg:$0x4] =	wrdreg s0  }
0x486: {  	[smem:$0x760] =	sst s6  }
0x487: {  	[smem:$0x762] =	sst s9  }
0x488: {  	p1 =	sne.s32 s0, $0xF0;
	s0 =	sxor.u32 s6, s17;
	s17 =	sld [smem:$0x765]  }
0x489: {  	[smem:$0x75D] =	sst s3  }
0x48a: {  	s19 =	smov.u32 s16;
	s16 =	smov.u32 s20;
	[smem:$0x737] =	sst s14  }
0x48b: {  	s20 =	smov.u32 s9;
	s1 =	sxor.u32 s9, s18;
	s9 =	sld [smem:$0x764]  }
0x48c: {  	[smem:$0x75E] =	sst s26  }
0x48d: {  	[smem:$0x739] =	sst s25  }
0x48e: {  	[smem:$0x738] =	sst s28  }
0x48f: {  	[smem:$0x75F] =	sst s24  }
0x490: {  	s10 =	sxor.u32 s26, s4;
	[smem:$0x72E] =	sst s1  }
0x491: {  	[smem:$0x72F] =	sst s10  }
0x492: {  	s10 =	rddreg [dreg:$0x10]  }
0x493: {  	s13 =	spop (v2sf);
	[smem:$0x73A] =	sst s16  }
0x494: {  	s0 =	ssub.s32 s0, s6;
	[smem:$0x731] =	sst s13  }
0x495: {  	s18 =	spop (v2sf);
	[smem:$0x741] =	sst s0  }
0x496: {  	s13 =	smov.u32 s14;
	s4 =	sxor.u32 s14, s17;
	[smem:$0x730] =	sst s18  }
0x497: {  	s14 =	sxor.u32 s5, s9;
	s18 =	spop (v2sf);
	s9 =	sld [smem:$0x767]  }
0x498: {  	s17 =	sxor.u32 s23, s10;
	[smem:$0x734] =	sst s18;
	s10 =	spop (v2sf)  }
0x499: {  	[smem:$0x733] =	sst s10;
	s10 =	sxor.u32 s21, s15  }
0x49a: {  	s15 =	sld [smem:$0x766];
	s18 =	sxor.u32 s31, s9;
	s9 =	spop (v2sf)  }
0x49b: {  	s12 =	sxor.u32 s3, s12;
	s1 =	smov.u32 s3;
	[smem:$0x732] =	sst s9  }
0x49c: {  	s9 =	sxor.u32 s8, s22;
	s22 =	sld [smem:$0x768];
	s3 =	spop (v2sf)  }
0x49d: {  	[smem:$0x736] =	sst s3;
	s3 =	smov.u32 s16  }
0x49e: {  	s16 =	sxor.u32 s16, s19;
	s19 =	sxor.u32 s29, s2;
	s2 =	spop (v2sf)  }
0x49f: {  	s11 =	sxor.u32 s24, s11;
	[smem:$0x735] =	sst s2  }
0x4a0: {  	s6 =	smov.u32 s24;
	s2 =	sld [smem:$0x72E];
	s24 =	spop (v2sf)  }
0x4a1: {  	s3 =	ssub.s32 s16, s3;
	[smem:$0x73E] =	sst s24  }
0x4a2: {  	[smem:$0x74A] =	sst s3  }
0x4a3: {  	s0 =	ssub.s32 s2, s20;
	s20 =	sld [smem:$0x72F]  }
0x4a4: {  	[smem:$0x73F] =	sst s0;
	s0 =	ssub.s32 s11, s6  }
0x4a5: {  	s11 =	ssub.s32 s17, s23;
	s17 =	ssub.s32 s10, s21;
	s10 =	sld [smem:$0x735]  }
0x4a6: {  	s6 =	ssub.s32 s14, s5;
	[smem:$0x743] =	sst s0  }
0x4a7: {  	[smem:$0x753] =	sst s6  }
0x4a8: {  	s14 =	ssub.s32 s18, s31;
	[smem:$0x754] =	sst s11  }
0x4a9: {  	s15 =	sxor.u32 s28, s15;
	[smem:$0x752] =	sst s14  }
0x4aa: {  	s18 =	ssub.s32 s15, s28;
	[smem:$0x74F] =	sst s17  }
0x4ab: {  	[smem:$0x750] =	sst s18  }
0x4ac: {  	s14 =	sld [smem:$0x732]  }
0x4ad: {  	s7 =	sxor.u32 s25, s7;
	s11 =	sld [smem:$0x736]  }
0x4ae: {  	s2 =	ssub.s32 s20, s26;
	s26 =	ssub.s32 s4, s13;
	s4 =	rddreg [dreg:$0xe]  }
0x4af: {  	s13 =	ssub.s32 s7, s25;
	s25 =	ssub.s32 s9, s8;
	s9 =	sld [smem:$0x731]  }
0x4b0: {  	s20 =	spop (v2sf);
	[smem:$0x744] =	sst s2  }
0x4b1: {  	[smem:$0x740] =	sst s20  }
0x4b2: {  	(v2sf) =	vpush v17, $0x0;
	[smem:$0x755] =	sst s26  }
0x4b3: {  	[dreg:$0xe] =	wrdreg s4  }
0x4b4: {  	[smem:$0x751] =	sst s13  }
0x4b5: {  	[smem:$0x74C] =	sst s25  }
0x4b6: {  	s2 =	ssub.s32 s12, s1;
	s13 =	sld [smem:$0x733]  }
0x4b7: {  	s22 =	sxor.u32 s30, s22;
	s12 =	spop (v2sf);
	[smem:$0x746] =	sst s2  }
0x4b8: {  	s26 =	ssub.s32 s22, s30;
	[smem:$0x742] =	sst s12  }
0x4b9: {  	s4 =	ssub.s32 s19, s29;
	[smem:$0x74E] =	sst s26  }
0x4ba: {  	[smem:$0x748] =	sst s4  }
0x4bb: {  	s2 =	spop (v2sf);
	s4 =	sld [smem:$0x730]  }
0x4bc: {  	s26 =	sshra.s32 s14, $0x1F;
	[smem:$0x74D] =	sst s2  }
0x4bd: {  	s6 =	spop (v2sf);
	[smem:$0x73C] =	sst s26  }
0x4be: {  	s28 =	smov.u32 s23;
	s23 =	sshra.s32 s9, $0x1F;
	[smem:$0x74B] =	sst s6  }
0x4bf: {  	s7 =	spop (v2sf);
	[smem:$0x763] =	sst s23  }
0x4c0: {  	s3 =	sshra.s32 s13, $0x1F;
	[smem:$0x749] =	sst s7;
	s1 =	spop (v2sf)  }
0x4c1: {  	s22 =	sshra.s32 s24, $0x1F;
	[smem:$0x73D] =	sst s3;
	s8 =	spop (v2sf)  }
0x4c2: {  	s24 =	sshra.s32 s10, $0x1F;
	s17 =	sshra.s32 s12, $0x1F;
	[smem:$0x745] =	sst s8  }
0x4c3: {  	(v2sf) =	vpush v17, $0xF;
	s12 =	sshra.s32 s7, $0x1F;
	s7 =	sshra.s32 s8, $0x1F;
	s8 =	sld [smem:$0x737]  }
0x4c4: {  	s18 =	sshra.s32 s20, $0x1F;
	s0 =	sshra.s32 s11, $0x1F;
	s3 =	sld [smem:$0x734]  }
0x4c5: {  	s16 =	sshra.s32 s2, $0x1F;
	s25 =	sshra.s32 s4, $0x1F;
	[smem:$0x747] =	sst s1  }
0x4c6: {  	s20 =	sshra.s32 s1, $0x1F;
	[smem:$0x761] =	sst s25;
	s1 =	sxor.u32 s8, s0  }
0x4c7: {  	s2 =	smov.u32 s0;
	s0 =	sxor.u32 s31, s18;
	[smem:$0x75C] =	sst s1  }
0x4c8: {  	s8 =	sxor.u32 s28, s24;
	[smem:$0x759] =	sst s0  }
0x4c9: {  	[smem:$0x75B] =	sst s8  }
0x4ca: {  	s15 =	sshra.s32 s6, $0x1F;
	s1 =	sxor.u32 s5, s22;
	s5 =	sld [smem:$0x738]  }
0x4cb: {  	s0 =	sxor.u32 s21, s15;
	s21 =	sld [smem:$0x739]  }
0x4cc: {  	[smem:$0x75A] =	sst s1  }
0x4cd: {  	[smem:$0x756] =	sst s0  }
0x4ce: {  	s8 =	sxor.u32 s5, s16;
	s5 =	sxor.u32 s25, s4;
	s4 =	sld [smem:$0x73A]  }
0x4cf: {  	s1 =	smov.u32 s25;
	s25 =	sld [smem:$0x73C]  }
0x4d0: {  	s0 =	sxor.u32 s21, s17;
	[smem:$0x757] =	sst s8  }
0x4d1: {  	[smem:$0x758] =	sst s0  }
0x4d2: {  	s19 =	spop (v2sf);
	s8 =	sld [smem:$0x73B]  }
0x4d3: {  	s9 =	sxor.u32 s23, s9;
	s6 =	sshra.s32 s19, $0x1F;
	s0 =	sld [smem:$0x73D]  }
0x4d4: {  	s31 =	sxor.u32 s30, s12;
	s30 =	smov.u32 s23;
	s23 =	sxor.u32 s29, s6  }
0x4d5: {  	s21 =	sxor.u32 s8, s20;
	s8 =	sxor.u32 s25, s14;
	s14 =	sld [smem:$0x73F]  }
0x4d6: {  	s28 =	sxor.u32 s4, s7;
	s4 =	sxor.u32 s0, s13;
	s13 =	sld [smem:$0x73E]  }
0x4d7: {  	s29 =	sxor.u32 s2, s11;
	s11 =	smov.u32 s2;
	s2 =	ssub.s32 s9, s30  }
0x4d8: {  	(drf) =	sdiv.u32 s2, s14;
	s14 =	sld [smem:$0x741]  }
0x4d9: {  	s9 =	sxor.u32 s22, s13;
	s13 =	sld [smem:$0x740]  }
0x4da: {  	s26 =	sshra.s32 s3, $0x1F;
	s5 =	ssub.s32 s5, s1;
	s1 =	sld [smem:$0x744]  }
0x4db: {  	s3 =	sxor.u32 s26, s3;
	(drf) =	sdiv.u32 s5, s14;
	s14 =	sld [smem:$0x743]  }
0x4dc: {  	s19 =	sxor.u32 s6, s19;
	s2 =	sxor.u32 s18, s13;
	s13 =	sld [smem:$0x742]  }
0x4dd: {  	s3 =	ssub.s32 s3, s26;
	s19 =	ssub.s32 s19, s6;
	s6 =	sld [smem:$0x746]  }
0x4de: {  	s4 =	ssub.s32 s4, s0;
	s8 =	ssub.s32 s8, s25;
	(drf) =	sdiv.u32 s3, s14  }
0x4df: {  	s5 =	sxor.u32 s17, s13;
	s13 =	sld [smem:$0x745];
	(drf) =	sdiv.u32 s4, s1  }
0x4e0: {  	(drf) =	sdiv.u32 s8, s6;
	s8 =	sld [smem:$0x747]  }
0x4e1: {  	_ = 	snop  }
0x4e2: {  	s14 =	sxor.u32 s7, s13;
	s13 =	sld [smem:$0x748]  }
0x4e3: {  	s3 =	sxor.u32 s20, s8;
	s8 =	sld [smem:$0x74C]  }
0x4e4: {  	s7 =	ssub.s32 s14, s7;
	s14 =	ssub.s32 s3, s20;
	s20 =	sld [smem:$0x74A]  }
0x4e5: {  	(drf) =	sdiv.u32 s19, s13;
	s19 =	sld [smem:$0x749]  }
0x4e6: {  	s13 =	sld [smem:$0x74D]  }
0x4e7: {  	s10 =	sxor.u32 s24, s10;
	(drf) =	sdiv.u32 s7, s20;
	s7 =	sld [smem:$0x74B]  }
0x4e8: {  	s30 =	smov.u32 s0;
	s3 =	sxor.u32 s12, s19;
	s20 =	sld [smem:$0x750]  }
0x4e9: {  	s19 =	ssub.s32 s5, s17;
	s17 =	sld [smem:$0x755];
	s6 =	ssub.s32 s3, s12  }
0x4ea: {  	(drf) =	sdiv.u32 s14, s8;
	s14 =	sld [smem:$0x74E];
	s3 =	sxor.u32 s15, s7  }
0x4eb: {  	s8 =	sld [smem:$0x752];
	s12 =	ssub.s32 s3, s15;
	s3 =	sxor.u32 s16, s13  }
0x4ec: {  	s0 =	spop (drf);
	s15 =	ssub.s32 s3, s16;
	s16 =	sld [smem:$0x74F]  }
0x4ed: {  	s7 =	ssub.s32 s9, s22;
	s9 =	ssub.s32 s10, s24;
	s10 =	sld [smem:$0x753]  }
0x4ee: {  	(drf) =	sdiv.u32 s6, s14;
	s6 =	sld [smem:$0x751]  }
0x4ef: {  	s14 =	sld [smem:$0x754];
	(drf) =	sdiv.u32 s12, s16  }
0x4f0: {  	s3 =	spop (drf);
	(drf) =	sdiv.u32 s15, s20  }
0x4f1: {  	s5 =	ssub.s32 s2, s18;
	(drf) =	sdiv.u32 s19, s6;
	s6 =	spop (drf)  }
0x4f2: {  	(drf) =	sdiv.u32 s5, s8;
	s1 =	spop (drf)  }
0x4f3: {  	(drf) =	sdiv.u32 s7, s10;
	s2 =	spop (drf)  }
0x4f4: {  	s13 =	spop (drf);
	(drf) =	sdiv.u32 s9, s14  }
0x4f5: {  	s12 =	ssub.s32 s29, s11;
	s9 =	sld [smem:$0x756];
	s16 =	spop (drf)  }
0x4f6: {  	s15 =	sxor.u32 s23, s13;
	(drf) =	sdiv.u32 s12, s17;
	s13 =	sld [smem:$0x757]  }
0x4f7: {  	s17 =	sld [smem:$0x758];
	s19 =	spop (drf)  }
0x4f8: {  	s18 =	sxor.u32 s28, s16;
	s4 =	ssub.s32 s15, s23;
	s20 =	sxor.u32 s21, s19  }
0x4f9: {  	s5 =	ssub.s32 s18, s28;
	v17 =	vmov s4;
	s22 =	spop (drf);
	s4 =	ssub.s32 s20, s21  }
0x4fa: {  	v17 =	vsel vm0, s5, v17;
	s23 =	sxor.u32 s31, s22;
	s24 =	spop (drf);
	s21 =	sld [smem:$0x759]  }
0x4fb: {  	v17 =	vsel vm1, s4, v17;
	s8 =	ssub.s32 s23, s31;
	s10 =	sxor.u32 s9, s24;
	s11 =	spop (drf)  }
0x4fc: {  	s5 =	sld [smem:$0x75A];
	v17 =	vsel vm2, s8, v17;
	s12 =	ssub.s32 s10, s9;
	s14 =	sxor.u32 s13, s11  }
0x4fd: {  	s15 =	spop (drf);
	v17 =	vsel vm3, s12, v17;
	s16 =	ssub.s32 s14, s13;
	s12 =	sld [smem:$0x75B]  }
0x4fe: {  	s18 =	sxor.u32 s17, s15;
	v17 =	vsel vm4, s16, v17;
	s16 =	sld [smem:$0x75C]  }
0x4ff: {  	s19 =	spop (drf);
	s20 =	ssub.s32 s18, s17;
	s18 =	sld [smem:$0x75D]  }
0x500: {  	s22 =	sxor.u32 s21, s19;
	v17 =	vsel vm5, s20, v17;
	s20 =	sld [smem:$0x75E]  }
0x501: {  	s23 =	spop (drf);
	s24 =	ssub.s32 s22, s21;
	s21 =	sld [smem:$0x75F]  }
0x502: {  	s9 =	sxor.u32 s5, s23;
	s10 =	spop (drf);
	s23 =	sld [smem:$0x760]  }
0x503: {  	s11 =	ssub.s32 s9, s5;
	s13 =	sxor.u32 s12, s10;
	s14 =	spop (drf)  }
0x504: {  	(v2sf) =	vpush v15, $0xE;
	v17 =	vsel vm6, s24, v17;
	s24 =	sld [smem:$0x761];
	s15 =	ssub.s32 s13, s12;
	s17 =	sxor.u32 s16, s14  }
0x505: {  	(v2sf) =	vpush v15, $0xD;
	s7 =	sxor.u32 s18, s25;
	s19 =	ssub.s32 s17, s16;
	s4 =	sxor.u32 s21, s26  }
0x506: {  	(v2sf) =	vpush v15, $0xC;
	v17 =	vsel vm7, s11, v17;
	s2 =	sxor.u32 s7, s2;
	s22 =	sxor.u32 s4, s6;
	s6 =	sld [smem:$0x762]  }
0x507: {  	(v2sf) =	vpush v15, $0xB;
	v17 =	vsel vm8, s15, v17;
	s5 =	sxor.u32 s20, s30;
	s2 =	ssub.s32 s2, s7;
	s7 =	sld [smem:$0x763]  }
0x508: {  	(v2sf) =	vpush v15, $0xA;
	v17 =	vsel vm9, s19, v17;
	s1 =	sxor.u32 s5, s1  }
0x509: {  	(v2sf) =	vpush v15, $0x9;
	v17 =	vsel vm10, s2, v17;
	s1 =	ssub.s32 s1, s5;
	s5 =	sxor.u32 s23, s24  }
0x50a: {  	(v2sf) =	vpush v15, $0x8;
	s25 =	ssub.s32 s22, s4;
	v17 =	vsel vm11, s1, v17;
	s26 =	sxor.u32 s5, s3;
	s3 =	sxor.u32 s6, s7  }
0x50b: {  	(v2sf) =	vpush v15, $0x7;
	s9 =	rddreg [dreg:$0x4];
	v17 =	vsel vm12, s25, v17;
	s8 =	ssub.s32 s26, s5;
	s0 =	sxor.u32 s3, s0  }
0x50c: {  	(v2sf) =	vpush v15, $0x6;
	v18 =	vadd.s32 s9, v7;
	v17 =	vsel vm13, s8, v17;
	s0 =	ssub.s32 s0, s3  }
0x50d: {  	(v2sf) =	vpush v15, $0x5;
	vm15 =	vgt.s32 v18, $0x0;
	v17 =	vsel vm14, s0, v17  }
0x50e: {  	(v2sf) =	vpush v15, $0x4;
	v18 =	vnsel vm15, $0x0, v18;
	vm15 =	vgt.s32 v17, $0x0  }
0x50f: {  	(v2sf) =	vpush v15, $0x3;
	s10 =	rddreg [dreg:$0xe];
	v17 =	vnsel vm15, $0x0, v17  }
0x510: {  	(v2sf) =	vpush v15, $0x2;
	v19 =	vor.u32 s10, v4;
	v17 =	vmin.u32 v17, $0xFF  }
0x511: {  	(v2sf) =	vpush v15, $0x1;
	s0 =	sand.u32 $0xF0, s10;
	v17 =	vpsel p0, v19, v17  }
0x512: {  	(v2sf) =	vpush v15, $0x0;
	s13 =	simm.s32 $0x12300;
	[tilespmem:s0+$0x12200] =	vst v17  }
0x513: {  	(v2sf) =	vpush v15, $0xF;
	s18 =	spop (v2sf);
	v17 =	vld.idx.msk [tilespmem:v18+s13+$0x0], $0xffff  }
0x514: {  	s11 =	rddreg [dreg:$0x4];
	s17 =	spop (v2sf)  }
0x515: {  	s12 =	smov.u32 s11;
	s11 =	spop (v2sf);
	s0 =	rddreg [dreg:$0x4]  }
0x516: {  	s4 =	spop (v2sf);
	v18 =	vmov s0  }
0x517: {  	[dreg:$0xe] =	wrdreg s12;
	s12 =	spop (v2sf);
	vm15 =	veq.s32 v18, v4  }
0x518: {  	s14 =	spop (v2sf);
	v17 =	vsel vm15, $0x0, v17  }
0x519: {  	s20 =	spop (v2sf);
	v17 =	vadd.s32 v16, v17  }
0x51a: {  	s21 =	spop (v2sf);
	(v2sf) =	vpush v17, $0xE  }
0x51b: {  	s8 =	spop (v2sf);
	(v2sf) =	vpush v17, $0xD  }
0x51c: {  	s22 =	spop (v2sf);
	(v2sf) =	vpush v17, $0xC  }
0x51d: {  	s9 =	sshra.s32 s18, $0x1F;
	s25 =	spop (v2sf);
	(v2sf) =	vpush v17, $0xB  }
0x51e: {  	s24 =	sshra.s32 s11, $0x1F;
	s6 =	sshra.s32 s17, $0x1F;
	s15 =	spop (v2sf);
	(v2sf) =	vpush v17, $0xA  }
0x51f: {  	s26 =	sshra.s32 s4, $0x1F;
	[smem:$0x765] =	sst s14;
	s13 =	spop (v2sf);
	(v2sf) =	vpush v17, $0x9  }
0x520: {  	s14 =	sshra.s32 s14, $0x1F;
	s3 =	sshra.s32 s12, $0x1F;
	s19 =	spop (v2sf);
	(v2sf) =	vpush v17, $0x8  }
0x521: {  	[dreg:$0x10] =	wrdreg s20;
	s23 =	sshra.s32 s20, $0x1F;
	s16 =	spop (v2sf);
	(v2sf) =	vpush v17, $0x7  }
0x522: {  	[smem:$0x764] =	sst s21;
	s5 =	sshra.s32 s21, $0x1F;
	s2 =	spop (v2sf);
	(v2sf) =	vpush v17, $0x6  }
.Ltmp8:
0x523: {  	[smem:$0x767] =	sst s8;
	s31 =	sshra.s32 s8, $0x1F;
	(v2sf) =	vpush v17, $0x5;
	(pc) =	sbr.rel @p1 .LBB2_18-.Ltmp8, $4  }
0x524: {  	s7 =	smov.u32 s22;
	[smem:$0x766] =	sst s25;
	s28 =	sshra.s32 s25, $0x1F;
	(v2sf) =	vpush v17, $0x4  }
0x525: {  	s25 =	sshra.s32 s22, $0x1F;
	s21 =	sshra.s32 s15, $0x1F;
	s0 =	sadd.s32 $0x10, s0;
	(v2sf) =	vpush v17, $0x3  }
0x526: {  	[smem:$0x768] =	sst s13;
	s30 =	sshra.s32 s13, $0x1F;
	s22 =	smov.u32 s19;
	(v2sf) =	vpush v17, $0x2  }
0x527: {  	s8 =	sshra.s32 s19, $0x1F;
	s20 =	sshra.s32 s16, $0x1F;
	s29 =	sshra.s32 s2, $0x1F;
	(v2sf) =	vpush v17, $0x1  }
0x528: {  	[smem:$0x728] =	sst s23  }
0x529: {  	[smem:$0x73B] =	sst s8  }
0x52a: {  	[smem:$0x762] =	sst s9  }
0x52b: {  	s19 =	smov.u32 s3;
	[smem:$0x760] =	sst s6  }
0x52c: {  	s10 =	smov.u32 s9;
	s18 =	sxor.u32 s9, s18;
	[smem:$0x75F] =	sst s24  }
0x52d: {  	s23 =	smov.u32 s5;
	[smem:$0x75E] =	sst s26;
	s0 =	spop (v2sf)  }
0x52e: {  	s8 =	ssub.s32 s18, s10;
	s18 =	sxor.u32 s6, s17;
	[smem:$0x75D] =	sst s19  }
0x52f: {  	s1 =	spop (v2sf);
	s3 =	sshra.s32 s0, $0x1F;
	s6 =	ssub.s32 s18, s6  }
0x530: {  	s18 =	smov.u32 s14;
	s13 =	spop (v2sf);
	s0 =	sxor.u32 s3, s0  }
0x531: {  	(v2sf) =	vpush v17, $0x0;
	[smem:$0x72D] =	sst s3;
	s9 =	spop (v2sf);
	s0 =	ssub.s32 s0, s3  }
0x532: {  	(v2sf) =	vpush v17, $0xF;
	s3 =	sshra.s32 s1, $0x1F;
	s17 =	sshra.s32 s13, $0x1F;
	s10 =	spop (v2sf)  }
0x533: {  	(drf) =	sdiv.u32 s0, s8;
	[smem:$0x72C] =	sst s3;
	s1 =	sxor.u32 s3, s1  }
0x534: {  	[smem:$0x72B] =	sst s17;
	s8 =	spop (v2sf);
	s1 =	ssub.s32 s1, s3  }
0x535: {  	s3 =	sxor.u32 s24, s11;
	s11 =	sxor.u32 s26, s4;
	[smem:$0x729] =	sst s8  }
0x536: {  	s4 =	sshra.s32 s10, $0x1F;
	s5 =	spop (v2sf);
	(drf) =	sdiv.u32 s1, s6  }
0x537: {  	s1 =	ssub.s32 s3, s24;
	s10 =	sxor.u32 s4, s10;
	s6 =	sld [smem:$0x73B]  }
0x538: {  	[smem:$0x727] =	sst s5;
	s0 =	spop (v2sf);
	s5 =	sxor.u32 s17, s13  }
0x539: {  	s14 =	spop (v2sf);
	s3 =	ssub.s32 s5, s17;
	s17 =	smov.u32 s25  }
0x53a: {  	s5 =	smov.u32 s26;
	s8 =	spop (v2sf);
	(drf) =	sdiv.u32 s3, s1  }
0x53b: {  	s3 =	sshra.s32 s9, $0x1F;
	s1 =	ssub.s32 s11, s5;
	s11 =	smov.u32 s28  }
0x53c: {  	s5 =	sxor.u32 s29, s2;
	s2 =	smov.u32 s4;
	s24 =	spop (v2sf)  }
0x53d: {  	[smem:$0x72A] =	sst s3;
	s13 =	sxor.u32 s3, s9;
	s25 =	spop (v2sf)  }
0x53e: {  	s9 =	smov.u32 s19;
	s10 =	ssub.s32 s10, s2;
	s26 =	spop (v2sf)  }
0x53f: {  	s3 =	ssub.s32 s13, s3;
	s13 =	sxor.u32 s19, s12;
	s28 =	spop (v2sf)  }
0x540: {  	(drf) =	sdiv.u32 s3, s1;
	s9 =	ssub.s32 s13, s9;
	s1 =	spop (v2sf)  }
0x541: {  	(drf) =	sdiv.u32 s10, s9;
	s19 =	spop (v2sf)  }
0x542: {  	s10 =	ssub.s32 s5, s29;
	s9 =	sshra.s32 s1, $0x1F;
	s3 =	sshra.s32 s19, $0x1F  }
0x543: {  	s4 =	sxor.u32 s9, s1;
	s1 =	sshra.s32 s28, $0x1F;
	s12 =	sxor.u32 s3, s19  }
0x544: {  	s19 =	sxor.u32 s6, s22;
	s22 =	sxor.u32 s20, s16;
	s5 =	sxor.u32 s1, s28  }
0x545: {  	s28 =	smov.u32 s6;
	s13 =	ssub.s32 s12, s3;
	s12 =	ssub.s32 s22, s20  }
0x546: {  	s16 =	ssub.s32 s5, s1;
	s22 =	sld [smem:$0x768];
	(drf) =	sdiv.u32 s13, s10  }
0x547: {  	s13 =	ssub.s32 s4, s9;
	s10 =	ssub.s32 s19, s6;
	s19 =	sxor.u32 s21, s15  }
0x548: {  	(drf) =	sdiv.u32 s13, s12;
	s5 =	ssub.s32 s19, s21;
	s19 =	sshra.s32 s8, $0x1F  }
0x549: {  	(drf) =	sdiv.u32 s16, s10;
	s10 =	sshra.s32 s26, $0x1F;
	s4 =	sxor.u32 s30, s22  }
0x54a: {  	s16 =	sshra.s32 s25, $0x1F;
	s6 =	sxor.u32 s10, s26;
	s12 =	ssub.s32 s4, s30  }
0x54b: {  	s15 =	sxor.u32 s16, s25;
	s26 =	sld [smem:$0x766];
	s13 =	ssub.s32 s6, s10  }
0x54c: {  	s8 =	sxor.u32 s19, s8;
	s22 =	ssub.s32 s15, s16;
	(drf) =	sdiv.u32 s13, s12  }
0x54d: {  	s25 =	sxor.u32 s17, s7;
	(drf) =	sdiv.u32 s22, s5;
	s22 =	sshra.s32 s24, $0x1F  }
0x54e: {  	s15 =	sld [smem:$0x764];
	s6 =	sxor.u32 s11, s26;
	s7 =	sxor.u32 s22, s24  }
0x54f: {  	s12 =	ssub.s32 s6, s11;
	s24 =	sld [smem:$0x767];
	s13 =	ssub.s32 s7, s22  }
0x550: {  	s8 =	ssub.s32 s8, s19;
	s5 =	ssub.s32 s25, s17;
	(drf) =	sdiv.u32 s13, s12  }
0x551: {  	s4 =	sld [smem:$0x765];
	(drf) =	sdiv.u32 s8, s5  }
0x552: {  	s5 =	sxor.u32 s23, s15;
	s8 =	sshra.s32 s14, $0x1F;
	s25 =	sxor.u32 s31, s24  }
0x553: {  	s24 =	sld [smem:$0x728];
	s26 =	sxor.u32 s8, s14;
	s14 =	sshra.s32 s0, $0x1F  }
0x554: {  	s12 =	ssub.s32 s25, s31;
	s0 =	sxor.u32 s14, s0;
	s13 =	ssub.s32 s26, s8  }
0x555: {  	s5 =	ssub.s32 s5, s23;
	(drf) =	sdiv.u32 s13, s12;
	s0 =	ssub.s32 s0, s14  }
0x556: {  	(drf) =	sdiv.u32 s0, s5;
	s5 =	sld [smem:$0x727]  }
0x557: {  	s25 =	sld [smem:$0x729];
	_ =	sdelay $0x1  }
0x558: {  	s15 =	rddreg [dreg:$0x10];
	s0 =	sxor.u32 s18, s4;
	s7 =	sshra.s32 s5, $0x1F  }
0x559: {  	s4 =	sxor.u32 s24, s15;
	s26 =	sshra.s32 s25, $0x1F;
	s6 =	sxor.u32 s7, s5  }
0x55a: {  	s4 =	ssub.s32 s4, s24;
	s13 =	sxor.u32 s26, s25;
	s6 =	ssub.s32 s6, s7  }
0x55b: {  	s0 =	ssub.s32 s0, s18;
	s15 =	ssub.s32 s13, s26;
	(drf) =	sdiv.u32 s6, s4  }
0x55c: {  	s3 =	sxor.u32 s29, s3;
	(drf) =	sdiv.u32 s15, s0;
	s0 =	spop (drf)  }
0x55d: {  	s1 =	sxor.u32 s28, s1;
	s9 =	sxor.u32 s20, s9;
	s4 =	spop (drf)  }
0x55e: {  	s21 =	sxor.u32 s21, s16;
	s10 =	sxor.u32 s30, s10;
	s5 =	spop (drf)  }
0x55f: {  	s22 =	sxor.u32 s11, s22;
	s8 =	sxor.u32 s31, s8;
	s16 =	spop (drf)  }
0x560: {  	s12 =	sxor.u32 s23, s14;
	s15 =	sxor.u32 s17, s19;
	s17 =	spop (drf)  }
0x561: {  	s14 =	sld [smem:$0x75E];
	s13 =	sxor.u32 s24, s7;
	s23 =	spop (drf)  }
0x562: {  	s6 =	sxor.u32 s18, s26;
	s18 =	sxor.u32 s3, s23;
	s24 =	spop (drf)  }
0x563: {  	s3 =	ssub.s32 s18, s3;
	s25 =	sxor.u32 s9, s24;
	s26 =	spop (drf)  }
0x564: {  	s9 =	ssub.s32 s25, s9;
	s28 =	sxor.u32 s1, s26;
	s29 =	spop (drf)  }
0x565: {  	s1 =	ssub.s32 s28, s1;
	s30 =	sxor.u32 s10, s29;
	s31 =	spop (drf)  }
0x566: {  	v15 =	vmov s3;
	s10 =	ssub.s32 s30, s10;
	s11 =	sxor.u32 s21, s31;
	s18 =	spop (drf)  }
0x567: {  	v15 =	vsel vm0, s9, v15;
	s19 =	ssub.s32 s11, s21;
	s20 =	sxor.u32 s22, s18;
	s11 =	sld [smem:$0x75D]  }
0x568: {  	v15 =	vsel vm1, s1, v15;
	s21 =	spop (drf);
	s22 =	ssub.s32 s20, s22;
	s20 =	sld [smem:$0x72B]  }
0x569: {  	v15 =	vsel vm2, s10, v15;
	s23 =	sxor.u32 s15, s21;
	s21 =	sld [smem:$0x75F]  }
0x56a: {  	v15 =	vsel vm3, s19, v15;
	s24 =	spop (drf);
	s25 =	ssub.s32 s23, s15;
	s15 =	sld [smem:$0x72A]  }
0x56b: {  	v15 =	vsel vm4, s22, v15;
	s26 =	sxor.u32 s8, s24;
	s28 =	spop (drf);
	s24 =	sld [smem:$0x760]  }
0x56c: {  	v15 =	vsel vm5, s25, v15;
	s29 =	ssub.s32 s26, s8;
	s30 =	sxor.u32 s12, s28;
	s25 =	sld [smem:$0x72C]  }
0x56d: {  	s31 =	spop (drf);
	s2 =	sxor.u32 s11, s2;
	s28 =	sld [smem:$0x762]  }
0x56e: {  	v15 =	vsel vm6, s29, v15;
	s3 =	ssub.s32 s30, s12;
	s8 =	sxor.u32 s13, s31;
	s9 =	spop (drf)  }
0x56f: {  	s18 =	sxor.u32 s2, s17;
	v15 =	vsel vm7, s3, v15;
	s10 =	ssub.s32 s8, s13;
	s12 =	sxor.u32 s6, s9  }
0x570: {  	s29 =	sld [smem:$0x72D];
	s3 =	sxor.u32 s14, s15;
	v15 =	vsel vm8, s10, v15;
	s13 =	ssub.s32 s12, s6  }
0x571: {  	s19 =	ssub.s32 s18, s2;
	s2 =	sxor.u32 s21, s20;
	s22 =	sxor.u32 s3, s16;
	v15 =	vsel vm9, s13, v15  }
0x572: {  	s5 =	sxor.u32 s2, s5;
	s23 =	ssub.s32 s22, s3;
	s3 =	sxor.u32 s24, s25;
	v15 =	vsel vm10, s19, v15  }
0x573: {  	s26 =	ssub.s32 s5, s2;
	s2 =	sxor.u32 s28, s29;
	s4 =	sxor.u32 s3, s4;
	v15 =	vsel vm11, s23, v15  }
0x574: {  	s0 =	sxor.u32 s2, s0;
	s30 =	ssub.s32 s4, s3;
	v15 =	vsel vm12, s26, v15  }
0x575: {  	s0 =	ssub.s32 s0, s2;
	v15 =	vsel vm13, s30, v15  }
0x576: {  	s7 =	sld [smem:$0x7FB];
	v15 =	vsel vm14, s0, v15  }
0x577: {  	s31 =	rddreg [dreg:$0xe];
	vm15 =	vgt.s32 v15, $0x0  }
0x578: {  	s11 =	simm.s32 $0x12000;
	s8 =	sld [smem:$0x7FC];
	v15 =	vnsel vm15, $0x0, v15  }
0x579: {  	v16 =	vor.u32 s31, v4;
	s9 =	simm.s32 $0x1;
	s6 =	sld [smem:$0x7FA];
	s10 =	simm.s32 $0xF000;
	v15 =	vmin.u32 v15, $0xFF  }
0x57a: {  	s12 =	simm.s32 $0xC000;
	s5 =	sld [smem:$0x7F9];
	s0 =	sand.u32 $0xF0, s31;
	v15 =	vpsel p0, v16, v15  }
0x57b: {  	s13 =	simm.s32 $0x0;
	s3 =	simm.s32 $0x0;
	s4 =	sld [smem:$0x7F8];
	[tilespmem:s0+$0x12200] =	vst v15  }
.LBB2_20:
0x57c: {  	s0 =	smul.u32 $0xC000, s13;
	_ =	sdelay $0x1  }
0x57d: {  	s0 =	sadd.s32 s4, s0  }
0x57e: {  	s0 =	sshrl.u32 s0, $0x3  }
0x57f: {  	s1 =	sadd.s32 s6, s0;
	s0 =	simm.s32 $0x0  }
0x580: {  	[tilespmem:s0], [sflag:$0x1] =	stream.linear.gather [hbm4b:s1+s0], $0xC000, $0x38;
	[tilespmem:$0x12400] =	vst v63  }
0x581: {  	_ =	swait.ge [sflag:s9], $0xC000  }
0x582: {  	[sflag:s9] =	ssyncset.done $0x0  }
0x583: {  	[sflag:s9] =	ssyncadd.s32 $0xFFFF4000  }
.LBB2_21:
0x584: {  	v15 =	vor.u32 s0, v8  }
0x585: {  	v16 =	vor.u32 s0, v10  }
0x586: {  	v17 =	vor.u32 s0, v12  }
0x587: {  	v18 =	vor.u32 s0, v14;
	_ =	sdelay $0x1  }
0x588: {  	v15 =	vld.idx.msk [tilespmem:v15+s3+$0x0], $0xffff  }
0x589: {  	v16 =	vld.idx.msk [tilespmem:v16+s3+$0x0], $0xffff  }
0x58a: {  	v17 =	vld.idx.msk [tilespmem:v17+s3+$0x0], $0xffff  }
0x58b: {  	v18 =	vld.idx.msk [tilespmem:v18+s3+$0x0], $0xffff;
	_ =	sdelay $0x1  }
0x58c: {  	v15 =	vadd.s32 v9, v15  }
0x58d: {  	v16 =	vadd.s32 v11, v16  }
0x58e: {  	v17 =	vadd.s32 v13, v17  }
0x58f: {  	v18 =	vadd.s32 v9, v18;
	_ =	sdelay $0x1  }
0x590: {  	v15 =	vld.idx.msk [tilespmem:v15+s11+$0x0], $0xffff  }
0x591: {  	v16 =	vld.idx.msk [tilespmem:v16+s11+$0x0], $0xffff  }
0x592: {  	v17 =	vld.idx.msk [tilespmem:v17+s11+$0x0], $0xffff  }
0x593: {  	v18 =	vld.idx.msk [tilespmem:v18+s11+$0x0], $0xffff;
	_ =	sdelay $0x1  }
0x594: {  	s1 =	sadd.s32 $0x40, s0  }
0x595: {  	v19 =	vor.u32 s1, v8;
	v16 =	vshll.u32 v16, $0x8  }
0x596: {  	v55 =	vor.u32 s1, v10;
	v54 =	vshll.u32 v17, $0x10;
	v15 =	vor.u32 v15, v16  }
0x597: {  	v57 =	vor.u32 s1, v12;
	v56 =	vshll.u32 v18, $0x18;
	v15 =	vor.u32 v54, v15  }
0x598: {  	s2 =	sshra.s32 s0, $0x2;
	v58 =	vor.u32 s1, v14;
	v15 =	vor.u32 v56, v15  }
0x599: {  	[tilespmem:s2+$0xC000] =	vst v15  }
0x59a: {  	v15 =	vld.idx.msk [tilespmem:v19+s3+$0x0], $0xffff  }
0x59b: {  	v17 =	vld.idx.msk [tilespmem:v55+s3+$0x0], $0xffff  }
0x59c: {  	v18 =	vld.idx.msk [tilespmem:v57+s3+$0x0], $0xffff  }
0x59d: {  	v16 =	vld.idx.msk [tilespmem:v58+s3+$0x0], $0xffff;
	_ =	sdelay $0x1  }
0x59e: {  	v15 =	vadd.s32 v11, v15  }
0x59f: {  	v17 =	vadd.s32 v13, v17  }
0x5a0: {  	v18 =	vadd.s32 v9, v18  }
0x5a1: {  	v16 =	vadd.s32 v11, v16;
	_ =	sdelay $0x1  }
0x5a2: {  	v15 =	vld.idx.msk [tilespmem:v15+s11+$0x0], $0xffff  }
0x5a3: {  	v17 =	vld.idx.msk [tilespmem:v17+s11+$0x0], $0xffff  }
0x5a4: {  	v18 =	vld.idx.msk [tilespmem:v18+s11+$0x0], $0xffff  }
0x5a5: {  	v16 =	vld.idx.msk [tilespmem:v16+s11+$0x0], $0xffff;
	_ =	sdelay $0x1  }
0x5a6: {  	s31 =	sadd.s32 $0x80, s0  }
0x5a7: {  	v59 =	vor.u32 s31, v8;
	v17 =	vshll.u32 v17, $0x8  }
0x5a8: {  	v61 =	vor.u32 s31, v10;
	v60 =	vshll.u32 v18, $0x10;
	v15 =	vor.u32 v15, v17  }
0x5a9: {  	v62 =	vor.u32 s31, v12;
	v16 =	vshll.u32 v16, $0x18;
	v15 =	vor.u32 v60, v15  }
0x5aa: {  	v63 =	vor.u32 s31, v14;
	v15 =	vor.u32 v16, v15  }
0x5ab: {  	[tilespmem:s2+$0xC010] =	vst v15  }
0x5ac: {  	v15 =	vld.idx.msk [tilespmem:v59+s3+$0x0], $0xffff  }
0x5ad: {  	v18 =	vld.idx.msk [tilespmem:v61+s3+$0x0], $0xffff  }
0x5ae: {  	v17 =	vld.idx.msk [tilespmem:v62+s3+$0x0], $0xffff  }
0x5af: {  	v16 =	vld.idx.msk [tilespmem:v63+s3+$0x0], $0xffff;
	_ =	sdelay $0x1  }
0x5b0: {  	v15 =	vadd.s32 v13, v15  }
0x5b1: {  	v18 =	vadd.s32 v9, v18  }
0x5b2: {  	v17 =	vadd.s32 v11, v17  }
0x5b3: {  	v16 =	vadd.s32 v13, v16;
	_ =	sdelay $0x1  }
0x5b4: {  	v15 =	vld.idx.msk [tilespmem:v15+s11+$0x0], $0xffff  }
0x5b5: {  	v18 =	vld.idx.msk [tilespmem:v18+s11+$0x0], $0xffff  }
0x5b6: {  	v17 =	vld.idx.msk [tilespmem:v17+s11+$0x0], $0xffff  }
0x5b7: {  	v16 =	vld.idx.msk [tilespmem:v16+s11+$0x0], $0xffff;
	_ =	sdelay $0x1  }
0x5b8: {  	p0 =	sne.s32 s0, $0xBF40  }
.Ltmp9:
0x5b9: {  	v18 =	vshll.u32 v18, $0x8;
	(pc) =	sbr.rel @p0 .LBB2_21-.Ltmp9, $4  }
0x5ba: {  	v17 =	vshll.u32 v17, $0x10;
	v15 =	vor.u32 v15, v18  }
0x5bb: {  	v16 =	vshll.u32 v16, $0x18;
	v15 =	vor.u32 v17, v15  }
0x5bc: {  	v15 =	vor.u32 v16, v15  }
0x5bd: {  	s0 =	sadd.s32 $0xC0, s0;
	[tilespmem:s2+$0xC020] =	vst v15  }
0x5be: {  	s0 =	smul.u32 $0x3000, s13;
	_ =	sdelay $0x1  }
0x5bf: {  	s13 =	sadd.s32 $0x1, s13;
	s0 =	sadd.s32 s5, s0  }
0x5c0: {  	p0 =	sne.s32 s13, $0x10;
	s0 =	sshrl.u32 s0, $0x3  }
.Ltmp10:
0x5c1: {  	s1 =	sadd.s32 s8, s0;
	s0 =	simm.s32 $0x0;
	(pc) =	sbr.rel @p0 .LBB2_20-.Ltmp10, $4  }
0x5c2: {  	[hbm4b:s1+s0] =	stream.linear.scatter [tilespmem:s12], [sflag:$0x1], $0x3000, $0x38;
	[tilespmem:$0x12400] =	vst v63  }
0x5c3: {  	_ =	swait.ge [sflag:s9], $0x3000  }
0x5c4: {  	[sflag:s9] =	ssyncset.done $0x0  }
0x5c5: {  	[sflag:s9] =	ssyncadd.s32 $0xFFFFD000  }
0x5c6: {  	s1 =	simm.s32 $0x40;
	s2 =	simm.s32 $0x0  }
.LBB2_24:
0x5c7: {  	p0 =	sne.s32 s1, $0xBFC0;
	[tilespmem:s2+$0xF000] =	vst v0;
	s2 =	smov.u32 s1;
	s1 =	sadd.s32 $0x40, s1  }
.Ltmp11:
0x5c8: {  	(pc) =	sbr.rel @p0 .LBB2_24-.Ltmp11, $2  }
0x5c9: {  	_ =	sdelay $0x2  }
0x5ca: {  	s2 =	sshra.s32 s2, $0x2  }
0x5cb: {  	[tilespmem:s2+$0xF000] =	vst v0  }
.LBB2_26:
0x5cc: {  	s1 =	smul.u32 $0xC000, s0;
	_ =	sdelay $0x1  }
0x5cd: {  	s1 =	sadd.s32 s7, s1  }
0x5ce: {  	s1 =	sshrl.u32 s1, $0x3  }
0x5cf: {  	s2 =	sadd.s32 s6, s1;
	s1 =	simm.s32 $0x0  }
0x5d0: {  	[tilespmem:s1], [sflag:$0x1] =	stream.linear.gather [hbm4b:s2+s1], $0xC000, $0x38;
	[tilespmem:$0x12400] =	vst v63  }
0x5d1: {  	_ =	swait.ge [sflag:s9], $0xC000  }
0x5d2: {  	[sflag:s9] =	ssyncset.done $0x0  }
0x5d3: {  	[sflag:s9] =	ssyncadd.s32 $0xFFFF4000  }
.LBB2_27:
0x5d4: {  	s2 =	sshra.s32 s1, $0x2  }
0x5d5: {  	v15 =	vld [tilespmem:s2+$0x0];
	_ =	sdelay $0x4  }
0x5d6: {  	v15 =	vadd.s32 v1, v15;
	_ =	sdelay $0x4  }
0x5d7: {  	[tilespmem:v15+s10+$0x0] =	vst.idx.add.s32.msk $0xffff, v2  }
0x5d8: {  	v15 =	vld [tilespmem:s2+$0x10];
	_ =	sdelay $0x4  }
0x5d9: {  	v15 =	vadd.s32 v3, v15;
	_ =	sdelay $0x4  }
0x5da: {  	[tilespmem:v15+s10+$0x0] =	vst.idx.add.s32.msk $0xffff, v2  }
0x5db: {  	v15 =	vld [tilespmem:s2+$0x20];
	_ =	sdelay $0x4  }
0x5dc: {  	p0 =	sne.s32 s1, $0x2FF40;
	v15 =	vadd.s32 v5, v15  }
.Ltmp12:
0x5dd: {  	_ = 	snop;
	(pc) =	sbr.rel @p0 .LBB2_27-.Ltmp12, $2  }
0x5de: {  	_ =	sdelay $0x2  }
0x5df: {  	s1 =	sadd.s32 $0xC0, s1;
	[tilespmem:v15+s10+$0x0] =	vst.idx.add.s32.msk $0xffff, v2  }
0x5e0: {  	s0 =	sadd.s32 $0x1, s0  }
0x5e1: {  	p0 =	sne.s32 s0, $0x10  }
.Ltmp13:
0x5e2: {  	_ = 	snop;
	(pc) =	sbr.rel @p0 .LBB2_26-.Ltmp13, $1  }
0x5e3: {  	_ =	sdelay $0x3  }
0x5e4: {  	s1 =	simm.s32 $0x0;
	s2 =	simm.s32 $0xF000  }
0x5e5: {  	s0 =	sand.u32 $0xF0, s1;
	v16 =	vld [tilespmem:s2+$0x0]  }
0x5e6: {  	v15 =	vld [tilespmem:s0+$0xF300]  }
0x5e7: {  	v17 =	vld [tilespmem:s0+$0xF600]  }
0x5e8: {  	v18 =	vld [tilespmem:s0+$0xF900]  }
0x5e9: {  	v19 =	vld [tilespmem:s0+$0xFC00]  }
0x5ea: {  	v20 =	vld [tilespmem:s0+$0xFF00]  }
0x5eb: {  	v15 =	vadd.s32 v16, v15;
	v16 =	vld [tilespmem:s0+$0x10200]  }
0x5ec: {  	v15 =	vadd.s32 v15, v17;
	v17 =	vld [tilespmem:s0+$0x10500]  }
0x5ed: {  	v15 =	vadd.s32 v15, v18;
	v18 =	vld [tilespmem:s0+$0x10800]  }
0x5ee: {  	v15 =	vadd.s32 v15, v19;
	v19 =	vld [tilespmem:s0+$0x10B00]  }
0x5ef: {  	v15 =	vadd.s32 v15, v20;
	v20 =	vld [tilespmem:s0+$0x10E00]  }
0x5f0: {  	v15 =	vadd.s32 v15, v16;
	v16 =	vld [tilespmem:s0+$0x11100]  }
0x5f1: {  	v15 =	vadd.s32 v15, v17;
	v17 =	vld [tilespmem:s0+$0x11400]  }
0x5f2: {  	v15 =	vadd.s32 v15, v18;
	v18 =	vld [tilespmem:s0+$0x11700]  }
0x5f3: {  	v15 =	vadd.s32 v15, v19;
	v19 =	vld [tilespmem:s0+$0x11A00]  }
0x5f4: {  	v15 =	vadd.s32 v15, v20;
	v20 =	vld [tilespmem:s0+$0x11D00]  }
0x5f5: {  	v15 =	vadd.s32 v15, v16  }
0x5f6: {  	v15 =	vadd.s32 v15, v17  }
0x5f7: {  	v15 =	vadd.s32 v15, v18  }
0x5f8: {  	v15 =	vadd.s32 v15, v19  }
0x5f9: {  	v15 =	vadd.s32 v15, v20  }
0x5fa: {  	(xrf0) =	vadd.scan.msk.s32 $0xffff, v15;
	_ =	sdelay $0x5  }
0x5fb: {  	v16, _, _ =	vpop (xrf0)  }
0x5fc: {  	s2 =	simm.s32 $0x12300;
	s0 =	simm.s32 $0x10;
	v16 =	vadd.s32 s1, v16  }
0x5fd: {  	s4 =	sand.u32 $0xF0, s0;
	[tilespmem:s2+$0x0] =	vst v16;
	v16 =	vxor.u32 $0x80000000, v16  }
0x5fe: {  	s3 =	simm.s32 $0xF010;
	v17 =	vmov s1;
	v20 =	vld [tilespmem:s4+$0xF300];
	(xrf0) =	vmax.scan.msk.u32 $0xffff, v16  }
0x5ff: {  	v16 =	vshll.u32 v17, $0x13;
	v21 =	vld [tilespmem:s3+$0x0]  }
0x600: {  	v19 =	vld [tilespmem:s4+$0xF600];
	v16 =	vor.u32 v6, v16  }
0x601: {  	vm15 =	vgt.s32 v15, $0x0;
	v17 =	vld [tilespmem:s4+$0xF900];
	v15 =	vadd.s32 v16, v15  }
0x602: {  	v22 =	vimm.s32 $0xFFFFFFFF;
	v18 =	vld [tilespmem:s4+$0xFC00];
	v15 =	vnsel vm15, $0xFFFFFFFF, v15  }
0x603: {  	v16 =	vld [tilespmem:s4+$0xFF00];
	vm15 =	vgt.s32 v22, v15  }
0x604: {  	s5 =	simm.s32 $0x30;
	s1 =	simm.s32 $0x20;
	v15 =	vsel vm15, v22, v15;
	v22 =	vadd.s32 v21, v20;
	v20 =	vld [tilespmem:s4+$0x10200];
	v21, _, _ =	vpop (xrf0)  }
.LBB2_30:
0x605: {  	p0 =	sne.s32 s5, $0xF0;
	v19 =	vadd.s32 v22, v19;
	v22 =	vld [tilespmem:s4+$0x10500];
	(v2sf) =	vpush v21, $0xF  }
0x606: {  	v17 =	vadd.s32 v19, v17;
	v19 =	vld [tilespmem:s4+$0x10800]  }
0x607: {  	v17 =	vadd.s32 v17, v18;
	v18 =	vld [tilespmem:s4+$0x10B00]  }
0x608: {  	v16 =	vadd.s32 v17, v16;
	v17 =	vld [tilespmem:s4+$0x10E00]  }
0x609: {  	v16 =	vadd.s32 v16, v20;
	v20 =	vld [tilespmem:s4+$0x11100]  }
0x60a: {  	v16 =	vadd.s32 v16, v22;
	v21 =	vld [tilespmem:s4+$0x11400]  }
0x60b: {  	v16 =	vadd.s32 v16, v19;
	v19 =	vld [tilespmem:s4+$0x11700]  }
0x60c: {  	v16 =	vadd.s32 v16, v18;
	v18 =	vld [tilespmem:s4+$0x11A00]  }
0x60d: {  	v16 =	vadd.s32 v16, v17;
	v17 =	vld [tilespmem:s4+$0x11D00]  }
0x60e: {  	v16 =	vadd.s32 v16, v20  }
0x60f: {  	v16 =	vadd.s32 v16, v21  }
0x610: {  	v16 =	vadd.s32 v16, v19;
	v19 =	vmov s0;
	s0 =	smov.u32 s1;
	s1 =	smov.u32 s5  }
0x611: {  	v16 =	vadd.s32 v16, v18;
	v18 =	vshll.u32 v19, $0x13  }
0x612: {  	v16 =	vadd.s32 v16, v17;
	v17 =	vor.u32 v6, v18  }
0x613: {  	vm15 =	vgt.s32 v16, $0x0;
	v17 =	vadd.s32 v17, v16;
	(xrf0) =	vadd.scan.msk.s32 $0xffff, v16  }
0x614: {  	v16 =	vnsel vm15, $0xFFFFFFFF, v17;
	s4 =	spop (v2sf)  }
0x615: {  	vm15 =	vgt.s32 v15, v16;
	s4 =	sxor.u32 $0x80000000, s4  }
0x616: {  	v15 =	vsel vm15, v15, v16;
	_ =	sdelay $0x2  }
0x617: {  	v16, _, _ =	vpop (xrf0)  }
0x618: {  	s2 =	sadd.s32 $0x10, s2;
	v16 =	vadd.s32 s4, v16  }
0x619: {  	s4 =	sand.u32 $0xF0, s0;
	[tilespmem:s2+$0x0] =	vst v16;
	v16 =	vxor.u32 $0x80000000, v16  }
0x61a: {  	s3 =	sadd.s32 $0x10, s3;
	v20 =	vld [tilespmem:s4+$0xF300];
	(xrf0) =	vmax.scan.msk.u32 $0xffff, v16  }
0x61b: {  	v21 =	vld [tilespmem:s3+$0x0]  }
.Ltmp14:
0x61c: {  	v19 =	vld [tilespmem:s4+$0xF600];
	(pc) =	sbr.rel @p0 .LBB2_30-.Ltmp14, $4  }
0x61d: {  	v17 =	vld [tilespmem:s4+$0xF900]  }
0x61e: {  	v18 =	vld [tilespmem:s4+$0xFC00]  }
0x61f: {  	v16 =	vld [tilespmem:s4+$0xFF00]  }
0x620: {  	s5 =	sadd.s32 $0x10, s5;
	v22 =	vadd.s32 v21, v20;
	v20 =	vld [tilespmem:s4+$0x10200];
	v21, _, _ =	vpop (xrf0)  }
0x621: {  	v19 =	vadd.s32 v22, v19;
	v52 =	vld [tilespmem:s4+$0x10500]  }
0x622: {  	v17 =	vadd.s32 v19, v17;
	v19 =	vld [tilespmem:s4+$0x10800]  }
0x623: {  	v17 =	vadd.s32 v17, v18;
	v18 =	vld [tilespmem:s4+$0x10B00]  }
0x624: {  	v16 =	vadd.s32 v17, v16;
	v17 =	vld [tilespmem:s4+$0x10E00]  }
0x625: {  	(v2sf) =	vpush v21, $0xF;
	v53 =	vld [tilespmem:s4+$0x11100];
	v16 =	vadd.s32 v16, v20  }
0x626: {  	v54 =	vld [tilespmem:s4+$0x11400];
	v16 =	vadd.s32 v16, v52  }
0x627: {  	v16 =	vadd.s32 v16, v19;
	v19 =	vld [tilespmem:s4+$0x11700]  }
0x628: {  	v16 =	vadd.s32 v16, v18;
	v18 =	vld [tilespmem:s4+$0x11A00]  }
0x629: {  	v16 =	vadd.s32 v16, v17;
	v17 =	vld [tilespmem:s4+$0x11D00]  }
0x62a: {  	v16 =	vadd.s32 v16, v53  }
0x62b: {  	v16 =	vadd.s32 v16, v54  }
0x62c: {  	v16 =	vadd.s32 v16, v19  }
0x62d: {  	v16 =	vadd.s32 v16, v18  }
0x62e: {  	v16 =	vadd.s32 v16, v17  }
0x62f: {  	(xrf0) =	vadd.scan.msk.s32 $0xffff, v16;
	_ =	sdelay $0x4  }
0x630: {  	s30 =	spop (v2sf)  }
0x631: {  	s4 =	sxor.u32 $0x80000000, s30;
	v17, _, _ =	vpop (xrf0)  }
0x632: {  	s2 =	sadd.s32 $0x10, s2;
	v17 =	vadd.s32 s4, v17  }
0x633: {  	s5 =	sand.u32 $0xF0, s1;
	[tilespmem:s2+$0x0] =	vst v17  }
0x634: {  	s3 =	sadd.s32 $0x10, s3;
	v18 =	vld [tilespmem:s5+$0xF300]  }
0x635: {  	v19 =	vld [tilespmem:s3+$0x0]  }
0x636: {  	v55 =	vld [tilespmem:s5+$0xF600]  }
0x637: {  	v17 =	vxor.u32 $0x80000000, v17;
	v56 =	vld [tilespmem:s5+$0xF900]  }
0x638: {  	(xrf0) =	vmax.scan.msk.u32 $0xffff, v17;
	v17 =	vld [tilespmem:s5+$0xFC00]  }
0x639: {  	v57 =	vld [tilespmem:s5+$0xFF00]  }
0x63a: {  	v18 =	vadd.s32 v19, v18;
	v19 =	vld [tilespmem:s5+$0x10200]  }
0x63b: {  	v58 =	vld [tilespmem:s5+$0x10500];
	v18 =	vadd.s32 v18, v55  }
0x63c: {  	v59 =	vld [tilespmem:s5+$0x10800];
	v18 =	vadd.s32 v18, v56  }
0x63d: {  	v17 =	vadd.s32 v18, v17;
	v18 =	vld [tilespmem:s5+$0x10B00]  }
0x63e: {  	v60 =	vld [tilespmem:s5+$0x10E00];
	v17 =	vadd.s32 v17, v57  }
0x63f: {  	v17 =	vadd.s32 v17, v19;
	v19 =	vld [tilespmem:s5+$0x11100]  }
0x640: {  	v61 =	vld [tilespmem:s5+$0x11400];
	v17 =	vadd.s32 v17, v58  }
0x641: {  	v62 =	vld [tilespmem:s5+$0x11700];
	v17 =	vadd.s32 v17, v59  }
0x642: {  	v17 =	vadd.s32 v17, v18;
	v18 =	vld [tilespmem:s5+$0x11A00]  }
0x643: {  	v17 =	vadd.s32 v17, v60  }
0x644: {  	v17 =	vadd.s32 v17, v19  }
0x645: {  	v17 =	vadd.s32 v17, v61  }
0x646: {  	v17 =	vadd.s32 v17, v62  }
0x647: {  	v17 =	vadd.s32 v17, v18;
	v18 =	vmov s0  }
0x648: {  	v18 =	vshll.u32 v18, $0x13  }
0x649: {  	v63 =	vld [tilespmem:s5+$0x11D00];
	v18 =	vor.u32 v6, v18  }
0x64a: {  	vm15 =	vgt.s32 v16, $0x0;
	v23, _, _ =	vpop (xrf0);
	v16 =	vadd.s32 v18, v16  }
0x64b: {  	(v2sf) =	vpush v23, $0xF;
	v19 =	vmov s1;
	v16 =	vnsel vm15, $0xFFFFFFFF, v16  }
0x64c: {  	v18 =	vshll.u32 v19, $0x13;
	v19 =	vimm.s32 $0x0;
	vm15 =	vgt.s32 v15, v16  }
0x64d: {  	v19 =	vsel vm15, $0xFFFFFFFF, v19  }
0x64e: {  	v17 =	vadd.s32 v17, v63;
	v18 =	vor.u32 v6, v18;
	[tilespmem:$0x1FF80] =	vst v19  }
0x64f: {  	(xrf0) =	vadd.scan.msk.s32 $0xffff, v17;
	vm15 =	vgt.s32 v17, $0x0;
	v17 =	vadd.s32 v18, v17;
	v18 =	vld [tilespmem:$0x1FF80];
	_ =	sdelay $0x2  }
0x650: {  	v19 =	vimm.s32 $0x0  }
0x651: {  	v19 =	vsel vm15, $0xFFFFFFFF, v19  }
0x652: {  	[tilespmem:$0x1FF90] =	vst v19;
	vm15 =	vnez.u8 v18  }
0x653: {  	v15 =	vsel vm15, v15, v16;
	v16 =	vld [tilespmem:$0x1FF90];
	_ =	sdelay $0x4  }
0x654: {  	s6 =	spop (v2sf);
	vm15 =	vnez.u8 v16  }
0x655: {  	s0 =	sxor.u32 $0x80000000, s6;
	v16 =	vnsel vm15, $0xFFFFFFFF, v17;
	v17, _, _ =	vpop (xrf0)  }
0x656: {  	vm15 =	vgt.s32 v15, v16;
	v17 =	vadd.s32 s0, v17  }
0x657: {  	v15 =	vsel vm15, v15, v16;
	v16 =	vxor.u32 $0x80000000, v17  }
0x658: {  	(xrf0) =	vmax.scan.msk.u32 $0xffff, v16;
	v15 =	vxor.u32 $0x80000000, v15  }
0x659: {  	(xrf0) =	vmax.scan.msk.u32 $0xffff, v15;
	_ =	sdelay $0x4  }
0x65a: {  	v15, _, _ =	vpop (xrf0)  }
0x65b: {  	(v2sf) =	vpush v15, $0xF;
	v15, _, _ =	vpop (xrf0)  }
0x65c: {  	(v2sf) =	vpush v15, $0xF;
	_ =	sdelay $0xd  }
0x65d: {  	s7 =	spop (v2sf)  }
0x65e: {  	s0 =	spop (v2sf)  }
0x65f: {  	s0 =	sand.u32 $0x7FFFF, s0  }
0x660: {  	[smem:$0x722] =	sst s0;
	s0 =	ssub.s32 $0x40000, s0  }
0x661: {  	s8 =	smulhi.u32 $0x80808081, s0;
	s9 =	sshra.s32 s0, $0x1F  }
0x662: {  	s3 =	smul.u32 $0x80808081, s9  }
0x663: {  	s1 =	ssub.s32 s8, s0  }
0x664: {  	s1 =	sadd.s32 s3, s1  }
0x665: {  	s0 =	sadd.s32 s0, s1  }
0x666: {  	s1 =	sshra.s32 s0, $0x7;
	s10 =	sshrl.u32 s0, $0x1F  }
0x667: {  	s1 =	sadd.s32 s10, s1  }
0x668: {  	p0 =	sgt.s32 s1, $0x1  }
0x669: {  	s1 =	simm.s32 @!p0 $0x1  }
0x66a: {  	v15 =	vmov s1  }
0x66b: {  	(v2sf) =	vpush v15, $0xE  }
0x66c: {  	s11 =	simm.s32 $0x0;
	(v2sf) =	vpush v15, $0xD  }
0x66d: {  	v16 =	vadd.s32 s11, v7;
	(v2sf) =	vpush v15, $0xC  }
0x66e: {  	vm15 =	vgt.s32 v16, $0x0;
	(v2sf) =	vpush v15, $0xB  }
0x66f: {  	v16 =	vnsel vm15, $0x0, v16;
	(v2sf) =	vpush v15, $0xA  }
0x670: {  	(v2sf) =	vpush v15, $0x9  }
0x671: {  	(v2sf) =	vpush v15, $0x8  }
0x672: {  	s13 =	sadd.s32 $0x10, s2;
	(v2sf) =	vpush v15, $0x7  }
0x673: {  	s14 =	simm.s32 $0x12300;
	[tilespmem:s13+$0x0] =	vst v17;
	(v2sf) =	vpush v15, $0x6  }
0x674: {  	v17 =	vld.idx.msk [tilespmem:v16+s14+$0x0], $0xffff;
	(v2sf) =	vpush v15, $0x5  }
0x675: {  	(v2sf) =	vpush v15, $0x4  }
0x676: {  	s12 =	simm.s32 $0x0;
	(v2sf) =	vpush v15, $0x3  }
0x677: {  	v16 =	vmov s12;
	s0 =	sshra.s32 s0, $0x8;
	(v2sf) =	vpush v15, $0x2  }
0x678: {  	vm15 =	veq.s32 v16, v4;
	s0 =	sadd.s32 s10, s0;
	(v2sf) =	vpush v15, $0x1  }
0x679: {  	v17 =	vsel vm15, $0x0, v17;
	v16 =	vmov s0;
	(v2sf) =	vpush v15, $0x0  }
0x67a: {  	v17 =	vadd.s32 v16, v17;
	(v2sf) =	vpush v15, $0xF;
	s15 =	spop (v2sf)  }
0x67b: {  	s17 =	spop (v2sf);
	(v2sf) =	vpush v17, $0xE  }
0x67c: {  	s7 =	spop (v2sf)  }
0x67d: {  	s8 =	spop (v2sf);
	(v2sf) =	vpush v17, $0xD  }
0x67e: {  	s10 =	spop (v2sf);
	(v2sf) =	vpush v17, $0xC  }
0x67f: {  	s11 =	spop (v2sf);
	(v2sf) =	vpush v17, $0xB  }
0x680: {  	s18 =	spop (v2sf);
	(v2sf) =	vpush v17, $0xA  }
0x681: {  	s13 =	spop (v2sf);
	(v2sf) =	vpush v17, $0x9  }
0x682: {  	s12 =	spop (v2sf);
	(v2sf) =	vpush v17, $0x8  }
0x683: {  	s16 =	spop (v2sf);
	(v2sf) =	vpush v17, $0x7  }
0x684: {  	s14 =	spop (v2sf);
	(v2sf) =	vpush v17, $0x6  }
0x685: {  	s24 =	spop (v2sf);
	(v2sf) =	vpush v17, $0x5  }
0x686: {  	s21 =	spop (v2sf);
	(v2sf) =	vpush v17, $0x4  }
0x687: {  	s22 =	sshra.s32 s15, $0x1F;
	s25 =	spop (v2sf);
	(v2sf) =	vpush v17, $0x3  }
0x688: {  	s6 =	sshra.s32 s17, $0x1F;
	s0 =	sxor.u32 s22, s15;
	s26 =	spop (v2sf);
	(v2sf) =	vpush v17, $0x2  }
0x689: {  	[smem:$0x720] =	sst s22;
	s0 =	ssub.s32 s0, s22;
	s20 =	spop (v2sf);
	(v2sf) =	vpush v17, $0x1  }
0x68a: {  	[smem:$0x71E] =	sst s6;
	s9 =	sshra.s32 s8, $0x1F;
	(v2sf) =	vpush v17, $0x0;
	s19 =	spop (v2sf)  }
0x68b: {  	s3 =	sxor.u32 s6, s17;
	s8 =	sxor.u32 s9, s8;
	(v2sf) =	vpush v17, $0xF;
	s23 =	sshra.s32 s19, $0x1F  }
0x68c: {  	[smem:$0x71C] =	sst s18;
	s5 =	spop (v2sf);
	s4 =	sxor.u32 s23, s19  }
0x68d: {  	[smem:$0x721] =	sst s23;
	s18 =	spop (v2sf);
	s4 =	ssub.s32 s4, s23  }
0x68e: {  	s30 =	sshra.s32 s5, $0x1F;
	s22 =	spop (v2sf);
	(drf) =	sdiv.u32 s4, s0  }
0x68f: {  	[smem:$0x71F] =	sst s30;
	s4 =	sxor.u32 s30, s5;
	s28 =	spop (v2sf)  }
0x690: {  	s0 =	ssub.s32 s3, s6;
	s5 =	sshra.s32 s7, $0x1F;
	s15 =	spop (v2sf)  }
0x691: {  	s19 =	sshra.s32 s18, $0x1F;
	s2 =	ssub.s32 s4, s30;
	s17 =	spop (v2sf)  }
0x692: {  	[smem:$0x71D] =	sst s5;
	s6 =	sxor.u32 s5, s7;
	s23 =	spop (v2sf)  }
0x693: {  	s7 =	sxor.u32 s19, s18;
	(drf) =	sdiv.u32 s2, s0;
	s29 =	spop (v2sf)  }
0x694: {  	s0 =	ssub.s32 s6, s5;
	s2 =	ssub.s32 s7, s19;
	s30 =	spop (v2sf)  }
0x695: {  	s7 =	sshra.s32 s22, $0x1F;
	(drf) =	sdiv.u32 s2, s0;
	s5 =	spop (v2sf)  }
0x696: {  	s0 =	ssub.s32 s8, s9;
	s18 =	sxor.u32 s7, s22;
	s4 =	spop (v2sf)  }
0x697: {  	s8 =	sshra.s32 s10, $0x1F;
	s22 =	ssub.s32 s18, s7;
	s3 =	spop (v2sf)  }
0x698: {  	s18 =	sshra.s32 s20, $0x1F;
	(drf) =	sdiv.u32 s22, s0;
	s31 =	spop (v2sf)  }
0x699: {  	s0 =	sxor.u32 s8, s10;
	s10 =	sshra.s32 s28, $0x1F;
	s1 =	spop (v2sf)  }
0x69a: {  	s6 =	sxor.u32 s18, s20;
	s28 =	sxor.u32 s10, s28;
	s2 =	spop (v2sf)  }
0x69b: {  	s22 =	ssub.s32 s0, s8;
	s28 =	ssub.s32 s28, s10;
	s20 =	sshra.s32 s2, $0x1F  }
0x69c: {  	(drf) =	sdiv.u32 s28, s22;
	s22 =	sshra.s32 s25, $0x1F;
	s0 =	sxor.u32 s20, s2  }
0x69d: {  	s28 =	sshra.s32 s1, $0x1F;
	s2 =	ssub.s32 s6, s18;
	s0 =	ssub.s32 s0, s20  }
0x69e: {  	(drf) =	sdiv.u32 s0, s2;
	s0 =	sxor.u32 s22, s25;
	s25 =	sshra.s32 s26, $0x1F  }
0x69f: {  	s1 =	sxor.u32 s28, s1;
	s6 =	sxor.u32 s25, s26;
	s26 =	sshra.s32 s31, $0x1F  }
0x6a0: {  	s1 =	ssub.s32 s1, s28;
	s2 =	ssub.s32 s6, s25;
	s31 =	sxor.u32 s26, s31  }
0x6a1: {  	s0 =	ssub.s32 s0, s22;
	(drf) =	sdiv.u32 s1, s2;
	s6 =	ssub.s32 s31, s26  }
0x6a2: {  	(drf) =	sdiv.u32 s6, s0;
	s6 =	sshra.s32 s24, $0x1F  }
0x6a3: {  	s31 =	sshra.s32 s3, $0x1F;
	s1 =	sxor.u32 s6, s24;
	s24 =	sshra.s32 s21, $0x1F  }
0x6a4: {  	s3 =	sxor.u32 s31, s3;
	s0 =	sxor.u32 s24, s21  }
0x6a5: {  	s3 =	ssub.s32 s3, s31;
	s21 =	sshra.s32 s4, $0x1F;
	s2 =	ssub.s32 s0, s24  }
0x6a6: {  	s1 =	ssub.s32 s1, s6;
	s4 =	sxor.u32 s21, s4;
	(drf) =	sdiv.u32 s3, s2  }
0x6a7: {  	s4 =	ssub.s32 s4, s21;
	s2 =	sshra.s32 s16, $0x1F;
	s3 =	sshra.s32 s14, $0x1F  }
0x6a8: {  	(drf) =	sdiv.u32 s4, s1;
	s0 =	sxor.u32 s2, s16;
	s4 =	sshra.s32 s5, $0x1F  }
0x6a9: {  	s14 =	sxor.u32 s3, s14;
	s16 =	sshra.s32 s30, $0x1F;
	s5 =	sxor.u32 s4, s5  }
0x6aa: {  	s14 =	ssub.s32 s14, s3;
	s30 =	sxor.u32 s16, s30;
	s5 =	ssub.s32 s5, s4  }
0x6ab: {  	s1 =	ssub.s32 s0, s2;
	s30 =	ssub.s32 s30, s16;
	(drf) =	sdiv.u32 s5, s14  }
0x6ac: {  	s5 =	sshra.s32 s13, $0x1F;
	s14 =	sshra.s32 s29, $0x1F;
	(drf) =	sdiv.u32 s30, s1  }
0x6ad: {  	s0 =	sxor.u32 s5, s13;
	s13 =	sshra.s32 s12, $0x1F;
	s30 =	sshra.s32 s23, $0x1F  }
0x6ae: {  	s29 =	sxor.u32 s14, s29;
	s12 =	sxor.u32 s13, s12;
	s23 =	sxor.u32 s30, s23  }
0x6af: {  	s29 =	ssub.s32 s29, s14;
	s1 =	ssub.s32 s0, s5;
	s12 =	ssub.s32 s12, s13  }
0x6b0: {  	s0 =	ssub.s32 s23, s30;
	(drf) =	sdiv.u32 s29, s12;
	s12 =	sshra.s32 s11, $0x1F  }
0x6b1: {  	(drf) =	sdiv.u32 s0, s1;
	s1 =	sxor.u32 s12, s11;
	s11 =	sld [smem:$0x71C]  }
0x6b2: {  	_ =	sdelay $0x1  }
0x6b3: {  	s29 =	sshra.s32 s17, $0x1F;
	s23 =	sshra.s32 s11, $0x1F  }
0x6b4: {  	s17 =	sxor.u32 s29, s17;
	s0 =	sshra.s32 s15, $0x1F;
	s11 =	sxor.u32 s23, s11  }
0x6b5: {  	s15 =	sxor.u32 s0, s15;
	s17 =	ssub.s32 s17, s29;
	s11 =	ssub.s32 s11, s23  }
0x6b6: {  	s1 =	ssub.s32 s1, s12;
	(drf) =	sdiv.u32 s17, s11;
	s17 =	ssub.s32 s15, s0  }
0x6b7: {  	(drf) =	sdiv.u32 s17, s1;
	s1 =	spop (drf)  }
0x6b8: {  	s11 =	spop (drf)  }
0x6b9: {  	s18 =	sxor.u32 s18, s20;
	s0 =	sxor.u32 s12, s0;
	s12 =	spop (drf)  }
0x6ba: {  	s6 =	sxor.u32 s6, s21;
	s3 =	sxor.u32 s3, s4;
	s4 =	spop (drf)  }
0x6bb: {  	s21 =	sxor.u32 s22, s26;
	s2 =	sxor.u32 s2, s16;
	s16 =	spop (drf)  }
0x6bc: {  	s5 =	sxor.u32 s5, s30;
	s17 =	sxor.u32 s25, s28;
	s25 =	spop (drf)  }
0x6bd: {  	s13 =	sxor.u32 s13, s14;
	s14 =	sxor.u32 s23, s29;
	s30 =	spop (drf)  }
0x6be: {  	s15 =	sxor.u32 s24, s31;
	s20 =	sxor.u32 s18, s25;
	s25 =	spop (drf)  }
0x6bf: {  	s18 =	ssub.s32 s20, s18;
	s24 =	sxor.u32 s17, s30;
	s30 =	spop (drf)  }
0x6c0: {  	s17 =	ssub.s32 s24, s17;
	v17 =	vmov s18;
	s26 =	sxor.u32 s21, s25;
	s22 =	spop (drf)  }
0x6c1: {  	v17 =	vsel vm0, s17, v17;
	s18 =	ssub.s32 s26, s21;
	s21 =	sxor.u32 s15, s30;
	s25 =	spop (drf)  }
0x6c2: {  	v17 =	vsel vm1, s18, v17;
	s15 =	ssub.s32 s21, s15;
	s24 =	sxor.u32 s6, s22;
	s26 =	sxor.u32 s3, s25  }
0x6c3: {  	v17 =	vsel vm2, s15, v17;
	s6 =	ssub.s32 s24, s6;
	s30 =	spop (drf);
	s3 =	ssub.s32 s26, s3  }
0x6c4: {  	v17 =	vsel vm3, s6, v17;
	s15 =	sxor.u32 s2, s30;
	s17 =	spop (drf);
	s6 =	sxor.u32 s8, s10  }
0x6c5: {  	s10 =	sxor.u32 s9, s7;
	s2 =	ssub.s32 s15, s2;
	s18 =	sxor.u32 s13, s17  }
0x6c6: {  	s20 =	spop (drf);
	s15 =	sld [smem:$0x71D];
	s21 =	ssub.s32 s18, s13  }
0x6c7: {  	v17 =	vsel vm4, s3, v17;
	s22 =	sxor.u32 s5, s20;
	s24 =	spop (drf);
	s18 =	sld [smem:$0x71E]  }
0x6c8: {  	(v2sf) =	vpush v15, $0xE;
	v17 =	vsel vm5, s2, v17;
	s25 =	ssub.s32 s22, s5;
	s26 =	sxor.u32 s14, s24;
	s30 =	spop (drf)  }
0x6c9: {  	(v2sf) =	vpush v15, $0xD;
	v17 =	vsel vm6, s21, v17;
	s22 =	sld [smem:$0x720];
	s3 =	ssub.s32 s26, s14;
	s5 =	sxor.u32 s0, s30  }
0x6ca: {  	(v2sf) =	vpush v15, $0xC;
	v17 =	vsel vm7, s25, v17;
	s14 =	sxor.u32 s10, s4;
	s4 =	sxor.u32 s15, s19;
	s19 =	sld [smem:$0x71F]  }
0x6cb: {  	(v2sf) =	vpush v15, $0xB;
	s8 =	sxor.u32 s6, s16;
	s24 =	sld [smem:$0x721];
	v17 =	vsel vm8, s3, v17;
	s0 =	ssub.s32 s5, s0  }
0x6cc: {  	(v2sf) =	vpush v15, $0xA;
	s13 =	ssub.s32 s8, s6;
	v17 =	vsel vm9, s0, v17  }
0x6cd: {  	(v2sf) =	vpush v15, $0x9;
	s16 =	ssub.s32 s14, s10;
	s17 =	sxor.u32 s4, s12;
	v17 =	vsel vm10, s13, v17;
	s3 =	sxor.u32 s18, s19  }
0x6ce: {  	(v2sf) =	vpush v15, $0x8;
	s20 =	ssub.s32 s17, s4;
	s4 =	sxor.u32 s22, s24;
	v17 =	vsel vm11, s16, v17;
	s21 =	sxor.u32 s3, s11  }
0x6cf: {  	(v2sf) =	vpush v15, $0x7;
	s25 =	simm.s32 $0x10;
	s1 =	sxor.u32 s4, s1;
	v17 =	vsel vm12, s20, v17;
	s26 =	ssub.s32 s21, s3  }
0x6d0: {  	(v2sf) =	vpush v15, $0x6;
	v18 =	vadd.s32 s25, v7;
	s30 =	ssub.s32 s1, s4;
	s1 =	sld [smem:$0x722];
	v17 =	vsel vm13, s26, v17  }
0x6d1: {  	(v2sf) =	vpush v15, $0x5;
	vm15 =	vgt.s32 v18, $0x0;
	v17 =	vsel vm14, s30, v17  }
0x6d2: {  	v18 =	vnsel vm15, $0x0, v18;
	vm15 =	vgt.s32 v17, $0x0  }
0x6d3: {  	s2 =	simm.s32 $0x0;
	s0 =	sadd.s32 $0xFFFC00FE, s1;
	v17 =	vnsel vm15, $0x0, v17  }
0x6d4: {  	v19 =	vor.u32 s2, v4;
	p0 =	slt.u32 s0, $0x1FD;
	v17 =	vmin.u32 v17, $0xFF  }
0x6d5: {  	s3 =	simm.s32 $0x12000;
	v17 =	vpsel p0, v19, v17  }
0x6d6: {  	(v2sf) =	vpush v15, $0x4;
	s23 =	simm.s32 $0x12300;
	[tilespmem:s3+$0x0] =	vst v17  }
0x6d7: {  	(v2sf) =	vpush v15, $0x3;
	v17 =	vld.idx.msk [tilespmem:v18+s23+$0x0], $0xffff;
	s23 =	spop (v2sf)  }
0x6d8: {  	(v2sf) =	vpush v15, $0x2;
	s19 =	spop (v2sf)  }
0x6d9: {  	(v2sf) =	vpush v15, $0x1;
	s18 =	spop (v2sf)  }
0x6da: {  	(v2sf) =	vpush v15, $0x0;
	v18 =	vmov s25;
	s13 =	spop (v2sf)  }
0x6db: {  	(v2sf) =	vpush v15, $0xF;
	vm15 =	veq.s32 v18, v4;
	s22 =	spop (v2sf)  }
0x6dc: {  	v17 =	vsel vm15, $0x0, v17;
	s6 =	spop (v2sf)  }
0x6dd: {  	v17 =	vadd.s32 v16, v17;
	s14 =	spop (v2sf)  }
0x6de: {  	s16 =	spop (v2sf);
	(v2sf) =	vpush v17, $0xE  }
0x6df: {  	s4 =	simm.s32 $0x12000;
	s24 =	spop (v2sf);
	(v2sf) =	vpush v17, $0xD  }
0x6e0: {  	[dreg:$0x3] =	wrdreg s4;
	s9 =	spop (v2sf);
	(v2sf) =	vpush v17, $0xC  }
0x6e1: {  	s0 =	simm.s32 $0x20;
	s4 =	sshra.s32 s23, $0x1F;
	s10 =	sshra.s32 s19, $0x1F;
	(v2sf) =	vpush v17, $0xB  }
0x6e2: {  	s17 =	sshra.s32 s18, $0x1F;
	s25 =	sshra.s32 s13, $0x1F;
	[dreg:$0x1f] =	wrdreg s6;
	(v2sf) =	vpush v17, $0xA  }
0x6e3: {  	[dreg:$0x14] =	wrdreg s14;
	s8 =	sshra.s32 s14, $0x1F;
	s14 =	sshra.s32 s6, $0x1F;
	(v2sf) =	vpush v17, $0x9  }
0x6e4: {  	s21 =	sshra.s32 s22, $0x1F;
	s20 =	smov.u32 s16;
	[smem:$0x723] =	sst s14;
	(v2sf) =	vpush v17, $0x8  }
0x6e5: {  	[dreg:$0x1c] =	wrdreg s24;
	s24 =	sshra.s32 s24, $0x1F;
	s30 =	spop (v2sf);
	(v2sf) =	vpush v17, $0x7  }
0x6e6: {  	s15 =	sshra.s32 s16, $0x1F;
	[smem:$0x725] =	sst s24;
	s7 =	spop (v2sf);
	(v2sf) =	vpush v17, $0x6  }
0x6e7: {  	s26 =	sshra.s32 s9, $0x1F;
	[smem:$0x724] =	sst s30;
	s12 =	spop (v2sf);
	(v2sf) =	vpush v17, $0x5  }
0x6e8: {  	s31 =	sshra.s32 s30, $0x1F;
	s30 =	simm.s32 $0x10;
	s28 =	spop (v2sf);
	(v2sf) =	vpush v17, $0x4  }
0x6e9: {  	s29 =	sshra.s32 s7, $0x1F;
	[dreg:$0xa] =	wrdreg s30;
	s5 =	spop (v2sf);
	(v2sf) =	vpush v17, $0x3  }
0x6ea: {  	s14 =	sshra.s32 s12, $0x1F;
	s24 =	sshra.s32 s28, $0x1F;
	s11 =	spop (v2sf);
	(v2sf) =	vpush v17, $0x2  }
0x6eb: {  	[smem:$0x726] =	sst s5;
	s1 =	sshra.s32 s5, $0x1F;
	s2 =	sshra.s32 s11, $0x1F;
	(v2sf) =	vpush v17, $0x1  }
.LBB2_32:
0x6ec: {  	s6 =	rddreg [dreg:$0xa]  }
0x6ed: {  	[dreg:$0x8] =	wrdreg s0  }
0x6ee: {  	s3 =	rddreg [dreg:$0x3]  }
0x6ef: {  	[dreg:$0x19] =	wrdreg s10  }
0x6f0: {  	s16 =	sld [smem:$0x723]  }
0x6f1: {  	s5 =	rddreg [dreg:$0x1f]  }
0x6f2: {  	[smem:$0x717] =	sst s21  }
0x6f3: {  	p1 =	sne.s32 s0, $0xF0;
	[smem:$0x6F2] =	sst s15  }
0x6f4: {  	s0 =	sxor.u32 s10, s19;
	s19 =	sxor.u32 s25, s13;
	s13 =	rddreg [dreg:$0x14]  }
0x6f5: {  	[smem:$0x718] =	sst s25  }
0x6f6: {  	[smem:$0x6F3] =	sst s29  }
0x6f7: {  	[smem:$0x719] =	sst s17  }
0x6f8: {  	[dreg:$0xa] =	wrdreg s6  }
0x6f9: {  	[dreg:$0x3] =	wrdreg s3  }
0x6fa: {  	[smem:$0x6E8] =	sst s19  }
0x6fb: {  	s6 =	smov.u32 s4;
	s19 =	rddreg [dreg:$0x1c]  }
0x6fc: {  	s4 =	sxor.u32 s4, s23;
	s23 =	sxor.u32 s17, s18;
	[dreg:$0x16] =	wrdreg s6  }
0x6fd: {  	s30 =	spop (v2sf);
	[smem:$0x6E9] =	sst s23  }
0x6fe: {  	[smem:$0x6EC] =	sst s30;
	s3 =	sxor.u32 s16, s5;
	s5 =	spop (v2sf)  }
0x6ff: {  	[smem:$0x6EB] =	sst s5;
	s5 =	sxor.u32 s15, s20  }
0x700: {  	s20 =	sxor.u32 s8, s13;
	s18 =	spop (v2sf);
	s13 =	sld [smem:$0x725]  }
0x701: {  	[smem:$0x6EF] =	sst s18  }
0x702: {  	s23 =	spop (v2sf);
	s18 =	sld [smem:$0x724]  }
0x703: {  	[smem:$0x6EE] =	sst s23;
	s23 =	spop (v2sf)  }
0x704: {  	[smem:$0x6ED] =	sst s23;
	s23 =	spop (v2sf)  }
0x705: {  	s28 =	sxor.u32 s24, s28;
	[smem:$0x6F1] =	sst s23  }
0x706: {  	s0 =	ssub.s32 s0, s10;
	s30 =	smov.u32 s15;
	s23 =	sld [smem:$0x726]  }
0x707: {  	[smem:$0x6FA] =	sst s0;
	s15 =	sxor.u32 s13, s19;
	s19 =	sxor.u32 s31, s18  }
0x708: {  	s18 =	smov.u32 s24;
	s24 =	sxor.u32 s14, s12;
	s12 =	smov.u32 s1  }
0x709: {  	[smem:$0x723] =	sst s16;
	s1 =	smov.u32 s11;
	s11 =	sxor.u32 s12, s23  }
0x70a: {  	s23 =	spop (v2sf);
	[smem:$0x6EA] =	sst s11  }
0x70b: {  	[smem:$0x6F0] =	sst s23  }
0x70c: {  	s11 =	smov.u32 s2;
	s2 =	sxor.u32 s2, s1;
	s1 =	sld [smem:$0x6E8]  }
0x70d: {  	s23 =	ssub.s32 s4, s6;
	s4 =	sld [smem:$0x6E9]  }
0x70e: {  	s22 =	sxor.u32 s21, s22;
	s6 =	ssub.s32 s3, s16;
	[smem:$0x6F8] =	sst s23  }
0x70f: {  	s10 =	smov.u32 s8;
	s16 =	ssub.s32 s22, s21;
	[smem:$0x70E] =	sst s6  }
0x710: {  	s9 =	sxor.u32 s26, s9;
	s21 =	ssub.s32 s20, s10;
	[smem:$0x6FF] =	sst s16  }
0x711: {  	s22 =	ssub.s32 s9, s26;
	[smem:$0x70D] =	sst s21  }
0x712: {  	[smem:$0x70A] =	sst s22  }
0x713: {  	s22 =	sld [smem:$0x6EB]  }
0x714: {  	s23 =	spop (v2sf);
	s21 =	sld [smem:$0x6EC]  }
0x715: {  	s16 =	ssub.s32 s2, s11;
	[smem:$0x6F7] =	sst s23  }
0x716: {  	[smem:$0x701] =	sst s16  }
0x717: {  	s8 =	spop (v2sf);
	s16 =	sld [smem:$0x6ED]  }
0x718: {  	[smem:$0x6F9] =	sst s8  }
0x719: {  	s0 =	ssub.s32 s1, s25;
	s25 =	ssub.s32 s15, s13;
	s15 =	sld [smem:$0x6EA]  }
0x71a: {  	s6 =	spop (v2sf);
	[smem:$0x6FD] =	sst s0  }
0x71b: {  	[smem:$0x6FB] =	sst s6  }
0x71c: {  	s1 =	ssub.s32 s19, s31;
	[smem:$0x70B] =	sst s25  }
0x71d: {  	s0 =	ssub.s32 s4, s17;
	[smem:$0x709] =	sst s1  }
0x71e: {  	s17 =	ssub.s32 s5, s30;
	s5 =	ssub.s32 s28, s18;
	s28 =	sld [smem:$0x6F1]  }
0x71f: {  	[smem:$0x6FC] =	sst s0  }
0x720: {  	s7 =	sxor.u32 s29, s7;
	s3 =	spop (v2sf);
	[smem:$0x70C] =	sst s17  }
0x721: {  	(v2sf) =	vpush v17, $0x0;
	s30 =	ssub.s32 s7, s29;
	[smem:$0x706] =	sst s3  }
0x722: {  	[smem:$0x708] =	sst s30  }
0x723: {  	s7 =	ssub.s32 s24, s14;
	[smem:$0x705] =	sst s5  }
0x724: {  	[smem:$0x707] =	sst s7  }
0x725: {  	s7 =	sld [smem:$0x6EE]  }
0x726: {  	s30 =	sld [smem:$0x6EF]  }
0x727: {  	s25 =	sshra.s32 s21, $0x1F;
	s29 =	sshra.s32 s3, $0x1F;
	s3 =	sld [smem:$0x723]  }
0x728: {  	s4 =	spop (v2sf);
	[smem:$0x71B] =	sst s25  }
0x729: {  	s17 =	sshra.s32 s16, $0x1F;
	[smem:$0x704] =	sst s4  }
0x72a: {  	s5 =	sshra.s32 s22, $0x1F;
	[smem:$0x6F5] =	sst s17  }
0x72b: {  	s9 =	spop (v2sf);
	[smem:$0x71A] =	sst s5  }
0x72c: {  	s0 =	ssub.s32 s15, s12;
	[smem:$0x702] =	sst s9  }
0x72d: {  	(v2sf) =	vpush v17, $0xF;
	s17 =	sshra.s32 s8, $0x1F;
	s1 =	spop (v2sf);
	[smem:$0x703] =	sst s0  }
0x72e: {  	s0 =	sshra.s32 s23, $0x1F;
	s23 =	sld [smem:$0x6F0];
	s8 =	sshra.s32 s9, $0x1F  }
0x72f: {  	s9 =	sshra.s32 s4, $0x1F;
	[smem:$0x700] =	sst s1;
	s24 =	sshra.s32 s30, $0x1F  }
0x730: {  	s2 =	spop (v2sf);
	[smem:$0x6F4] =	sst s24;
	s24 =	sshra.s32 s28, $0x1F  }
0x731: {  	[smem:$0x6FE] =	sst s2;
	s4 =	sshra.s32 s2, $0x1F;
	s2 =	sxor.u32 s3, s24  }
0x732: {  	[smem:$0x716] =	sst s2  }
0x733: {  	s20 =	sshra.s32 s7, $0x1F;
	s2 =	sxor.u32 s13, s17;
	s13 =	sld [smem:$0x6F2]  }
0x734: {  	s14 =	sxor.u32 s14, s8;
	[smem:$0x6F6] =	sst s20  }
0x735: {  	[smem:$0x70F] =	sst s14  }
0x736: {  	[smem:$0x713] =	sst s2;
	s2 =	sxor.u32 s13, s0  }
0x737: {  	s20 =	sshra.s32 s23, $0x1F;
	[smem:$0x714] =	sst s2  }
0x738: {  	s2 =	sxor.u32 s10, s20;
	s10 =	sld [smem:$0x6F3]  }
0x739: {  	s15 =	sshra.s32 s6, $0x1F;
	[smem:$0x715] =	sst s2  }
0x73a: {  	s6 =	sshra.s32 s1, $0x1F;
	s2 =	sxor.u32 s31, s29;
	s31 =	sld [smem:$0x6F4]  }
0x73b: {  	s13 =	smov.u32 s0;
	[smem:$0x711] =	sst s2;
	s0 =	sxor.u32 s10, s9  }
0x73c: {  	s19 =	spop (v2sf);
	s10 =	sxor.u32 s26, s15;
	[smem:$0x710] =	sst s0  }
0x73d: {  	s2 =	smov.u32 s5;
	s26 =	sxor.u32 s25, s21;
	[smem:$0x712] =	sst s10  }
0x73e: {  	s10 =	sxor.u32 s5, s22;
	s5 =	smov.u32 s25;
	s25 =	sld [smem:$0x6F6]  }
0x73f: {  	s1 =	sshra.s32 s19, $0x1F;
	s21 =	sxor.u32 s12, s4;
	s0 =	sld [smem:$0x6F5]  }
0x740: {  	s12 =	sxor.u32 s11, s1;
	s3 =	ssub.s32 s26, s5;
	s26 =	sld [smem:$0x6F7]  }
0x741: {  	s14 =	sxor.u32 s25, s7;
	s7 =	sxor.u32 s20, s23;
	s23 =	sld [smem:$0x6F8]  }
0x742: {  	s11 =	sxor.u32 s0, s16;
	s16 =	sxor.u32 s24, s28;
	s28 =	sld [smem:$0x6FA]  }
0x743: {  	s22 =	sxor.u32 s18, s6;
	s18 =	smov.u32 s13;
	s26 =	sxor.u32 s13, s26  }
0x744: {  	s13 =	ssub.s32 s10, s2;
	(drf) =	sdiv.u32 s3, s23;
	s3 =	sld [smem:$0x6F9]  }
0x745: {  	s30 =	sxor.u32 s31, s30;
	(drf) =	sdiv.u32 s13, s28;
	s28 =	sld [smem:$0x6FC]  }
0x746: {  	s19 =	sxor.u32 s1, s19;
	s10 =	ssub.s32 s30, s31;
	s23 =	sld [smem:$0x6FD]  }
0x747: {  	s14 =	ssub.s32 s14, s25;
	s13 =	sld [smem:$0x6FB];
	s2 =	sxor.u32 s17, s3  }
0x748: {  	(drf) =	sdiv.u32 s10, s28;
	s10 =	ssub.s32 s11, s0;
	s11 =	sld [smem:$0x6FE]  }
0x749: {  	(drf) =	sdiv.u32 s14, s23;
	s14 =	ssub.s32 s19, s1;
	s19 =	sld [smem:$0x6FF]  }
0x74a: {  	s2 =	ssub.s32 s2, s17;
	s17 =	ssub.s32 s26, s18;
	s18 =	sld [smem:$0x70B]  }
0x74b: {  	s5 =	sxor.u32 s15, s13;
	s13 =	sxor.u32 s4, s11;
	s11 =	sld [smem:$0x701]  }
0x74c: {  	(drf) =	sdiv.u32 s10, s19;
	s10 =	sld [smem:$0x700]  }
0x74d: {  	s19 =	sld [smem:$0x703]  }
0x74e: {  	(drf) =	sdiv.u32 s14, s11;
	s14 =	sld [smem:$0x702]  }
0x74f: {  	s23 =	ssub.s32 s13, s4;
	s4 =	sld [smem:$0x704]  }
0x750: {  	s26 =	sld [smem:$0x70D];
	s3 =	sxor.u32 s6, s10;
	(drf) =	sdiv.u32 s23, s19  }
0x751: {  	s10 =	sld [smem:$0x707];
	s13 =	ssub.s32 s3, s6;
	s3 =	sxor.u32 s8, s14  }
0x752: {  	s6 =	sld [smem:$0x705];
	s23 =	ssub.s32 s3, s8;
	s3 =	sxor.u32 s9, s4  }
0x753: {  	s30 =	smov.u32 s31;
	s8 =	ssub.s32 s3, s9;
	s9 =	sld [smem:$0x706]  }
0x754: {  	s31 =	smov.u32 s0;
	s1 =	spop (drf);
	s11 =	sld [smem:$0x708]  }
0x755: {  	s14 =	sld [smem:$0x709];
	(drf) =	sdiv.u32 s13, s6;
	s13 =	ssub.s32 s5, s15  }
0x756: {  	s15 =	sld [smem:$0x70A];
	(drf) =	sdiv.u32 s23, s10;
	s3 =	sxor.u32 s29, s9  }
0x757: {  	s0 =	spop (drf);
	(drf) =	sdiv.u32 s8, s11;
	s3 =	ssub.s32 s3, s29  }
0x758: {  	s19 =	ssub.s32 s7, s20;
	s20 =	sld [smem:$0x70C];
	(drf) =	sdiv.u32 s3, s14  }
0x759: {  	s3 =	spop (drf);
	(drf) =	sdiv.u32 s13, s15  }
0x75a: {  	s4 =	spop (drf);
	s13 =	sld [smem:$0x70E]  }
0x75b: {  	(drf) =	sdiv.u32 s2, s18;
	s5 =	spop (drf)  }
0x75c: {  	s23 =	ssub.s32 s16, s24;
	s18 =	sld [smem:$0x70F];
	s24 =	spop (drf)  }
0x75d: {  	(drf) =	sdiv.u32 s17, s20;
	s11 =	spop (drf)  }
0x75e: {  	(drf) =	sdiv.u32 s19, s26;
	s10 =	sxor.u32 s12, s24;
	s15 =	spop (drf)  }
0x75f: {  	s14 =	sxor.u32 s21, s11;
	s2 =	ssub.s32 s10, s12;
	s16 =	sxor.u32 s22, s15  }
0x760: {  	s6 =	ssub.s32 s14, s21;
	v17 =	vmov s2;
	s2 =	ssub.s32 s16, s22;
	s22 =	sld [smem:$0x710]  }
0x761: {  	s17 =	spop (drf);
	v17 =	vsel vm0, s6, v17;
	s6 =	sld [smem:$0x711]  }
0x762: {  	(drf) =	sdiv.u32 s23, s13;
	s19 =	sxor.u32 s18, s17;
	s20 =	spop (drf)  }
0x763: {  	s14 =	sld [smem:$0x712];
	s21 =	ssub.s32 s19, s18;
	s24 =	spop (drf)  }
0x764: {  	s18 =	sld [smem:$0x713];
	s23 =	sxor.u32 s22, s20;
	s11 =	sxor.u32 s6, s24  }
0x765: {  	s12 =	spop (drf);
	s26 =	ssub.s32 s23, s22;
	s22 =	sld [smem:$0x714]  }
0x766: {  	s13 =	ssub.s32 s11, s6;
	s15 =	sxor.u32 s14, s12;
	s6 =	sld [smem:$0x715]  }
0x767: {  	v17 =	vsel vm1, s2, v17;
	s16 =	spop (drf);
	s17 =	ssub.s32 s15, s14;
	s14 =	sld [smem:$0x716]  }
0x768: {  	v17 =	vsel vm2, s21, v17;
	s19 =	sxor.u32 s18, s16;
	s20 =	spop (drf);
	s16 =	sld [smem:$0x717]  }
0x769: {  	v17 =	vsel vm3, s26, v17;
	s21 =	ssub.s32 s19, s18;
	s24 =	spop (drf);
	s18 =	sld [smem:$0x718]  }
0x76a: {  	v17 =	vsel vm4, s13, v17;
	s23 =	sxor.u32 s22, s20;
	s11 =	sxor.u32 s6, s24;
	s20 =	sld [smem:$0x719]  }
0x76b: {  	(v2sf) =	vpush v15, $0xE;
	v17 =	vsel vm5, s17, v17;
	s12 =	spop (drf);
	s26 =	ssub.s32 s23, s22;
	s22 =	rddreg [dreg:$0x19]  }
0x76c: {  	(v2sf) =	vpush v15, $0xD;
	v17 =	vsel vm6, s21, v17;
	s13 =	ssub.s32 s11, s6;
	s15 =	sxor.u32 s14, s12;
	s23 =	sld [smem:$0x71A]  }
0x76d: {  	(v2sf) =	vpush v15, $0xC;
	s7 =	sxor.u32 s16, s31;
	v17 =	vsel vm7, s26, v17;
	s6 =	sxor.u32 s18, s25;
	s25 =	rddreg [dreg:$0x16]  }
0x76e: {  	(v2sf) =	vpush v15, $0xB;
	s17 =	ssub.s32 s15, s14;
	s5 =	sxor.u32 s7, s5;
	s26 =	sld [smem:$0x71B];
	v17 =	vsel vm8, s13, v17  }
0x76f: {  	(v2sf) =	vpush v15, $0xA;
	s19 =	ssub.s32 s5, s7;
	s4 =	sxor.u32 s6, s4;
	s5 =	sxor.u32 s20, s30;
	v17 =	vsel vm9, s17, v17  }
0x770: {  	(v2sf) =	vpush v15, $0x9;
	s21 =	ssub.s32 s4, s6;
	s3 =	sxor.u32 s5, s3;
	s4 =	sxor.u32 s22, s23;
	v17 =	vsel vm10, s19, v17  }
0x771: {  	(v2sf) =	vpush v15, $0x8;
	s24 =	ssub.s32 s3, s5;
	s0 =	sxor.u32 s4, s0;
	s3 =	sxor.u32 s25, s26;
	v17 =	vsel vm11, s21, v17  }
0x772: {  	(v2sf) =	vpush v15, $0x7;
	s30 =	rddreg [dreg:$0x8];
	s0 =	ssub.s32 s0, s4;
	s1 =	sxor.u32 s3, s1;
	v17 =	vsel vm12, s24, v17  }
0x773: {  	(v2sf) =	vpush v15, $0x6;
	v18 =	vadd.s32 s30, v7;
	s2 =	ssub.s32 s1, s3;
	v17 =	vsel vm13, s0, v17  }
0x774: {  	(v2sf) =	vpush v15, $0x5;
	vm15 =	vgt.s32 v18, $0x0;
	v17 =	vsel vm14, s2, v17  }
0x775: {  	(v2sf) =	vpush v15, $0x4;
	v18 =	vnsel vm15, $0x0, v18;
	vm15 =	vgt.s32 v17, $0x0  }
0x776: {  	(v2sf) =	vpush v15, $0x3;
	s3 =	rddreg [dreg:$0xa];
	v17 =	vnsel vm15, $0x0, v17  }
0x777: {  	(v2sf) =	vpush v15, $0x2;
	s9 =	rddreg [dreg:$0x3];
	v19 =	vor.u32 s3, v4;
	v17 =	vmin.u32 v17, $0xFF  }
0x778: {  	(v2sf) =	vpush v15, $0x1;
	s9 =	sadd.s32 $0x10, s9;
	v17 =	vpsel p0, v19, v17  }
0x779: {  	(v2sf) =	vpush v15, $0x0;
	s8 =	simm.s32 $0x12300;
	[tilespmem:s9+$0x0] =	vst v17  }
0x77a: {  	(v2sf) =	vpush v15, $0xF;
	s23 =	spop (v2sf);
	v17 =	vld.idx.msk [tilespmem:v18+s8+$0x0], $0xffff  }
0x77b: {  	s19 =	spop (v2sf)  }
0x77c: {  	s18 =	spop (v2sf);
	s0 =	rddreg [dreg:$0x8]  }
0x77d: {  	s13 =	spop (v2sf);
	v18 =	vmov s0  }
0x77e: {  	s22 =	spop (v2sf);
	vm15 =	veq.s32 v18, v4  }
0x77f: {  	s5 =	spop (v2sf);
	v17 =	vsel vm15, $0x0, v17  }
0x780: {  	[dreg:$0x3] =	wrdreg s9;
	s9 =	spop (v2sf);
	v17 =	vadd.s32 v16, v17  }
0x781: {  	s26 =	spop (v2sf);
	(v2sf) =	vpush v17, $0xE  }
0x782: {  	s30 =	spop (v2sf);
	(v2sf) =	vpush v17, $0xD  }
0x783: {  	s10 =	sshra.s32 s19, $0x1F;
	s17 =	sshra.s32 s18, $0x1F;
	s14 =	spop (v2sf);
	(v2sf) =	vpush v17, $0xC  }
0x784: {  	s25 =	sshra.s32 s13, $0x1F;
	s4 =	smov.u32 s0;
	s24 =	spop (v2sf);
	(v2sf) =	vpush v17, $0xB  }
0x785: {  	s21 =	sshra.s32 s22, $0x1F;
	[dreg:$0xa] =	wrdreg s4;
	s7 =	spop (v2sf);
	(v2sf) =	vpush v17, $0xA  }
0x786: {  	s4 =	sshra.s32 s23, $0x1F;
	[dreg:$0x1f] =	wrdreg s5;
	s12 =	spop (v2sf);
	(v2sf) =	vpush v17, $0x9  }
0x787: {  	[dreg:$0x14] =	wrdreg s9;
	s20 =	smov.u32 s26;
	s28 =	spop (v2sf);
	(v2sf) =	vpush v17, $0x8  }
0x788: {  	s15 =	sshra.s32 s26, $0x1F;
	s26 =	sshra.s32 s5, $0x1F;
	s16 =	spop (v2sf);
	(v2sf) =	vpush v17, $0x7  }
0x789: {  	s8 =	sshra.s32 s9, $0x1F;
	[smem:$0x723] =	sst s26;
	s11 =	spop (v2sf);
	(v2sf) =	vpush v17, $0x6  }
.Ltmp15:
0x78a: {  	[dreg:$0x1c] =	wrdreg s30;
	s30 =	sshra.s32 s30, $0x1F;
	(v2sf) =	vpush v17, $0x5;
	(pc) =	sbr.rel @p1 .LBB2_32-.Ltmp15, $4  }
0x78b: {  	s0 =	sadd.s32 $0x10, s0;
	s9 =	smov.u32 s14;
	[smem:$0x725] =	sst s30;
	(v2sf) =	vpush v17, $0x4  }
0x78c: {  	s26 =	sshra.s32 s14, $0x1F;
	[smem:$0x724] =	sst s24;
	s31 =	sshra.s32 s24, $0x1F;
	(v2sf) =	vpush v17, $0x3  }
0x78d: {  	s29 =	sshra.s32 s7, $0x1F;
	s14 =	sshra.s32 s12, $0x1F;
	s24 =	sshra.s32 s28, $0x1F;
	(v2sf) =	vpush v17, $0x2  }
0x78e: {  	[smem:$0x726] =	sst s16;
	s1 =	sshra.s32 s16, $0x1F;
	s2 =	sshra.s32 s11, $0x1F;
	(v2sf) =	vpush v17, $0x1  }
0x78f: {  	[smem:$0x6E0] =	sst s26  }
0x790: {  	s30 =	smov.u32 s24;
	[dreg:$0x16] =	wrdreg s4  }
0x791: {  	s6 =	sxor.u32 s4, s23;
	s26 =	smov.u32 s29;
	[dreg:$0x19] =	wrdreg s10  }
0x792: {  	s29 =	smov.u32 s15;
	s19 =	sxor.u32 s10, s19;
	[smem:$0x719] =	sst s17  }
0x793: {  	[smem:$0x718] =	sst s25;
	s12 =	sxor.u32 s14, s12;
	s0 =	spop (v2sf)  }
0x794: {  	(v2sf) =	vpush v17, $0x0;
	s6 =	ssub.s32 s6, s4;
	s3 =	spop (v2sf);
	s24 =	sshra.s32 s0, $0x1F  }
0x795: {  	(v2sf) =	vpush v17, $0xF;
	s12 =	ssub.s32 s12, s14;
	s5 =	spop (v2sf);
	s0 =	sxor.u32 s24, s0  }
0x796: {  	[smem:$0x6E7] =	sst s24;
	s16 =	spop (v2sf);
	s0 =	ssub.s32 s0, s24  }
0x797: {  	s24 =	sshra.s32 s3, $0x1F;
	s15 =	spop (v2sf);
	(drf) =	sdiv.u32 s0, s6  }
0x798: {  	[smem:$0x6E6] =	sst s24;
	s3 =	sxor.u32 s24, s3;
	s6 =	sshra.s32 s16, $0x1F  }
0x799: {  	s0 =	ssub.s32 s19, s10;
	s23 =	spop (v2sf);
	[smem:$0x6E4] =	sst s6  }
0x79a: {  	s3 =	ssub.s32 s3, s24;
	s24 =	sshra.s32 s5, $0x1F;
	[smem:$0x6E2] =	sst s23  }
0x79b: {  	s23 =	spop (v2sf);
	(drf) =	sdiv.u32 s3, s0;
	s3 =	sxor.u32 s17, s18  }
0x79c: {  	[smem:$0x6E5] =	sst s24;
	s4 =	sxor.u32 s24, s5;
	s19 =	spop (v2sf)  }
0x79d: {  	s5 =	smov.u32 s17;
	s18 =	smov.u32 s8;
	s10 =	spop (v2sf)  }
0x79e: {  	s8 =	sxor.u32 s25, s13;
	[smem:$0x6E1] =	sst s23;
	s17 =	spop (v2sf)  }
0x79f: {  	s0 =	ssub.s32 s3, s5;
	s3 =	ssub.s32 s4, s24;
	s24 =	spop (v2sf)  }
0x7a0: {  	s23 =	sxor.u32 s6, s16;
	(drf) =	sdiv.u32 s3, s0;
	s4 =	spop (v2sf)  }
0x7a1: {  	s3 =	ssub.s32 s8, s25;
	s6 =	ssub.s32 s23, s6;
	s13 =	spop (v2sf)  }
0x7a2: {  	s23 =	sxor.u32 s2, s11;
	(drf) =	sdiv.u32 s6, s3;
	s25 =	spop (v2sf)  }
0x7a3: {  	s3 =	sxor.u32 s21, s22;
	s22 =	sshra.s32 s15, $0x1F;
	s6 =	spop (v2sf)  }
0x7a4: {  	s11 =	sxor.u32 s30, s28;
	s15 =	sxor.u32 s22, s15;
	s5 =	spop (v2sf)  }
0x7a5: {  	s8 =	ssub.s32 s3, s21;
	s15 =	ssub.s32 s15, s22;
	s0 =	sshra.s32 s5, $0x1F  }
0x7a6: {  	s28 =	smov.u32 s1;
	(drf) =	sdiv.u32 s15, s8;
	s16 =	sxor.u32 s0, s5  }
0x7a7: {  	s8 =	sshra.s32 s6, $0x1F;
	s5 =	ssub.s32 s16, s0;
	s16 =	sld [smem:$0x726]  }
0x7a8: {  	[smem:$0x6E3] =	sst s22;
	s3 =	ssub.s32 s23, s2;
	s23 =	sxor.u32 s8, s6  }
0x7a9: {  	s15 =	ssub.s32 s11, s30;
	s6 =	sshra.s32 s25, $0x1F;
	s1 =	ssub.s32 s23, s8  }
0x7aa: {  	s25 =	sxor.u32 s6, s25;
	s23 =	sld [smem:$0x724];
	s22 =	sxor.u32 s28, s16  }
0x7ab: {  	(drf) =	sdiv.u32 s5, s3;
	s5 =	sxor.u32 s26, s7;
	s16 =	ssub.s32 s22, s28  }
0x7ac: {  	s3 =	ssub.s32 s25, s6;
	s11 =	ssub.s32 s5, s26;
	(drf) =	sdiv.u32 s1, s16  }
0x7ad: {  	s5 =	sshra.s32 s24, $0x1F;
	(drf) =	sdiv.u32 s3, s15;
	s15 =	sshra.s32 s13, $0x1F  }
0x7ae: {  	s25 =	sxor.u32 s31, s23;
	s23 =	rddreg [dreg:$0x1c];
	s13 =	sxor.u32 s15, s13  }
0x7af: {  	s22 =	smov.u32 s14;
	s16 =	sshra.s32 s4, $0x1F;
	s13 =	ssub.s32 s13, s15  }
0x7b0: {  	s7 =	sxor.u32 s16, s4;
	(drf) =	sdiv.u32 s13, s12;
	s13 =	sld [smem:$0x6E0]  }
0x7b1: {  	s1 =	sxor.u32 s5, s24;
	s3 =	ssub.s32 s7, s16;
	s7 =	ssub.s32 s25, s31  }
0x7b2: {  	s12 =	sshra.s32 s17, $0x1F;
	(drf) =	sdiv.u32 s3, s11;
	s11 =	ssub.s32 s1, s5  }
0x7b3: {  	(drf) =	sdiv.u32 s11, s7;
	s11 =	sld [smem:$0x723];
	s14 =	sxor.u32 s13, s9  }
0x7b4: {  	s9 =	sxor.u32 s12, s17;
	s17 =	smov.u32 s13;
	s3 =	ssub.s32 s14, s13  }
0x7b5: {  	s13 =	ssub.s32 s9, s12;
	s14 =	sxor.u32 s29, s20;
	s20 =	sld [smem:$0x725]  }
0x7b6: {  	(drf) =	sdiv.u32 s13, s3;
	s3 =	sshra.s32 s10, $0x1F;
	s1 =	ssub.s32 s14, s29  }
0x7b7: {  	s13 =	rddreg [dreg:$0x1f];
	s24 =	sxor.u32 s3, s10;
	s10 =	sshra.s32 s19, $0x1F  }
0x7b8: {  	s14 =	sld [smem:$0x6E1];
	s7 =	sxor.u32 s20, s23;
	s25 =	sxor.u32 s10, s19  }
0x7b9: {  	s9 =	ssub.s32 s24, s3;
	s24 =	sld [smem:$0x6E2];
	s7 =	ssub.s32 s7, s20  }
0x7ba: {  	s19 =	rddreg [dreg:$0x14];
	s4 =	ssub.s32 s25, s10;
	(drf) =	sdiv.u32 s9, s7  }
0x7bb: {  	s7 =	sxor.u32 s18, s19;
	(drf) =	sdiv.u32 s4, s1;
	s4 =	sshra.s32 s14, $0x1F  }
0x7bc: {  	s1 =	sxor.u32 s11, s13;
	s25 =	sshra.s32 s24, $0x1F;
	s9 =	sxor.u32 s4, s14  }
0x7bd: {  	s7 =	ssub.s32 s7, s18;
	s13 =	sxor.u32 s25, s24;
	s9 =	ssub.s32 s9, s4  }
0x7be: {  	s1 =	ssub.s32 s1, s11;
	s14 =	ssub.s32 s13, s25;
	(drf) =	sdiv.u32 s9, s7  }
0x7bf: {  	(drf) =	sdiv.u32 s14, s1;
	s1 =	spop (drf)  }
0x7c0: {  	s9 =	sxor.u32 s20, s3;
	s3 =	spop (drf)  }
0x7c1: {  	s7 =	sxor.u32 s11, s25;
	s11 =	sxor.u32 s18, s4;
	s4 =	spop (drf)  }
0x7c2: {  	s8 =	sxor.u32 s28, s8;
	s14 =	spop (drf)  }
0x7c3: {  	s0 =	sxor.u32 s2, s0;
	s18 =	sxor.u32 s26, s16;
	s16 =	spop (drf)  }
0x7c4: {  	s6 =	sxor.u32 s30, s6;
	s15 =	sxor.u32 s22, s15;
	s20 =	spop (drf)  }
0x7c5: {  	s5 =	sxor.u32 s31, s5;
	s12 =	sxor.u32 s17, s12;
	s22 =	spop (drf)  }
0x7c6: {  	s10 =	sxor.u32 s29, s10;
	s17 =	sxor.u32 s0, s20;
	s24 =	spop (drf)  }
0x7c7: {  	s0 =	ssub.s32 s17, s0;
	s23 =	sxor.u32 s8, s22;
	s26 =	spop (drf)  }
0x7c8: {  	s8 =	ssub.s32 s23, s8;
	s25 =	sxor.u32 s6, s24;
	s29 =	spop (drf)  }
0x7c9: {  	v15 =	vmov s0;
	s0 =	ssub.s32 s25, s6;
	s28 =	sxor.u32 s15, s26;
	s2 =	spop (drf)  }
0x7ca: {  	v15 =	vsel vm0, s8, v15;
	s30 =	ssub.s32 s28, s15;
	s31 =	sxor.u32 s18, s29;
	s13 =	sxor.u32 s5, s2  }
0x7cb: {  	v15 =	vsel vm1, s0, v15;
	s6 =	ssub.s32 s31, s18;
	s15 =	spop (drf);
	s17 =	ssub.s32 s13, s5  }
0x7cc: {  	v15 =	vsel vm2, s30, v15;
	s18 =	sxor.u32 s12, s15;
	s19 =	spop (drf);
	s5 =	sld [smem:$0x6E3]  }
0x7cd: {  	v15 =	vsel vm3, s6, v15;
	s20 =	ssub.s32 s18, s12;
	s22 =	sxor.u32 s9, s19;
	s12 =	sld [smem:$0x6E4]  }
0x7ce: {  	v15 =	vsel vm4, s17, v15;
	s23 =	spop (drf);
	s17 =	sld [smem:$0x6E5];
	s24 =	ssub.s32 s22, s9  }
0x7cf: {  	v15 =	vsel vm5, s20, v15;
	s25 =	sxor.u32 s10, s23;
	s26 =	spop (drf);
	s20 =	sld [smem:$0x6E6]  }
0x7d0: {  	s23 =	rddreg [dreg:$0x16];
	s28 =	ssub.s32 s25, s10;
	s29 =	sxor.u32 s11, s26  }
0x7d1: {  	s2 =	sxor.u32 s21, s5;
	s31 =	ssub.s32 s29, s11;
	s11 =	sld [smem:$0x718]  }
0x7d2: {  	v15 =	vsel vm6, s24, v15;
	s30 =	spop (drf);
	s13 =	sxor.u32 s2, s16;
	s16 =	sld [smem:$0x719]  }
0x7d3: {  	s21 =	rddreg [dreg:$0x19];
	v15 =	vsel vm7, s28, v15;
	s9 =	sxor.u32 s7, s30  }
0x7d4: {  	s24 =	sld [smem:$0x6E7];
	v15 =	vsel vm8, s31, v15;
	s10 =	ssub.s32 s9, s7;
	s5 =	sxor.u32 s11, s12  }
0x7d5: {  	s15 =	ssub.s32 s13, s2;
	v15 =	vsel vm9, s10, v15;
	s2 =	sxor.u32 s16, s17;
	s18 =	sxor.u32 s5, s14  }
0x7d6: {  	v15 =	vsel vm10, s15, v15;
	s4 =	sxor.u32 s2, s4;
	s19 =	ssub.s32 s18, s5;
	s5 =	sxor.u32 s21, s20  }
0x7d7: {  	s22 =	ssub.s32 s4, s2;
	s2 =	sxor.u32 s23, s24;
	v15 =	vsel vm11, s19, v15;
	s3 =	sxor.u32 s5, s3  }
0x7d8: {  	s1 =	sxor.u32 s2, s1;
	v15 =	vsel vm12, s22, v15;
	s25 =	ssub.s32 s3, s5  }
0x7d9: {  	s26 =	ssub.s32 s1, s2;
	v15 =	vsel vm13, s25, v15  }
0x7da: {  	v15 =	vsel vm14, s26, v15  }
0x7db: {  	vm15 =	vgt.s32 v15, $0x0  }
0x7dc: {  	s28 =	rddreg [dreg:$0xa];
	v15 =	vnsel vm15, $0x0, v15  }
0x7dd: {  	s29 =	rddreg [dreg:$0x3];
	v16 =	vor.u32 s28, v4;
	v15 =	vmin.u32 v15, $0xFF  }
0x7de: {  	s30 =	simm.s32 $0x0;
	s0 =	sadd.s32 $0x10, s29;
	v15 =	vpsel p0, v16, v15  }
0x7df: {  	s31 =	sand.u32 $0xF0, s30;
	[tilespmem:s0+$0x0] =	vst v15  }
0x7e0: {  	v15 =	vld [tilespmem:s31+$0xF400]  }
0x7e1: {  	v16 =	vld [tilespmem:s31+$0xF100]  }
0x7e2: {  	v17 =	vld [tilespmem:s31+$0xF700]  }
0x7e3: {  	v18 =	vld [tilespmem:s31+$0xFA00]  }
0x7e4: {  	v19 =	vld [tilespmem:s31+$0xFD00]  }
0x7e5: {  	v20 =	vld [tilespmem:s31+$0x10000]  }
0x7e6: {  	v15 =	vadd.s32 v16, v15;
	v16 =	vld [tilespmem:s31+$0x10300]  }
0x7e7: {  	v15 =	vadd.s32 v15, v17;
	v17 =	vld [tilespmem:s31+$0x10600]  }
0x7e8: {  	v15 =	vadd.s32 v15, v18;
	v18 =	vld [tilespmem:s31+$0x10900]  }
0x7e9: {  	v15 =	vadd.s32 v15, v19;
	v19 =	vld [tilespmem:s31+$0x10C00]  }
0x7ea: {  	v15 =	vadd.s32 v15, v20;
	v20 =	vld [tilespmem:s31+$0x10F00]  }
0x7eb: {  	v15 =	vadd.s32 v15, v16;
	v16 =	vld [tilespmem:s31+$0x11200]  }
0x7ec: {  	v15 =	vadd.s32 v15, v17;
	v17 =	vld [tilespmem:s31+$0x11500]  }
0x7ed: {  	v15 =	vadd.s32 v15, v18;
	v18 =	vld [tilespmem:s31+$0x11800]  }
0x7ee: {  	v15 =	vadd.s32 v15, v19;
	v19 =	vld [tilespmem:s31+$0x11B00]  }
0x7ef: {  	v15 =	vadd.s32 v15, v20;
	v20 =	vld [tilespmem:s31+$0x11E00]  }
0x7f0: {  	v15 =	vadd.s32 v15, v16  }
0x7f1: {  	v15 =	vadd.s32 v15, v17  }
0x7f2: {  	v15 =	vadd.s32 v15, v18  }
0x7f3: {  	v15 =	vadd.s32 v15, v19  }
0x7f4: {  	v15 =	vadd.s32 v15, v20  }
0x7f5: {  	(xrf0) =	vadd.scan.msk.s32 $0xffff, v15;
	_ =	sdelay $0x5  }
0x7f6: {  	v16, _, _ =	vpop (xrf0)  }
0x7f7: {  	s8 =	simm.s32 $0x12300;
	s3 =	simm.s32 $0x10;
	v16 =	vadd.s32 s30, v16  }
0x7f8: {  	s1 =	sand.u32 $0xF0, s3;
	[tilespmem:s8+$0x0] =	vst v16;
	v16 =	vxor.u32 $0x80000000, v16  }
0x7f9: {  	v17 =	vmov s30;
	v20 =	vld [tilespmem:s1+$0xF400];
	(xrf0) =	vmax.scan.msk.u32 $0xffff, v16  }
0x7fa: {  	v16 =	vshll.u32 v17, $0x13;
	v21 =	vld [tilespmem:s1+$0xF100]  }
0x7fb: {  	v19 =	vld [tilespmem:s1+$0xF700];
	v16 =	vor.u32 v6, v16  }
0x7fc: {  	vm15 =	vgt.s32 v15, $0x0;
	v17 =	vld [tilespmem:s1+$0xFA00];
	v15 =	vadd.s32 v16, v15  }
0x7fd: {  	v22 =	vimm.s32 $0xFFFFFFFF;
	v18 =	vld [tilespmem:s1+$0xFD00];
	v15 =	vnsel vm15, $0xFFFFFFFF, v15  }
0x7fe: {  	v16 =	vld [tilespmem:s1+$0x10000];
	vm15 =	vgt.s32 v22, v15  }
0x7ff: {  	s2 =	simm.s32 $0x30;
	s0 =	simm.s32 $0x20;
	v15 =	vsel vm15, v22, v15;
	v22 =	vadd.s32 v21, v20;
	v20 =	vld [tilespmem:s1+$0x10300];
	v21, _, _ =	vpop (xrf0)  }
.LBB2_34:
0x800: {  	p0 =	sne.s32 s2, $0xF0;
	v19 =	vadd.s32 v22, v19;
	v22 =	vld [tilespmem:s1+$0x10600];
	(v2sf) =	vpush v21, $0xF  }
0x801: {  	v17 =	vadd.s32 v19, v17;
	v19 =	vld [tilespmem:s1+$0x10900]  }
0x802: {  	v17 =	vadd.s32 v17, v18;
	v18 =	vld [tilespmem:s1+$0x10C00]  }
0x803: {  	v16 =	vadd.s32 v17, v16;
	v17 =	vld [tilespmem:s1+$0x10F00]  }
0x804: {  	v16 =	vadd.s32 v16, v20;
	v20 =	vld [tilespmem:s1+$0x11200]  }
0x805: {  	v16 =	vadd.s32 v16, v22;
	v21 =	vld [tilespmem:s1+$0x11500]  }
0x806: {  	v16 =	vadd.s32 v16, v19;
	v19 =	vld [tilespmem:s1+$0x11800]  }
0x807: {  	v16 =	vadd.s32 v16, v18;
	v18 =	vld [tilespmem:s1+$0x11B00]  }
0x808: {  	v16 =	vadd.s32 v16, v17;
	v17 =	vld [tilespmem:s1+$0x11E00]  }
0x809: {  	v16 =	vadd.s32 v16, v20  }
0x80a: {  	v16 =	vadd.s32 v16, v21  }
0x80b: {  	v16 =	vadd.s32 v16, v19;
	v19 =	vmov s3;
	s3 =	smov.u32 s0;
	s0 =	smov.u32 s2  }
0x80c: {  	v16 =	vadd.s32 v16, v18;
	v18 =	vshll.u32 v19, $0x13  }
0x80d: {  	v16 =	vadd.s32 v16, v17;
	v17 =	vor.u32 v6, v18  }
0x80e: {  	vm15 =	vgt.s32 v16, $0x0;
	v17 =	vadd.s32 v17, v16;
	(xrf0) =	vadd.scan.msk.s32 $0xffff, v16  }
0x80f: {  	v16 =	vnsel vm15, $0xFFFFFFFF, v17;
	s1 =	spop (v2sf)  }
0x810: {  	vm15 =	vgt.s32 v15, v16;
	s1 =	sxor.u32 $0x80000000, s1  }
0x811: {  	v15 =	vsel vm15, v15, v16;
	_ =	sdelay $0x2  }
0x812: {  	v16, _, _ =	vpop (xrf0)  }
0x813: {  	s8 =	sadd.s32 $0x10, s8;
	v16 =	vadd.s32 s1, v16  }
0x814: {  	s1 =	sand.u32 $0xF0, s3;
	[tilespmem:s8+$0x0] =	vst v16;
	v16 =	vxor.u32 $0x80000000, v16  }
0x815: {  	v20 =	vld [tilespmem:s1+$0xF400];
	(xrf0) =	vmax.scan.msk.u32 $0xffff, v16  }
0x816: {  	v21 =	vld [tilespmem:s1+$0xF100]  }
.Ltmp16:
0x817: {  	v19 =	vld [tilespmem:s1+$0xF700];
	(pc) =	sbr.rel @p0 .LBB2_34-.Ltmp16, $4  }
0x818: {  	v17 =	vld [tilespmem:s1+$0xFA00]  }
0x819: {  	v18 =	vld [tilespmem:s1+$0xFD00]  }
0x81a: {  	v16 =	vld [tilespmem:s1+$0x10000]  }
0x81b: {  	s2 =	sadd.s32 $0x10, s2;
	v22 =	vadd.s32 v21, v20;
	v20 =	vld [tilespmem:s1+$0x10300];
	v21, _, _ =	vpop (xrf0)  }
0x81c: {  	v19 =	vadd.s32 v22, v19;
	v52 =	vld [tilespmem:s1+$0x10600]  }
0x81d: {  	v17 =	vadd.s32 v19, v17;
	v19 =	vld [tilespmem:s1+$0x10900]  }
0x81e: {  	v17 =	vadd.s32 v17, v18;
	v18 =	vld [tilespmem:s1+$0x10C00]  }
0x81f: {  	v16 =	vadd.s32 v17, v16;
	v17 =	vld [tilespmem:s1+$0x10F00]  }
0x820: {  	(v2sf) =	vpush v21, $0xF;
	v53 =	vld [tilespmem:s1+$0x11200];
	v16 =	vadd.s32 v16, v20  }
0x821: {  	v54 =	vld [tilespmem:s1+$0x11500];
	v16 =	vadd.s32 v16, v52  }
0x822: {  	v16 =	vadd.s32 v16, v19;
	v19 =	vld [tilespmem:s1+$0x11800]  }
0x823: {  	v16 =	vadd.s32 v16, v18;
	v18 =	vld [tilespmem:s1+$0x11B00]  }
0x824: {  	v16 =	vadd.s32 v16, v17;
	v17 =	vld [tilespmem:s1+$0x11E00]  }
0x825: {  	v16 =	vadd.s32 v16, v53  }
0x826: {  	v16 =	vadd.s32 v16, v54  }
0x827: {  	v16 =	vadd.s32 v16, v19  }
0x828: {  	v16 =	vadd.s32 v16, v18  }
0x829: {  	v16 =	vadd.s32 v16, v17  }
0x82a: {  	(xrf0) =	vadd.scan.msk.s32 $0xffff, v16;
	_ =	sdelay $0x4  }
0x82b: {  	s7 =	spop (v2sf)  }
0x82c: {  	s1 =	sxor.u32 $0x80000000, s7;
	v17, _, _ =	vpop (xrf0)  }
0x82d: {  	s9 =	sadd.s32 $0x10, s8;
	v17 =	vadd.s32 s1, v17  }
0x82e: {  	s2 =	sand.u32 $0xF0, s0;
	[tilespmem:s9+$0x0] =	vst v17  }
0x82f: {  	v18 =	vld [tilespmem:s2+$0xF400]  }
0x830: {  	v19 =	vld [tilespmem:s2+$0xF100]  }
0x831: {  	v55 =	vld [tilespmem:s2+$0xF700]  }
0x832: {  	v17 =	vxor.u32 $0x80000000, v17;
	v56 =	vld [tilespmem:s2+$0xFA00]  }
0x833: {  	(xrf0) =	vmax.scan.msk.u32 $0xffff, v17;
	v17 =	vld [tilespmem:s2+$0xFD00]  }
0x834: {  	v57 =	vld [tilespmem:s2+$0x10000]  }
0x835: {  	v18 =	vadd.s32 v19, v18;
	v19 =	vld [tilespmem:s2+$0x10300]  }
0x836: {  	v58 =	vld [tilespmem:s2+$0x10600];
	v18 =	vadd.s32 v18, v55  }
0x837: {  	v59 =	vld [tilespmem:s2+$0x10900];
	v18 =	vadd.s32 v18, v56  }
0x838: {  	v17 =	vadd.s32 v18, v17;
	v18 =	vld [tilespmem:s2+$0x10C00]  }
0x839: {  	v60 =	vld [tilespmem:s2+$0x10F00];
	v17 =	vadd.s32 v17, v57  }
0x83a: {  	v17 =	vadd.s32 v17, v19;
	v19 =	vld [tilespmem:s2+$0x11200]  }
0x83b: {  	v61 =	vld [tilespmem:s2+$0x11500];
	v17 =	vadd.s32 v17, v58  }
0x83c: {  	v62 =	vld [tilespmem:s2+$0x11800];
	v17 =	vadd.s32 v17, v59  }
0x83d: {  	v17 =	vadd.s32 v17, v18;
	v18 =	vld [tilespmem:s2+$0x11B00]  }
0x83e: {  	v17 =	vadd.s32 v17, v60  }
0x83f: {  	v17 =	vadd.s32 v17, v19  }
0x840: {  	v17 =	vadd.s32 v17, v61  }
0x841: {  	v17 =	vadd.s32 v17, v62  }
0x842: {  	v17 =	vadd.s32 v17, v18;
	v18 =	vmov s3  }
0x843: {  	v18 =	vshll.u32 v18, $0x13  }
0x844: {  	v63 =	vld [tilespmem:s2+$0x11E00];
	v18 =	vor.u32 v6, v18  }
0x845: {  	vm15 =	vgt.s32 v16, $0x0;
	v23, _, _ =	vpop (xrf0);
	v16 =	vadd.s32 v18, v16  }
0x846: {  	(v2sf) =	vpush v23, $0xF;
	v19 =	vmov s0;
	v16 =	vnsel vm15, $0xFFFFFFFF, v16  }
0x847: {  	v18 =	vshll.u32 v19, $0x13;
	v19 =	vimm.s32 $0x0;
	vm15 =	vgt.s32 v15, v16  }
0x848: {  	v19 =	vsel vm15, $0xFFFFFFFF, v19  }
0x849: {  	v17 =	vadd.s32 v17, v63;
	v18 =	vor.u32 v6, v18;
	[tilespmem:$0x1FF60] =	vst v19  }
0x84a: {  	(xrf0) =	vadd.scan.msk.s32 $0xffff, v17;
	vm15 =	vgt.s32 v17, $0x0;
	v17 =	vadd.s32 v18, v17;
	v18 =	vld [tilespmem:$0x1FF60];
	_ =	sdelay $0x2  }
0x84b: {  	v19 =	vimm.s32 $0x0  }
0x84c: {  	v19 =	vsel vm15, $0xFFFFFFFF, v19  }
0x84d: {  	[tilespmem:$0x1FF70] =	vst v19;
	vm15 =	vnez.u8 v18  }
0x84e: {  	v15 =	vsel vm15, v15, v16;
	v16 =	vld [tilespmem:$0x1FF70];
	_ =	sdelay $0x4  }
0x84f: {  	s10 =	spop (v2sf);
	vm15 =	vnez.u8 v16  }
0x850: {  	s0 =	sxor.u32 $0x80000000, s10;
	v16 =	vnsel vm15, $0xFFFFFFFF, v17;
	v17, _, _ =	vpop (xrf0)  }
0x851: {  	vm15 =	vgt.s32 v15, v16;
	v17 =	vadd.s32 s0, v17  }
0x852: {  	v15 =	vsel vm15, v15, v16;
	v16 =	vxor.u32 $0x80000000, v17  }
0x853: {  	(xrf0) =	vmax.scan.msk.u32 $0xffff, v16;
	v15 =	vxor.u32 $0x80000000, v15  }
0x854: {  	(xrf0) =	vmax.scan.msk.u32 $0xffff, v15;
	_ =	sdelay $0x4  }
0x855: {  	v15, _, _ =	vpop (xrf0)  }
0x856: {  	(v2sf) =	vpush v15, $0xF;
	v15, _, _ =	vpop (xrf0)  }
0x857: {  	(v2sf) =	vpush v15, $0xF;
	_ =	sdelay $0xd  }
0x858: {  	s11 =	spop (v2sf)  }
0x859: {  	s0 =	spop (v2sf)  }
0x85a: {  	s0 =	sand.u32 $0x7FFFF, s0  }
0x85b: {  	s12 =	ssub.s32 $0x40000, s0  }
0x85c: {  	s13 =	smulhi.u32 $0x80808081, s12;
	s4 =	sshra.s32 s12, $0x1F  }
0x85d: {  	s4 =	smul.u32 $0x80808081, s4  }
0x85e: {  	s3 =	ssub.s32 s13, s12  }
0x85f: {  	s3 =	sadd.s32 s4, s3  }
0x860: {  	s2 =	sadd.s32 s12, s3  }
0x861: {  	s3 =	sshra.s32 s2, $0x7;
	s14 =	sshrl.u32 s2, $0x1F  }
0x862: {  	s3 =	sadd.s32 s14, s3  }
0x863: {  	p0 =	sgt.s32 s3, $0x1  }
0x864: {  	s3 =	simm.s32 @!p0 $0x1  }
0x865: {  	v15 =	vmov s3  }
0x866: {  	(v2sf) =	vpush v15, $0xE  }
0x867: {  	(v2sf) =	vpush v15, $0xD  }
0x868: {  	(v2sf) =	vpush v15, $0xC  }
0x869: {  	(v2sf) =	vpush v15, $0xB  }
0x86a: {  	s15 =	simm.s32 $0x0;
	(v2sf) =	vpush v15, $0xA  }
0x86b: {  	v16 =	vadd.s32 s15, v7;
	(v2sf) =	vpush v15, $0x9  }
0x86c: {  	vm15 =	vgt.s32 v16, $0x0;
	(v2sf) =	vpush v15, $0x8  }
0x86d: {  	v16 =	vnsel vm15, $0x0, v16;
	(v2sf) =	vpush v15, $0x7  }
0x86e: {  	(v2sf) =	vpush v15, $0x6  }
0x86f: {  	(v2sf) =	vpush v15, $0x5  }
0x870: {  	s1 =	sadd.s32 $0x10, s9;
	(v2sf) =	vpush v15, $0x4  }
0x871: {  	s16 =	simm.s32 $0x12300;
	[tilespmem:s1+$0x0] =	vst v17;
	(v2sf) =	vpush v15, $0x3  }
0x872: {  	v17 =	vld.idx.msk [tilespmem:v16+s16+$0x0], $0xffff;
	(v2sf) =	vpush v15, $0x2  }
0x873: {  	(v2sf) =	vpush v15, $0x1  }
0x874: {  	(v2sf) =	vpush v15, $0x0  }
0x875: {  	v16 =	vmov s15;
	s17 =	sshra.s32 s2, $0x8;
	s19 =	spop (v2sf)  }
0x876: {  	vm15 =	veq.s32 v16, v4;
	s1 =	sadd.s32 s14, s17;
	(v2sf) =	vpush v15, $0xF;
	s16 =	spop (v2sf)  }
0x877: {  	s31 =	simm.s32 $0x0;
	v17 =	vsel vm15, $0x0, v17;
	v16 =	vmov s1;
	s25 =	spop (v2sf)  }
0x878: {  	[dreg:$0xd] =	wrdreg s31;
	s0 =	sadd.s32 $0xFFFC00FE, s0;
	v17 =	vadd.s32 v16, v17;
	s3 =	spop (v2sf)  }
0x879: {  	s1 =	simm.s32 $0x10;
	p0 =	slt.u32 s0, $0x1FD;
	(v2sf) =	vpush v17, $0xE;
	s9 =	spop (v2sf)  }
0x87a: {  	s20 =	sshra.s32 s19, $0x1F;
	(v2sf) =	vpush v17, $0xD;
	s8 =	sshra.s32 s16, $0x1F;
	s18 =	spop (v2sf)  }
0x87b: {  	(v2sf) =	vpush v17, $0xC;
	s11 =	sshra.s32 s25, $0x1F;
	s13 =	sshra.s32 s3, $0x1F;
	s21 =	spop (v2sf)  }
0x87c: {  	s0 =	sshra.s32 s9, $0x1F;
	(v2sf) =	vpush v17, $0xB;
	[dreg:$0x1d] =	wrdreg s18;
	s22 =	spop (v2sf)  }
0x87d: {  	s23 =	sshra.s32 s18, $0x1F;
	(v2sf) =	vpush v17, $0xA;
	[dreg:$0x13] =	wrdreg s21;
	s10 =	spop (v2sf)  }
0x87e: {  	s24 =	sshra.s32 s21, $0x1F;
	[smem:$0x6DB] =	sst s23;
	(v2sf) =	vpush v17, $0x9;
	s15 =	spop (v2sf)  }
0x87f: {  	[smem:$0x6DA] =	sst s22;
	s22 =	sshra.s32 s22, $0x1F;
	(v2sf) =	vpush v17, $0x8;
	s6 =	spop (v2sf)  }
0x880: {  	[smem:$0x6DE] =	sst s10;
	s29 =	sshra.s32 s10, $0x1F;
	(v2sf) =	vpush v17, $0x7;
	s30 =	spop (v2sf)  }
0x881: {  	(v2sf) =	vpush v17, $0x6;
	[smem:$0x6DC] =	sst s6;
	s26 =	sshra.s32 s6, $0x1F;
	s17 =	spop (v2sf)  }
0x882: {  	(v2sf) =	vpush v17, $0x5;
	[smem:$0x6DD] =	sst s26;
	s26 =	sshra.s32 s15, $0x1F;
	s5 =	spop (v2sf)  }
0x883: {  	s18 =	sshra.s32 s30, $0x1F;
	(v2sf) =	vpush v17, $0x4;
	s6 =	smov.u32 s17;
	s14 =	spop (v2sf)  }
0x884: {  	s17 =	smov.u32 s5;
	(v2sf) =	vpush v17, $0x3;
	s5 =	smov.u32 s15;
	s21 =	sshra.s32 s6, $0x1F  }
0x885: {  	s7 =	spop (v2sf);
	s28 =	sshra.s32 s17, $0x1F;
	(v2sf) =	vpush v17, $0x2;
	[smem:$0x6DF] =	sst s14  }
0x886: {  	s23 =	sshra.s32 s14, $0x1F;
	(v2sf) =	vpush v17, $0x1;
	s12 =	smov.u32 s7;
	s2 =	sshra.s32 s7, $0x1F  }
.LBB2_36:
0x887: {  	[smem:$0x6D4] =	sst s0  }
0x888: {  	[smem:$0x6D6] =	sst s11  }
0x889: {  	[smem:$0x6D5] =	sst s13  }
0x88a: {  	[dreg:$0x9] =	wrdreg s1  }
0x88b: {  	[smem:$0x6D8] =	sst s20  }
0x88c: {  	[dreg:$0x1a] =	wrdreg s8  }
0x88d: {  	s4 =	sxor.u32 s8, s16;
	s16 =	rddreg [dreg:$0x1d]  }
0x88e: {  	[smem:$0x6B0] =	sst s26  }
0x88f: {  	[smem:$0x6AF] =	sst s24  }
0x890: {  	s7 =	sxor.u32 s13, s3;
	[smem:$0x6A2] =	sst s4  }
0x891: {  	s14 =	sxor.u32 s11, s25;
	[smem:$0x6A3] =	sst s7  }
0x892: {  	[smem:$0x6A4] =	sst s14  }
0x893: {  	s7 =	smov.u32 s29;
	s29 =	sld [smem:$0x6DB]  }
0x894: {  	s4 =	sxor.u32 s20, s19;
	s19 =	sld [smem:$0x6DA]  }
0x895: {  	s10 =	smov.u32 s20;
	s15 =	spop (v2sf);
	s20 =	rddreg [dreg:$0x13]  }
0x896: {  	s31 =	smov.u32 s18;
	[smem:$0x6AB] =	sst s15  }
0x897: {  	s18 =	spop (v2sf);
	s4 =	ssub.s32 s4, s10;
	s10 =	sld [smem:$0x6A3]  }
0x898: {  	s14 =	sxor.u32 s0, s9;
	[smem:$0x6AA] =	sst s18  }
0x899: {  	s6 =	sxor.u32 s21, s6;
	s0 =	ssub.s32 s14, s0;
	[smem:$0x6B6] =	sst s4  }
0x89a: {  	s14 =	ssub.s32 s6, s21;
	[smem:$0x6BD] =	sst s0  }
0x89b: {  	[smem:$0x6C5] =	sst s14  }
0x89c: {  	s25 =	spop (v2sf);
	[smem:$0x6DB] =	sst s29  }
0x89d: {  	p1 =	sne.s32 s1, $0xF0;
	[smem:$0x6AD] =	sst s25  }
0x89e: {  	s15 =	sxor.u32 s24, s20;
	s1 =	sxor.u32 s29, s16;
	s16 =	sld [smem:$0x6DE]  }
0x89f: {  	s3 =	sxor.u32 s22, s19;
	s25 =	sxor.u32 s31, s30;
	s30 =	sld [smem:$0x6DD]  }
0x8a0: {  	s19 =	sxor.u32 s26, s5;
	s20 =	spop (v2sf);
	s5 =	sld [smem:$0x6DC]  }
0x8a1: {  	[smem:$0x6AC] =	sst s20  }
0x8a2: {  	[smem:$0x6A6] =	sst s25  }
0x8a3: {  	s4 =	ssub.s32 s19, s26;
	s19 =	rddreg [dreg:$0xd]  }
0x8a4: {  	s25 =	spop (v2sf);
	s6 =	sld [smem:$0x6AD]  }
0x8a5: {  	s1 =	ssub.s32 s1, s29;
	[smem:$0x6B2] =	sst s25  }
0x8a6: {  	[smem:$0x6CC] =	sst s1  }
0x8a7: {  	[smem:$0x6C8] =	sst s4  }
0x8a8: {  	[dreg:$0xd] =	wrdreg s19  }
0x8a9: {  	s9 =	smov.u32 s7;
	s19 =	sld [smem:$0x6AB];
	s18 =	sxor.u32 s7, s16  }
0x8aa: {  	s20 =	sxor.u32 s30, s5;
	s7 =	sxor.u32 s28, s17;
	s17 =	sld [smem:$0x6DF]  }
0x8ab: {  	s5 =	sxor.u32 s2, s12;
	s12 =	ssub.s32 s10, s13;
	s13 =	sld [smem:$0x6A4]  }
0x8ac: {  	s25 =	sshra.s32 s25, $0x1F;
	s10 =	sld [smem:$0x6A6]  }
0x8ad: {  	[smem:$0x6B1] =	sst s25  }
0x8ae: {  	[smem:$0x6A5] =	sst s18  }
0x8af: {  	s16 =	spop (v2sf);
	[smem:$0x6A7] =	sst s7  }
0x8b0: {  	[smem:$0x6AE] =	sst s16  }
0x8b1: {  	[smem:$0x6A9] =	sst s5  }
0x8b2: {  	s7 =	sld [smem:$0x6A2]  }
0x8b3: {  	s16 =	spop (v2sf);
	[smem:$0x6BB] =	sst s12  }
0x8b4: {  	[smem:$0x6B4] =	sst s16  }
0x8b5: {  	s18 =	sxor.u32 s23, s17;
	s17 =	ssub.s32 s13, s11;
	s13 =	sld [smem:$0x6A7]  }
0x8b6: {  	[smem:$0x6A8] =	sst s18  }
0x8b7: {  	[smem:$0x6BA] =	sst s17  }
0x8b8: {  	s11 =	ssub.s32 s20, s30;
	s8 =	ssub.s32 s7, s8;
	s7 =	sld [smem:$0x6A5]  }
0x8b9: {  	s18 =	smov.u32 s2;
	[smem:$0x6C7] =	sst s11  }
0x8ba: {  	s2 =	ssub.s32 s3, s22;
	s3 =	ssub.s32 s15, s24;
	s24 =	sld [smem:$0x6A9]  }
0x8bb: {  	[smem:$0x6B8] =	sst s8  }
0x8bc: {  	[smem:$0x6CA] =	sst s2  }
0x8bd: {  	[smem:$0x6CB] =	sst s3  }
0x8be: {  	s8 =	spop (v2sf);
	s20 =	sld [smem:$0x6A8]  }
0x8bf: {  	[smem:$0x6B5] =	sst s8  }
0x8c0: {  	s5 =	spop (v2sf);
	s25 =	sshra.s32 s8, $0x1F;
	s8 =	sld [smem:$0x6AE]  }
0x8c1: {  	[smem:$0x6B7] =	sst s5  }
0x8c2: {  	s0 =	ssub.s32 s7, s9;
	s7 =	sld [smem:$0x6AA]  }
0x8c3: {  	s15 =	smov.u32 s9;
	s9 =	sld [smem:$0x6AC]  }
0x8c4: {  	s12 =	spop (v2sf);
	s29 =	sshra.s32 s5, $0x1F;
	s5 =	sld [smem:$0x6DB]  }
0x8c5: {  	[smem:$0x6B9] =	sst s12  }
0x8c6: {  	(v2sf) =	vpush v17, $0x0;
	s3 =	spop (v2sf);
	[smem:$0x6C9] =	sst s0  }
0x8c7: {  	s0 =	ssub.s32 s10, s31;
	[smem:$0x6C4] =	sst s3  }
0x8c8: {  	s4 =	spop (v2sf);
	[smem:$0x6C6] =	sst s0  }
0x8c9: {  	s0 =	ssub.s32 s13, s28;
	[smem:$0x6C2] =	sst s4  }
0x8ca: {  	s13 =	sshra.s32 s19, $0x1F;
	[smem:$0x6C3] =	sst s0  }
0x8cb: {  	s17 =	smov.u32 s31;
	s11 =	spop (v2sf);
	[smem:$0x6D9] =	sst s13  }
0x8cc: {  	s0 =	ssub.s32 s20, s23;
	s14 =	sshra.s32 s7, $0x1F;
	[smem:$0x6C0] =	sst s11  }
0x8cd: {  	s31 =	sshra.s32 s9, $0x1F;
	s20 =	sshra.s32 s12, $0x1F;
	[smem:$0x6C1] =	sst s0  }
0x8ce: {  	[smem:$0x6B3] =	sst s31;
	s12 =	sshra.s32 s11, $0x1F;
	s11 =	sshra.s32 s4, $0x1F  }
0x8cf: {  	s4 =	sxor.u32 s15, s29;
	s15 =	sxor.u32 s22, s25;
	s22 =	sld [smem:$0x6AF]  }
0x8d0: {  	s1 =	spop (v2sf);
	[smem:$0x6D7] =	sst s14  }
0x8d1: {  	(v2sf) =	vpush v17, $0xF;
	s0 =	ssub.s32 s24, s18;
	[smem:$0x6BE] =	sst s1  }
0x8d2: {  	[smem:$0x6BF] =	sst s0  }
0x8d3: {  	[smem:$0x6D0] =	sst s4  }
0x8d4: {  	s10 =	sshra.s32 s16, $0x1F;
	[smem:$0x6D1] =	sst s15  }
0x8d5: {  	s16 =	sshra.s32 s3, $0x1F;
	s2 =	spop (v2sf);
	s15 =	sld [smem:$0x6B0]  }
0x8d6: {  	s0 =	sshra.s32 s8, $0x1F;
	s4 =	sxor.u32 s17, s11;
	s17 =	sld [smem:$0x6B2]  }
0x8d7: {  	[smem:$0x6BC] =	sst s2;
	s3 =	sshra.s32 s2, $0x1F;
	s2 =	sxor.u32 s5, s0  }
0x8d8: {  	[smem:$0x6D3] =	sst s2;
	s2 =	sxor.u32 s22, s10  }
0x8d9: {  	[smem:$0x6D2] =	sst s2;
	s2 =	sxor.u32 s15, s20  }
0x8da: {  	s26 =	smov.u32 s23;
	s31 =	sshra.s32 s1, $0x1F;
	[smem:$0x6CF] =	sst s2  }
0x8db: {  	s2 =	sxor.u32 s13, s19;
	s19 =	sxor.u32 s28, s31;
	s28 =	sld [smem:$0x6B3]  }
0x8dc: {  	s7 =	sxor.u32 s14, s7;
	s5 =	smov.u32 s10;
	[smem:$0x6CD] =	sst s4  }
0x8dd: {  	s10 =	sxor.u32 s30, s16;
	s30 =	sxor.u32 s21, s12;
	s21 =	smov.u32 s14  }
0x8de: {  	s4 =	sxor.u32 s28, s9;
	s9 =	ssub.s32 s7, s21;
	s21 =	sld [smem:$0x6B6]  }
0x8df: {  	s23 =	sshra.s32 s6, $0x1F;
	[smem:$0x6CE] =	sst s10;
	s10 =	smov.u32 s13  }
0x8e0: {  	s24 =	spop (v2sf);
	s22 =	sld [smem:$0x6B4];
	s2 =	ssub.s32 s2, s10  }
0x8e1: {  	s1 =	sshra.s32 s24, $0x1F;
	(drf) =	sdiv.u32 s2, s21;
	s2 =	sld [smem:$0x6B7]  }
0x8e2: {  	s6 =	sxor.u32 s23, s6;
	s14 =	sxor.u32 s18, s1;
	s18 =	sld [smem:$0x6B1]  }
0x8e3: {  	s15 =	sxor.u32 s5, s22;
	s22 =	smov.u32 s5;
	s5 =	sld [smem:$0x6B5]  }
0x8e4: {  	s21 =	sxor.u32 s29, s2;
	s2 =	ssub.s32 s6, s23;
	s6 =	sld [smem:$0x6B8]  }
0x8e5: {  	s7 =	sld [smem:$0x6B9]  }
0x8e6: {  	s10 =	sxor.u32 s25, s5;
	s5 =	sxor.u32 s1, s24;
	s24 =	sld [smem:$0x6BB]  }
0x8e7: {  	s13 =	sxor.u32 s26, s3;
	(drf) =	sdiv.u32 s9, s6;
	s9 =	sld [smem:$0x6BA]  }
0x8e8: {  	s26 =	sxor.u32 s18, s17;
	s1 =	ssub.s32 s5, s1;
	s5 =	sld [smem:$0x6C0]  }
0x8e9: {  	s4 =	ssub.s32 s4, s28;
	s6 =	sxor.u32 s20, s7;
	s7 =	sld [smem:$0x6BD]  }
0x8ea: {  	(drf) =	sdiv.u32 s2, s9;
	s9 =	ssub.s32 s26, s18;
	s26 =	sld [smem:$0x6BC]  }
0x8eb: {  	(drf) =	sdiv.u32 s4, s24;
	s24 =	sld [smem:$0x6BE]  }
0x8ec: {  	s8 =	sxor.u32 s0, s8;
	(drf) =	sdiv.u32 s9, s7;
	s7 =	sld [smem:$0x6C1]  }
0x8ed: {  	s17 =	smov.u32 s0;
	s0 =	sxor.u32 s3, s26;
	s26 =	sld [smem:$0x6BF]  }
0x8ee: {  	s2 =	sxor.u32 s31, s24;
	s24 =	sld [smem:$0x6C3]  }
0x8ef: {  	s9 =	ssub.s32 s0, s3;
	s3 =	sld [smem:$0x6C5];
	s4 =	ssub.s32 s2, s31  }
0x8f0: {  	s2 =	sxor.u32 s12, s5;
	s31 =	sld [smem:$0x6C4];
	(drf) =	sdiv.u32 s1, s26  }
0x8f1: {  	(drf) =	sdiv.u32 s9, s7;
	s9 =	ssub.s32 s2, s12;
	s12 =	sld [smem:$0x6C2]  }
0x8f2: {  	s5 =	sld [smem:$0x6C6];
	s1 =	spop (drf)  }
0x8f3: {  	(drf) =	sdiv.u32 s4, s24;
	s24 =	sld [smem:$0x6CA]  }
0x8f4: {  	s2 =	sxor.u32 s11, s12;
	s12 =	ssub.s32 s21, s29;
	s21 =	sld [smem:$0x6C9]  }
0x8f5: {  	s26 =	ssub.s32 s2, s11;
	s2 =	sxor.u32 s16, s31;
	s11 =	sld [smem:$0x6C7]  }
0x8f6: {  	(drf) =	sdiv.u32 s9, s3;
	s2 =	ssub.s32 s2, s16;
	s16 =	sld [smem:$0x6C8]  }
0x8f7: {  	s31 =	sld [smem:$0x6CB];
	(drf) =	sdiv.u32 s26, s5  }
0x8f8: {  	s7 =	ssub.s32 s6, s20;
	(drf) =	sdiv.u32 s2, s11;
	s2 =	spop (drf)  }
0x8f9: {  	(drf) =	sdiv.u32 s7, s16;
	s0 =	spop (drf)  }
0x8fa: {  	(drf) =	sdiv.u32 s12, s21;
	s3 =	spop (drf)  }
0x8fb: {  	s20 =	ssub.s32 s10, s25;
	s12 =	sld [smem:$0x6CC];
	s4 =	spop (drf)  }
0x8fc: {  	s22 =	ssub.s32 s15, s22;
	(drf) =	sdiv.u32 s20, s24;
	s26 =	spop (drf)  }
0x8fd: {  	s25 =	ssub.s32 s8, s17;
	(drf) =	sdiv.u32 s22, s31;
	s11 =	spop (drf)  }
0x8fe: {  	s10 =	sxor.u32 s14, s26;
	(drf) =	sdiv.u32 s25, s12;
	s25 =	sld [smem:$0x6CD]  }
0x8ff: {  	s5 =	ssub.s32 s10, s14;
	s10 =	sld [smem:$0x6CE]  }
0x900: {  	s15 =	sxor.u32 s13, s11;
	s16 =	spop (drf);
	s14 =	sld [smem:$0x6CF]  }
0x901: {  	s6 =	ssub.s32 s15, s13;
	s17 =	sxor.u32 s19, s16;
	s20 =	spop (drf)  }
0x902: {  	v17 =	vmov s5;
	s5 =	ssub.s32 s17, s19;
	s22 =	spop (drf);
	s19 =	sld [smem:$0x6D0]  }
0x903: {  	v17 =	vsel vm0, s6, v17;
	s21 =	sxor.u32 s30, s20;
	s6 =	sld [smem:$0x6D2];
	s26 =	sxor.u32 s25, s22  }
0x904: {  	v17 =	vsel vm1, s5, v17;
	s24 =	ssub.s32 s21, s30;
	s31 =	spop (drf);
	s8 =	ssub.s32 s26, s25  }
0x905: {  	v17 =	vsel vm2, s24, v17;
	s11 =	sxor.u32 s10, s31;
	s12 =	spop (drf);
	s24 =	sld [smem:$0x6D1]  }
0x906: {  	s13 =	ssub.s32 s11, s10;
	s15 =	sxor.u32 s14, s12;
	s12 =	sld [smem:$0x6D3]  }
0x907: {  	v17 =	vsel vm3, s8, v17;
	s16 =	spop (drf);
	s17 =	ssub.s32 s15, s14;
	s14 =	sld [smem:$0x6D4]  }
0x908: {  	v17 =	vsel vm4, s13, v17;
	s20 =	sxor.u32 s19, s16;
	s16 =	sld [smem:$0x6D5]  }
0x909: {  	v17 =	vsel vm5, s17, v17;
	s17 =	sld [smem:$0x6D6]  }
0x90a: {  	s21 =	spop (drf);
	s22 =	ssub.s32 s20, s19;
	s19 =	sld [smem:$0x6D7]  }
0x90b: {  	s26 =	spop (drf);
	s20 =	sld [smem:$0x6D8]  }
0x90c: {  	(v2sf) =	vpush v15, $0xE;
	s25 =	sxor.u32 s24, s21;
	s21 =	sld [smem:$0x6D9];
	s7 =	sxor.u32 s6, s26  }
0x90d: {  	(v2sf) =	vpush v15, $0xD;
	v17 =	vsel vm6, s22, v17;
	s31 =	ssub.s32 s25, s24;
	s10 =	spop (drf);
	s11 =	ssub.s32 s7, s6  }
0x90e: {  	(v2sf) =	vpush v15, $0xC;
	v17 =	vsel vm7, s31, v17;
	s13 =	sxor.u32 s12, s10;
	s7 =	sxor.u32 s14, s18;
	s6 =	sxor.u32 s16, s28  }
0x90f: {  	(v2sf) =	vpush v15, $0xB;
	s18 =	rddreg [dreg:$0x1a];
	v17 =	vsel vm8, s11, v17;
	s15 =	ssub.s32 s13, s12;
	s4 =	sxor.u32 s7, s4  }
0x910: {  	(v2sf) =	vpush v15, $0xA;
	s3 =	sxor.u32 s6, s3;
	s5 =	sxor.u32 s17, s23;
	v17 =	vsel vm9, s15, v17;
	s4 =	ssub.s32 s4, s7  }
0x911: {  	(v2sf) =	vpush v15, $0x9;
	s3 =	ssub.s32 s3, s6;
	s0 =	sxor.u32 s5, s0;
	v17 =	vsel vm10, s4, v17;
	s4 =	sxor.u32 s18, s19  }
0x912: {  	(v2sf) =	vpush v15, $0x8;
	s0 =	ssub.s32 s0, s5;
	v17 =	vsel vm11, s3, v17;
	s2 =	sxor.u32 s4, s2;
	s3 =	sxor.u32 s20, s21  }
0x913: {  	(v2sf) =	vpush v15, $0x7;
	s23 =	rddreg [dreg:$0x9];
	v17 =	vsel vm12, s0, v17;
	s22 =	ssub.s32 s2, s4;
	s1 =	sxor.u32 s3, s1  }
0x914: {  	(v2sf) =	vpush v15, $0x6;
	v18 =	vadd.s32 s23, v7;
	v17 =	vsel vm13, s22, v17;
	s24 =	ssub.s32 s1, s3  }
0x915: {  	(v2sf) =	vpush v15, $0x5;
	vm15 =	vgt.s32 v18, $0x0;
	v17 =	vsel vm14, s24, v17  }
0x916: {  	(v2sf) =	vpush v15, $0x4;
	v18 =	vnsel vm15, $0x0, v18;
	vm15 =	vgt.s32 v17, $0x0  }
0x917: {  	(v2sf) =	vpush v15, $0x3;
	s25 =	rddreg [dreg:$0xd];
	v17 =	vnsel vm15, $0x0, v17  }
0x918: {  	(v2sf) =	vpush v15, $0x2;
	v19 =	vor.u32 s25, v4;
	v17 =	vmin.u32 v17, $0xFF  }
0x919: {  	(v2sf) =	vpush v15, $0x1;
	s0 =	sand.u32 $0xF0, s25;
	v17 =	vpsel p0, v19, v17  }
0x91a: {  	(v2sf) =	vpush v15, $0x0;
	s9 =	simm.s32 $0x12300;
	[tilespmem:s0+$0x12100] =	vst v17  }
0x91b: {  	(v2sf) =	vpush v15, $0xF;
	s19 =	spop (v2sf);
	v17 =	vld.idx.msk [tilespmem:v18+s9+$0x0], $0xffff  }
0x91c: {  	s16 =	spop (v2sf)  }
0x91d: {  	s25 =	spop (v2sf);
	s1 =	rddreg [dreg:$0x9]  }
0x91e: {  	s3 =	spop (v2sf);
	v18 =	vmov s1  }
0x91f: {  	s9 =	spop (v2sf);
	vm15 =	veq.s32 v18, v4  }
0x920: {  	s31 =	spop (v2sf);
	v17 =	vsel vm15, $0x0, v17  }
0x921: {  	s6 =	spop (v2sf);
	v17 =	vadd.s32 v16, v17  }
0x922: {  	s20 =	sshra.s32 s19, $0x1F;
	s7 =	spop (v2sf);
	(v2sf) =	vpush v17, $0xE  }
0x923: {  	s8 =	sshra.s32 s16, $0x1F;
	s11 =	sshra.s32 s25, $0x1F;
	s17 =	spop (v2sf);
	(v2sf) =	vpush v17, $0xD  }
0x924: {  	s26 =	smov.u32 s1;
	s13 =	sshra.s32 s3, $0x1F;
	s10 =	spop (v2sf);
	(v2sf) =	vpush v17, $0xC  }
0x925: {  	[dreg:$0xd] =	wrdreg s26;
	s1 =	sadd.s32 $0x10, s1;
	s12 =	spop (v2sf);
	(v2sf) =	vpush v17, $0xB  }
0x926: {  	s0 =	sshra.s32 s9, $0x1F;
	[dreg:$0x1d] =	wrdreg s31;
	s30 =	spop (v2sf);
	(v2sf) =	vpush v17, $0xA  }
0x927: {  	s26 =	sshra.s32 s31, $0x1F;
	[dreg:$0x13] =	wrdreg s6;
	s15 =	spop (v2sf);
	(v2sf) =	vpush v17, $0x9  }
0x928: {  	s24 =	sshra.s32 s6, $0x1F;
	[smem:$0x6DB] =	sst s26;
	s21 =	spop (v2sf);
	(v2sf) =	vpush v17, $0x8  }
0x929: {  	[smem:$0x6DA] =	sst s7;
	s22 =	sshra.s32 s7, $0x1F;
	s23 =	spop (v2sf);
	(v2sf) =	vpush v17, $0x7  }
0x92a: {  	[smem:$0x6DE] =	sst s17;
	s29 =	sshra.s32 s17, $0x1F;
	s14 =	spop (v2sf);
	(v2sf) =	vpush v17, $0x6  }
.Ltmp17:
0x92b: {  	[smem:$0x6DC] =	sst s12;
	s31 =	sshra.s32 s12, $0x1F;
	(v2sf) =	vpush v17, $0x5;
	(pc) =	sbr.rel @p1 .LBB2_36-.Ltmp17, $4  }
0x92c: {  	s5 =	smov.u32 s10;
	s26 =	sshra.s32 s10, $0x1F;
	[smem:$0x6DD] =	sst s31;
	(v2sf) =	vpush v17, $0x4  }
0x92d: {  	s18 =	sshra.s32 s30, $0x1F;
	s6 =	smov.u32 s15;
	s17 =	smov.u32 s21;
	(v2sf) =	vpush v17, $0x3  }
0x92e: {  	s28 =	sshra.s32 s21, $0x1F;
	s21 =	sshra.s32 s6, $0x1F;
	[smem:$0x6DF] =	sst s23;
	(v2sf) =	vpush v17, $0x2  }
0x92f: {  	s23 =	sshra.s32 s23, $0x1F;
	s12 =	smov.u32 s14;
	s2 =	sshra.s32 s14, $0x1F;
	(v2sf) =	vpush v17, $0x1  }
0x930: {  	[smem:$0x6D4] =	sst s0  }
0x931: {  	[smem:$0x6AF] =	sst s24  }
0x932: {  	[smem:$0x69B] =	sst s28  }
0x933: {  	s31 =	smov.u32 s17;
	s17 =	smov.u32 s6;
	[smem:$0x6D8] =	sst s20  }
0x934: {  	s14 =	smov.u32 s20;
	s19 =	sxor.u32 s20, s19;
	[dreg:$0x1a] =	wrdreg s8  }
0x935: {  	s16 =	sxor.u32 s8, s16;
	s25 =	sxor.u32 s11, s25;
	[smem:$0x6D6] =	sst s11  }
0x936: {  	[smem:$0x6D5] =	sst s13;
	s1 =	spop (v2sf);
	s0 =	ssub.s32 s19, s14  }
0x937: {  	s14 =	smov.u32 s23;
	s7 =	spop (v2sf);
	s10 =	sshra.s32 s1, $0x1F  }
0x938: {  	s24 =	spop (v2sf);
	s28 =	smov.u32 s10;
	[smem:$0x6A1] =	sst s10  }
0x939: {  	(v2sf) =	vpush v17, $0x0;
	s1 =	sxor.u32 s10, s1;
	s10 =	sshra.s32 s7, $0x1F;
	s15 =	spop (v2sf)  }
0x93a: {  	(v2sf) =	vpush v17, $0xF;
	s4 =	ssub.s32 s1, s28;
	[smem:$0x6A0] =	sst s10;
	s19 =	sxor.u32 s10, s7  }
0x93b: {  	s20 =	sshra.s32 s24, $0x1F;
	s23 =	spop (v2sf);
	(drf) =	sdiv.u32 s4, s0  }
0x93c: {  	s0 =	ssub.s32 s16, s8;
	s7 =	ssub.s32 s19, s10;
	[smem:$0x69F] =	sst s20  }
0x93d: {  	s28 =	sxor.u32 s20, s24;
	s10 =	smov.u32 s26;
	s6 =	spop (v2sf)  }
0x93e: {  	(drf) =	sdiv.u32 s7, s0;
	s0 =	ssub.s32 s25, s11;
	s24 =	sshra.s32 s23, $0x1F  }
0x93f: {  	[smem:$0x69D] =	sst s6;
	s4 =	spop (v2sf);
	s6 =	ssub.s32 s28, s20  }
0x940: {  	s23 =	sxor.u32 s24, s23;
	[smem:$0x69C] =	sst s4;
	s1 =	spop (v2sf)  }
0x941: {  	(drf) =	sdiv.u32 s6, s0;
	s4 =	sshra.s32 s15, $0x1F;
	s6 =	sxor.u32 s13, s3  }
0x942: {  	s8 =	spop (v2sf);
	s0 =	ssub.s32 s6, s13;
	s13 =	sld [smem:$0x6D4]  }
0x943: {  	s3 =	sxor.u32 s2, s12;
	s11 =	sxor.u32 s4, s15;
	s16 =	spop (v2sf)  }
0x944: {  	[smem:$0x69E] =	sst s4;
	s6 =	ssub.s32 s11, s4;
	s25 =	spop (v2sf)  }
0x945: {  	(drf) =	sdiv.u32 s6, s0;
	s26 =	spop (v2sf);
	s19 =	sxor.u32 s13, s9  }
0x946: {  	s15 =	spop (v2sf);
	s7 =	ssub.s32 s19, s13;
	s19 =	sld [smem:$0x69B]  }
0x947: {  	s23 =	ssub.s32 s23, s24;
	s13 =	sld [smem:$0x6DF];
	s28 =	spop (v2sf)  }
0x948: {  	s9 =	ssub.s32 s3, s2;
	(drf) =	sdiv.u32 s23, s7;
	s6 =	spop (v2sf)  }
0x949: {  	s23 =	smov.u32 s14;
	s20 =	spop (v2sf);
	s7 =	sshra.s32 s6, $0x1F  }
0x94a: {  	s12 =	sxor.u32 s19, s31;
	s0 =	sshra.s32 s20, $0x1F;
	s31 =	sxor.u32 s7, s6  }
0x94b: {  	s6 =	sshra.s32 s28, $0x1F;
	s11 =	sxor.u32 s0, s20;
	s20 =	sxor.u32 s14, s13  }
0x94c: {  	s14 =	ssub.s32 s31, s7;
	s3 =	sxor.u32 s6, s28;
	s31 =	sxor.u32 s10, s5  }
0x94d: {  	s11 =	ssub.s32 s11, s0;
	s13 =	ssub.s32 s20, s23;
	s4 =	ssub.s32 s3, s6  }
0x94e: {  	s3 =	sld [smem:$0x6DC];
	(drf) =	sdiv.u32 s11, s9;
	s11 =	ssub.s32 s12, s19  }
0x94f: {  	s9 =	sxor.u32 s18, s30;
	s12 =	sshra.s32 s15, $0x1F;
	(drf) =	sdiv.u32 s14, s13  }
0x950: {  	s14 =	sxor.u32 s21, s17;
	s20 =	sxor.u32 s12, s15;
	s17 =	sshra.s32 s26, $0x1F  }
0x951: {  	s28 =	ssub.s32 s9, s18;
	s15 =	sshra.s32 s16, $0x1F;
	(drf) =	sdiv.u32 s4, s11  }
0x952: {  	s13 =	ssub.s32 s14, s21;
	s4 =	ssub.s32 s20, s12;
	s26 =	sxor.u32 s17, s26  }
0x953: {  	(drf) =	sdiv.u32 s4, s13;
	s30 =	ssub.s32 s26, s17;
	s26 =	sld [smem:$0x6DA]  }
0x954: {  	s11 =	sshra.s32 s25, $0x1F;
	(drf) =	sdiv.u32 s30, s28;
	s30 =	sld [smem:$0x6DD]  }
0x955: {  	s16 =	sxor.u32 s15, s16;
	s20 =	ssub.s32 s31, s10;
	s31 =	sld [smem:$0x6DE]  }
0x956: {  	s5 =	sxor.u32 s11, s25;
	s25 =	ssub.s32 s16, s15;
	s16 =	rddreg [dreg:$0x13]  }
0x957: {  	s13 =	ssub.s32 s5, s11;
	s28 =	sxor.u32 s22, s26;
	s4 =	sxor.u32 s30, s3  }
0x958: {  	s26 =	sld [smem:$0x69D];
	s5 =	ssub.s32 s28, s22;
	s14 =	ssub.s32 s4, s30  }
0x959: {  	s4 =	sxor.u32 s29, s31;
	s31 =	sld [smem:$0x6DB];
	(drf) =	sdiv.u32 s13, s14  }
0x95a: {  	s13 =	sshra.s32 s1, $0x1F;
	s9 =	ssub.s32 s4, s29;
	s4 =	sld [smem:$0x6AF]  }
0x95b: {  	s14 =	sld [smem:$0x69C];
	(drf) =	sdiv.u32 s25, s20;
	s20 =	sshra.s32 s8, $0x1F  }
0x95c: {  	s28 =	sshra.s32 s26, $0x1F;
	s1 =	sxor.u32 s13, s1;
	s8 =	sxor.u32 s20, s8  }
0x95d: {  	s1 =	ssub.s32 s1, s13;
	s8 =	ssub.s32 s8, s20;
	s3 =	sxor.u32 s4, s16  }
0x95e: {  	(drf) =	sdiv.u32 s8, s9;
	s9 =	rddreg [dreg:$0x1d];
	s8 =	sshra.s32 s14, $0x1F  }
0x95f: {  	s3 =	ssub.s32 s3, s4;
	(drf) =	sdiv.u32 s1, s5;
	s25 =	sxor.u32 s8, s14  }
0x960: {  	s1 =	sxor.u32 s31, s9;
	s14 =	sxor.u32 s28, s26;
	s5 =	ssub.s32 s25, s8  }
0x961: {  	s1 =	ssub.s32 s1, s31;
	s16 =	ssub.s32 s14, s28;
	(drf) =	sdiv.u32 s5, s3  }
0x962: {  	(drf) =	sdiv.u32 s16, s1;
	s1 =	spop (drf)  }
0x963: {  	s3 =	spop (drf)  }
0x964: {  	s7 =	sxor.u32 s23, s7;
	s8 =	sxor.u32 s4, s8;
	s4 =	spop (drf)  }
0x965: {  	s0 =	sxor.u32 s2, s0;
	s6 =	sxor.u32 s19, s6;
	s16 =	spop (drf)  }
0x966: {  	s12 =	sxor.u32 s21, s12;
	s14 =	sxor.u32 s18, s17;
	s17 =	spop (drf)  }
0x967: {  	s15 =	sxor.u32 s10, s15;
	s9 =	sxor.u32 s29, s20;
	s20 =	spop (drf)  }
0x968: {  	s11 =	sxor.u32 s30, s11;
	s13 =	sxor.u32 s22, s13;
	s21 =	spop (drf)  }
0x969: {  	s5 =	sxor.u32 s31, s28;
	s18 =	sxor.u32 s0, s20;
	s23 =	spop (drf)  }
0x96a: {  	s0 =	ssub.s32 s18, s0;
	s22 =	sxor.u32 s7, s21;
	s26 =	spop (drf)  }
0x96b: {  	s7 =	ssub.s32 s22, s7;
	v15 =	vmov s0;
	s25 =	sxor.u32 s6, s23;
	s29 =	spop (drf)  }
0x96c: {  	v15 =	vsel vm0, s7, v15;
	s0 =	ssub.s32 s25, s6;
	s28 =	sxor.u32 s12, s26;
	s2 =	spop (drf)  }
0x96d: {  	v15 =	vsel vm1, s0, v15;
	s30 =	ssub.s32 s28, s12;
	s31 =	sxor.u32 s14, s29;
	s12 =	sxor.u32 s11, s2  }
0x96e: {  	v15 =	vsel vm2, s30, v15;
	s10 =	ssub.s32 s31, s14;
	s14 =	spop (drf);
	s18 =	ssub.s32 s12, s11  }
0x96f: {  	v15 =	vsel vm3, s10, v15;
	s19 =	sxor.u32 s15, s14;
	s20 =	spop (drf);
	s12 =	sld [smem:$0x69E]  }
0x970: {  	v15 =	vsel vm4, s18, v15;
	s21 =	ssub.s32 s19, s15;
	s22 =	sxor.u32 s9, s20;
	s18 =	sld [smem:$0x6D6]  }
0x971: {  	s23 =	spop (drf);
	s25 =	ssub.s32 s22, s9;
	s9 =	sld [smem:$0x6D4]  }
0x972: {  	v15 =	vsel vm5, s21, v15;
	s26 =	sxor.u32 s13, s23;
	s21 =	sld [smem:$0x6A0]  }
0x973: {  	s28 =	spop (drf);
	s22 =	rddreg [dreg:$0x1a];
	s29 =	ssub.s32 s26, s13  }
0x974: {  	s30 =	sxor.u32 s8, s28;
	s13 =	sld [smem:$0x6D5];
	s2 =	sxor.u32 s9, s24  }
0x975: {  	v15 =	vsel vm6, s25, v15;
	s31 =	spop (drf);
	s14 =	sxor.u32 s2, s17;
	s17 =	sld [smem:$0x69F]  }
0x976: {  	s25 =	sld [smem:$0x6A1];
	v15 =	vsel vm7, s29, v15;
	s8 =	ssub.s32 s30, s8;
	s10 =	sxor.u32 s5, s31  }
0x977: {  	v15 =	vsel vm8, s8, v15;
	s11 =	ssub.s32 s10, s5;
	s24 =	sld [smem:$0x6D8];
	s5 =	sxor.u32 s13, s12  }
0x978: {  	v15 =	vsel vm9, s11, v15;
	s15 =	ssub.s32 s14, s2;
	s19 =	sxor.u32 s5, s16;
	s2 =	sxor.u32 s18, s17  }
0x979: {  	v15 =	vsel vm10, s15, v15;
	s20 =	ssub.s32 s19, s5;
	s5 =	sxor.u32 s22, s21;
	s4 =	sxor.u32 s2, s4  }
0x97a: {  	v15 =	vsel vm11, s20, v15;
	s3 =	sxor.u32 s5, s3;
	s23 =	ssub.s32 s4, s2;
	s2 =	sxor.u32 s24, s25  }
0x97b: {  	s26 =	ssub.s32 s3, s5;
	v15 =	vsel vm12, s23, v15;
	s1 =	sxor.u32 s2, s1  }
0x97c: {  	v15 =	vsel vm13, s26, v15;
	s28 =	ssub.s32 s1, s2  }
0x97d: {  	v15 =	vsel vm14, s28, v15  }
0x97e: {  	vm15 =	vgt.s32 v15, $0x0  }
0x97f: {  	s29 =	rddreg [dreg:$0xd];
	v15 =	vnsel vm15, $0x0, v15  }
0x980: {  	v16 =	vor.u32 s29, v4;
	v15 =	vmin.u32 v15, $0xFF  }
0x981: {  	s30 =	simm.s32 $0x0;
	s0 =	sand.u32 $0xF0, s29;
	v15 =	vpsel p0, v16, v15  }
0x982: {  	s31 =	sand.u32 $0xF0, s30;
	[tilespmem:s0+$0x12100] =	vst v15  }
0x983: {  	v15 =	vld [tilespmem:s31+$0xF500]  }
0x984: {  	v16 =	vld [tilespmem:s31+$0xF200]  }
0x985: {  	v17 =	vld [tilespmem:s31+$0xF800]  }
0x986: {  	v18 =	vld [tilespmem:s31+$0xFB00]  }
0x987: {  	v19 =	vld [tilespmem:s31+$0xFE00]  }
0x988: {  	v20 =	vld [tilespmem:s31+$0x10100]  }
0x989: {  	v15 =	vadd.s32 v16, v15;
	v16 =	vld [tilespmem:s31+$0x10400]  }
0x98a: {  	v15 =	vadd.s32 v15, v17;
	v17 =	vld [tilespmem:s31+$0x10700]  }
0x98b: {  	v15 =	vadd.s32 v15, v18;
	v18 =	vld [tilespmem:s31+$0x10A00]  }
0x98c: {  	v15 =	vadd.s32 v15, v19;
	v19 =	vld [tilespmem:s31+$0x10D00]  }
0x98d: {  	v15 =	vadd.s32 v15, v20;
	v20 =	vld [tilespmem:s31+$0x11000]  }
0x98e: {  	v15 =	vadd.s32 v15, v16;
	v16 =	vld [tilespmem:s31+$0x11300]  }
0x98f: {  	v15 =	vadd.s32 v15, v17;
	v17 =	vld [tilespmem:s31+$0x11600]  }
0x990: {  	v15 =	vadd.s32 v15, v18;
	v18 =	vld [tilespmem:s31+$0x11900]  }
0x991: {  	v15 =	vadd.s32 v15, v19;
	v19 =	vld [tilespmem:s31+$0x11C00]  }
0x992: {  	v15 =	vadd.s32 v15, v20;
	v20 =	vld [tilespmem:s31+$0x11F00]  }
0x993: {  	v15 =	vadd.s32 v15, v16  }
0x994: {  	v15 =	vadd.s32 v15, v17  }
0x995: {  	v15 =	vadd.s32 v15, v18  }
0x996: {  	v15 =	vadd.s32 v15, v19  }
0x997: {  	v15 =	vadd.s32 v15, v20  }
0x998: {  	(xrf0) =	vadd.scan.msk.s32 $0xffff, v15;
	_ =	sdelay $0x5  }
0x999: {  	v16, _, _ =	vpop (xrf0)  }
0x99a: {  	s4 =	simm.s32 $0x12300;
	s0 =	simm.s32 $0x10;
	v16 =	vadd.s32 s30, v16  }
0x99b: {  	s2 =	sand.u32 $0xF0, s0;
	[tilespmem:s4+$0x0] =	vst v16;
	v16 =	vxor.u32 $0x80000000, v16  }
0x99c: {  	v17 =	vmov s30;
	v20 =	vld [tilespmem:s2+$0xF500];
	(xrf0) =	vmax.scan.msk.u32 $0xffff, v16  }
0x99d: {  	v16 =	vshll.u32 v17, $0x13;
	v21 =	vld [tilespmem:s2+$0xF200]  }
0x99e: {  	v19 =	vld [tilespmem:s2+$0xF800];
	v16 =	vor.u32 v6, v16  }
0x99f: {  	vm15 =	vgt.s32 v15, $0x0;
	v17 =	vld [tilespmem:s2+$0xFB00];
	v15 =	vadd.s32 v16, v15  }
0x9a0: {  	v22 =	vimm.s32 $0xFFFFFFFF;
	v18 =	vld [tilespmem:s2+$0xFE00];
	v15 =	vnsel vm15, $0xFFFFFFFF, v15  }
0x9a1: {  	v16 =	vld [tilespmem:s2+$0x10100];
	vm15 =	vgt.s32 v22, v15  }
0x9a2: {  	s3 =	simm.s32 $0x30;
	s1 =	simm.s32 $0x20;
	v15 =	vsel vm15, v22, v15;
	v22 =	vadd.s32 v21, v20;
	v20 =	vld [tilespmem:s2+$0x10400];
	v21, _, _ =	vpop (xrf0)  }
.LBB2_38:
0x9a3: {  	p0 =	sne.s32 s3, $0xF0;
	v19 =	vadd.s32 v22, v19;
	v22 =	vld [tilespmem:s2+$0x10700];
	(v2sf) =	vpush v21, $0xF  }
0x9a4: {  	v17 =	vadd.s32 v19, v17;
	v19 =	vld [tilespmem:s2+$0x10A00]  }
0x9a5: {  	v17 =	vadd.s32 v17, v18;
	v18 =	vld [tilespmem:s2+$0x10D00]  }
0x9a6: {  	v16 =	vadd.s32 v17, v16;
	v17 =	vld [tilespmem:s2+$0x11000]  }
0x9a7: {  	v16 =	vadd.s32 v16, v20;
	v20 =	vld [tilespmem:s2+$0x11300]  }
0x9a8: {  	v16 =	vadd.s32 v16, v22;
	v21 =	vld [tilespmem:s2+$0x11600]  }
0x9a9: {  	v16 =	vadd.s32 v16, v19;
	v19 =	vld [tilespmem:s2+$0x11900]  }
0x9aa: {  	v16 =	vadd.s32 v16, v18;
	v18 =	vld [tilespmem:s2+$0x11C00]  }
0x9ab: {  	v16 =	vadd.s32 v16, v17;
	v17 =	vld [tilespmem:s2+$0x11F00]  }
0x9ac: {  	v16 =	vadd.s32 v16, v20  }
0x9ad: {  	v16 =	vadd.s32 v16, v21  }
0x9ae: {  	v16 =	vadd.s32 v16, v19;
	v19 =	vmov s0;
	s0 =	smov.u32 s1;
	s1 =	smov.u32 s3  }
0x9af: {  	v16 =	vadd.s32 v16, v18;
	v18 =	vshll.u32 v19, $0x13  }
0x9b0: {  	v16 =	vadd.s32 v16, v17;
	v17 =	vor.u32 v6, v18  }
0x9b1: {  	vm15 =	vgt.s32 v16, $0x0;
	v17 =	vadd.s32 v17, v16;
	(xrf0) =	vadd.scan.msk.s32 $0xffff, v16  }
0x9b2: {  	v16 =	vnsel vm15, $0xFFFFFFFF, v17;
	s2 =	spop (v2sf)  }
0x9b3: {  	vm15 =	vgt.s32 v15, v16;
	s2 =	sxor.u32 $0x80000000, s2  }
0x9b4: {  	v15 =	vsel vm15, v15, v16;
	_ =	sdelay $0x2  }
0x9b5: {  	v16, _, _ =	vpop (xrf0)  }
0x9b6: {  	s4 =	sadd.s32 $0x10, s4;
	v16 =	vadd.s32 s2, v16  }
0x9b7: {  	s2 =	sand.u32 $0xF0, s0;
	[tilespmem:s4+$0x0] =	vst v16;
	v16 =	vxor.u32 $0x80000000, v16  }
0x9b8: {  	v20 =	vld [tilespmem:s2+$0xF500];
	(xrf0) =	vmax.scan.msk.u32 $0xffff, v16  }
0x9b9: {  	v21 =	vld [tilespmem:s2+$0xF200]  }
.Ltmp18:
0x9ba: {  	v19 =	vld [tilespmem:s2+$0xF800];
	(pc) =	sbr.rel @p0 .LBB2_38-.Ltmp18, $4  }
0x9bb: {  	v17 =	vld [tilespmem:s2+$0xFB00]  }
0x9bc: {  	v18 =	vld [tilespmem:s2+$0xFE00]  }
0x9bd: {  	v16 =	vld [tilespmem:s2+$0x10100]  }
0x9be: {  	s3 =	sadd.s32 $0x10, s3;
	v22 =	vadd.s32 v21, v20;
	v20 =	vld [tilespmem:s2+$0x10400];
	v21, _, _ =	vpop (xrf0)  }
0x9bf: {  	v19 =	vadd.s32 v22, v19;
	v52 =	vld [tilespmem:s2+$0x10700]  }
0x9c0: {  	v17 =	vadd.s32 v19, v17;
	v19 =	vld [tilespmem:s2+$0x10A00]  }
0x9c1: {  	v17 =	vadd.s32 v17, v18;
	v18 =	vld [tilespmem:s2+$0x10D00]  }
0x9c2: {  	v16 =	vadd.s32 v17, v16;
	v17 =	vld [tilespmem:s2+$0x11000]  }
0x9c3: {  	(v2sf) =	vpush v21, $0xF;
	v53 =	vld [tilespmem:s2+$0x11300];
	v16 =	vadd.s32 v16, v20  }
0x9c4: {  	v54 =	vld [tilespmem:s2+$0x11600];
	v16 =	vadd.s32 v16, v52  }
0x9c5: {  	v16 =	vadd.s32 v16, v19;
	v19 =	vld [tilespmem:s2+$0x11900]  }
0x9c6: {  	v16 =	vadd.s32 v16, v18;
	v18 =	vld [tilespmem:s2+$0x11C00]  }
0x9c7: {  	v16 =	vadd.s32 v16, v17;
	v17 =	vld [tilespmem:s2+$0x11F00]  }
0x9c8: {  	v16 =	vadd.s32 v16, v53  }
0x9c9: {  	v16 =	vadd.s32 v16, v54  }
0x9ca: {  	v16 =	vadd.s32 v16, v19  }
0x9cb: {  	v16 =	vadd.s32 v16, v18  }
0x9cc: {  	v16 =	vadd.s32 v16, v17  }
0x9cd: {  	(xrf0) =	vadd.scan.msk.s32 $0xffff, v16;
	_ =	sdelay $0x4  }
0x9ce: {  	s5 =	spop (v2sf)  }
0x9cf: {  	s2 =	sxor.u32 $0x80000000, s5;
	v17, _, _ =	vpop (xrf0)  }
0x9d0: {  	s6 =	sadd.s32 $0x10, s4;
	v17 =	vadd.s32 s2, v17  }
0x9d1: {  	s3 =	sand.u32 $0xF0, s1;
	[tilespmem:s6+$0x0] =	vst v17  }
0x9d2: {  	v18 =	vld [tilespmem:s3+$0xF500]  }
0x9d3: {  	v19 =	vld [tilespmem:s3+$0xF200]  }
0x9d4: {  	v55 =	vld [tilespmem:s3+$0xF800]  }
0x9d5: {  	v17 =	vxor.u32 $0x80000000, v17;
	v56 =	vld [tilespmem:s3+$0xFB00]  }
0x9d6: {  	(xrf0) =	vmax.scan.msk.u32 $0xffff, v17;
	v17 =	vld [tilespmem:s3+$0xFE00]  }
0x9d7: {  	v57 =	vld [tilespmem:s3+$0x10100]  }
0x9d8: {  	v18 =	vadd.s32 v19, v18;
	v19 =	vld [tilespmem:s3+$0x10400]  }
0x9d9: {  	v58 =	vld [tilespmem:s3+$0x10700];
	v18 =	vadd.s32 v18, v55  }
0x9da: {  	v59 =	vld [tilespmem:s3+$0x10A00];
	v18 =	vadd.s32 v18, v56  }
0x9db: {  	v17 =	vadd.s32 v18, v17;
	v18 =	vld [tilespmem:s3+$0x10D00]  }
0x9dc: {  	v60 =	vld [tilespmem:s3+$0x11000];
	v17 =	vadd.s32 v17, v57  }
0x9dd: {  	v17 =	vadd.s32 v17, v19;
	v19 =	vld [tilespmem:s3+$0x11300]  }
0x9de: {  	v61 =	vld [tilespmem:s3+$0x11600];
	v17 =	vadd.s32 v17, v58  }
0x9df: {  	v62 =	vld [tilespmem:s3+$0x11900];
	v17 =	vadd.s32 v17, v59  }
0x9e0: {  	v17 =	vadd.s32 v17, v18;
	v18 =	vld [tilespmem:s3+$0x11C00]  }
0x9e1: {  	v17 =	vadd.s32 v17, v60  }
0x9e2: {  	v17 =	vadd.s32 v17, v19  }
0x9e3: {  	v17 =	vadd.s32 v17, v61  }
0x9e4: {  	v17 =	vadd.s32 v17, v62  }
0x9e5: {  	v17 =	vadd.s32 v17, v18;
	v18 =	vmov s0  }
0x9e6: {  	v18 =	vshll.u32 v18, $0x13  }
0x9e7: {  	v63 =	vld [tilespmem:s3+$0x11F00];
	v18 =	vor.u32 v6, v18  }
0x9e8: {  	vm15 =	vgt.s32 v16, $0x0;
	v23, _, _ =	vpop (xrf0);
	v16 =	vadd.s32 v18, v16  }
0x9e9: {  	(v2sf) =	vpush v23, $0xF;
	v19 =	vmov s1;
	v16 =	vnsel vm15, $0xFFFFFFFF, v16  }
0x9ea: {  	v18 =	vshll.u32 v19, $0x13;
	v19 =	vimm.s32 $0x0;
	vm15 =	vgt.s32 v15, v16  }
0x9eb: {  	v19 =	vsel vm15, $0xFFFFFFFF, v19  }
0x9ec: {  	v17 =	vadd.s32 v17, v63;
	v18 =	vor.u32 v6, v18;
	[tilespmem:$0x1FF40] =	vst v19  }
0x9ed: {  	(xrf0) =	vadd.scan.msk.s32 $0xffff, v17;
	vm15 =	vgt.s32 v17, $0x0;
	v17 =	vadd.s32 v18, v17;
	v18 =	vld [tilespmem:$0x1FF40];
	_ =	sdelay $0x2  }
0x9ee: {  	v19 =	vimm.s32 $0x0  }
0x9ef: {  	v19 =	vsel vm15, $0xFFFFFFFF, v19  }
0x9f0: {  	[tilespmem:$0x1FF50] =	vst v19;
	vm15 =	vnez.u8 v18  }
0x9f1: {  	v15 =	vsel vm15, v15, v16;
	v16 =	vld [tilespmem:$0x1FF50];
	_ =	sdelay $0x4  }
0x9f2: {  	s7 =	spop (v2sf);
	vm15 =	vnez.u8 v16  }
0x9f3: {  	s0 =	sxor.u32 $0x80000000, s7;
	v16 =	vnsel vm15, $0xFFFFFFFF, v17;
	v17, _, _ =	vpop (xrf0)  }
0x9f4: {  	vm15 =	vgt.s32 v15, v16;
	v17 =	vadd.s32 s0, v17  }
0x9f5: {  	v15 =	vsel vm15, v15, v16;
	v16 =	vxor.u32 $0x80000000, v17  }
0x9f6: {  	(xrf0) =	vmax.scan.msk.u32 $0xffff, v16;
	v15 =	vxor.u32 $0x80000000, v15  }
0x9f7: {  	(xrf0) =	vmax.scan.msk.u32 $0xffff, v15;
	_ =	sdelay $0x4  }
0x9f8: {  	v15, _, _ =	vpop (xrf0)  }
0x9f9: {  	(v2sf) =	vpush v15, $0xF;
	v15, _, _ =	vpop (xrf0)  }
0x9fa: {  	(v2sf) =	vpush v15, $0xF;
	_ =	sdelay $0xd  }
0x9fb: {  	s8 =	spop (v2sf)  }
0x9fc: {  	s0 =	spop (v2sf)  }
0x9fd: {  	s0 =	sand.u32 $0x7FFFF, s0  }
0x9fe: {  	s9 =	ssub.s32 $0x40000, s0  }
0x9ff: {  	s10 =	smulhi.u32 $0x80808081, s9;
	s11 =	sshra.s32 s9, $0x1F  }
0xa00: {  	s4 =	smul.u32 $0x80808081, s11  }
0xa01: {  	s3 =	ssub.s32 s10, s9  }
0xa02: {  	s3 =	sadd.s32 s4, s3  }
0xa03: {  	s1 =	sadd.s32 s9, s3  }
0xa04: {  	s3 =	sshra.s32 s1, $0x7;
	s5 =	sshrl.u32 s1, $0x1F  }
0xa05: {  	s3 =	sadd.s32 s5, s3  }
0xa06: {  	p0 =	sgt.s32 s3, $0x1  }
0xa07: {  	s3 =	simm.s32 @!p0 $0x1  }
0xa08: {  	v15 =	vmov s3  }
0xa09: {  	(v2sf) =	vpush v15, $0xE  }
0xa0a: {  	(v2sf) =	vpush v15, $0xD  }
0xa0b: {  	(v2sf) =	vpush v15, $0xC  }
0xa0c: {  	s12 =	simm.s32 $0x0;
	(v2sf) =	vpush v15, $0xB  }
0xa0d: {  	v16 =	vadd.s32 s12, v7;
	(v2sf) =	vpush v15, $0xA  }
0xa0e: {  	vm15 =	vgt.s32 v16, $0x0;
	(v2sf) =	vpush v15, $0x9  }
0xa0f: {  	v16 =	vnsel vm15, $0x0, v16;
	(v2sf) =	vpush v15, $0x8  }
0xa10: {  	(v2sf) =	vpush v15, $0x7  }
0xa11: {  	(v2sf) =	vpush v15, $0x6  }
0xa12: {  	s2 =	sadd.s32 $0x10, s6;
	(v2sf) =	vpush v15, $0x5  }
0xa13: {  	s13 =	simm.s32 $0x12300;
	[tilespmem:s2+$0x0] =	vst v17;
	(v2sf) =	vpush v15, $0x4  }
0xa14: {  	v17 =	vld.idx.msk [tilespmem:v16+s13+$0x0], $0xffff;
	(v2sf) =	vpush v15, $0x3  }
0xa15: {  	(v2sf) =	vpush v15, $0x2  }
0xa16: {  	(v2sf) =	vpush v15, $0x1  }
0xa17: {  	v16 =	vmov s12;
	s1 =	sshra.s32 s1, $0x8;
	(v2sf) =	vpush v15, $0x0  }
0xa18: {  	vm15 =	veq.s32 v16, v4;
	s1 =	sadd.s32 s5, s1;
	(v2sf) =	vpush v15, $0xF;
	s18 =	spop (v2sf)  }
0xa19: {  	v17 =	vsel vm15, $0x0, v17;
	v16 =	vmov s1;
	s17 =	spop (v2sf)  }
0xa1a: {  	s0 =	sadd.s32 $0xFFFC00FE, s0;
	v17 =	vadd.s32 v16, v17;
	s11 =	spop (v2sf)  }
0xa1b: {  	p0 =	slt.u32 s0, $0x1FD;
	(v2sf) =	vpush v17, $0xE;
	s4 =	spop (v2sf)  }
0xa1c: {  	s0 =	simm.s32 $0x10;
	s9 =	sshra.s32 s18, $0x1F;
	(v2sf) =	vpush v17, $0xD;
	s12 =	spop (v2sf)  }
0xa1d: {  	s6 =	sshra.s32 s17, $0x1F;
	(v2sf) =	vpush v17, $0xC;
	s24 =	sshra.s32 s11, $0x1F;
	s7 =	spop (v2sf)  }
0xa1e: {  	s26 =	sshra.s32 s4, $0x1F;
	s14 =	spop (v2sf);
	(v2sf) =	vpush v17, $0xB;
	[smem:$0x697] =	sst s7  }
0xa1f: {  	s3 =	sshra.s32 s12, $0x1F;
	s10 =	spop (v2sf);
	(v2sf) =	vpush v17, $0xA;
	[dreg:$0x11] =	wrdreg s14  }
0xa20: {  	s23 =	sshra.s32 s14, $0x1F;
	s14 =	sshra.s32 s7, $0x1F;
	s8 =	spop (v2sf);
	(v2sf) =	vpush v17, $0x9  }
0xa21: {  	[smem:$0x696] =	sst s10;
	s5 =	sshra.s32 s10, $0x1F;
	s21 =	spop (v2sf);
	(v2sf) =	vpush v17, $0x8  }
0xa22: {  	[smem:$0x699] =	sst s8;
	s31 =	sshra.s32 s8, $0x1F;
	s20 =	spop (v2sf);
	(v2sf) =	vpush v17, $0x7  }
0xa23: {  	s7 =	smov.u32 s21;
	s25 =	sshra.s32 s21, $0x1F;
	s15 =	spop (v2sf);
	(v2sf) =	vpush v17, $0x6  }
0xa24: {  	[smem:$0x698] =	sst s20;
	s28 =	sshra.s32 s20, $0x1F;
	s13 =	spop (v2sf);
	(v2sf) =	vpush v17, $0x5  }
0xa25: {  	s21 =	sshra.s32 s15, $0x1F;
	s19 =	spop (v2sf);
	(v2sf) =	vpush v17, $0x4;
	[smem:$0x69A] =	sst s13  }
0xa26: {  	s30 =	sshra.s32 s13, $0x1F;
	s16 =	spop (v2sf);
	(v2sf) =	vpush v17, $0x3;
	s22 =	smov.u32 s19  }
0xa27: {  	s8 =	sshra.s32 s19, $0x1F;
	s19 =	simm.s32 $0x0;
	s2 =	spop (v2sf);
	(v2sf) =	vpush v17, $0x2  }
0xa28: {  	s20 =	sshra.s32 s16, $0x1F;
	[dreg:$0xf] =	wrdreg s19;
	(v2sf) =	vpush v17, $0x1;
	s29 =	sshra.s32 s2, $0x1F  }
.LBB2_40:
0xa29: {  	[smem:$0x66D] =	sst s8  }
0xa2a: {  	[dreg:$0x5] =	wrdreg s0  }
0xa2b: {  	[smem:$0x692] =	sst s6  }
0xa2c: {  	[smem:$0x694] =	sst s9  }
0xa2d: {  	p1 =	sne.s32 s0, $0xF0;
	s0 =	sxor.u32 s6, s17;
	s17 =	sld [smem:$0x697]  }
0xa2e: {  	[smem:$0x68F] =	sst s3  }
0xa2f: {  	s19 =	smov.u32 s16;
	s16 =	smov.u32 s20;
	[smem:$0x669] =	sst s14  }
0xa30: {  	s20 =	smov.u32 s9;
	s1 =	sxor.u32 s9, s18;
	s9 =	sld [smem:$0x696]  }
0xa31: {  	[smem:$0x690] =	sst s26  }
0xa32: {  	[smem:$0x66B] =	sst s25  }
0xa33: {  	[smem:$0x66A] =	sst s28  }
0xa34: {  	[smem:$0x691] =	sst s24  }
0xa35: {  	s10 =	sxor.u32 s26, s4;
	[smem:$0x660] =	sst s1  }
0xa36: {  	[smem:$0x661] =	sst s10  }
0xa37: {  	s10 =	rddreg [dreg:$0x11]  }
0xa38: {  	s13 =	spop (v2sf);
	[smem:$0x66C] =	sst s16  }
0xa39: {  	s0 =	ssub.s32 s0, s6;
	[smem:$0x663] =	sst s13  }
0xa3a: {  	s18 =	spop (v2sf);
	[smem:$0x673] =	sst s0  }
0xa3b: {  	s13 =	smov.u32 s14;
	s4 =	sxor.u32 s14, s17;
	[smem:$0x662] =	sst s18  }
0xa3c: {  	s14 =	sxor.u32 s5, s9;
	s18 =	spop (v2sf);
	s9 =	sld [smem:$0x699]  }
0xa3d: {  	s17 =	sxor.u32 s23, s10;
	[smem:$0x666] =	sst s18;
	s10 =	spop (v2sf)  }
0xa3e: {  	[smem:$0x665] =	sst s10;
	s10 =	sxor.u32 s21, s15  }
0xa3f: {  	s15 =	sld [smem:$0x698];
	s18 =	sxor.u32 s31, s9;
	s9 =	spop (v2sf)  }
0xa40: {  	s12 =	sxor.u32 s3, s12;
	s1 =	smov.u32 s3;
	[smem:$0x664] =	sst s9  }
0xa41: {  	s9 =	sxor.u32 s8, s22;
	s22 =	sld [smem:$0x69A];
	s3 =	spop (v2sf)  }
0xa42: {  	[smem:$0x668] =	sst s3;
	s3 =	smov.u32 s16  }
0xa43: {  	s16 =	sxor.u32 s16, s19;
	s19 =	sxor.u32 s29, s2;
	s2 =	spop (v2sf)  }
0xa44: {  	s11 =	sxor.u32 s24, s11;
	[smem:$0x667] =	sst s2  }
0xa45: {  	s6 =	smov.u32 s24;
	s2 =	sld [smem:$0x660];
	s24 =	spop (v2sf)  }
0xa46: {  	s3 =	ssub.s32 s16, s3;
	[smem:$0x670] =	sst s24  }
0xa47: {  	[smem:$0x67C] =	sst s3  }
0xa48: {  	s0 =	ssub.s32 s2, s20;
	s20 =	sld [smem:$0x661]  }
0xa49: {  	[smem:$0x671] =	sst s0;
	s0 =	ssub.s32 s11, s6  }
0xa4a: {  	s11 =	ssub.s32 s17, s23;
	s17 =	ssub.s32 s10, s21;
	s10 =	sld [smem:$0x667]  }
0xa4b: {  	s6 =	ssub.s32 s14, s5;
	[smem:$0x675] =	sst s0  }
0xa4c: {  	[smem:$0x685] =	sst s6  }
0xa4d: {  	s14 =	ssub.s32 s18, s31;
	[smem:$0x686] =	sst s11  }
0xa4e: {  	s15 =	sxor.u32 s28, s15;
	[smem:$0x684] =	sst s14  }
0xa4f: {  	s18 =	ssub.s32 s15, s28;
	[smem:$0x681] =	sst s17  }
0xa50: {  	[smem:$0x682] =	sst s18  }
0xa51: {  	s14 =	sld [smem:$0x664]  }
0xa52: {  	s7 =	sxor.u32 s25, s7;
	s11 =	sld [smem:$0x668]  }
0xa53: {  	s2 =	ssub.s32 s20, s26;
	s26 =	ssub.s32 s4, s13;
	s4 =	rddreg [dreg:$0xf]  }
0xa54: {  	s13 =	ssub.s32 s7, s25;
	s25 =	ssub.s32 s9, s8;
	s9 =	sld [smem:$0x663]  }
0xa55: {  	s20 =	spop (v2sf);
	[smem:$0x676] =	sst s2  }
0xa56: {  	[smem:$0x672] =	sst s20  }
0xa57: {  	(v2sf) =	vpush v17, $0x0;
	[smem:$0x687] =	sst s26  }
0xa58: {  	[dreg:$0xf] =	wrdreg s4  }
0xa59: {  	[smem:$0x683] =	sst s13  }
0xa5a: {  	[smem:$0x67E] =	sst s25  }
0xa5b: {  	s2 =	ssub.s32 s12, s1;
	s13 =	sld [smem:$0x665]  }
0xa5c: {  	s22 =	sxor.u32 s30, s22;
	s12 =	spop (v2sf);
	[smem:$0x678] =	sst s2  }
0xa5d: {  	s26 =	ssub.s32 s22, s30;
	[smem:$0x674] =	sst s12  }
0xa5e: {  	s4 =	ssub.s32 s19, s29;
	[smem:$0x680] =	sst s26  }
0xa5f: {  	[smem:$0x67A] =	sst s4  }
0xa60: {  	s2 =	spop (v2sf);
	s4 =	sld [smem:$0x662]  }
0xa61: {  	s26 =	sshra.s32 s14, $0x1F;
	[smem:$0x67F] =	sst s2  }
0xa62: {  	s6 =	spop (v2sf);
	[smem:$0x66E] =	sst s26  }
0xa63: {  	s28 =	smov.u32 s23;
	s23 =	sshra.s32 s9, $0x1F;
	[smem:$0x67D] =	sst s6  }
0xa64: {  	s7 =	spop (v2sf);
	[smem:$0x695] =	sst s23  }
0xa65: {  	s3 =	sshra.s32 s13, $0x1F;
	[smem:$0x67B] =	sst s7;
	s1 =	spop (v2sf)  }
0xa66: {  	s22 =	sshra.s32 s24, $0x1F;
	[smem:$0x66F] =	sst s3;
	s8 =	spop (v2sf)  }
0xa67: {  	s24 =	sshra.s32 s10, $0x1F;
	s17 =	sshra.s32 s12, $0x1F;
	[smem:$0x677] =	sst s8  }
0xa68: {  	(v2sf) =	vpush v17, $0xF;
	s12 =	sshra.s32 s7, $0x1F;
	s7 =	sshra.s32 s8, $0x1F;
	s8 =	sld [smem:$0x669]  }
0xa69: {  	s18 =	sshra.s32 s20, $0x1F;
	s0 =	sshra.s32 s11, $0x1F;
	s3 =	sld [smem:$0x666]  }
0xa6a: {  	s16 =	sshra.s32 s2, $0x1F;
	s25 =	sshra.s32 s4, $0x1F;
	[smem:$0x679] =	sst s1  }
0xa6b: {  	s20 =	sshra.s32 s1, $0x1F;
	[smem:$0x693] =	sst s25;
	s1 =	sxor.u32 s8, s0  }
0xa6c: {  	s2 =	smov.u32 s0;
	s0 =	sxor.u32 s31, s18;
	[smem:$0x68E] =	sst s1  }
0xa6d: {  	s8 =	sxor.u32 s28, s24;
	[smem:$0x68B] =	sst s0  }
0xa6e: {  	[smem:$0x68D] =	sst s8  }
0xa6f: {  	s15 =	sshra.s32 s6, $0x1F;
	s1 =	sxor.u32 s5, s22;
	s5 =	sld [smem:$0x66A]  }
0xa70: {  	s0 =	sxor.u32 s21, s15;
	s21 =	sld [smem:$0x66B]  }
0xa71: {  	[smem:$0x68C] =	sst s1  }
0xa72: {  	[smem:$0x688] =	sst s0  }
0xa73: {  	s8 =	sxor.u32 s5, s16;
	s5 =	sxor.u32 s25, s4;
	s4 =	sld [smem:$0x66C]  }
0xa74: {  	s1 =	smov.u32 s25;
	s25 =	sld [smem:$0x66E]  }
0xa75: {  	s0 =	sxor.u32 s21, s17;
	[smem:$0x689] =	sst s8  }
0xa76: {  	[smem:$0x68A] =	sst s0  }
0xa77: {  	s19 =	spop (v2sf);
	s8 =	sld [smem:$0x66D]  }
0xa78: {  	s9 =	sxor.u32 s23, s9;
	s6 =	sshra.s32 s19, $0x1F;
	s0 =	sld [smem:$0x66F]  }
0xa79: {  	s31 =	sxor.u32 s30, s12;
	s30 =	smov.u32 s23;
	s23 =	sxor.u32 s29, s6  }
0xa7a: {  	s21 =	sxor.u32 s8, s20;
	s8 =	sxor.u32 s25, s14;
	s14 =	sld [smem:$0x671]  }
0xa7b: {  	s28 =	sxor.u32 s4, s7;
	s4 =	sxor.u32 s0, s13;
	s13 =	sld [smem:$0x670]  }
0xa7c: {  	s29 =	sxor.u32 s2, s11;
	s11 =	smov.u32 s2;
	s2 =	ssub.s32 s9, s30  }
0xa7d: {  	(drf) =	sdiv.u32 s2, s14;
	s14 =	sld [smem:$0x673]  }
0xa7e: {  	s9 =	sxor.u32 s22, s13;
	s13 =	sld [smem:$0x672]  }
0xa7f: {  	s26 =	sshra.s32 s3, $0x1F;
	s5 =	ssub.s32 s5, s1;
	s1 =	sld [smem:$0x676]  }
0xa80: {  	s3 =	sxor.u32 s26, s3;
	(drf) =	sdiv.u32 s5, s14;
	s14 =	sld [smem:$0x675]  }
0xa81: {  	s19 =	sxor.u32 s6, s19;
	s2 =	sxor.u32 s18, s13;
	s13 =	sld [smem:$0x674]  }
0xa82: {  	s3 =	ssub.s32 s3, s26;
	s19 =	ssub.s32 s19, s6;
	s6 =	sld [smem:$0x678]  }
0xa83: {  	s4 =	ssub.s32 s4, s0;
	s8 =	ssub.s32 s8, s25;
	(drf) =	sdiv.u32 s3, s14  }
0xa84: {  	s5 =	sxor.u32 s17, s13;
	s13 =	sld [smem:$0x677];
	(drf) =	sdiv.u32 s4, s1  }
0xa85: {  	(drf) =	sdiv.u32 s8, s6;
	s8 =	sld [smem:$0x679]  }
0xa86: {  	_ = 	snop  }
0xa87: {  	s14 =	sxor.u32 s7, s13;
	s13 =	sld [smem:$0x67A]  }
0xa88: {  	s3 =	sxor.u32 s20, s8;
	s8 =	sld [smem:$0x67E]  }
0xa89: {  	s7 =	ssub.s32 s14, s7;
	s14 =	ssub.s32 s3, s20;
	s20 =	sld [smem:$0x67C]  }
0xa8a: {  	(drf) =	sdiv.u32 s19, s13;
	s19 =	sld [smem:$0x67B]  }
0xa8b: {  	s13 =	sld [smem:$0x67F]  }
0xa8c: {  	s10 =	sxor.u32 s24, s10;
	(drf) =	sdiv.u32 s7, s20;
	s7 =	sld [smem:$0x67D]  }
0xa8d: {  	s30 =	smov.u32 s0;
	s3 =	sxor.u32 s12, s19;
	s20 =	sld [smem:$0x682]  }
0xa8e: {  	s19 =	ssub.s32 s5, s17;
	s17 =	sld [smem:$0x687];
	s6 =	ssub.s32 s3, s12  }
0xa8f: {  	(drf) =	sdiv.u32 s14, s8;
	s14 =	sld [smem:$0x680];
	s3 =	sxor.u32 s15, s7  }
0xa90: {  	s8 =	sld [smem:$0x684];
	s12 =	ssub.s32 s3, s15;
	s3 =	sxor.u32 s16, s13  }
0xa91: {  	s0 =	spop (drf);
	s15 =	ssub.s32 s3, s16;
	s16 =	sld [smem:$0x681]  }
0xa92: {  	s7 =	ssub.s32 s9, s22;
	s9 =	ssub.s32 s10, s24;
	s10 =	sld [smem:$0x685]  }
0xa93: {  	(drf) =	sdiv.u32 s6, s14;
	s6 =	sld [smem:$0x683]  }
0xa94: {  	s14 =	sld [smem:$0x686];
	(drf) =	sdiv.u32 s12, s16  }
0xa95: {  	s3 =	spop (drf);
	(drf) =	sdiv.u32 s15, s20  }
0xa96: {  	s5 =	ssub.s32 s2, s18;
	(drf) =	sdiv.u32 s19, s6;
	s6 =	spop (drf)  }
0xa97: {  	(drf) =	sdiv.u32 s5, s8;
	s1 =	spop (drf)  }
0xa98: {  	(drf) =	sdiv.u32 s7, s10;
	s2 =	spop (drf)  }
0xa99: {  	s13 =	spop (drf);
	(drf) =	sdiv.u32 s9, s14  }
0xa9a: {  	s12 =	ssub.s32 s29, s11;
	s9 =	sld [smem:$0x688];
	s16 =	spop (drf)  }
0xa9b: {  	s15 =	sxor.u32 s23, s13;
	(drf) =	sdiv.u32 s12, s17;
	s13 =	sld [smem:$0x689]  }
0xa9c: {  	s17 =	sld [smem:$0x68A];
	s19 =	spop (drf)  }
0xa9d: {  	s18 =	sxor.u32 s28, s16;
	s4 =	ssub.s32 s15, s23;
	s20 =	sxor.u32 s21, s19  }
0xa9e: {  	s5 =	ssub.s32 s18, s28;
	v17 =	vmov s4;
	s22 =	spop (drf);
	s4 =	ssub.s32 s20, s21  }
0xa9f: {  	v17 =	vsel vm0, s5, v17;
	s23 =	sxor.u32 s31, s22;
	s24 =	spop (drf);
	s21 =	sld [smem:$0x68B]  }
0xaa0: {  	v17 =	vsel vm1, s4, v17;
	s8 =	ssub.s32 s23, s31;
	s10 =	sxor.u32 s9, s24;
	s11 =	spop (drf)  }
0xaa1: {  	s5 =	sld [smem:$0x68C];
	v17 =	vsel vm2, s8, v17;
	s12 =	ssub.s32 s10, s9;
	s14 =	sxor.u32 s13, s11  }
0xaa2: {  	s15 =	spop (drf);
	v17 =	vsel vm3, s12, v17;
	s16 =	ssub.s32 s14, s13;
	s12 =	sld [smem:$0x68D]  }
0xaa3: {  	s18 =	sxor.u32 s17, s15;
	v17 =	vsel vm4, s16, v17;
	s16 =	sld [smem:$0x68E]  }
0xaa4: {  	s19 =	spop (drf);
	s20 =	ssub.s32 s18, s17;
	s18 =	sld [smem:$0x68F]  }
0xaa5: {  	s22 =	sxor.u32 s21, s19;
	v17 =	vsel vm5, s20, v17;
	s20 =	sld [smem:$0x690]  }
0xaa6: {  	s23 =	spop (drf);
	s24 =	ssub.s32 s22, s21;
	s21 =	sld [smem:$0x691]  }
0xaa7: {  	s9 =	sxor.u32 s5, s23;
	s10 =	spop (drf);
	s23 =	sld [smem:$0x692]  }
0xaa8: {  	s11 =	ssub.s32 s9, s5;
	s13 =	sxor.u32 s12, s10;
	s14 =	spop (drf)  }
0xaa9: {  	(v2sf) =	vpush v15, $0xE;
	v17 =	vsel vm6, s24, v17;
	s24 =	sld [smem:$0x693];
	s15 =	ssub.s32 s13, s12;
	s17 =	sxor.u32 s16, s14  }
0xaaa: {  	(v2sf) =	vpush v15, $0xD;
	s7 =	sxor.u32 s18, s25;
	s19 =	ssub.s32 s17, s16;
	s4 =	sxor.u32 s21, s26  }
0xaab: {  	(v2sf) =	vpush v15, $0xC;
	v17 =	vsel vm7, s11, v17;
	s2 =	sxor.u32 s7, s2;
	s22 =	sxor.u32 s4, s6;
	s6 =	sld [smem:$0x694]  }
0xaac: {  	(v2sf) =	vpush v15, $0xB;
	v17 =	vsel vm8, s15, v17;
	s5 =	sxor.u32 s20, s30;
	s2 =	ssub.s32 s2, s7;
	s7 =	sld [smem:$0x695]  }
0xaad: {  	(v2sf) =	vpush v15, $0xA;
	v17 =	vsel vm9, s19, v17;
	s1 =	sxor.u32 s5, s1  }
0xaae: {  	(v2sf) =	vpush v15, $0x9;
	v17 =	vsel vm10, s2, v17;
	s1 =	ssub.s32 s1, s5;
	s5 =	sxor.u32 s23, s24  }
0xaaf: {  	(v2sf) =	vpush v15, $0x8;
	s25 =	ssub.s32 s22, s4;
	v17 =	vsel vm11, s1, v17;
	s26 =	sxor.u32 s5, s3;
	s3 =	sxor.u32 s6, s7  }
0xab0: {  	(v2sf) =	vpush v15, $0x7;
	s9 =	rddreg [dreg:$0x5];
	v17 =	vsel vm12, s25, v17;
	s8 =	ssub.s32 s26, s5;
	s0 =	sxor.u32 s3, s0  }
0xab1: {  	(v2sf) =	vpush v15, $0x6;
	v18 =	vadd.s32 s9, v7;
	v17 =	vsel vm13, s8, v17;
	s0 =	ssub.s32 s0, s3  }
0xab2: {  	(v2sf) =	vpush v15, $0x5;
	vm15 =	vgt.s32 v18, $0x0;
	v17 =	vsel vm14, s0, v17  }
0xab3: {  	(v2sf) =	vpush v15, $0x4;
	v18 =	vnsel vm15, $0x0, v18;
	vm15 =	vgt.s32 v17, $0x0  }
0xab4: {  	(v2sf) =	vpush v15, $0x3;
	s10 =	rddreg [dreg:$0xf];
	v17 =	vnsel vm15, $0x0, v17  }
0xab5: {  	(v2sf) =	vpush v15, $0x2;
	v19 =	vor.u32 s10, v4;
	v17 =	vmin.u32 v17, $0xFF  }
0xab6: {  	(v2sf) =	vpush v15, $0x1;
	s0 =	sand.u32 $0xF0, s10;
	v17 =	vpsel p0, v19, v17  }
0xab7: {  	(v2sf) =	vpush v15, $0x0;
	s13 =	simm.s32 $0x12300;
	[tilespmem:s0+$0x12200] =	vst v17  }
0xab8: {  	(v2sf) =	vpush v15, $0xF;
	s18 =	spop (v2sf);
	v17 =	vld.idx.msk [tilespmem:v18+s13+$0x0], $0xffff  }
0xab9: {  	s11 =	rddreg [dreg:$0x5];
	s17 =	spop (v2sf)  }
0xaba: {  	s12 =	smov.u32 s11;
	s11 =	spop (v2sf);
	s0 =	rddreg [dreg:$0x5]  }
0xabb: {  	s4 =	spop (v2sf);
	v18 =	vmov s0  }
0xabc: {  	[dreg:$0xf] =	wrdreg s12;
	s12 =	spop (v2sf);
	vm15 =	veq.s32 v18, v4  }
0xabd: {  	s14 =	spop (v2sf);
	v17 =	vsel vm15, $0x0, v17  }
0xabe: {  	s20 =	spop (v2sf);
	v17 =	vadd.s32 v16, v17  }
0xabf: {  	s21 =	spop (v2sf);
	(v2sf) =	vpush v17, $0xE  }
0xac0: {  	s8 =	spop (v2sf);
	(v2sf) =	vpush v17, $0xD  }
0xac1: {  	s22 =	spop (v2sf);
	(v2sf) =	vpush v17, $0xC  }
0xac2: {  	s9 =	sshra.s32 s18, $0x1F;
	s25 =	spop (v2sf);
	(v2sf) =	vpush v17, $0xB  }
0xac3: {  	s24 =	sshra.s32 s11, $0x1F;
	s6 =	sshra.s32 s17, $0x1F;
	s15 =	spop (v2sf);
	(v2sf) =	vpush v17, $0xA  }
0xac4: {  	s26 =	sshra.s32 s4, $0x1F;
	[smem:$0x697] =	sst s14;
	s13 =	spop (v2sf);
	(v2sf) =	vpush v17, $0x9  }
0xac5: {  	s14 =	sshra.s32 s14, $0x1F;
	s3 =	sshra.s32 s12, $0x1F;
	s19 =	spop (v2sf);
	(v2sf) =	vpush v17, $0x8  }
0xac6: {  	[dreg:$0x11] =	wrdreg s20;
	s23 =	sshra.s32 s20, $0x1F;
	s16 =	spop (v2sf);
	(v2sf) =	vpush v17, $0x7  }
0xac7: {  	[smem:$0x696] =	sst s21;
	s5 =	sshra.s32 s21, $0x1F;
	s2 =	spop (v2sf);
	(v2sf) =	vpush v17, $0x6  }
.Ltmp19:
0xac8: {  	[smem:$0x699] =	sst s8;
	s31 =	sshra.s32 s8, $0x1F;
	(v2sf) =	vpush v17, $0x5;
	(pc) =	sbr.rel @p1 .LBB2_40-.Ltmp19, $4  }
0xac9: {  	s7 =	smov.u32 s22;
	[smem:$0x698] =	sst s25;
	s28 =	sshra.s32 s25, $0x1F;
	(v2sf) =	vpush v17, $0x4  }
0xaca: {  	s25 =	sshra.s32 s22, $0x1F;
	s21 =	sshra.s32 s15, $0x1F;
	s0 =	sadd.s32 $0x10, s0;
	(v2sf) =	vpush v17, $0x3  }
0xacb: {  	[smem:$0x69A] =	sst s13;
	s30 =	sshra.s32 s13, $0x1F;
	s22 =	smov.u32 s19;
	(v2sf) =	vpush v17, $0x2  }
0xacc: {  	s8 =	sshra.s32 s19, $0x1F;
	s20 =	sshra.s32 s16, $0x1F;
	s29 =	sshra.s32 s2, $0x1F;
	(v2sf) =	vpush v17, $0x1  }
0xacd: {  	[smem:$0x65A] =	sst s23  }
0xace: {  	[smem:$0x66D] =	sst s8  }
0xacf: {  	[smem:$0x694] =	sst s9  }
0xad0: {  	s19 =	smov.u32 s3;
	[smem:$0x692] =	sst s6  }
0xad1: {  	s10 =	smov.u32 s9;
	s18 =	sxor.u32 s9, s18;
	[smem:$0x691] =	sst s24  }
0xad2: {  	s23 =	smov.u32 s5;
	[smem:$0x690] =	sst s26;
	s0 =	spop (v2sf)  }
0xad3: {  	s8 =	ssub.s32 s18, s10;
	s18 =	sxor.u32 s6, s17;
	[smem:$0x68F] =	sst s19  }
0xad4: {  	s1 =	spop (v2sf);
	s3 =	sshra.s32 s0, $0x1F;
	s6 =	ssub.s32 s18, s6  }
0xad5: {  	s18 =	smov.u32 s14;
	s13 =	spop (v2sf);
	s0 =	sxor.u32 s3, s0  }
0xad6: {  	(v2sf) =	vpush v17, $0x0;
	[smem:$0x65F] =	sst s3;
	s9 =	spop (v2sf);
	s0 =	ssub.s32 s0, s3  }
0xad7: {  	(v2sf) =	vpush v17, $0xF;
	s3 =	sshra.s32 s1, $0x1F;
	s17 =	sshra.s32 s13, $0x1F;
	s10 =	spop (v2sf)  }
0xad8: {  	(drf) =	sdiv.u32 s0, s8;
	[smem:$0x65E] =	sst s3;
	s1 =	sxor.u32 s3, s1  }
0xad9: {  	[smem:$0x65D] =	sst s17;
	s8 =	spop (v2sf);
	s1 =	ssub.s32 s1, s3  }
0xada: {  	s3 =	sxor.u32 s24, s11;
	s11 =	sxor.u32 s26, s4;
	[smem:$0x65B] =	sst s8  }
0xadb: {  	s4 =	sshra.s32 s10, $0x1F;
	s5 =	spop (v2sf);
	(drf) =	sdiv.u32 s1, s6  }
0xadc: {  	s1 =	ssub.s32 s3, s24;
	s10 =	sxor.u32 s4, s10;
	s6 =	sld [smem:$0x66D]  }
0xadd: {  	[smem:$0x659] =	sst s5;
	s0 =	spop (v2sf);
	s5 =	sxor.u32 s17, s13  }
0xade: {  	s14 =	spop (v2sf);
	s3 =	ssub.s32 s5, s17;
	s17 =	smov.u32 s25  }
0xadf: {  	s5 =	smov.u32 s26;
	s8 =	spop (v2sf);
	(drf) =	sdiv.u32 s3, s1  }
0xae0: {  	s3 =	sshra.s32 s9, $0x1F;
	s1 =	ssub.s32 s11, s5;
	s11 =	smov.u32 s28  }
0xae1: {  	s5 =	sxor.u32 s29, s2;
	s2 =	smov.u32 s4;
	s24 =	spop (v2sf)  }
0xae2: {  	[smem:$0x65C] =	sst s3;
	s13 =	sxor.u32 s3, s9;
	s25 =	spop (v2sf)  }
0xae3: {  	s9 =	smov.u32 s19;
	s10 =	ssub.s32 s10, s2;
	s26 =	spop (v2sf)  }
0xae4: {  	s3 =	ssub.s32 s13, s3;
	s13 =	sxor.u32 s19, s12;
	s28 =	spop (v2sf)  }
0xae5: {  	(drf) =	sdiv.u32 s3, s1;
	s9 =	ssub.s32 s13, s9;
	s1 =	spop (v2sf)  }
0xae6: {  	(drf) =	sdiv.u32 s10, s9;
	s19 =	spop (v2sf)  }
0xae7: {  	s10 =	ssub.s32 s5, s29;
	s9 =	sshra.s32 s1, $0x1F;
	s3 =	sshra.s32 s19, $0x1F  }
0xae8: {  	s4 =	sxor.u32 s9, s1;
	s1 =	sshra.s32 s28, $0x1F;
	s12 =	sxor.u32 s3, s19  }
0xae9: {  	s19 =	sxor.u32 s6, s22;
	s22 =	sxor.u32 s20, s16;
	s5 =	sxor.u32 s1, s28  }
0xaea: {  	s28 =	smov.u32 s6;
	s13 =	ssub.s32 s12, s3;
	s12 =	ssub.s32 s22, s20  }
0xaeb: {  	s16 =	ssub.s32 s5, s1;
	s22 =	sld [smem:$0x69A];
	(drf) =	sdiv.u32 s13, s10  }
0xaec: {  	s13 =	ssub.s32 s4, s9;
	s10 =	ssub.s32 s19, s6;
	s19 =	sxor.u32 s21, s15  }
0xaed: {  	(drf) =	sdiv.u32 s13, s12;
	s5 =	ssub.s32 s19, s21;
	s19 =	sshra.s32 s8, $0x1F  }
0xaee: {  	(drf) =	sdiv.u32 s16, s10;
	s10 =	sshra.s32 s26, $0x1F;
	s4 =	sxor.u32 s30, s22  }
0xaef: {  	s16 =	sshra.s32 s25, $0x1F;
	s6 =	sxor.u32 s10, s26;
	s12 =	ssub.s32 s4, s30  }
0xaf0: {  	s15 =	sxor.u32 s16, s25;
	s26 =	sld [smem:$0x698];
	s13 =	ssub.s32 s6, s10  }
0xaf1: {  	s8 =	sxor.u32 s19, s8;
	s22 =	ssub.s32 s15, s16;
	(drf) =	sdiv.u32 s13, s12  }
0xaf2: {  	s25 =	sxor.u32 s17, s7;
	(drf) =	sdiv.u32 s22, s5;
	s22 =	sshra.s32 s24, $0x1F  }
0xaf3: {  	s15 =	sld [smem:$0x696];
	s6 =	sxor.u32 s11, s26;
	s7 =	sxor.u32 s22, s24  }
0xaf4: {  	s12 =	ssub.s32 s6, s11;
	s24 =	sld [smem:$0x699];
	s13 =	ssub.s32 s7, s22  }
0xaf5: {  	s8 =	ssub.s32 s8, s19;
	s5 =	ssub.s32 s25, s17;
	(drf) =	sdiv.u32 s13, s12  }
0xaf6: {  	s4 =	sld [smem:$0x697];
	(drf) =	sdiv.u32 s8, s5  }
0xaf7: {  	s5 =	sxor.u32 s23, s15;
	s8 =	sshra.s32 s14, $0x1F;
	s25 =	sxor.u32 s31, s24  }
0xaf8: {  	s24 =	sld [smem:$0x65A];
	s26 =	sxor.u32 s8, s14;
	s14 =	sshra.s32 s0, $0x1F  }
0xaf9: {  	s12 =	ssub.s32 s25, s31;
	s0 =	sxor.u32 s14, s0;
	s13 =	ssub.s32 s26, s8  }
0xafa: {  	s5 =	ssub.s32 s5, s23;
	(drf) =	sdiv.u32 s13, s12;
	s0 =	ssub.s32 s0, s14  }
0xafb: {  	(drf) =	sdiv.u32 s0, s5;
	s5 =	sld [smem:$0x659]  }
0xafc: {  	s25 =	sld [smem:$0x65B];
	_ =	sdelay $0x1  }
0xafd: {  	s15 =	rddreg [dreg:$0x11];
	s0 =	sxor.u32 s18, s4;
	s7 =	sshra.s32 s5, $0x1F  }
0xafe: {  	s4 =	sxor.u32 s24, s15;
	s26 =	sshra.s32 s25, $0x1F;
	s6 =	sxor.u32 s7, s5  }
0xaff: {  	s4 =	ssub.s32 s4, s24;
	s13 =	sxor.u32 s26, s25;
	s6 =	ssub.s32 s6, s7  }
0xb00: {  	s0 =	ssub.s32 s0, s18;
	s15 =	ssub.s32 s13, s26;
	(drf) =	sdiv.u32 s6, s4  }
0xb01: {  	s3 =	sxor.u32 s29, s3;
	(drf) =	sdiv.u32 s15, s0;
	s0 =	spop (drf)  }
0xb02: {  	s1 =	sxor.u32 s28, s1;
	s9 =	sxor.u32 s20, s9;
	s4 =	spop (drf)  }
0xb03: {  	s21 =	sxor.u32 s21, s16;
	s10 =	sxor.u32 s30, s10;
	s5 =	spop (drf)  }
0xb04: {  	s22 =	sxor.u32 s11, s22;
	s8 =	sxor.u32 s31, s8;
	s16 =	spop (drf)  }
0xb05: {  	s12 =	sxor.u32 s23, s14;
	s15 =	sxor.u32 s17, s19;
	s17 =	spop (drf)  }
0xb06: {  	s14 =	sld [smem:$0x690];
	s13 =	sxor.u32 s24, s7;
	s23 =	spop (drf)  }
0xb07: {  	s6 =	sxor.u32 s18, s26;
	s18 =	sxor.u32 s3, s23;
	s24 =	spop (drf)  }
0xb08: {  	s3 =	ssub.s32 s18, s3;
	s25 =	sxor.u32 s9, s24;
	s26 =	spop (drf)  }
0xb09: {  	s9 =	ssub.s32 s25, s9;
	s28 =	sxor.u32 s1, s26;
	s29 =	spop (drf)  }
0xb0a: {  	s1 =	ssub.s32 s28, s1;
	s30 =	sxor.u32 s10, s29;
	s31 =	spop (drf)  }
0xb0b: {  	v15 =	vmov s3;
	s10 =	ssub.s32 s30, s10;
	s11 =	sxor.u32 s21, s31;
	s18 =	spop (drf)  }
0xb0c: {  	v15 =	vsel vm0, s9, v15;
	s19 =	ssub.s32 s11, s21;
	s20 =	sxor.u32 s22, s18;
	s11 =	sld [smem:$0x68F]  }
0xb0d: {  	v15 =	vsel vm1, s1, v15;
	s21 =	spop (drf);
	s22 =	ssub.s32 s20, s22;
	s20 =	sld [smem:$0x65D]  }
0xb0e: {  	v15 =	vsel vm2, s10, v15;
	s23 =	sxor.u32 s15, s21;
	s21 =	sld [smem:$0x691]  }
0xb0f: {  	v15 =	vsel vm3, s19, v15;
	s24 =	spop (drf);
	s25 =	ssub.s32 s23, s15;
	s15 =	sld [smem:$0x65C]  }
0xb10: {  	v15 =	vsel vm4, s22, v15;
	s26 =	sxor.u32 s8, s24;
	s28 =	spop (drf);
	s24 =	sld [smem:$0x692]  }
0xb11: {  	v15 =	vsel vm5, s25, v15;
	s29 =	ssub.s32 s26, s8;
	s30 =	sxor.u32 s12, s28;
	s25 =	sld [smem:$0x65E]  }
0xb12: {  	s31 =	spop (drf);
	s2 =	sxor.u32 s11, s2;
	s28 =	sld [smem:$0x694]  }
0xb13: {  	v15 =	vsel vm6, s29, v15;
	s3 =	ssub.s32 s30, s12;
	s8 =	sxor.u32 s13, s31;
	s9 =	spop (drf)  }
0xb14: {  	s18 =	sxor.u32 s2, s17;
	v15 =	vsel vm7, s3, v15;
	s10 =	ssub.s32 s8, s13;
	s12 =	sxor.u32 s6, s9  }
0xb15: {  	s29 =	sld [smem:$0x65F];
	s3 =	sxor.u32 s14, s15;
	v15 =	vsel vm8, s10, v15;
	s13 =	ssub.s32 s12, s6  }
0xb16: {  	s19 =	ssub.s32 s18, s2;
	s2 =	sxor.u32 s21, s20;
	s22 =	sxor.u32 s3, s16;
	v15 =	vsel vm9, s13, v15  }
0xb17: {  	s5 =	sxor.u32 s2, s5;
	s23 =	ssub.s32 s22, s3;
	s3 =	sxor.u32 s24, s25;
	v15 =	vsel vm10, s19, v15  }
0xb18: {  	s26 =	ssub.s32 s5, s2;
	s2 =	sxor.u32 s28, s29;
	s4 =	sxor.u32 s3, s4;
	v15 =	vsel vm11, s23, v15  }
0xb19: {  	s0 =	sxor.u32 s2, s0;
	s30 =	ssub.s32 s4, s3;
	v15 =	vsel vm12, s26, v15  }
0xb1a: {  	s7 =	sld [smem:$0x7FB];
	s0 =	ssub.s32 s0, s2;
	v15 =	vsel vm13, s30, v15  }
0xb1b: {  	s31 =	rddreg [dreg:$0xf];
	v15 =	vsel vm14, s0, v15  }
0xb1c: {  	s8 =	sld [smem:$0x7FC];
	vm15 =	vgt.s32 v15, $0x0  }
0xb1d: {  	s9 =	sld [smem:$0x7FD];
	v15 =	vnsel vm15, $0x0, v15  }
0xb1e: {  	s11 =	simm.s32 $0xF000;
	v16 =	vor.u32 s31, v4;
	s14 =	simm.s32 $0x0;
	s6 =	sld [smem:$0x7FA];
	v15 =	vmin.u32 v15, $0xFF  }
0xb1f: {  	s10 =	simm.s32 $0x1;
	s12 =	simm.s32 $0x12000;
	s0 =	sand.u32 $0xF0, s31;
	v15 =	vpsel p0, v16, v15  }
0xb20: {  	s13 =	simm.s32 $0xC000;
	s3 =	simm.s32 $0x0;
	s4 =	sld [smem:$0x7F8];
	[tilespmem:s0+$0x12200] =	vst v15  }
.LBB2_42:
0xb21: {  	s0 =	smul.u32 $0xC000, s14;
	_ =	sdelay $0x1  }
0xb22: {  	s0 =	sadd.s32 s7, s0  }
0xb23: {  	s0 =	sshrl.u32 s0, $0x3  }
0xb24: {  	s1 =	sadd.s32 s6, s0;
	s0 =	simm.s32 $0x0  }
0xb25: {  	[tilespmem:s0], [sflag:$0x1] =	stream.linear.gather [hbm4b:s1+s0], $0xC000, $0x38;
	[tilespmem:$0x12400] =	vst v63  }
0xb26: {  	_ =	swait.ge [sflag:s10], $0xC000  }
0xb27: {  	[sflag:s10] =	ssyncset.done $0x0  }
0xb28: {  	[sflag:s10] =	ssyncadd.s32 $0xFFFF4000  }
.LBB2_43:
0xb29: {  	v15 =	vor.u32 s0, v8  }
0xb2a: {  	v16 =	vor.u32 s0, v10  }
0xb2b: {  	v17 =	vor.u32 s0, v12  }
0xb2c: {  	v18 =	vor.u32 s0, v14;
	_ =	sdelay $0x1  }
0xb2d: {  	v15 =	vld.idx.msk [tilespmem:v15+s3+$0x0], $0xffff  }
0xb2e: {  	v16 =	vld.idx.msk [tilespmem:v16+s3+$0x0], $0xffff  }
0xb2f: {  	v17 =	vld.idx.msk [tilespmem:v17+s3+$0x0], $0xffff  }
0xb30: {  	v18 =	vld.idx.msk [tilespmem:v18+s3+$0x0], $0xffff;
	_ =	sdelay $0x1  }
0xb31: {  	v15 =	vadd.s32 v9, v15  }
0xb32: {  	v16 =	vadd.s32 v11, v16  }
0xb33: {  	v17 =	vadd.s32 v13, v17  }
0xb34: {  	v18 =	vadd.s32 v9, v18;
	_ =	sdelay $0x1  }
0xb35: {  	v15 =	vld.idx.msk [tilespmem:v15+s12+$0x0], $0xffff  }
0xb36: {  	v16 =	vld.idx.msk [tilespmem:v16+s12+$0x0], $0xffff  }
0xb37: {  	v17 =	vld.idx.msk [tilespmem:v17+s12+$0x0], $0xffff  }
0xb38: {  	v18 =	vld.idx.msk [tilespmem:v18+s12+$0x0], $0xffff;
	_ =	sdelay $0x1  }
0xb39: {  	s1 =	sadd.s32 $0x40, s0  }
0xb3a: {  	v19 =	vor.u32 s1, v8;
	v16 =	vshll.u32 v16, $0x8  }
0xb3b: {  	v55 =	vor.u32 s1, v10;
	v54 =	vshll.u32 v17, $0x10;
	v15 =	vor.u32 v15, v16  }
0xb3c: {  	v57 =	vor.u32 s1, v12;
	v56 =	vshll.u32 v18, $0x18;
	v15 =	vor.u32 v54, v15  }
0xb3d: {  	s2 =	sshra.s32 s0, $0x2;
	v58 =	vor.u32 s1, v14;
	v15 =	vor.u32 v56, v15  }
0xb3e: {  	[tilespmem:s2+$0xC000] =	vst v15  }
0xb3f: {  	v15 =	vld.idx.msk [tilespmem:v19+s3+$0x0], $0xffff  }
0xb40: {  	v17 =	vld.idx.msk [tilespmem:v55+s3+$0x0], $0xffff  }
0xb41: {  	v18 =	vld.idx.msk [tilespmem:v57+s3+$0x0], $0xffff  }
0xb42: {  	v16 =	vld.idx.msk [tilespmem:v58+s3+$0x0], $0xffff;
	_ =	sdelay $0x1  }
0xb43: {  	v15 =	vadd.s32 v11, v15  }
0xb44: {  	v17 =	vadd.s32 v13, v17  }
0xb45: {  	v18 =	vadd.s32 v9, v18  }
0xb46: {  	v16 =	vadd.s32 v11, v16;
	_ =	sdelay $0x1  }
0xb47: {  	v15 =	vld.idx.msk [tilespmem:v15+s12+$0x0], $0xffff  }
0xb48: {  	v17 =	vld.idx.msk [tilespmem:v17+s12+$0x0], $0xffff  }
0xb49: {  	v18 =	vld.idx.msk [tilespmem:v18+s12+$0x0], $0xffff  }
0xb4a: {  	v16 =	vld.idx.msk [tilespmem:v16+s12+$0x0], $0xffff;
	_ =	sdelay $0x1  }
0xb4b: {  	s31 =	sadd.s32 $0x80, s0  }
0xb4c: {  	v59 =	vor.u32 s31, v8;
	v17 =	vshll.u32 v17, $0x8  }
0xb4d: {  	v61 =	vor.u32 s31, v10;
	v60 =	vshll.u32 v18, $0x10;
	v15 =	vor.u32 v15, v17  }
0xb4e: {  	v62 =	vor.u32 s31, v12;
	v16 =	vshll.u32 v16, $0x18;
	v15 =	vor.u32 v60, v15  }
0xb4f: {  	v63 =	vor.u32 s31, v14;
	v15 =	vor.u32 v16, v15  }
0xb50: {  	[tilespmem:s2+$0xC010] =	vst v15  }
0xb51: {  	v15 =	vld.idx.msk [tilespmem:v59+s3+$0x0], $0xffff  }
0xb52: {  	v18 =	vld.idx.msk [tilespmem:v61+s3+$0x0], $0xffff  }
0xb53: {  	v17 =	vld.idx.msk [tilespmem:v62+s3+$0x0], $0xffff  }
0xb54: {  	v16 =	vld.idx.msk [tilespmem:v63+s3+$0x0], $0xffff;
	_ =	sdelay $0x1  }
0xb55: {  	v15 =	vadd.s32 v13, v15  }
0xb56: {  	v18 =	vadd.s32 v9, v18  }
0xb57: {  	v17 =	vadd.s32 v11, v17  }
0xb58: {  	v16 =	vadd.s32 v13, v16;
	_ =	sdelay $0x1  }
0xb59: {  	v15 =	vld.idx.msk [tilespmem:v15+s12+$0x0], $0xffff  }
0xb5a: {  	v18 =	vld.idx.msk [tilespmem:v18+s12+$0x0], $0xffff  }
0xb5b: {  	v17 =	vld.idx.msk [tilespmem:v17+s12+$0x0], $0xffff  }
0xb5c: {  	v16 =	vld.idx.msk [tilespmem:v16+s12+$0x0], $0xffff;
	_ =	sdelay $0x1  }
0xb5d: {  	p0 =	sne.s32 s0, $0xBF40  }
.Ltmp20:
0xb5e: {  	v18 =	vshll.u32 v18, $0x8;
	(pc) =	sbr.rel @p0 .LBB2_43-.Ltmp20, $4  }
0xb5f: {  	v17 =	vshll.u32 v17, $0x10;
	v15 =	vor.u32 v15, v18  }
0xb60: {  	v16 =	vshll.u32 v16, $0x18;
	v15 =	vor.u32 v17, v15  }
0xb61: {  	v15 =	vor.u32 v16, v15  }
0xb62: {  	s0 =	sadd.s32 $0xC0, s0;
	[tilespmem:s2+$0xC020] =	vst v15  }
0xb63: {  	s0 =	smul.u32 $0x3000, s14;
	_ =	sdelay $0x1  }
0xb64: {  	s14 =	sadd.s32 $0x1, s14;
	s0 =	sadd.s32 s9, s0  }
0xb65: {  	p0 =	sne.s32 s14, $0x10;
	s0 =	sshrl.u32 s0, $0x3  }
.Ltmp21:
0xb66: {  	s0 =	sadd.s32 s8, s0;
	(pc) =	sbr.rel @p0 .LBB2_42-.Ltmp21, $4  }
0xb67: {  	[hbm4b:s0+s3] =	stream.linear.scatter [tilespmem:s13], [sflag:$0x1], $0x3000, $0x38;
	[tilespmem:$0x12400] =	vst v63  }
0xb68: {  	_ =	swait.ge [sflag:s10], $0x3000  }
0xb69: {  	[sflag:s10] =	ssyncset.done $0x0  }
0xb6a: {  	[sflag:s10] =	ssyncadd.s32 $0xFFFFD000  }
0xb6b: {  	s1 =	sld [smem:$0x7F6]  }
0xb6c: {  	s0 =	sld [smem:$0x7F7];
	_ =	sdelay $0x1  }
0xb6d: {  	s1 =	sadd.s32 $0x1, s1  }
0xb6e: {  	p0 =	sne.s32 s1, s0  }
.Ltmp22:
0xb6f: {  	_ = 	snop;
	(pc) =	sbr.rel @p0 .LBB2_1-.Ltmp22, $1  }
0xb70: {  	_ =	sdelay $0x3  }
0xb71: {  	_ =	sfence.sel $0x180000  }
0xb72: {  	[bflag:$0x0] =	sbarrier.arrive $0xFFFF  }
0xb73: {  	_ =	strace $0x90000047  }
0xb74: {  	s0 =	stileid.u32;
	[bflag:$0x2] =	sbarrier.arrive $0xFFFF  }
0xb75: {  	p0 =	sne.s32 s0, $0x0;
	s0 =	rddreg [dreg:$0x1]  }
0xb76: {  	s0 =	sadd.s32 @!p0 $0x100000, s0  }
0xb77: {  	[sflag:s0] =	ssyncadd.tile.s32 @!p0 $0x1;
	_ =	shalt  }
.Lfunc_end2:
_tile_overlayer_lowered:
.L_overlay_start_2:
0xb78: {  	(tag) =	ssettag $0x2  }
0xb79: {  	s0 =	rddreg [dreg:$0x0];
	s2 =	stileid.u32  }
0xb7a: {  	s1 =	rddreg [dreg:$0x1];
	p0 =	sne.s32 s2, $0x0  }
0xb7b: {  	s3 =	rddreg [dreg:$0x2];
	[bflag:$0x3] =	sbarrier.arrive $0xFFFF;
	s2 =	simm.s32 @!p0 $0x1C01  }
0xb7c: {  	[timem:s3], [sflag:s2] =	dma.local @!p0 [hbm:s0], s1  }
0xb7d: {  	s0 =	simm.s32 @!p0 $0x1  }
0xb7e: {  	_ =	swait.ge @!p0 [sflag:s0], s1  }
0xb7f: {  	s1 =	ssub.s32 @!p0 $0x0, s1;
	[sflag:s0] =	ssyncset.done @!p0 $0x0  }
0xb80: {  	[sflag:s0] =	ssyncadd.s32 @!p0 s1  }
0xb81: {  	[bflag:$0x3] =	sbarrier.arrive $0xFFFF  }
0xb82: {  	_ =	shalt  }

// kernel: sparse-core-data-format-call.1.cloned.1.call-start
scs
called_computation.1_lowered:
.L_overlay_start_0:
0x0: {  	s1 =	sld [smem:$0x3FD9]  }
0x1: {  	s2 =	sld [smem:$0x3FFE];
	_ =	sdelay $0x1  }
0x2: {  	s3 =	srdreg.scid  }
0x3: {  	s0 =	sand.u32 $0x1, s3  }
0x4: {  	s17 =	sshll.u32 s0, $0xA;
	s1 =	sadd.s32 s2, s1  }
0x5: {  	s1 =	sadd.s32 s1, s17  }
0x6: {  	[smem:$0x3FC7] =	sst s1  }
0x7: {  	_ = 	snop  }
0x8: {  	(tm) =	ssettm $0x1  }
0x9: {  	s18 =	sld [smem:$0x3FFB];
	_ =	sdelay $0x3  }
0xa: {  	_ =	strace s18  }
0xb: {  	s1 =	sld [smem:$0x3FFC];
	_ =	sdelay $0x3  }
0xc: {  	_ =	strace s1  }
0xd: {  	s1 =	sld [smem:$0x3FFD];
	_ =	sdelay $0x3  }
0xe: {  	_ =	strace s1  }
0xf: {  	_ =	strace $0x8FFFFFFF  }
0x10: {  	s19 =	sld [smem:$0x3FDB];
	_ =	sdelay $0x1  }
0x11: {  	s20 =	simm.s32 $_scs_section_size  }
0x12: {  	s4 =	simm.s32 $_size__tile_overlayer_lowered;
	s5 =	simm.s32 $_tile_overlayer_lowered  }
0x13: {  	s23 =	simm.s32 $0x1BFF;
	s22 =	sshll.u32 s5, $0x1;
	s1 =	sadd.s32 s20, s19  }
0x14: {  	s6 =	simm.s32 $0x0;
	s21 =	sshll.u32 s4, $0x1;
	s4 =	sadd.s32 s22, s1  }
0x15: {  	[timem:s6], [sflag:s23] =	dma.local [hbm:s4], s21  }
0x16: {  	_ =	swait.ge [sflag:s23], s21  }
0x17: {  	s2 =	ssub.s32 $0x0, s21;
	[sflag:s23] =	ssyncset.done $0x0  }
0x18: {  	[sflag:s23] =	ssyncadd.s32 s2;
	_ =	sdelay $0x1  }
0x19: {  	s24 =	simm.s32 $0x1B8B  }
0x1a: {  	_ =	swait.ge [sflag:s24], $0x1  }
0x1b: {  	[sflag:s24] =	ssyncset.done $0x0  }
0x1c: {  	s26 =	simm.s32 $0x1B8E;
	s25 =	sld [smem:$0x3FFE];
	[sflag:s24] =	ssyncadd.s32 $0xFFFFFFFF  }
0x1d: {  	s27 =	simm.s32 $execute0_lowered;
	[smem:$0x3FD2] =	sst s26  }
0x1e: {  	s4 =	sshll.u32 s27, $0x1;
	_ =	strace $0x80000049;
	[dreg:$0x1] =	wrdreg $0xFFFFFFFF  }
0x1f: {  	s28 =	simm.s32 $_size_execute0_lowered;
	s1 =	sadd.s32 s1, s4;
	[dreg:$0x0] =	wrdreg $0x0  }
0x20: {  	s4 =	sshll.u32 s28, $0x1;
	[dreg:$0x2] =	wrdreg s1  }
0x21: {  	[dreg:$0x3] =	wrdreg s4  }
0x22: {  	[dreg:$0x4] =	wrdreg $0xC0  }
0x23: {  	_ =	task [dreg:s6], $0x5FFFF  }
0x24: {  	[dreg:$0x1] =	wrdreg $0xFFFFFFFF  }
0x25: {  	[dreg:$0x0] =	wrdreg $0x60  }
0x26: {  	[dreg:$0x2] =	wrdreg s25  }
0x27: {  	[dreg:$0x3] =	wrdreg $0x9  }
0x28: {  	_ =	task.clear_ibuf [dreg:s6], $0x4FFFF;
	_ =	strace $0x90000049  }
0x29: {  	s29 =	simm.s32 $0x9;
	_ =	strace $0x8000004B  }
0x2a: {  	_ =	swait.ge [sflag:s29], $0x1  }
0x2b: {  	[sflag:s29] =	ssyncadd.s32 $0xFFFFFFFF  }
0x2c: {  	_ =	strace $0x9000004B  }
0x2d: {  	_ =	sfence  }
0x2e: {  	s30 =	sld [smem:$0x0];
	_ =	sdelay $0x2  }
0x2f: {  	s31 =	sshll.u32 s3, $0xD;
	s3 =	sshrl.u32 s3, $0x2  }
0x30: {  	s2 =	sand.u32 $0x4000, s31;
	s1 =	sadd.s32 s3, s30  }
0x31: {  	s0 =	sor.u32 s2, s0;
	s1 =	sshll.u32 s1, $0x11  }
0x32: {  	s0 =	sor.u32 s1, s0  }
0x33: {  	s0 =	sadd.s32 $0x8F2B, s0  }
0x34: {  	[sflag:s0] =	ssyncadd.remote.s32 $0x1  }
0x35: {  	_ =	sfence.sel $0xFFFF  }
0x36: {  	[dreg:$0x0] =	wrdreg $0xFFFFFFFF;
	(pc) =	sbr.abs _section_cstart, $3  }
0x37: {  	[dreg:$0x1] =	wrdreg $0xFFFFFFFF  }
0x38: {  	_ =	task.clear_ibuf [dreg:s6], $0x2FFFF;
	_ =	strace $0x9FFFFFFF  }
0x39: {  	(tm) =	ssettm $0x7FFFFFFF  }
tec
execute0_lowered:
.L_overlay_start_1:
0x0: {  	(tag) =	ssettag $0x1  }
0x1: {  	s0 =	srdreg.scid  }
0x2: {  	s6 =	rddreg [dreg:$0x0];
	s7 =	simm.s32 $0x1;
	s1 =	sshll.u32 s0, $0x4  }
0x3: {  	s8 =	simm.s32 $0x2;
	s0 =	stileid.u32;
	s1 =	sand.u32 $0x10, s1  }
0x4: {  	s13 =	simm.s32 $0x0;
	s12 =	simm.s32 $0x0;
	s1 =	sor.u32 s0, s1  }
0x5: {  	s10 =	simm.s32 $0x0;
	s11 =	simm.s32 $0x0;
	s2 =	sshll.u32 s1, $0xD  }
0x6: {  	s3 =	sadd.s32 $0xC00, s6;
	s6 =	sadd.s32 $0x180C00, s6;
	s5 =	ssub.s32 $0xC00000, s2  }
.Ltmp0:
0x7: {  	s1 =	rddreg [dreg:$0x1];
	s4 =	sand.u32 $0x3E000, s5;
	(pc) =	sbr.rel .LBB1_1-.Ltmp0, $4  }
0x8: {  	_ =	strace $0x8000004A;
	s9 =	smov.u32 s2;
	p0 =	sne.s32 s4, $0x0  }
0x9: {  	s5 =	sshrl.u32 s5, $0x12;
	s4 =	simm.s32 $0x1;
	s7 =	simm.s32 @!p0 $0x0  }
0xa: {  	[sflag:s4] =	ssyncpa.u1 $0x0;
	p0 =	por $0x0, $0x0;
	s5 =	sadd.s32 s7, s5  }
0xb: {  	[sflag:s8] =	ssyncpa.u1 $0x0;
	s8 =	simm.s32 $0x80;
	s7 =	sadd.s32 $0x1, s5  }
.LBB1_4:
0xc: {  	s13 =	sshll.u32 s13, $0x7;
	s14 =	sshll.u32 s12, $0x3  }
0xd: {  	s16 =	sand.u32 $0xFFFFFC00, s13;
	s14 =	sand.u32 $0xFFFFFC00, s14  }
0xe: {  	s26 =	sshll.u32 s12, $0x2;
	s13 =	sand.u32 $0x200, s13;
	s14 =	sadd.s32 s14, s16  }
0xf: {  	[tilespmem:s19+$0x2 ss:$0x4] =	vst.msk $0xffff, v16;
	s27 =	sand.u32 $0x180, s26;
	s13 =	sor.u32 s13, s14  }
0x10: {  	[tilespmem:s19+$0xC1 ss:$0x4] =	vst.msk $0xffff, v14;
	s13 =	sor.u32 s27, s13  }
0x11: {  	[tilespmem:s19+$0x42 ss:$0x4] =	vst.msk $0xffff, v12;
	s13 =	sshrl.u32 s13, $0x7  }
0x12: {  	[tilespmem:s19+$0x80 ss:$0x4] =	vst.msk $0xffff, v13;
	s28 =	smulhi.u32 $0xAAAAAB, s13  }
0x13: {  	v2 =	vand.u32 $0xFF, v7;
	v3 =	vshrl.u32 v3, $0x18;
	[tilespmem:s19+$0x43 ss:$0x4] =	vst.msk $0xffff, v15  }
0x14: {  	v1 =	vshrl.u32 v1, $0x18;
	v0 =	vshrl.u32 v0, $0x18;
	[tilespmem:s19+$0x3 ss:$0x4] =	vst.msk $0xffff, v9;
	v2 =	vpack.c.b32.b16 v2, v17;
	s14 =	sshrl.u32 s28, $0xF  }
0x15: {  	v63 =	vpack.c.b16.b8 v4, v5;
	v3 =	vpack.c.b32.b16 v3, v6;
	v0 =	vpack.c.b32.b16 v0, v1;
	[tilespmem:s19+$0x81 ss:$0x4] =	vst.msk $0xffff, v10;
	s14 =	smul.u32 $0xC00000, s14  }
0x16: {  	s29 =	sshrl.u32 s12, $0x3;
	[tilespmem:s19+$0x82 ss:$0x4] =	vst.msk $0xffff, v8;
	v62 =	vpack.c.b16.b8 v2, v11  }
0x17: {  	s31 =	sand.u32 $0x7, s12;
	s30 =	sand.u32 $0x3, s29;
	v0 =	vpack.c.b16.b8 v0, v3;
	[tilespmem:s19+$0x83 ss:$0x4] =	vst.msk $0xffff, v63;
	s13 =	ssub.s32 s13, s14  }
0x18: {  	s12 =	sshll.u32 s31, $0x12;
	[tilespmem:s19+$0xC2 ss:$0x4] =	vst.msk $0xffff, v62;
	s14 =	sadd.s32 s6, s30;
	s13 =	sshll.u32 s13, $0x2  }
0x19: {  	s12 =	sor.u32 $0x4, s12;
	[tilespmem:s19+$0xC3 ss:$0x4] =	vst.msk $0xffff, v0;
	s13 =	sadd.s32 s13, s14  }
0x1a: {  	[hbm4b:s13+s12] =	stream.strided.scatter [tilespmem:s15], [sflag:$0x2], $0x2000, s8, s12, $0x38;
	[tilespmem:$0x8000] =	vst v63  }
.LBB1_5:
0x1b: {  	s14 =	sadd.s32 $0x40000, s9  }
0x1c: {  	s12 =	sadd.s32 $0x4, s10;
	s16 =	smov.u32 s10;
	p2 =	sgt.s32 s14, $0xBFFFFF  }
0x1d: {  	s16 =	smov.u32 @p2 s12  }
0x1e: {  	s14 =	smov.u32 @p2 s2;
	p2 =	sgt.s32 s16, $0x3  }
0x1f: {  	s16 =	simm.s32 @p2 $0x0;
	p2 =	sne.s32 s11, s7  }
.Ltmp1:
0x20: {  	p1 =	slt.u32 s11, $0x2;
	(pc) =	sbr.rel @!p2 .LBB1_6-.Ltmp1, $4  }
0x21: {  	s15 =	simm.s32 @!p1 $0x2  }
0x22: {  	s13 =	smov.u32 s9;
	p0 =	por !p0, !p0;
	_ =	swait.ge @!p1 [sflag:s15], $0x2000  }
0x23: {  	s12 =	smov.u32 s10;
	[sflag:s15] =	ssyncset.done @!p1 $0x0;
	s9 =	smov.u32 s14  }
0x24: {  	s11 =	sadd.s32 $0x1, s11;
	[sflag:s15] =	ssyncadd.s32 @!p1 $0xFFFFE000;
	s10 =	smov.u32 s16  }
.LBB1_1:
0x25: {  	p1 =	sge.u32 s11, s5  }
0x26: {  	s14 =	sshrl.u32 @!p1 s10, $0x2  }
0x27: {  	s15 =	sshll.u32 @!p1 s9, $0x2;
	s14 =	smul.u32 @!p1 $0x3000000, s14  }
0x28: {  	s16 =	sand.u32 @!p1 $0x3, s10;
	s17 =	sand.u32 @!p1 $0xFFFFFE00, s15;
	s15 =	sand.u32 @!p1 $0x1FC, s15  }
0x29: {  	s15 =	sor.u32 @!p1 s16, s15;
	s14 =	sadd.s32 @!p1 s14, s17  }
0x2a: {  	s15 =	sor.u32 @!p1 s14, s15  }
0x2b: {  	s16 =	smulhi.u32 @!p1 $0xAAAAAAAB, s15;
	_ =	sdelay $0x1  }
0x2c: {  	s14 =	smulhi.u32 @!p1 $0xAAAAAAAB, s14;
	s16 =	sshrl.u32 @!p1 s16, $0x17  }
0x2d: {  	s16 =	smul.u32 @!p1 $0xC00000, s16  }
0x2e: {  	s14 =	sshrl.u32 @!p1 s14, $0x17  }
0x2f: {  	s31 =	sadd.s32 $0xFFFFFFFF, s11;
	s14 =	sand.u32 @!p1 $0x3, s14;
	s15 =	ssub.s32 @!p1 s15, s16  }
0x30: {  	s14 =	smul.u32 @!p1 $0x60000, s14;
	s16 =	sxor.u32 @!p1 $0xFFFFFFFF, s11;
	s17 =	sshrl.u32 @!p1 s15, $0x5  }
0x31: {  	s15 =	sshrl.u32 @!p1 s15, $0x2;
	s16 =	sshll.u32 @!p1 s16, $0xD;
	s17 =	sadd.s32 @!p1 s3, s17  }
0x32: {  	s16 =	sand.u32 @!p1 $0x2000, s16;
	s15 =	sand.u32 @!p1 $0x7, s15;
	s14 =	sadd.s32 @!p1 s14, s17  }
0x33: {  	[tilespmem:s16], [sflag:$0x1] =	stream.linear.gather @!p1 [hbm4b:s14+s15], $0x2000, $0x38;
	[tilespmem:$0x8000] =	vst v63  }
0x34: {  	p1 =	sge.u32 s31, s5  }
.Ltmp2:
0x35: {  	_ = 	snop;
	(pc) =	sbr.rel @p1 .LBB1_5-.Ltmp2, $1  }
0x36: {  	_ =	sdelay $0x3  }
0x37: {  	s14 =	simm.s32 $0x1  }
0x38: {  	s14 =	simm.s32 @!p0 $0x0  }
0x39: {  	s14 =	sshll.u32 s14, $0xF  }
0x3a: {  	s14 =	sshrl.u32 s14, $0x2  }
0x3b: {  	v2 =	vmov s14;
	_ =	sdelay $0x1  }
0x3c: {  	_ =	swait.ge [sflag:s4], $0x2000  }
0x3d: {  	[sflag:s4] =	ssyncset.done $0x0  }
0x3e: {  	s15 =	simm.s32 $0x80;
	[sflag:s4] =	ssyncadd.s32 $0xFFFFE000  }
0x3f: {  	v4 =	vld.idx.msk [tilespmem:v2+s15+$0x30 ss:$0x1], $0xffff  }
0x40: {  	v0 =	vld.idx.msk [tilespmem:v2+s15+$0x70 ss:$0x1], $0xffff  }
0x41: {  	v1 =	vld.idx.msk [tilespmem:v2+s15+$0x60 ss:$0x1], $0xffff  }
0x42: {  	v3 =	vld.idx.msk [tilespmem:v2+s15+$0x50 ss:$0x1], $0xffff  }
0x43: {  	v6 =	vld.idx.msk [tilespmem:v2+s15+$0x40 ss:$0x1], $0xffff  }
0x44: {  	v5 =	vld.idx.msk [tilespmem:v2+s15+$0x20 ss:$0x1], $0xffff  }
0x45: {  	v8 =	vld.idx.msk [tilespmem:v2+s15+$0x10 ss:$0x1], $0xffff  }
0x46: {  	v12 =	vld.idx.msk [tilespmem:v2+s15+$0x0 ss:$0x1], $0xffff  }
0x47: {  	v16 =	vld.idx.msk [tilespmem:v2+s15+$0xFFFFFFE0 ss:$0x1], $0xffff  }
0x48: {  	v22 =	vld.idx.msk [tilespmem:v2+s15+$0xFFFFFFD0 ss:$0x1], $0xffff  }
0x49: {  	v27 =	vld.idx.msk [tilespmem:v2+s15+$0xFFFFFFC0 ss:$0x1], $0xffff;
	v7 =	vshrl.u32 v4, $0x10;
	v9 =	vand.u32 $0xFF, v4  }
0x4a: {  	v31 =	vld.idx.msk [tilespmem:v2+s15+$0xFFFFFF80 ss:$0x1], $0xffff;
	v11 =	vand.u32 $0xFF, v0;
	v13 =	vshrl.u32 v1, $0x8;
	v14 =	vand.u32 $0xFF, v1  }
0x4b: {  	v34 =	vld.idx.msk [tilespmem:v2+s15+$0xFFFFFF90 ss:$0x1], $0xffff;
	v17 =	vshrl.u32 v6, $0x8;
	v19 =	vshrl.u32 v8, $0x18;
	v20 =	vshrl.u32 v8, $0x8  }
0x4c: {  	v35 =	vld.idx.msk [tilespmem:v2+s15+$0xFFFFFFB0 ss:$0x1], $0xffff;
	v21 =	vshrl.u32 v3, $0x8;
	v23 =	vshrl.u32 v12, $0x8;
	v24 =	vand.u32 $0xFF, v12  }
0x4d: {  	v58 =	vld.idx.msk [tilespmem:v2+s15+$0xFFFFFFA0 ss:$0x1], $0xffff;
	v25 =	vshrl.u32 v16, $0x8;
	v26 =	vand.u32 $0xFF, v16;
	v29 =	vshrl.u32 v5, $0x8  }
0x4e: {  	v30 =	vand.u32 $0xFF, v5;
	v32 =	vshrl.u32 v12, $0x10;
	v33 =	vshrl.u32 v4, $0x8  }
0x4f: {  	v12 =	vshrl.u32 v12, $0x18;
	v36 =	vand.u32 $0xFF, v22;
	v59 =	vshrl.u32 v5, $0x10  }
0x50: {  	v39 =	vshrl.u32 v27, $0x18;
	v40 =	vshrl.u32 v27, $0x10;
	v41 =	vshrl.u32 v31, $0x18  }
0x51: {  	v42 =	vand.u32 $0xFF, v27;
	v5 =	vshrl.u32 v5, $0x18;
	v4 =	vshrl.u32 v4, $0x18  }
0x52: {  	v60 =	vshrl.u32 v34, $0x10;
	v43 =	vand.u32 $0xFF, v35;
	v44 =	vshrl.u32 v58, $0x10  }
0x53: {  	v45 =	vshrl.u32 v35, $0x8;
	v46 =	vshrl.u32 v22, $0x8;
	v27 =	vshrl.u32 v27, $0x8  }
0x54: {  	v48 =	vshrl.u32 v35, $0x10;
	v49 =	vshrl.u32 v22, $0x10;
	v61 =	vand.u32 $0xFF, v58  }
0x55: {  	v63 =	vshrl.u32 v58, $0x8;
	v52 =	vand.u32 $0xFF, v31;
	v56 =	vand.u32 $0xFF, v34  }
0x56: {  	v57 =	vshrl.u32 v58, $0x18;
	v35 =	vshrl.u32 v35, $0x18;
	v10 =	vand.u32 $0xFF, v7  }
0x57: {  	v7 =	vshrl.u32 v0, $0x8;
	v13 =	vand.u32 $0xFF, v13;
	v11 =	vpack.c.b32.b16 v11, v14  }
0x58: {  	v25 =	vand.u32 $0xFF, v25;
	v29 =	vand.u32 $0xFF, v29;
	v33 =	vand.u32 $0xFF, v33  }
0x59: {  	v4 =	vpack.c.b32.b16 v4, v5;
	v5 =	vshrl.u32 v31, $0x10;
	v40 =	vand.u32 $0xFF, v40  }
0x5a: {  	v46 =	vand.u32 $0xFF, v46;
	v20 =	vand.u32 $0xFF, v20;
	v62 =	vand.u32 $0xFF, v44  }
0x5b: {  	v27 =	vand.u32 $0xFF, v27;
	v49 =	vand.u32 $0xFF, v49;
	v50 =	vand.u32 $0xFF, v48  }
0x5c: {  	v36 =	vpack.c.b32.b16 v36, v42;
	v51 =	vand.u32 $0xFF, v45;
	v21 =	vand.u32 $0xFF, v21  }
0x5d: {  	v15 =	vand.u32 $0xFF, v7;
	v7 =	vshrl.u32 v3, $0x10;
	v29 =	vpack.c.b32.b16 v33, v29  }
0x5e: {  	v47 =	vand.u32 $0xFF, v5;
	v5 =	vpack.c.b32.b16 v19, v12;
	v12 =	vand.u32 $0xFF, v60  }
0x5f: {  	v19 =	vand.u32 $0xFF, v23;
	v27 =	vpack.c.b32.b16 v46, v27;
	v53 =	vpack.c.b32.b16 v49, v40  }
0x60: {  	v14 =	vld.idx.msk [tilespmem:v2+s15+$0xFFFFFFF0 ss:$0x1], $0xffff;
	v23 =	vpack.c.b32.b16 v43, v61;
	v60 =	vpack.c.b32.b16 v9, v30;
	v61 =	vpack.c.b32.b16 v56, v52  }
0x61: {  	v7 =	vand.u32 $0xFF, v7;
	v18 =	vpack.c.b32.b16 v15, v13;
	v13 =	vand.u32 $0xFF, v17  }
0x62: {  	v15 =	vand.u32 $0xFF, v6;
	v17 =	vand.u32 $0xFF, v3;
	v19 =	vpack.c.b32.b16 v20, v19  }
0x63: {  	v20 =	vpack.c.b32.b16 v50, v62;
	v17 =	vpack.c.b32.b16 v17, v15;
	v15 =	vshrl.u32 v16, $0x10  }
0x64: {  	v54 =	vpack.c.b32.b16 v12, v47;
	v16 =	vshrl.u32 v16, $0x18;
	v15 =	vand.u32 $0xFF, v15  }
0x65: {  	v28 =	vshrl.u32 v14, $0x8;
	v37 =	vand.u32 $0xFF, v14;
	v38 =	vshrl.u32 v14, $0x10  }
0x66: {  	v14 =	vshrl.u32 v14, $0x18;
	v11 =	vpack.c.b16.b8 v11, v17;
	v17 =	vpack.c.b16.b8 v23, v61  }
0x67: {  	v26 =	vpack.c.b32.b16 v37, v26;
	v37 =	vand.u32 $0xFF, v59;
	v28 =	vand.u32 $0xFF, v28  }
0x68: {  	v14 =	vpack.c.b32.b16 v14, v16;
	v16 =	vand.u32 $0xFF, v63;
	v59 =	vand.u32 $0xFF, v8  }
0x69: {  	v8 =	vshrl.u32 v8, $0x10;
	v37 =	vpack.c.b32.b16 v10, v37;
	v10 =	vand.u32 $0xFF, v38  }
0x6a: {  	v63 =	vshrl.u32 v6, $0x10;
	v55 =	vpack.c.b32.b16 v51, v16;
	v10 =	vpack.c.b32.b16 v10, v15  }
0x6b: {  	v16 =	vshrl.u32 v22, $0x18;
	v22 =	vpack.c.b32.b16 v35, v57;
	v15 =	vshrl.u32 v34, $0x8  }
0x6c: {  	v58 =	vpack.c.b32.b16 v16, v39;
	v12 =	vpack.c.b16.b8 v10, v53;
	v10 =	vshrl.u32 v31, $0x8  }
0x6d: {  	v34 =	vshrl.u32 v34, $0x18;
	v15 =	vand.u32 $0xFF, v15;
	v10 =	vand.u32 $0xFF, v10  }
0x6e: {  	v10 =	vpack.c.b32.b16 v15, v10;
	v15 =	vpack.c.b16.b8 v14, v58;
	v14 =	vpack.c.b32.b16 v34, v41  }
0x6f: {  	s19 =	sadd.s32 $0x4000, s14;
	v6 =	vshrl.u32 v6, $0x18;
	v25 =	vpack.c.b32.b16 v28, v25;
	v8 =	vand.u32 $0xFF, v8  }
0x70: {  	[tilespmem:s19+$0xC0 ss:$0x4] =	vst.msk $0xffff, v11;
	v11 =	vand.u32 $0xFF, v63;
	v9 =	vpack.c.b16.b8 v22, v14;
	v14 =	vpack.c.b32.b16 v21, v13  }
0x71: {  	[tilespmem:s19+$0x0 ss:$0x4] =	vst.msk $0xffff, v17;
	v17 =	vshrl.u32 v1, $0x10;
	v26 =	vpack.c.b16.b8 v26, v36;
	v16 =	vpack.c.b16.b8 v20, v54  }
0x72: {  	v62 =	vpack.c.b16.b8 v25, v27;
	v14 =	vpack.c.b16.b8 v18, v14;
	v18 =	vand.u32 $0xFF, v32  }
0x73: {  	s31 =	sshll.u32 s11, $0xD;
	v20 =	vpack.c.b32.b16 v59, v24;
	[tilespmem:s19+$0x40 ss:$0x4] =	vst.msk $0xffff, v26;
	v10 =	vpack.c.b16.b8 v55, v10;
	v8 =	vpack.c.b32.b16 v8, v18  }
0x74: {  	s16 =	simm.s32 $0x4000;
	s15 =	sand.u32 $0x2000, s31;
	v17 =	vand.u32 $0xFF, v17;
	v11 =	vpack.c.b32.b16 v7, v11;
	v7 =	vshrl.u32 v0, $0x10;
	[tilespmem:s19+$0x41 ss:$0x4] =	vst.msk $0xffff, v62  }
0x75: {  	s17 =	simm.s32 $0x0;
	s18 =	simm.s32 $0x180;
	s15 =	sor.u32 $0x4000, s15;
	v13 =	vpack.c.b16.b8 v60, v20;
	[tilespmem:s19+$0x1 ss:$0x4] =	vst.msk $0xffff, v10;
	v10 =	vpack.c.b16.b8 v29, v19;
	v8 =	vpack.c.b16.b8 v37, v8  }
.LBB1_3:
0x76: {  	v18 =	vld.idx.msk [tilespmem:v2+s18+$0x30 ss:$0x1], $0xffff;
	s17 =	sadd.s32 $0x100, s17;
	[tilespmem:s19+$0x2 ss:$0x4] =	vst.msk $0xffff, v16;
	v3 =	vshrl.u32 v3, $0x18;
	v1 =	vshrl.u32 v1, $0x18;
	v16 =	vshrl.u32 v0, $0x18;
	s16 =	sadd.s32 $0x100, s16  }
0x77: {  	v0 =	vld.idx.msk [tilespmem:v2+s18+$0x70 ss:$0x1], $0xffff;
	p1 =	slt.u32 s17, $0x1F00;
	[tilespmem:s19+$0xC1 ss:$0x4] =	vst.msk $0xffff, v14;
	v14 =	vpack.c.b32.b16 v3, v6;
	v16 =	vpack.c.b32.b16 v16, v1  }
0x78: {  	v1 =	vld.idx.msk [tilespmem:v2+s18+$0x60 ss:$0x1], $0xffff;
	[tilespmem:s19+$0x42 ss:$0x4] =	vst.msk $0xffff, v12  }
0x79: {  	v7 =	vand.u32 $0xFF, v7;
	v3 =	vld.idx.msk [tilespmem:v2+s18+$0x50 ss:$0x1], $0xffff;
	[tilespmem:s19+$0x43 ss:$0x4] =	vst.msk $0xffff, v15  }
0x7a: {  	v12 =	vpack.c.b32.b16 v7, v17;
	v6 =	vld.idx.msk [tilespmem:v2+s18+$0x40 ss:$0x1], $0xffff;
	[tilespmem:s19+$0x3 ss:$0x4] =	vst.msk $0xffff, v9  }
0x7b: {  	v4 =	vpack.c.b16.b8 v4, v5;
	v5 =	vpack.c.b16.b8 v16, v14;
	v15 =	vld.idx.msk [tilespmem:v2+s18+$0x20 ss:$0x1], $0xffff  }
0x7c: {  	v11 =	vpack.c.b16.b8 v12, v11;
	v14 =	vshrl.u32 v18, $0x10;
	v9 =	vand.u32 $0xFF, v18;
	v7 =	vld.idx.msk [tilespmem:v2+s18+$0x10 ss:$0x1], $0xffff;
	[tilespmem:s19+$0x80 ss:$0x4] =	vst.msk $0xffff, v13  }
0x7d: {  	v16 =	vand.u32 $0xFF, v14;
	v13 =	vshrl.u32 v0, $0x8;
	v14 =	vand.u32 $0xFF, v0;
	v12 =	vld.idx.msk [tilespmem:v2+s18+$0x0 ss:$0x1], $0xffff;
	[tilespmem:s19+$0x81 ss:$0x4] =	vst.msk $0xffff, v10  }
0x7e: {  	v10 =	vshrl.u32 v1, $0x8;
	v19 =	vand.u32 $0xFF, v1;
	v13 =	vand.u32 $0xFF, v13;
	v17 =	vld.idx.msk [tilespmem:v2+s18+$0xFFFFFFE0 ss:$0x1], $0xffff;
	[tilespmem:s19+$0x82 ss:$0x4] =	vst.msk $0xffff, v8  }
0x7f: {  	v8 =	vshrl.u32 v3, $0x10;
	v21 =	vand.u32 $0xFF, v10;
	v10 =	vpack.c.b32.b16 v14, v19;
	v20 =	vld.idx.msk [tilespmem:v2+s18+$0xFFFFFFF0 ss:$0x1], $0xffff;
	[tilespmem:s19+$0xC2 ss:$0x4] =	vst.msk $0xffff, v11  }
0x80: {  	v14 =	vshrl.u32 v6, $0x8;
	v8 =	vand.u32 $0xFF, v8;
	v11 =	vpack.c.b32.b16 v13, v21;
	v19 =	vld.idx.msk [tilespmem:v2+s18+$0xFFFFFFD0 ss:$0x1], $0xffff;
	[tilespmem:s19+$0x83 ss:$0x4] =	vst.msk $0xffff, v4  }
0x81: {  	v13 =	vand.u32 $0xFF, v14;
	v4 =	vand.u32 $0xFF, v6;
	v14 =	vand.u32 $0xFF, v3;
	v21 =	vld.idx.msk [tilespmem:v2+s18+$0xFFFFFFC0 ss:$0x1], $0xffff;
	[tilespmem:s19+$0xC3 ss:$0x4] =	vst.msk $0xffff, v5  }
0x82: {  	v24 =	vshrl.u32 v3, $0x8;
	v5 =	vshrl.u32 v7, $0x18;
	v23 =	vshrl.u32 v7, $0x8;
	v22 =	vld.idx.msk [tilespmem:v2+s18+$0xFFFFFF80 ss:$0x1], $0xffff  }
0x83: {  	v14 =	vpack.c.b32.b16 v14, v4;
	v25 =	vshrl.u32 v12, $0x8;
	v26 =	vand.u32 $0xFF, v12  }
0x84: {  	v27 =	vshrl.u32 v17, $0x10;
	v4 =	vshrl.u32 v17, $0x8;
	v28 =	vand.u32 $0xFF, v17  }
0x85: {  	v30 =	vshrl.u32 v15, $0x8;
	v31 =	vand.u32 $0xFF, v15;
	v29 =	vshrl.u32 v20, $0x8  }
0x86: {  	v34 =	vshrl.u32 v12, $0x10;
	v33 =	vand.u32 $0xFF, v4;
	v4 =	vshrl.u32 v18, $0x8;
	v32 =	vld.idx.msk [tilespmem:v2+s18+$0xFFFFFF90 ss:$0x1], $0xffff  }
0x87: {  	v30 =	vand.u32 $0xFF, v30;
	v12 =	vshrl.u32 v12, $0x18;
	v4 =	vand.u32 $0xFF, v4;
	v35 =	vld.idx.msk [tilespmem:v2+s18+$0xFFFFFFB0 ss:$0x1], $0xffff  }
0x88: {  	v38 =	vand.u32 $0xFF, v20;
	v37 =	vand.u32 $0xFF, v19;
	v30 =	vpack.c.b32.b16 v4, v30;
	v36 =	vld.idx.msk [tilespmem:v2+s18+$0xFFFFFFA0 ss:$0x1], $0xffff  }
0x89: {  	v28 =	vpack.c.b32.b16 v38, v28;
	v38 =	vshrl.u32 v15, $0x10;
	v4 =	vshrl.u32 v20, $0x10  }
0x8a: {  	v39 =	vshrl.u32 v21, $0x18;
	v40 =	vshrl.u32 v21, $0x10;
	v38 =	vand.u32 $0xFF, v38  }
0x8b: {  	v42 =	vand.u32 $0xFF, v21;
	v41 =	vshrl.u32 v22, $0x18;
	v38 =	vpack.c.b32.b16 v16, v38  }
0x8c: {  	v16 =	vand.u32 $0xFF, v4;
	v4 =	vshrl.u32 v15, $0x18;
	v15 =	vshrl.u32 v18, $0x18  }
0x8d: {  	v4 =	vpack.c.b32.b16 v15, v4;
	v18 =	vshrl.u32 v32, $0x10;
	v43 =	vand.u32 $0xFF, v35  }
0x8e: {  	v20 =	vshrl.u32 v20, $0x18;
	v44 =	vshrl.u32 v35, $0x8;
	v15 =	vshrl.u32 v36, $0x10  }
0x8f: {  	v46 =	vshrl.u32 v19, $0x8;
	v45 =	vshrl.u32 v22, $0x10;
	v40 =	vand.u32 $0xFF, v40  }
0x90: {  	v21 =	vshrl.u32 v21, $0x8;
	v46 =	vand.u32 $0xFF, v46;
	v45 =	vand.u32 $0xFF, v45  }
0x91: {  	v5 =	vpack.c.b32.b16 v5, v12;
	v48 =	vshrl.u32 v19, $0x10;
	v47 =	vshrl.u32 v35, $0x10  }
0x92: {  	v23 =	vand.u32 $0xFF, v23;
	v12 =	vand.u32 $0xFF, v18;
	v18 =	vand.u32 $0xFF, v25  }
0x93: {  	v17 =	vshrl.u32 v17, $0x18;
	v25 =	vand.u32 $0xFF, v36;
	v18 =	vpack.c.b32.b16 v23, v18  }
0x94: {  	v21 =	vand.u32 $0xFF, v21;
	v23 =	vand.u32 $0xFF, v27;
	v15 =	vand.u32 $0xFF, v15  }
0x95: {  	v48 =	vand.u32 $0xFF, v48;
	v21 =	vpack.c.b32.b16 v46, v21;
	v27 =	vshrl.u32 v36, $0x8  }
0x96: {  	v37 =	vpack.c.b32.b16 v37, v42;
	v46 =	vand.u32 $0xFF, v47;
	v16 =	vpack.c.b32.b16 v16, v23  }
0x97: {  	v24 =	vand.u32 $0xFF, v24;
	v42 =	vand.u32 $0xFF, v44;
	v23 =	vshrl.u32 v32, $0x8  }
0x98: {  	v28 =	vpack.c.b16.b8 v28, v37;
	v37 =	vpack.c.b32.b16 v48, v40;
	v44 =	vand.u32 $0xFF, v22  }
0x99: {  	s19 =	sadd.s32 s14, s16;
	v29 =	vand.u32 $0xFF, v29;
	v17 =	vpack.c.b32.b16 v20, v17;
	v15 =	vpack.c.b32.b16 v46, v15  }
0x9a: {  	v20 =	vand.u32 $0xFF, v27;
	v27 =	vpack.c.b32.b16 v12, v45;
	v12 =	vpack.c.b16.b8 v16, v37;
	[tilespmem:s19+$0x40 ss:$0x4] =	vst.msk $0xffff, v28  }
0x9b: {  	v20 =	vpack.c.b32.b16 v42, v20;
	v16 =	vshrl.u32 v22, $0x8;
	v22 =	vpack.c.b32.b16 v43, v25  }
0x9c: {  	v19 =	vshrl.u32 v19, $0x18;
	v23 =	vand.u32 $0xFF, v23;
	v25 =	vand.u32 $0xFF, v32  }
0x9d: {  	v19 =	vpack.c.b32.b16 v19, v39;
	v16 =	vand.u32 $0xFF, v16;
	v28 =	vshrl.u32 v36, $0x18  }
0x9e: {  	v23 =	vpack.c.b32.b16 v23, v16;
	v16 =	vpack.c.b16.b8 v15, v27;
	v27 =	vand.u32 $0xFF, v7  }
0x9f: {  	v35 =	vshrl.u32 v35, $0x18;
	v32 =	vshrl.u32 v32, $0x18;
	v15 =	vpack.c.b16.b8 v17, v19  }
0xa0: {  	v19 =	vpack.c.b32.b16 v32, v41;
	v17 =	vpack.c.b16.b8 v20, v23;
	v20 =	vpack.c.b32.b16 v35, v28  }
0xa1: {  	v26 =	vpack.c.b32.b16 v27, v26;
	v27 =	vpack.c.b32.b16 v9, v31;
	v23 =	vpack.c.b32.b16 v29, v33  }
0xa2: {  	v25 =	vpack.c.b32.b16 v25, v44;
	v9 =	vpack.c.b16.b8 v20, v19;
	v19 =	vpack.c.b32.b16 v24, v13  }
0xa3: {  	v10 =	vpack.c.b16.b8 v10, v14;
	v20 =	vpack.c.b16.b8 v23, v21;
	v13 =	vpack.c.b16.b8 v27, v26  }
.Ltmp3:
0xa4: {  	v7 =	vshrl.u32 v7, $0x10;
	v21 =	vpack.c.b16.b8 v22, v25;
	v14 =	vpack.c.b16.b8 v11, v19;
	(pc) =	sbr.rel @p1 .LBB1_3-.Ltmp3, $4  }
0xa5: {  	v7 =	vand.u32 $0xFF, v7;
	v11 =	vand.u32 $0xFF, v34;
	v19 =	vshrl.u32 v6, $0x10;
	[tilespmem:s19+$0xC0 ss:$0x4] =	vst.msk $0xffff, v10  }
0xa6: {  	v7 =	vpack.c.b32.b16 v7, v11;
	v11 =	vand.u32 $0xFF, v19;
	v19 =	vshrl.u32 v1, $0x10;
	[tilespmem:s19+$0x0 ss:$0x4] =	vst.msk $0xffff, v21  }
0xa7: {  	v11 =	vpack.c.b32.b16 v8, v11;
	v10 =	vpack.c.b16.b8 v30, v18;
	[tilespmem:s19+$0x1 ss:$0x4] =	vst.msk $0xffff, v17;
	v17 =	vand.u32 $0xFF, v19  }
0xa8: {  	s18 =	sadd.s32 $0x100, s18;
	v6 =	vshrl.u32 v6, $0x18;
	v8 =	vpack.c.b16.b8 v38, v7;
	v7 =	vshrl.u32 v0, $0x10;
	[tilespmem:s19+$0x41 ss:$0x4] =	vst.msk $0xffff, v20  }
.Ltmp4:
0xa9: {  	_ = 	snop;
	(pc) =	sbr.rel .LBB1_4-.Ltmp4, $1  }
0xaa: {  	_ =	sdelay $0x3  }
.LBB1_6:
0xab: {  	_ =	sfence.sel $0x180000  }
0xac: {  	s2 =	simm.s32 $0x1;
	[bflag:$0x0] =	sbarrier.arrive $0xFFFF  }
0xad: {  	s31 =	simm.s32 $0x2;
	[sflag:s2] =	ssyncpa.u1 $0x1  }
0xae: {  	[sflag:s31] =	ssyncpa.u1 $0x1  }
0xaf: {  	p0 =	sne.s32 s0, $0x0;
	_ =	strace $0x9000004A  }
0xb0: {  	s0 =	sadd.s32 @!p0 $0x100000, s1;
	[bflag:$0x2] =	sbarrier.arrive $0xFFFF  }
0xb1: {  	[sflag:s0] =	ssyncadd.tile.s32 @!p0 $0x1;
	_ =	shalt  }
.Lfunc_end1:
_tile_overlayer_lowered:
.L_overlay_start_2:
0xb2: {  	(tag) =	ssettag $0x2  }
0xb3: {  	s0 =	rddreg [dreg:$0x0];
	s2 =	stileid.u32  }
0xb4: {  	s1 =	rddreg [dreg:$0x1];
	p0 =	sne.s32 s2, $0x0  }
0xb5: {  	s3 =	rddreg [dreg:$0x2];
	[bflag:$0x3] =	sbarrier.arrive $0xFFFF;
	s2 =	simm.s32 @!p0 $0x1C01  }
0xb6: {  	[timem:s3], [sflag:s2] =	dma.local @!p0 [hbm:s0], s1  }
0xb7: {  	s0 =	simm.s32 @!p0 $0x1  }
0xb8: {  	_ =	swait.ge @!p0 [sflag:s0], s1  }
0xb9: {  	s1 =	ssub.s32 @!p0 $0x0, s1;
	[sflag:s0] =	ssyncset.done @!p0 $0x0  }
0xba: {  	[sflag:s0] =	ssyncadd.s32 @!p0 s1  }
0xbb: {  	[bflag:$0x3] =	sbarrier.arrive $0xFFFF  }
0xbc: {  	_ =	shalt  }

// kernel: sparse-core-data-format-call.cloned.1.call-start
scs
called_computation_lowered:
.L_overlay_start_0:
0x0: {  	s2 =	sld [smem:$0x3FD9]  }
0x1: {  	s3 =	sld [smem:$0x3FFE];
	_ =	sdelay $0x1  }
0x2: {  	s1 =	srdreg.scid  }
0x3: {  	s0 =	sand.u32 $0x1, s1  }
0x4: {  	s18 =	sshll.u32 s0, $0xA;
	s2 =	sadd.s32 s3, s2  }
0x5: {  	s2 =	sadd.s32 s2, s18  }
0x6: {  	[smem:$0x3FC7] =	sst s2  }
0x7: {  	_ = 	snop  }
0x8: {  	s2 =	sld [smem:$0x3FD0];
	(tm) =	ssettm $0x1  }
0x9: {  	s19 =	sld [smem:$0x3FFB];
	_ =	sdelay $0x3  }
0xa: {  	_ =	strace s19  }
0xb: {  	s3 =	sld [smem:$0x3FFC];
	_ =	sdelay $0x3  }
0xc: {  	_ =	strace s3  }
0xd: {  	s3 =	sld [smem:$0x3FFD];
	_ =	sdelay $0x3  }
0xe: {  	_ =	strace s3  }
0xf: {  	_ =	strace $0x8FFFFFFF  }
0x10: {  	s20 =	sld [smem:$0x3FDB];
	_ =	sdelay $0x1  }
0x11: {  	s4 =	simm.s32 $_scs_section_size  }
0x12: {  	s5 =	simm.s32 $_size__tile_overlayer_lowered;
	s6 =	simm.s32 $_tile_overlayer_lowered  }
0x13: {  	s23 =	simm.s32 $0x1BFF;
	s22 =	sshll.u32 s6, $0x1;
	s3 =	sadd.s32 s4, s20  }
0x14: {  	s7 =	simm.s32 $0x0;
	s21 =	sshll.u32 s5, $0x1;
	s5 =	sadd.s32 s22, s3  }
0x15: {  	[timem:s7], [sflag:s23] =	dma.local [hbm:s5], s21  }
0x16: {  	_ =	swait.ge [sflag:s23], s21  }
0x17: {  	s4 =	ssub.s32 $0x0, s21;
	[sflag:s23] =	ssyncset.done $0x0  }
0x18: {  	[sflag:s23] =	ssyncadd.s32 s4;
	_ =	sdelay $0x1  }
0x19: {  	s24 =	simm.s32 $0x1B8B  }
0x1a: {  	_ =	swait.ge [sflag:s24], $0x1  }
0x1b: {  	[sflag:s24] =	ssyncset.done $0x0  }
0x1c: {  	s26 =	simm.s32 $0x1B8E;
	s25 =	sld [smem:$0x3FFE];
	[sflag:s24] =	ssyncadd.s32 $0xFFFFFFFF  }
0x1d: {  	s27 =	simm.s32 $execute0_lowered;
	[smem:$0x3FD2] =	sst s26  }
0x1e: {  	s5 =	sshll.u32 s27, $0x1;
	_ =	strace $0x8000004C;
	[dreg:$0x1] =	wrdreg $0xFFFFFFFF  }
0x1f: {  	s28 =	simm.s32 $_size_execute0_lowered;
	s3 =	sadd.s32 s3, s5;
	[dreg:$0x0] =	wrdreg $0x0  }
0x20: {  	s5 =	sshll.u32 s28, $0x1;
	[dreg:$0x2] =	wrdreg s3  }
0x21: {  	[dreg:$0x3] =	wrdreg s5  }
0x22: {  	[dreg:$0x4] =	wrdreg $0xC0  }
0x23: {  	_ =	task [dreg:s7], $0x5FFFF  }
0x24: {  	[dreg:$0x1] =	wrdreg $0xFFFFFFFF  }
0x25: {  	[dreg:$0x0] =	wrdreg $0x60  }
0x26: {  	[dreg:$0x2] =	wrdreg s25  }
0x27: {  	[dreg:$0x3] =	wrdreg s2  }
0x28: {  	[dreg:$0x4] =	wrdreg $0x9  }
0x29: {  	_ =	task.clear_ibuf [dreg:s7], $0x5FFFF;
	_ =	strace $0x9000004C  }
0x2a: {  	s29 =	simm.s32 $0x9;
	_ =	strace $0x8000004E  }
0x2b: {  	_ =	swait.ge [sflag:s29], $0x1  }
0x2c: {  	[sflag:s29] =	ssyncadd.s32 $0xFFFFFFFF  }
0x2d: {  	_ =	strace $0x9000004E  }
0x2e: {  	_ =	sfence  }
0x2f: {  	s30 =	sld [smem:$0x0];
	_ =	sdelay $0x2  }
0x30: {  	s31 =	sshll.u32 s1, $0xD;
	s1 =	sshrl.u32 s1, $0x2  }
0x31: {  	s3 =	sand.u32 $0x4000, s31;
	s1 =	sadd.s32 s1, s30  }
0x32: {  	s0 =	sor.u32 s3, s0;
	s1 =	sshll.u32 s1, $0x11  }
0x33: {  	s0 =	sor.u32 s1, s0  }
0x34: {  	s0 =	sadd.s32 $0x8F2B, s0  }
0x35: {  	[sflag:s0] =	ssyncadd.remote.s32 $0x1  }
0x36: {  	_ =	sfence.sel $0xFFFF  }
0x37: {  	[dreg:$0x0] =	wrdreg $0xFFFFFFFF;
	(pc) =	sbr.abs _section_cstart, $3  }
0x38: {  	[dreg:$0x1] =	wrdreg $0xFFFFFFFF  }
0x39: {  	_ =	task.clear_ibuf [dreg:s7], $0x2FFFF;
	_ =	strace $0x9FFFFFFF  }
0x3a: {  	(tm) =	ssettm $0x7FFFFFFF  }
0x3b: {  	_ =	shalt  }
tec
execute0_lowered:
.L_overlay_start_1:
0x0: {  	(tag) =	ssettag $0x1  }
0x1: {  	s12 =	rddreg [dreg:$0x0]  }
0x2: {  	s2 =	rddreg [dreg:$0x1]  }
0x3: {  	s1 =	srdreg.scid;
	s0 =	rddreg [dreg:$0x2]  }
0x4: {  	_ =	strace $0x8000004D;
	s5 =	simm.s32 $0x1;
	s10 =	simm.s32 $0x2  }
0x5: {  	s21 =	simm.s32 $0x0;
	p0 =	por $0x0, $0x0;
	s13 =	simm.s32 $0x10000  }
0x6: {  	s22 =	simm.s32 $0x0;
	s23 =	simm.s32 $0x0;
	s14 =	simm.s32 $0x0  }
0x7: {  	s16 =	simm.s32 $0x0;
	s17 =	simm.s32 $0x0;
	s18 =	simm.s32 $0x0  }
0x8: {  	s19 =	simm.s32 $0x0;
	s15 =	simm.s32 $0x0;
	s3 =	sshll.u32 s1, $0x4  }
.Ltmp0:
0x9: {  	s1 =	stileid.u32;
	s6 =	sadd.s32 $0x3181400, s12;
	(pc) =	sbr.rel .LBB1_1-.Ltmp0, $4  }
0xa: {  	[sflag:s5] =	ssyncpa.u1 $0x0;
	s7 =	sadd.s32 $0x3181C00, s12;
	s8 =	sadd.s32 $0x3182400, s12  }
0xb: {  	s9 =	sadd.s32 $0x3182C00, s12;
	s11 =	sadd.s32 $0x3183C00, s12;
	s4 =	sand.u32 $0x10, s3  }
0xc: {  	s3 =	sadd.s32 $0x3180C00, s12;
	[sflag:s10] =	ssyncpa.u1 $0x0;
	s4 =	sor.u32 s1, s4  }
0xd: {  	s10 =	sadd.s32 $0x3183400, s12;
	s12 =	sadd.s32 $0x3184400, s12;
	s20 =	smov.u32 s4  }
.LBB1_7:
0xe: {  	p1 =	slt.u32 s15, $0x2  }
0xf: {  	s24 =	smov.u32 s23;
	p2 =	sgt.s32 @!p1 s23, $0x3F;
	s25 =	sshra.s32 @!p1 s23, $0x1F  }
0x10: {  	p3 =	sgt.s32 @!p1 s21, $0x180;
	p2 =	por !p2, p1;
	s23 =	sand.u32 @!p1 s25, s23  }
0x11: {  	s25 =	sshra.s32 @!p1 s22, $0x1F;
	s24 =	simm.s32 @p2 $0x3F;
	p2 =	sgt.s32 @!p1 s22, $0x1F8  }
0x12: {  	s23 =	ssub.s32 @!p1 s24, s23;
	p2 =	por !p2, p1;
	s24 =	smov.u32 s22  }
0x13: {  	p3 =	por !p3, p1;
	s22 =	sand.u32 @!p1 s25, s22;
	s24 =	simm.s32 @p2 $0x1F8  }
0x14: {  	s25 =	sadd.s32 @!p1 $0xFFFFFFC1, s23;
	s23 =	ssub.s32 @!p1 $0x40, s23;
	s22 =	ssub.s32 @!p1 s24, s22  }
0x15: {  	p2 =	sgt.s32 @!p1 s25, $0x0;
	s25 =	smov.u32 s21;
	s24 =	sadd.s32 @!p1 $0xFFFFFE08, s22  }
0x16: {  	s25 =	simm.s32 @p3 $0x180;
	p3 =	sgt.s32 @!p1 s24, $0x7;
	s24 =	sshra.s32 @!p1 s21, $0x1F  }
0x17: {  	s23 =	smul.u32 @!p1 $0x3, s23;
	p2 =	por !p2, p1;
	s21 =	sand.u32 @!p1 s24, s21  }
0x18: {  	s22 =	ssub.s32 @!p1 $0x200, s22;
	p3 =	por !p3, p1;
	s21 =	ssub.s32 @!p1 s25, s21  }
0x19: {  	s23 =	simm.s32 @!p2 $0x0;
	s22 =	simm.s32 @!p3 $0x0;
	s24 =	sadd.s32 @!p1 $0xFFFFFE80, s21  }
0x1a: {  	s25 =	smov.u32 s19;
	s22 =	smul.u32 @!p1 s22, s23;
	p2 =	sgt.s32 @!p1 s24, $0x7F  }
0x1b: {  	s21 =	ssub.s32 @!p1 $0x200, s21;
	s24 =	sadd.s32 $0x80, s18;
	p2 =	por !p2, p1  }
0x1c: {  	s23 =	sadd.s32 $0x8, s19;
	s21 =	simm.s32 @!p2 $0x0;
	p2 =	sgt.s32 s24, $0x1FF  }
0x1d: {  	s26 =	smov.u32 s20;
	s25 =	smov.u32 @p2 s23  }
0x1e: {  	s21 =	smul.u32 @!p1 s21, s22;
	s22 =	sadd.s32 $0x20, s20;
	p3 =	sgt.s32 s25, $0x1FF  }
0x1f: {  	s15 =	sadd.s32 $0x1, s15;
	p0 =	por !p0, !p0;
	s26 =	smov.u32 @p3 s22  }
0x20: {  	s27 =	simm.s32 @!p1 $0x2;
	s24 =	simm.s32 @p2 $0x0;
	p2 =	sgt.s32 s26, $0x3F  }
0x21: {  	s23 =	smov.u32 s17;
	s26 =	smov.u32 @p2 s4;
	p2 =	sne.s32 s15, $0x202  }
.Ltmp1:
0x22: {  	s17 =	smov.u32 s20;
	s21 =	sshrl.u32 @!p1 s21, $0x2;
	(pc) =	sbr.rel @!p2 .LBB1_8-.Ltmp1, $4  }
0x23: {  	s25 =	simm.s32 @p3 $0x0;
	s22 =	smov.u32 s16;
	s16 =	smov.u32 s19  }
0x24: {  	_ =	swait.ge @!p1 [sflag:s27], s21;
	s28 =	ssub.s32 @!p1 $0x0, s21;
	s21 =	smov.u32 s14  }
0x25: {  	s14 =	smov.u32 s18;
	s18 =	smov.u32 s24;
	[sflag:s27] =	ssyncset.done @!p1 $0x0  }
0x26: {  	s19 =	smov.u32 s25;
	[sflag:s27] =	ssyncadd.s32 @!p1 s28;
	s20 =	smov.u32 s26  }
.LBB1_1:
0x27: {  	p1 =	sgt.u32 s15, $0x1FF  }
0x28: {  	s24 =	sshll.u32 @!p1 s20, $0x14;
	s25 =	sshll.u32 @!p1 s19, $0xB;
	s27 =	sshll.u32 @!p1 s18, $0x2  }
0x29: {  	s28 =	sxor.u32 @!p1 $0xFFFFFFFF, s15;
	s29 =	simm.s32 @!p1 $0x20;
	s26 =	sadd.s32 @!p1 s24, s25  }
0x2a: {  	s27 =	sand.u32 @!p1 $0x7F0, s27;
	s28 =	sshll.u32 @!p1 s28, $0xD;
	s26 =	sadd.s32 @!p1 s3, s26  }
0x2b: {  	s30 =	simm.s32 @!p1 $0x80;
	s28 =	sand.u32 @!p1 $0x2000, s28;
	s26 =	sadd.s32 @!p1 s27, s26  }
0x2c: {  	[tilespmem:s28], [sflag:$0x1] =	stream.strided.gather @!p1 [hbm4b:s26+s29], $0x400, s30, s29, $0x38;
	[tilespmem:$0x8080] =	vst v63  }
0x2d: {  	s26 =	sadd.s32 @!p1 s24, s6  }
0x2e: {  	s26 =	sadd.s32 @!p1 s25, s26  }
0x2f: {  	s31 =	sor.u32 @!p1 $0x400, s28;
	s26 =	sadd.s32 @!p1 s27, s26  }
0x30: {  	[tilespmem:s31], [sflag:$0x1] =	stream.strided.gather @!p1 [hbm4b:s26+s29], $0x400, s30, s29, $0x38;
	[tilespmem:$0x8080] =	vst v63  }
0x31: {  	s26 =	sadd.s32 @!p1 s24, s7  }
0x32: {  	s26 =	sadd.s32 @!p1 s25, s26  }
0x33: {  	s31 =	sor.u32 @!p1 $0x800, s28;
	s26 =	sadd.s32 @!p1 s27, s26  }
0x34: {  	[tilespmem:s31], [sflag:$0x1] =	stream.strided.gather @!p1 [hbm4b:s26+s29], $0x400, s30, s29, $0x38;
	[tilespmem:$0x8080] =	vst v63  }
0x35: {  	s26 =	sadd.s32 @!p1 s24, s8  }
0x36: {  	s26 =	sadd.s32 @!p1 s25, s26  }
0x37: {  	s31 =	sor.u32 @!p1 $0xC00, s28;
	s26 =	sadd.s32 @!p1 s27, s26  }
0x38: {  	[tilespmem:s31], [sflag:$0x1] =	stream.strided.gather @!p1 [hbm4b:s26+s29], $0x400, s30, s29, $0x38;
	[tilespmem:$0x8080] =	vst v63  }
0x39: {  	s26 =	sadd.s32 @!p1 s24, s9  }
0x3a: {  	s26 =	sadd.s32 @!p1 s25, s26  }
0x3b: {  	s31 =	sor.u32 @!p1 $0x1000, s28;
	s26 =	sadd.s32 @!p1 s27, s26  }
0x3c: {  	[tilespmem:s31], [sflag:$0x1] =	stream.strided.gather @!p1 [hbm4b:s26+s29], $0x400, s30, s29, $0x38;
	[tilespmem:$0x8080] =	vst v63  }
0x3d: {  	s26 =	sadd.s32 @!p1 s24, s10  }
0x3e: {  	s26 =	sadd.s32 @!p1 s25, s26  }
0x3f: {  	s31 =	sor.u32 @!p1 $0x1400, s28;
	s26 =	sadd.s32 @!p1 s27, s26  }
0x40: {  	[tilespmem:s31], [sflag:$0x1] =	stream.strided.gather @!p1 [hbm4b:s26+s29], $0x400, s30, s29, $0x38;
	[tilespmem:$0x8080] =	vst v63  }
0x41: {  	s26 =	sadd.s32 @!p1 s24, s11  }
0x42: {  	s24 =	sadd.s32 @!p1 s24, s12;
	s26 =	sadd.s32 @!p1 s25, s26  }
0x43: {  	s31 =	sor.u32 @!p1 $0x1800, s28;
	s24 =	sadd.s32 @!p1 s25, s24;
	s26 =	sadd.s32 @!p1 s27, s26  }
0x44: {  	[tilespmem:s31], [sflag:$0x1] =	stream.strided.gather @!p1 [hbm4b:s26+s29], $0x400, s30, s29, $0x38;
	[tilespmem:$0x8080] =	vst v63  }
0x45: {  	s25 =	sor.u32 @!p1 $0x1C00, s28;
	s24 =	sadd.s32 @!p1 s27, s24  }
0x46: {  	[tilespmem:s25], [sflag:$0x1] =	stream.strided.gather @!p1 [hbm4b:s24+s29], $0x400, s30, s29, $0x38;
	[tilespmem:$0x8080] =	vst v63  }
0x47: {  	p1 =	seq.s32 s15, $0x0  }
0x48: {  	p2 =	seq.s32 @!p1 s15, $0x201  }
0x49: {  	p1 =	por p1, p2  }
.Ltmp2:
0x4a: {  	_ = 	snop;
	(pc) =	sbr.rel @p1 .LBB1_7-.Ltmp2, $1  }
0x4b: {  	_ =	sdelay $0x3  }
0x4c: {  	s24 =	simm.s32 $0x1;
	s26 =	sand.u32 $0x1, s15  }
0x4d: {  	_ =	swait.ge [sflag:s5], $0x2000;
	s24 =	simm.s32 @!p0 $0x0;
	s26 =	smul.u32 $0x8100, s26  }
0x4e: {  	p2 =	por $0x1, $0x1;
	[sflag:s5] =	ssyncset.done $0x0;
	s25 =	smul.u32 $0x8100, s24  }
0x4f: {  	s27 =	sshll.u32 s24, $0xF;
	[sflag:s5] =	ssyncadd.s32 $0xFFFFE000;
	s30 =	sshrl.u32 s26, $0x2  }
0x50: {  	s31 =	sshrl.u32 s27, $0x2;
	s27 =	simm.s32 $0x0;
	s25 =	sshrl.u32 s25, $0x2  }
0x51: {  	s24 =	sor.u32 $0x4000, s30;
	s26 =	sadd.s32 $0x800, s31;
	s25 =	sadd.s32 $0x5020, s25  }
.LBB1_3:
0x52: {  	s28 =	sshll.u32 s27, $0xA  }
0x53: {  	s28 =	sand.u32 $0x3FFFFC00, s28  }
0x54: {  	s29 =	sadd.s32 s28, s26  }
0x55: {  	v0 =	vld [tilespmem:s29+$0xFFFFF810]  }
0x56: {  	v1 =	vld [tilespmem:s29+$0xFFFFFC10]  }
0x57: {  	v2 =	vld [tilespmem:s29+$0x10]  }
0x58: {  	v3 =	vld [tilespmem:s29+$0x410];
	_ =	sdelay $0x2  }
0x59: {  	v4 =	vshrl.u32 v0, $0x18;
	v5 =	vand.u32 $0xFF, v0  }
0x5a: {  	v6 =	vshrl.u32 v1, $0x18;
	v7 =	vand.u32 $0xFF, v1;
	v8 =	vshrl.u32 v2, $0x18  }
0x5b: {  	v9 =	vand.u32 $0xFF, v2;
	v10 =	vshrl.u32 v3, $0x18;
	v11 =	vand.u32 $0xFF, v3  }
0x5c: {  	v12 =	vshrl.u32 v0, $0x10;
	v13 =	vshrl.u32 v0, $0x8;
	v14 =	vshrl.u32 v1, $0x10  }
0x5d: {  	v1 =	vshrl.u32 v1, $0x8;
	v15 =	vshrl.u32 v2, $0x10;
	v2 =	vshrl.u32 v2, $0x8  }
0x5e: {  	v16 =	vshrl.u32 v3, $0x10;
	v17 =	vshrl.u32 v3, $0x8;
	v5 =	vpack.i.b32.b16 v9, v5  }
0x5f: {  	v0 =	vld [tilespmem:s29+$0xFFFFFC00];
	v9 =	vand.u32 $0xFF, v12;
	v12 =	vand.u32 $0xFF, v13;
	v7 =	vpack.i.b32.b16 v11, v7  }
0x60: {  	v3 =	vld [tilespmem:s29+$0xFFFFF800];
	v11 =	vand.u32 $0xFF, v14;
	v13 =	vand.u32 $0xFF, v1;
	v14 =	vand.u32 $0xFF, v15  }
0x61: {  	v1 =	vld [tilespmem:s29+$0x0];
	v15 =	vand.u32 $0xFF, v2;
	v16 =	vand.u32 $0xFF, v16;
	v17 =	vand.u32 $0xFF, v17  }
0x62: {  	s27 =	smul.u32 $0x81, s27;
	v2 =	vld [tilespmem:s29+$0x400];
	v4 =	vpack.i.b32.b16 v8, v4;
	v6 =	vpack.i.b32.b16 v10, v6;
	v5 =	vpack.i.b16.b8 v7, v5  }
0x63: {  	v7 =	vpack.i.b32.b16 v15, v12;
	v12 =	vpack.i.b32.b16 v17, v13;
	v9 =	vpack.i.b32.b16 v14, v9  }
0x64: {  	s27 =	sshra.s32 s27, $0x2;
	v11 =	vpack.i.b32.b16 v16, v11;
	v6 =	vpack.i.b16.b8 v6, v4;
	v7 =	vpack.i.b16.b8 v12, v7  }
0x65: {  	s27 =	sadd.s32 s27, s25;
	v9 =	vpack.i.b16.b8 v11, v9;
	v8 =	vshrl.u32 v3, $0x10;
	v10 =	vshrl.u32 v3, $0x8  }
0x66: {  	[tilespmem:s27+$0x0 ss:$0x102] =	vst.msk $0xffff, v5;
	v11 =	vshrl.u32 v0, $0x10;
	v12 =	vshrl.u32 v0, $0x8;
	v13 =	vshrl.u32 v1, $0x10  }
0x67: {  	[tilespmem:s27+$0x1 ss:$0x102] =	vst.msk $0xffff, v7;
	v14 =	vshrl.u32 v1, $0x8;
	v15 =	vshrl.u32 v2, $0x10;
	v63 =	vshrl.u32 v2, $0x8  }
0x68: {  	[tilespmem:s27+$0x2 ss:$0x102] =	vst.msk $0xffff, v9;
	v4 =	vand.u32 $0xFF, v8;
	v7 =	vand.u32 $0xFF, v10;
	v5 =	vand.u32 $0xFF, v11  }
0x69: {  	v9 =	vand.u32 $0xFF, v12;
	[tilespmem:s27+$0x3 ss:$0x102] =	vst.msk $0xffff, v6;
	v6 =	vshrl.u32 v3, $0x18;
	v8 =	vand.u32 $0xFF, v13  }
0x6a: {  	p1 =	por p2, p2;
	s28 =	simm.s32 $0x0;
	s29 =	sadd.s32 $0x20, s29;
	v11 =	vand.u32 $0xFF, v14;
	v10 =	vand.u32 $0xFF, v15;
	v12 =	vand.u32 $0xFF, v63  }
.LBB1_4:
0x6b: {  	v13 =	vld [tilespmem:s29+$0xFFFFF810];
	v3 =	vand.u32 $0xFF, v3;
	v14 =	vshrl.u32 v0, $0x18;
	v15 =	vand.u32 $0xFF, v0  }
0x6c: {  	v17 =	vshrl.u32 v1, $0x18;
	v0 =	vand.u32 $0xFF, v1;
	v1 =	vshrl.u32 v2, $0x18;
	v16 =	vld [tilespmem:s29+$0xFFFFFC10]  }
0x6d: {  	v2 =	vand.u32 $0xFF, v2;
	v7 =	vpack.i.b32.b16 v11, v7;
	v9 =	vpack.i.b32.b16 v12, v9;
	v18 =	vld [tilespmem:s29+$0x10]  }
0x6e: {  	v4 =	vpack.i.b32.b16 v8, v4;
	v5 =	vpack.i.b32.b16 v10, v5;
	v3 =	vpack.i.b32.b16 v0, v3;
	v11 =	vld [tilespmem:s29+$0x410]  }
0x6f: {  	v2 =	vpack.i.b32.b16 v2, v15;
	v6 =	vpack.i.b32.b16 v17, v6;
	v8 =	vpack.i.b32.b16 v1, v14;
	v0 =	vld [tilespmem:s29+$0xFFFFFC00]  }
0x70: {  	v7 =	vpack.i.b16.b8 v9, v7;
	v4 =	vpack.i.b16.b8 v5, v4;
	v3 =	vpack.i.b16.b8 v2, v3;
	v1 =	vld [tilespmem:s29+$0x0]  }
0x71: {  	v6 =	vpack.i.b16.b8 v8, v6;
	v5 =	vshrl.u32 v13, $0x18;
	v9 =	vand.u32 $0xFF, v13;
	v2 =	vld [tilespmem:s29+$0x400];
	[tilespmem:s27+$0xFFFFEFE0 ss:$0x102] =	vst.msk $0xffff, v3  }
0x72: {  	v8 =	vshrl.u32 v16, $0x18;
	v10 =	vand.u32 $0xFF, v16;
	v3 =	vld [tilespmem:s29+$0xFFFFF800];
	v12 =	vshrl.u32 v18, $0x18;
	[tilespmem:s27+$0xFFFFEFE1 ss:$0x102] =	vst.msk $0xffff, v7  }
0x73: {  	v7 =	vand.u32 $0xFF, v18;
	v14 =	vshrl.u32 v11, $0x18;
	v15 =	vand.u32 $0xFF, v11;
	[tilespmem:s27+$0xFFFFEFE2 ss:$0x102] =	vst.msk $0xffff, v4  }
0x74: {  	v17 =	vshrl.u32 v16, $0x10;
	v4 =	vshrl.u32 v13, $0x10;
	v13 =	vshrl.u32 v13, $0x8;
	[tilespmem:s27+$0xFFFFEFE3 ss:$0x102] =	vst.msk $0xffff, v6  }
0x75: {  	s28 =	sadd.s32 $0x4, s28;
	v6 =	vshrl.u32 v16, $0x8;
	v16 =	vshrl.u32 v18, $0x10;
	v18 =	vshrl.u32 v18, $0x8  }
0x76: {  	p2 =	slt.u32 s28, $0x7C;
	v19 =	vshrl.u32 v11, $0x10;
	v11 =	vshrl.u32 v11, $0x8;
	v7 =	vpack.i.b32.b16 v7, v9  }
0x77: {  	v4 =	vand.u32 $0xFF, v4;
	v9 =	vand.u32 $0xFF, v13;
	v10 =	vpack.i.b32.b16 v15, v10  }
0x78: {  	v13 =	vand.u32 $0xFF, v17;
	v6 =	vand.u32 $0xFF, v6;
	v15 =	vand.u32 $0xFF, v16  }
0x79: {  	v17 =	vand.u32 $0xFF, v19;
	v11 =	vand.u32 $0xFF, v11;
	v16 =	vand.u32 $0xFF, v18  }
0x7a: {  	s27 =	sadd.s32 $0x4, s27;
	v7 =	vpack.i.b16.b8 v10, v7;
	v9 =	vpack.i.b32.b16 v16, v9;
	v6 =	vpack.i.b32.b16 v11, v6  }
0x7b: {  	v4 =	vpack.i.b32.b16 v15, v4;
	v6 =	vpack.i.b16.b8 v6, v9;
	[tilespmem:s27+$0x0 ss:$0x102] =	vst.msk $0xffff, v7;
	v7 =	vpack.i.b32.b16 v17, v13  }
0x7c: {  	v5 =	vpack.i.b32.b16 v12, v5;
	[tilespmem:s27+$0x1 ss:$0x102] =	vst.msk $0xffff, v6;
	v4 =	vpack.i.b16.b8 v7, v4;
	v6 =	vpack.i.b32.b16 v14, v8  }
0x7d: {  	v7 =	vshrl.u32 v3, $0x10;
	v8 =	vshrl.u32 v3, $0x8;
	[tilespmem:s27+$0x2 ss:$0x102] =	vst.msk $0xffff, v4;
	v4 =	vpack.i.b16.b8 v6, v5  }
.Ltmp3:
0x7e: {  	v10 =	vshrl.u32 v1, $0x10;
	v5 =	vshrl.u32 v0, $0x10;
	v6 =	vshrl.u32 v0, $0x8;
	[tilespmem:s27+$0x3 ss:$0x102] =	vst.msk $0xffff, v4;
	(pc) =	sbr.rel @p2 .LBB1_4-.Ltmp3, $4  }
0x7f: {  	v11 =	vshrl.u32 v1, $0x8;
	v12 =	vshrl.u32 v2, $0x10;
	v13 =	vshrl.u32 v2, $0x8  }
0x80: {  	v4 =	vand.u32 $0xFF, v7;
	v7 =	vand.u32 $0xFF, v8;
	v5 =	vand.u32 $0xFF, v5  }
0x81: {  	v11 =	vand.u32 $0xFF, v11;
	v9 =	vand.u32 $0xFF, v6;
	v8 =	vand.u32 $0xFF, v10  }
0x82: {  	s29 =	sadd.s32 $0x20, s29;
	v6 =	vshrl.u32 v3, $0x18;
	v10 =	vand.u32 $0xFF, v12;
	v12 =	vand.u32 $0xFF, v13  }
0x83: {  	v3 =	vand.u32 $0xFF, v3;
	v13 =	vshrl.u32 v0, $0x18;
	v56 =	vand.u32 $0xFF, v0  }
0x84: {  	v14 =	vshrl.u32 v1, $0x18;
	v57 =	vand.u32 $0xFF, v1;
	v15 =	vand.u32 $0xFF, v2  }
0x85: {  	v58 =	vshrl.u32 v2, $0x18;
	v1 =	vpack.i.b32.b16 v57, v3;
	v0 =	vpack.i.b32.b16 v15, v56  }
.Ltmp4:
0x86: {  	v59 =	vpack.i.b32.b16 v11, v7;
	v60 =	vpack.i.b32.b16 v12, v9;
	v0 =	vpack.i.b16.b8 v0, v1;
	(pc) =	sbr.rel @p1 .LBB1_3-.Ltmp4, $4  }
0x87: {  	v61 =	vpack.i.b32.b16 v8, v4;
	v62 =	vpack.i.b32.b16 v10, v5;
	v3 =	vpack.i.b16.b8 v60, v59;
	[tilespmem:s27+$0xFFFFEFE0 ss:$0x102] =	vst.msk $0xffff, v0  }
0x88: {  	v63 =	vpack.i.b32.b16 v14, v6;
	v2 =	vpack.i.b32.b16 v58, v13;
	v1 =	vpack.i.b16.b8 v62, v61;
	[tilespmem:s27+$0xFFFFEFE1 ss:$0x102] =	vst.msk $0xffff, v3  }
0x89: {  	v0 =	vpack.i.b16.b8 v2, v63;
	[tilespmem:s27+$0xFFFFEFE2 ss:$0x102] =	vst.msk $0xffff, v1  }
0x8a: {  	p2 =	por $0x0, $0x0;
	[tilespmem:s27+$0xFFFFEFE3 ss:$0x102] =	vst.msk $0xffff, v0;
	s27 =	simm.s32 $0x4  }
0x8b: {  	s25 =	sshll.u32 s16, $0x9;
	s26 =	sshll.u32 s14, $0x5;
	p1 =	sgt.s32 s17, $0x3F  }
0x8c: {  	s27 =	smov.u32 s17;
	s30 =	sshra.s32 s17, $0x1F;
	s28 =	smov.u32 s16  }
0x8d: {  	s29 =	sshra.s32 s16, $0x1F;
	s25 =	sand.u32 $0x3C000, s25;
	s26 =	sand.u32 $0x3F000, s26  }
0x8e: {  	s27 =	simm.s32 @!p1 $0x3F;
	p1 =	sgt.s32 s16, $0x1F8;
	s31 =	sand.u32 s29, s16  }
0x8f: {  	s25 =	sadd.s32 s25, s26;
	s26 =	sand.u32 s30, s17;
	s28 =	simm.s32 @!p1 $0x1F8  }
0x90: {  	p3 =	sgt.s32 s14, $0x180;
	s26 =	ssub.s32 s27, s26;
	s27 =	ssub.s32 s28, s31  }
0x91: {  	s31 =	sshra.s32 s14, $0x1F;
	s30 =	sadd.s32 $0xFFFFFFC1, s26;
	s26 =	ssub.s32 $0x40, s26  }
0x92: {  	s28 =	sadd.s32 $0xFFFFFE08, s27;
	s27 =	ssub.s32 $0x200, s27;
	s29 =	sand.u32 s31, s14  }
0x93: {  	s26 =	smul.u32 $0x3, s26;
	p2 =	sgt.s32 s28, $0x7;
	s28 =	smov.u32 s14  }
0x94: {  	p1 =	sgt.s32 s30, $0x0;
	s30 =	sshll.u32 s16, $0x7;
	s28 =	simm.s32 @!p3 $0x180  }
0x95: {  	s27 =	simm.s32 @p2 $0x0;
	s26 =	simm.s32 @p1 $0x0;
	s28 =	ssub.s32 s28, s29  }
0x96: {  	s29 =	sand.u32 $0xE00, s30;
	s30 =	sshrl.u32 s14, $0x3;
	s26 =	smul.u32 s27, s26  }
0x97: {  	s31 =	sadd.s32 $0xFFFFFE80, s28;
	s27 =	ssub.s32 $0x200, s28;
	s25 =	sor.u32 s29, s25  }
0x98: {  	s29 =	smul.u32 $0x6000, s17;
	p1 =	sgt.s32 s31, $0x7F;
	s25 =	sshrl.u32 s25, $0x5  }
.Ltmp5:
0x99: {  	s31 =	sand.u32 $0x7, s14;
	s27 =	simm.s32 @p1 $0x0;
	(pc) =	sbr.rel .LBB1_7-.Ltmp5, $4  }
0x9a: {  	s28 =	sadd.s32 s2, s29;
	s26 =	smul.u32 s27, s26;
	s27 =	sand.u32 $0xF, s30  }
0x9b: {  	s25 =	sand.u32 $0x1FF0, s25;
	s30 =	sshll.u32 s31, $0x12;
	s27 =	sadd.s32 s27, s28  }
0x9c: {  	s31 =	sor.u32 $0x100, s30;
	s26 =	sshrl.u32 s26, $0x2;
	s25 =	sadd.s32 s25, s27  }
0x9d: {  	[hbm4b:s25+s31] =	stream.strided.scatter [tilespmem:s24], [sflag:$0x2], s26, s13, s31, $0x20;
	[tilespmem:$0x8080] =	vst v63  }
.LBB1_8:
0x9e: {  	_ =	sfence.sel $0x180000  }
0x9f: {  	s2 =	simm.s32 $0x1;
	[bflag:$0x0] =	sbarrier.arrive $0xFFFF  }
0xa0: {  	s31 =	simm.s32 $0x2;
	[sflag:s2] =	ssyncpa.u1 $0x1  }
0xa1: {  	[sflag:s31] =	ssyncpa.u1 $0x1  }
0xa2: {  	p0 =	sne.s32 s1, $0x0;
	_ =	strace $0x9000004D  }
0xa3: {  	s0 =	sadd.s32 @!p0 $0x100000, s0;
	[bflag:$0x2] =	sbarrier.arrive $0xFFFF  }
0xa4: {  	[sflag:s0] =	ssyncadd.tile.s32 @!p0 $0x1;
	_ =	shalt  }
.Lfunc_end1:
_tile_overlayer_lowered:
.L_overlay_start_2:
0xa5: {  	(tag) =	ssettag $0x2  }
0xa6: {  	s0 =	rddreg [dreg:$0x0];
	s2 =	stileid.u32  }
0xa7: {  	s1 =	rddreg [dreg:$0x1];
	p0 =	sne.s32 s2, $0x0  }
0xa8: {  	s3 =	rddreg [dreg:$0x2];
	[bflag:$0x3] =	sbarrier.arrive $0xFFFF;
	s2 =	simm.s32 @!p0 $0x1C01  }
0xa9: {  	[timem:s3], [sflag:s2] =	dma.local @!p0 [hbm:s0], s1  }
0xaa: {  	s0 =	simm.s32 @!p0 $0x1  }
0xab: {  	_ =	swait.ge @!p0 [sflag:s0], s1  }
0xac: {  	s1 =	ssub.s32 @!p0 $0x0, s1;
	[sflag:s0] =	ssyncset.done @!p0 $0x0  }
0xad: {  	[sflag:s0] =	ssyncadd.s32 @!p0 s1  }
0xae: {  	[bflag:$0x3] =	sbarrier.arrive $0xFFFF  }
0xaf: {  	_ =	shalt  }

</sc_bundles>
